<compile_context>
chip_gen: v7x
topology: tpu7x:2x2x1
jax: 0.10.2.dev20260603
libtpu: 0.0.44.dev20260713+nightly
codegen_flags: <defaults>
</compile_context>

<pallas_src>
import functools

import jax
import jax.numpy as jnp
from jax import lax
from jax.experimental import pallas as pl
from jax.experimental.pallas import tpu as pltpu
from jax.experimental.pallas import tpu_sc as plsc

N_LAYERS = 3
NC, NS = 2, 16
NW = NC * NS
CHUNK = 128
HALF = 40
PAD_DST = 10000



def _mm_body(h_ref, w_ref, o_ref):
    o_ref[...] = jnp.dot(h_ref[...], w_ref[...],
                         preferred_element_type=jnp.float32)


def _matmul(h, w, br):
    n, d = h.shape
    return pl.pallas_call(
        _mm_body,
        grid=(n // br,),
        in_specs=[pl.BlockSpec((br, d), lambda i: (i, 0)),
                  pl.BlockSpec((d, d), lambda i: (0, 0))],
        out_specs=pl.BlockSpec((br, d), lambda i: (i, 0)),
        out_shape=jax.ShapeDtypeStruct((n, d), jnp.float32),
    )(h, w)


def _gru_core(p_ref, h_ref, wih_ref, whh_ref, bih_ref, bhh_ref):
    d = h_ref.shape[1]
    agg = p_ref[0] + p_ref[1]
    h = h_ref[...]
    gi = jnp.dot(agg, wih_ref[...], preferred_element_type=jnp.float32)
    gi = gi + bih_ref[...]
    gh = jnp.dot(h, whh_ref[...], preferred_element_type=jnp.float32)
    gh = gh + bhh_ref[...]
    r = jax.nn.sigmoid(gi[:, :d] + gh[:, :d])
    z = jax.nn.sigmoid(gi[:, d:2 * d] + gh[:, d:2 * d])
    n = jnp.tanh(gi[:, 2 * d:] + r * gh[:, 2 * d:])
    return (1.0 - z) * n + z * h


def _gru_body(p_ref, h_ref, wih_ref, whh_ref, bih_ref, bhh_ref, o_ref):
    o_ref[...] = _gru_core(p_ref, h_ref, wih_ref, whh_ref, bih_ref, bhh_ref)


def _gru_mm_body(p_ref, h_ref, wih_ref, whh_ref, bih_ref, bhh_ref, wn_ref,
                 o_ref, m_ref):
    hn = _gru_core(p_ref, h_ref, wih_ref, whh_ref, bih_ref, bhh_ref)
    o_ref[...] = hn
    m_ref[...] = jnp.dot(hn, wn_ref[...], preferred_element_type=jnp.float32)


def _gru(partial, h, wih_t, whh_t, bih, bhh, br, w_next=None):
    n, d = h.shape
    specs = [pl.BlockSpec((2, br, d), lambda i: (0, i, 0)),
             pl.BlockSpec((br, d), lambda i: (i, 0)),
             pl.BlockSpec((d, 3 * d), lambda i: (0, 0)),
             pl.BlockSpec((d, 3 * d), lambda i: (0, 0)),
             pl.BlockSpec((1, 3 * d), lambda i: (0, 0)),
             pl.BlockSpec((1, 3 * d), lambda i: (0, 0))]
    args = [partial, h, wih_t, whh_t, bih, bhh]
    if w_next is None:
        return pl.pallas_call(
            _gru_body,
            grid=(n // br,),
            in_specs=specs,
            out_specs=pl.BlockSpec((br, d), lambda i: (i, 0)),
            out_shape=jax.ShapeDtypeStruct((n, d), jnp.float32),
        )(*args)
    return pl.pallas_call(
        _gru_mm_body,
        grid=(n // br,),
        in_specs=specs + [pl.BlockSpec((d, d), lambda i: (0, 0))],
        out_specs=[pl.BlockSpec((br, d), lambda i: (i, 0)),
                   pl.BlockSpec((br, d), lambda i: (i, 0))],
        out_shape=[jax.ShapeDtypeStruct((n, d), jnp.float32),
                   jax.ShapeDtypeStruct((n, d), jnp.float32)],
    )(*args, w_next)



ZROWS = 16


def _seg_sum_edges(d, base, rem, m_hbm, src_hbm, dst_hbm,
                   src_v, dst_v, rows_a, rows_b, zbuf, acc, sem_a, sem_b):
    c = lax.axis_index("c")
    s = lax.axis_index("s")
    wid = c * NS + s

    zeros16 = jnp.zeros((16,), jnp.float32)

    def zrow(i, carry):
        def zcol(j, carry2):
            zbuf[i, pl.ds(j * 16, 16)] = zeros16
            return carry2
        return lax.fori_loop(0, d // 16, zcol, carry)

    lax.fori_loop(0, ZROWS, zrow, 0)
    for k in range(base // ZROWS):
        pltpu.async_copy(zbuf, acc.at[pl.ds(s * base + k * ZROWS, ZROWS)],
                         sem_a)
    for k in range(base // ZROWS):
        pltpu.make_async_copy(zbuf, acc.at[pl.ds(s * base + k * ZROWS,
                                                 ZROWS)], sem_a).wait()

    @pl.when(s == NS - 1)
    def _():
        pltpu.sync_copy(zbuf.at[pl.ds(0, rem)],
                        acc.at[pl.ds(NS * base, rem)])

    plsc.subcore_barrier()

    for t in range(2):
        pltpu.sync_copy(src_hbm.at[wid, t], src_v)
        pltpu.sync_copy(dst_hbm.at[wid, t], dst_v)
        pltpu.async_copy(m_hbm.at[src_v.at[0]], rows_a, sem_a)
        pltpu.async_copy(m_hbm.at[src_v.at[1]], rows_b, sem_b)

        def pair_body(i, carry):
            j = 2 * i
            for off, buf, sem in ((0, rows_a, sem_a), (1, rows_b, sem_b)):
                pltpu.make_async_copy(m_hbm.at[src_v.at[j + off]], buf,
                                      sem).wait()
                pltpu.sync_copy(buf, acc.at[dst_v.at[j + off]], add=True)

                @pl.when(j + off + 2 < HALF)
                def _():
                    pltpu.async_copy(m_hbm.at[src_v.at[j + off + 2]], buf, sem)
            return carry

        lax.fori_loop(0, HALF // 2, pair_body, 0)
    plsc.subcore_barrier()


def _seg_sum_body(n_nodes, d, base, rem,
                  m_hbm, src_hbm, dst_hbm, out_hbm,
                  src_v, dst_v, rows_a, rows_b, zbuf, acc, sem_a, sem_b):
    c = lax.axis_index("c")
    s = lax.axis_index("s")

    _seg_sum_edges(d, base, rem, m_hbm, src_hbm, dst_hbm, src_v, dst_v,
                   rows_a, rows_b, zbuf, acc, sem_a, sem_b)

    pltpu.sync_copy(acc.at[pl.ds(s * base, base)],
                    out_hbm.at[c, pl.ds(s * base, base)])

    @pl.when(s == NS - 1)
    def _():
        pltpu.sync_copy(acc.at[pl.ds(NS * base, rem)],
                        out_hbm.at[c, pl.ds(NS * base, rem)])


def _seg_sum(m, src_r, dst_r):
    n_nodes, d = m.shape
    base = (n_nodes // (NS * 8)) * 8
    rem = n_nodes - NS * base
    assert base % ZROWS == 0 and rem <= ZROWS
    acc_rows = n_nodes + 8
    mesh = plsc.VectorSubcoreMesh(core_axis_name="c", subcore_axis_name="s")
    f = pl.kernel(
        functools.partial(_seg_sum_body, n_nodes, d, base, rem),
        out_type=jax.ShapeDtypeStruct((NC, n_nodes, d), jnp.float32),
        mesh=mesh,
        scratch_types=[
            pltpu.VMEM((HALF, CHUNK), jnp.int32),
            pltpu.VMEM((HALF, CHUNK), jnp.int32),
            pltpu.VMEM((CHUNK, d), jnp.float32),
            pltpu.VMEM((CHUNK, d), jnp.float32),
            pltpu.VMEM((ZROWS, d), jnp.float32),
            pltpu.VMEM_SHARED((acc_rows, d), jnp.float32),
            pltpu.SemaphoreType.DMA,
            pltpu.SemaphoreType.DMA,
        ],
    )
    return f(m, src_r, dst_r)


def _seg_sum_clicked_body(n_nodes, d, nq, base, rem,
                          m_hbm, src_hbm, dst_hbm, map_hbm, h_hbm,
                          pc_hbm, hc_hbm,
                          src_v, dst_v, rows_a, rows_b, zbuf, acc,
                          sem_a, sem_b):
    c = lax.axis_index("c")
    s = lax.axis_index("s")

    _seg_sum_edges(d, base, rem, m_hbm, src_hbm, dst_hbm, src_v, dst_v,
                   rows_a, rows_b, zbuf, acc, sem_a, sem_b)

    idx_v = src_v.at[0, pl.ds(0, nq)]
    for b_off in range(2):
        b = 2 * s + b_off
        pltpu.sync_copy(map_hbm.at[b], idx_v)
        pltpu.async_copy(acc.at[idx_v], rows_a.at[pl.ds(0, nq)], sem_a).wait()
        pltpu.sync_copy(rows_a.at[pl.ds(0, nq)], pc_hbm.at[c, b])

        @pl.when(c == 0)
        def _():
            pltpu.async_copy(h_hbm.at[idx_v], rows_b.at[pl.ds(0, nq)],
                             sem_b).wait()
            pltpu.sync_copy(rows_b.at[pl.ds(0, nq)], hc_hbm.at[b])


def _seg_sum_clicked(m, src_r, dst_r, mapping_idx, h):
    n_nodes, d = m.shape
    batch, nq = mapping_idx.shape
    base = (n_nodes // (NS * 8)) * 8
    rem = n_nodes - NS * base
    acc_rows = n_nodes + 8
    mesh = plsc.VectorSubcoreMesh(core_axis_name="c", subcore_axis_name="s")
    f = pl.kernel(
        functools.partial(_seg_sum_clicked_body, n_nodes, d, nq, base, rem),
        out_type=[jax.ShapeDtypeStruct((NC, batch, nq, d), jnp.float32),
                  jax.ShapeDtypeStruct((batch, nq, d), jnp.float32)],
        mesh=mesh,
        scratch_types=[
            pltpu.VMEM((HALF, CHUNK), jnp.int32),
            pltpu.VMEM((HALF, CHUNK), jnp.int32),
            pltpu.VMEM((CHUNK, d), jnp.float32),
            pltpu.VMEM((CHUNK, d), jnp.float32),
            pltpu.VMEM((ZROWS, d), jnp.float32),
            pltpu.VMEM_SHARED((acc_rows, d), jnp.float32),
            pltpu.SemaphoreType.DMA,
            pltpu.SemaphoreType.DMA,
        ],
    )
    return f(m, src_r, dst_r, mapping_idx, h)


def _gru_clicked(pc, hc, wih_t, whh_t, bih, bhh):
    n, d = hc.shape
    return pl.pallas_call(
        _gru_body,
        grid=(1,),
        in_specs=[pl.BlockSpec((2, n, d), lambda i: (0, 0, 0)),
                  pl.BlockSpec((n, d), lambda i: (0, 0)),
                  pl.BlockSpec((d, 3 * d), lambda i: (0, 0)),
                  pl.BlockSpec((d, 3 * d), lambda i: (0, 0)),
                  pl.BlockSpec((1, 3 * d), lambda i: (0, 0)),
                  pl.BlockSpec((1, 3 * d), lambda i: (0, 0))],
        out_specs=pl.BlockSpec((n, d), lambda i: (0, 0)),
        out_shape=jax.ShapeDtypeStruct((n, d), jnp.float32),
    )(pc, hc, wih_t, whh_t, bih, bhh)



@jax.jit
def kernel(x, weight, w_ih, w_hh, b_ih, b_hh, edge_index, mapping_idx):
    n_nodes, d = x.shape
    n_edges = edge_index.shape[1]
    ept = 2 * HALF * CHUNK
    n_pad = NW * ept - n_edges

    pad_iota = jnp.arange(n_pad, dtype=jnp.int32)
    src_r = jnp.concatenate(
        [edge_index[0], pad_iota % jnp.int32(n_nodes)]
    ).reshape(NW, 2, HALF, CHUNK)
    dst_r = jnp.concatenate(
        [edge_index[1], PAD_DST + (pad_iota % jnp.int32(8))]
    ).reshape(NW, 2, HALF, CHUNK)
    wih_t = w_ih.T
    whh_t = w_hh.T
    bih = b_ih.reshape(1, 3 * d)
    bhh = b_hh.reshape(1, 3 * d)

    batch, nq = mapping_idx.shape
    br = 2000
    h = x
    m = _matmul(h, weight[0], br)
    for i in range(N_LAYERS - 1):
        partial = _seg_sum(m, src_r, dst_r)
        h, m = _gru(partial, h, wih_t, whh_t, bih, bhh, br,
                    w_next=weight[i + 1])
    pc, hc = _seg_sum_clicked(m, src_r, dst_r, mapping_idx, h)
    out = _gru_clicked(pc.reshape(NC, batch * nq, d),
                       hc.reshape(batch * nq, d),
                       wih_t, whh_t, bih, bhh)
    return out.reshape(batch, nq, d)

# --- scband reference (transcript-rebuilt; emitter-appended) ---
"""Pipeline reference for scband-senti-entity-rec-9972914061626 (READ-ONLY COPY).

The authoritative reference and input builder live on the scoring server;
editing this copy changes nothing except your own understanding.
"""

import jax, jax.numpy as jnp
import numpy as np

NUM_LAYERS = 3


def setup_inputs(seed: int = 0) -> dict:
    key = jax.random.key(seed)
    ks = jax.random.split(key, 8)
    n_nodes, n_edges, d = 10000, 320000, 128
    batch, num_clicked = 32, 50
    x = jax.random.normal(ks[0], (n_nodes, d), dtype=jnp.float32)
    edge_index = jax.random.randint(ks[1], (2, n_edges), 0, n_nodes, dtype=jnp.int32)
    mapping_idx = jax.random.randint(ks[2], (batch, num_clicked), 0, n_nodes, dtype=jnp.int32)
    scale = 1.0 / np.sqrt(d)
    weight = jax.random.normal(ks[3], (NUM_LAYERS, d, d), dtype=jnp.float32) * scale
    w_ih = jax.random.normal(ks[4], (3 * d, d), dtype=jnp.float32) * scale
    w_hh = jax.random.normal(ks[5], (3 * d, d), dtype=jnp.float32) * scale
    b_ih = jnp.zeros((3 * d,), dtype=jnp.float32)
    b_hh = jnp.zeros((3 * d,), dtype=jnp.float32)
    return {"x": x, "weight": weight, "w_ih": w_ih, "w_hh": w_hh, "b_ih": b_ih, "b_hh": b_hh, "edge_index": edge_index, "mapping_idx": mapping_idx}


def _gru_cell(agg, h, w_ih, w_hh, b_ih, b_hh):
    gi = agg @ w_ih.T + b_ih
    gh = h @ w_hh.T + b_hh
    i_r, i_z, i_n = jnp.split(gi, 3, axis=-1)
    h_r, h_z, h_n = jnp.split(gh, 3, axis=-1)
    r = jax.nn.sigmoid(i_r + h_r)
    z = jax.nn.sigmoid(i_z + h_z)
    n = jnp.tanh(i_n + r * h_n)
    return (1.0 - z) * n + z * h


def reference(x, weight, w_ih, w_hh, b_ih, b_hh, edge_index, mapping_idx):
    # GatedGraphConv(news_dim, num_layers=3, aggr='add') over node embeddings,
    # followed by the clicked-news gather (graph_emb[mapping_idx, :]) from forward.
    n_nodes = x.shape[0]
    src = edge_index[0]
    dst = edge_index[1]
    h = x
    for i in range(NUM_LAYERS):
        m = h @ weight[i]
        msgs = jnp.take(m, src, axis=0)
        agg = jax.ops.segment_sum(msgs, dst, num_segments=n_nodes)
        h = _gru_cell(agg, h, w_ih, w_hh, b_ih, b_hh)
    clicked_graph_emb = jnp.take(h, mapping_idx, axis=0)
    return clicked_graph_emb

if __name__ == "__main__":
    import jax
    _d = setup_inputs()
    print(jax.jit(kernel)(*tuple(_d.values())))

</pallas_src>

<mosaic_0001>
#map = affine_map<(d0, d1) -> (0, 0)>
#map1 = affine_map<(d0, d1) -> (0, 0, 0, 0)>
#map2 = affine_map<(d0, d1) -> (0, 0, 0)>
module attributes {stable_mosaic.version = 14 : i64} {
  func.func @_seg_sum_body(%arg0: i32, %arg1: i32, %arg2: memref<10000x128xf32, #tpu.memory_space<hbm>>, %arg3: memref<32x2x40x128xi32, #tpu.memory_space<hbm>>, %arg4: memref<32x2x40x128xi32, #tpu.memory_space<hbm>>, %arg5: memref<2x10000x128xf32, #tpu.memory_space<hbm>>, %arg6: memref<40x128xi32, #tpu.memory_space<vmem>>, %arg7: memref<40x128xi32, #tpu.memory_space<vmem>>, %arg8: memref<128x128xf32, #tpu.memory_space<vmem>>, %arg9: memref<128x128xf32, #tpu.memory_space<vmem>>, %arg10: memref<16x128xf32, #tpu.memory_space<vmem>>, %arg11: memref<10008x128xf32, #tpu.memory_space<vmem_shared>>, %arg12: memref<!tpu.dma_semaphore, #tpu.memory_space<semaphore_mem>>, %arg13: memref<!tpu.dma_semaphore, #tpu.memory_space<semaphore_mem>>) attributes {dimension_semantics = [#tpu.dimension_semantics<core_parallel>, #tpu.dimension_semantics<subcore_parallel>], iteration_bounds = array<i64: 2, 16>, scalar_prefetch = 0 : i64, scratch_operands = 8 : i64, tpu.core_type = #tpu.core_type<sc_vector_subcore>, window_params = [{transform_indices = #map}, {transform_indices = #map1}, {transform_indices = #map1}, {transform_indices = #map2}]} {
    %mul3A = arith.constant 16 : i32
    %mul3A_0 = arith.muli %arg0, %mul3A : i32
    %add3A = arith.addi %mul3A_0, %arg1 : i32
    %broadcast_in_dim3A = arith.constant 0.000000e+00 : f32
    %broadcast_in_dim3A_1 = vector.broadcast %broadcast_in_dim3A : f32 to vector<16xf32>
    %scan3A = arith.constant 0 : i32
    %scan3A_2 = arith.constant 0 : i32
    %scan3A_3 = arith.constant 16 : i32
    %scan3A_4 = arith.addi %scan3A_2, %scan3A_3 : i32
    %scan3A_5 = arith.constant 1 : i32
    scf.for %scan3A_684 = %scan3A_2 to %scan3A_4 step %scan3A_5  : i32 {
      %scan3A_685 = arith.constant 0 : i32
      %scan3A_686 = arith.constant 8 : i32
      %scan3A_687 = arith.addi %scan3A_685, %scan3A_686 : i32
      %scan3A_688 = arith.constant 1 : i32
      scf.for %scan3A_690 = %scan3A_685 to %scan3A_687 step %scan3A_688  : i32 {
        %mul3A_691 = arith.constant 16 : i32
        %mul3A_692 = arith.muli %scan3A_690, %mul3A_691 : i32
        %swap3A = arith.index_cast %scan3A_684 : i32 to index
        %swap3A_693 = arith.index_cast %mul3A_692 : i32 to index
        %swap3A_694 = tpu.vector_load %arg10[%swap3A, %swap3A_693] {strides = array<i32>} : memref<16x128xf32, #tpu.memory_space<vmem>>, vector<1x16xf32>,
        %swap3A_695 = vector.shape_cast %swap3A_694 : vector<1x16xf32> to vector<16xf32>
        %swap3A_696 = vector.shape_cast %broadcast_in_dim3A_1 : vector<16xf32> to vector<1x16xf32>
        tpu.vector_store %arg10[%swap3A, %swap3A_693], %swap3A_696 {strides = array<i32>} : memref<16x128xf32, #tpu.memory_space<vmem>>, vector<1x16xf32>,
      }
      %scan3A_689 = arith.constant 8 : i32
    }
    %scan3A_6 = arith.constant 16 : i32
    %mul3A_7 = arith.constant 624 : i32
    %mul3A_8 = arith.muli %arg1, %mul3A_7 : i32
    %add3A_9 = arith.constant 0 : i32
    %add3A_10 = arith.addi %mul3A_8, %add3A_9 : i32
    %dma_start3A = arith.constant 0 : i32
    %dma_start3A_11 = tpu.memref_slice %arg11[%add3A_10, %dma_start3A] : memref<10008x128xf32, #tpu.memory_space<vmem_shared>> -> memref<16x128xf32, #tpu.memory_space<vmem_shared>>
    %dma_start3A_12 = arith.constant 0 : i32
    %dma_start3A_13 = tpu.memref_slice %arg11[%add3A_10, %dma_start3A_12] : memref<10008x128xf32, #tpu.memory_space<vmem_shared>> -> memref<16x128xf32, #tpu.memory_space<vmem_shared>>
    tpu.enqueue_dma source(%arg10 : memref<16x128xf32, #tpu.memory_space<vmem>>) target(%dma_start3A_13 : memref<16x128xf32, #tpu.memory_space<vmem_shared>>) target_semaphore(%arg12 : memref<!tpu.dma_semaphore, #tpu.memory_space<semaphore_mem>>)
    %mul3A_14 = arith.constant 624 : i32
    %mul3A_15 = arith.muli %arg1, %mul3A_14 : i32
    %add3A_16 = arith.constant 16 : i32
    %add3A_17 = arith.addi %mul3A_15, %add3A_16 : i32
    %dma_start3A_18 = arith.constant 0 : i32
    %dma_start3A_19 = tpu.memref_slice %arg11[%add3A_17, %dma_start3A_18] : memref<10008x128xf32, #tpu.memory_space<vmem_shared>> -> memref<16x128xf32, #tpu.memory_space<vmem_shared>>
    %dma_start3A_20 = arith.constant 0 : i32
    %dma_start3A_21 = tpu.memref_slice %arg11[%add3A_17, %dma_start3A_20] : memref<10008x128xf32, #tpu.memory_space<vmem_shared>> -> memref<16x128xf32, #tpu.memory_space<vmem_shared>>
    tpu.enqueue_dma source(%arg10 : memref<16x128xf32, #tpu.memory_space<vmem>>) target(%dma_start3A_21 : memref<16x128xf32, #tpu.memory_space<vmem_shared>>) target_semaphore(%arg12 : memref<!tpu.dma_semaphore, #tpu.memory_space<semaphore_mem>>)
    %mul3A_22 = arith.constant 624 : i32
    %mul3A_23 = arith.muli %arg1, %mul3A_22 : i32
    %add3A_24 = arith.constant 32 : i32
    %add3A_25 = arith.addi %mul3A_23, %add3A_24 : i32
    %dma_start3A_26 = arith.constant 0 : i32
    %dma_start3A_27 = tpu.memref_slice %arg11[%add3A_25, %dma_start3A_26] : memref<10008x128xf32, #tpu.memory_space<vmem_shared>> -> memref<16x128xf32, #tpu.memory_space<vmem_shared>>
    %dma_start3A_28 = arith.constant 0 : i32
    %dma_start3A_29 = tpu.memref_slice %arg11[%add3A_25, %dma_start3A_28] : memref<10008x128xf32, #tpu.memory_space<vmem_shared>> -> memref<16x128xf32, #tpu.memory_space<vmem_shared>>
    tpu.enqueue_dma source(%arg10 : memref<16x128xf32, #tpu.memory_space<vmem>>) target(%dma_start3A_29 : memref<16x128xf32, #tpu.memory_space<vmem_shared>>) target_semaphore(%arg12 : memref<!tpu.dma_semaphore, #tpu.memory_space<semaphore_mem>>)
    %mul3A_30 = arith.constant 624 : i32
    %mul3A_31 = arith.muli %arg1, %mul3A_30 : i32
    %add3A_32 = arith.constant 48 : i32
    %add3A_33 = arith.addi %mul3A_31, %add3A_32 : i32
    %dma_start3A_34 = arith.constant 0 : i32
    %dma_start3A_35 = tpu.memref_slice %arg11[%add3A_33, %dma_start3A_34] : memref<10008x128xf32, #tpu.memory_space<vmem_shared>> -> memref<16x128xf32, #tpu.memory_space<vmem_shared>>
    %dma_start3A_36 = arith.constant 0 : i32
    %dma_start3A_37 = tpu.memref_slice %arg11[%add3A_33, %dma_start3A_36] : memref<10008x128xf32, #tpu.memory_space<vmem_shared>> -> memref<16x128xf32, #tpu.memory_space<vmem_shared>>
    tpu.enqueue_dma source(%arg10 : memref<16x128xf32, #tpu.memory_space<vmem>>) target(%dma_start3A_37 : memref<16x128xf32, #tpu.memory_space<vmem_shared>>) target_semaphore(%arg12 : memref<!tpu.dma_semaphore, #tpu.memory_space<semaphore_mem>>)
    %mul3A_38 = arith.constant 624 : i32
    %mul3A_39 = arith.muli %arg1, %mul3A_38 : i32
    %add3A_40 = arith.constant 64 : i32
    %add3A_41 = arith.addi %mul3A_39, %add3A_40 : i32
    %dma_start3A_42 = arith.constant 0 : i32
    %dma_start3A_43 = tpu.memref_slice %arg11[%add3A_41, %dma_start3A_42] : memref<10008x128xf32, #tpu.memory_space<vmem_shared>> -> memref<16x128xf32, #tpu.memory_space<vmem_shared>>
    %dma_start3A_44 = arith.constant 0 : i32
    %dma_start3A_45 = tpu.memref_slice %arg11[%add3A_41, %dma_start3A_44] : memref<10008x128xf32, #tpu.memory_space<vmem_shared>> -> memref<16x128xf32, #tpu.memory_space<vmem_shared>>
    tpu.enqueue_dma source(%arg10 : memref<16x128xf32, #tpu.memory_space<vmem>>) target(%dma_start3A_45 : memref<16x128xf32, #tpu.memory_space<vmem_shared>>) target_semaphore(%arg12 : memref<!tpu.dma_semaphore, #tpu.memory_space<semaphore_mem>>)
    %mul3A_46 = arith.constant 624 : i32
    %mul3A_47 = arith.muli %arg1, %mul3A_46 : i32
    %add3A_48 = arith.constant 80 : i32
    %add3A_49 = arith.addi %mul3A_47, %add3A_48 : i32
    %dma_start3A_50 = arith.constant 0 : i32
    %dma_start3A_51 = tpu.memref_slice %arg11[%add3A_49, %dma_start3A_50] : memref<10008x128xf32, #tpu.memory_space<vmem_shared>> -> memref<16x128xf32, #tpu.memory_space<vmem_shared>>
    %dma_start3A_52 = arith.constant 0 : i32
    %dma_start3A_53 = tpu.memref_slice %arg11[%add3A_49, %dma_start3A_52] : memref<10008x128xf32, #tpu.memory_space<vmem_shared>> -> memref<16x128xf32, #tpu.memory_space<vmem_shared>>
    tpu.enqueue_dma source(%arg10 : memref<16x128xf32, #tpu.memory_space<vmem>>) target(%dma_start3A_53 : memref<16x128xf32, #tpu.memory_space<vmem_shared>>) target_semaphore(%arg12 : memref<!tpu.dma_semaphore, #tpu.memory_space<semaphore_mem>>)
    %mul3A_54 = arith.constant 624 : i32
    %mul3A_55 = arith.muli %arg1, %mul3A_54 : i32
    %add3A_56 = arith.constant 96 : i32
    %add3A_57 = arith.addi %mul3A_55, %add3A_56 : i32
    %dma_start3A_58 = arith.constant 0 : i32
    %dma_start3A_59 = tpu.memref_slice %arg11[%add3A_57, %dma_start3A_58] : memref<10008x128xf32, #tpu.memory_space<vmem_shared>> -> memref<16x128xf32, #tpu.memory_space<vmem_shared>>
    %dma_start3A_60 = arith.constant 0 : i32
    %dma_start3A_61 = tpu.memref_slice %arg11[%add3A_57, %dma_start3A_60] : memref<10008x128xf32, #tpu.memory_space<vmem_shared>> -> memref<16x128xf32, #tpu.memory_space<vmem_shared>>
    tpu.enqueue_dma source(%arg10 : memref<16x128xf32, #tpu.memory_space<vmem>>) target(%dma_start3A_61 : memref<16x128xf32, #tpu.memory_space<vmem_shared>>) target_semaphore(%arg12 : memref<!tpu.dma_semaphore, #tpu.memory_space<semaphore_mem>>)
    %mul3A_62 = arith.constant 624 : i32
    %mul3A_63 = arith.muli %arg1, %mul3A_62 : i32
    %add3A_64 = arith.constant 112 : i32
    %add3A_65 = arith.addi %mul3A_63, %add3A_64 : i32
    %dma_start3A_66 = arith.constant 0 : i32
    %dma_start3A_67 = tpu.memref_slice %arg11[%add3A_65, %dma_start3A_66] : memref<10008x128xf32, #tpu.memory_space<vmem_shared>> -> memref<16x128xf32, #tpu.memory_space<vmem_shared>>
    %dma_start3A_68 = arith.constant 0 : i32
    %dma_start3A_69 = tpu.memref_slice %arg11[%add3A_65, %dma_start3A_68] : memref<10008x128xf32, #tpu.memory_space<vmem_shared>> -> memref<16x128xf32, #tpu.memory_space<vmem_shared>>
    tpu.enqueue_dma source(%arg10 : memref<16x128xf32, #tpu.memory_space<vmem>>) target(%dma_start3A_69 : memref<16x128xf32, #tpu.memory_space<vmem_shared>>) target_semaphore(%arg12 : memref<!tpu.dma_semaphore, #tpu.memory_space<semaphore_mem>>)
    %mul3A_70 = arith.constant 624 : i32
    %mul3A_71 = arith.muli %arg1, %mul3A_70 : i32
    %add3A_72 = arith.constant 128 : i32
    %add3A_73 = arith.addi %mul3A_71, %add3A_72 : i32
    %dma_start3A_74 = arith.constant 0 : i32
    %dma_start3A_75 = tpu.memref_slice %arg11[%add3A_73, %dma_start3A_74] : memref<10008x128xf32, #tpu.memory_space<vmem_shared>> -> memref<16x128xf32, #tpu.memory_space<vmem_shared>>
    %dma_start3A_76 = arith.constant 0 : i32
    %dma_start3A_77 = tpu.memref_slice %arg11[%add3A_73, %dma_start3A_76] : memref<10008x128xf32, #tpu.memory_space<vmem_shared>> -> memref<16x128xf32, #tpu.memory_space<vmem_shared>>
    tpu.enqueue_dma source(%arg10 : memref<16x128xf32, #tpu.memory_space<vmem>>) target(%dma_start3A_77 : memref<16x128xf32, #tpu.memory_space<vmem_shared>>) target_semaphore(%arg12 : memref<!tpu.dma_semaphore, #tpu.memory_space<semaphore_mem>>)
    %mul3A_78 = arith.constant 624 : i32
    %mul3A_79 = arith.muli %arg1, %mul3A_78 : i32
    %add3A_80 = arith.constant 144 : i32
    %add3A_81 = arith.addi %mul3A_79, %add3A_80 : i32
    %dma_start3A_82 = arith.constant 0 : i32
    %dma_start3A_83 = tpu.memref_slice %arg11[%add3A_81, %dma_start3A_82] : memref<10008x128xf32, #tpu.memory_space<vmem_shared>> -> memref<16x128xf32, #tpu.memory_space<vmem_shared>>
    %dma_start3A_84 = arith.constant 0 : i32
    %dma_start3A_85 = tpu.memref_slice %arg11[%add3A_81, %dma_start3A_84] : memref<10008x128xf32, #tpu.memory_space<vmem_shared>> -> memref<16x128xf32, #tpu.memory_space<vmem_shared>>
    tpu.enqueue_dma source(%arg10 : memref<16x128xf32, #tpu.memory_space<vmem>>) target(%dma_start3A_85 : memref<16x128xf32, #tpu.memory_space<vmem_shared>>) target_semaphore(%arg12 : memref<!tpu.dma_semaphore, #tpu.memory_space<semaphore_mem>>)
    %mul3A_86 = arith.constant 624 : i32
    %mul3A_87 = arith.muli %arg1, %mul3A_86 : i32
    %add3A_88 = arith.constant 160 : i32
    %add3A_89 = arith.addi %mul3A_87, %add3A_88 : i32
    %dma_start3A_90 = arith.constant 0 : i32
    %dma_start3A_91 = tpu.memref_slice %arg11[%add3A_89, %dma_start3A_90] : memref<10008x128xf32, #tpu.memory_space<vmem_shared>> -> memref<16x128xf32, #tpu.memory_space<vmem_shared>>
    %dma_start3A_92 = arith.constant 0 : i32
    %dma_start3A_93 = tpu.memref_slice %arg11[%add3A_89, %dma_start3A_92] : memref<10008x128xf32, #tpu.memory_space<vmem_shared>> -> memref<16x128xf32, #tpu.memory_space<vmem_shared>>
    tpu.enqueue_dma source(%arg10 : memref<16x128xf32, #tpu.memory_space<vmem>>) target(%dma_start3A_93 : memref<16x128xf32, #tpu.memory_space<vmem_shared>>) target_semaphore(%arg12 : memref<!tpu.dma_semaphore, #tpu.memory_space<semaphore_mem>>)
    %mul3A_94 = arith.constant 624 : i32
    %mul3A_95 = arith.muli %arg1, %mul3A_94 : i32
    %add3A_96 = arith.constant 176 : i32
    %add3A_97 = arith.addi %mul3A_95, %add3A_96 : i32
    %dma_start3A_98 = arith.constant 0 : i32
    %dma_start3A_99 = tpu.memref_slice %arg11[%add3A_97, %dma_start3A_98] : memref<10008x128xf32, #tpu.memory_space<vmem_shared>> -> memref<16x128xf32, #tpu.memory_space<vmem_shared>>
    %dma_start3A_100 = arith.constant 0 : i32
    %dma_start3A_101 = tpu.memref_slice %arg11[%add3A_97, %dma_start3A_100] : memref<10008x128xf32, #tpu.memory_space<vmem_shared>> -> memref<16x128xf32, #tpu.memory_space<vmem_shared>>
    tpu.enqueue_dma source(%arg10 : memref<16x128xf32, #tpu.memory_space<vmem>>) target(%dma_start3A_101 : memref<16x128xf32, #tpu.memory_space<vmem_shared>>) target_semaphore(%arg12 : memref<!tpu.dma_semaphore, #tpu.memory_space<semaphore_mem>>)
    %mul3A_102 = arith.constant 624 : i32
    %mul3A_103 = arith.muli %arg1, %mul3A_102 : i32
    %add3A_104 = arith.constant 192 : i32
    %add3A_105 = arith.addi %mul3A_103, %add3A_104 : i32
    %dma_start3A_106 = arith.constant 0 : i32
    %dma_start3A_107 = tpu.memref_slice %arg11[%add3A_105, %dma_start3A_106] : memref<10008x128xf32, #tpu.memory_space<vmem_shared>> -> memref<16x128xf32, #tpu.memory_space<vmem_shared>>
    %dma_start3A_108 = arith.constant 0 : i32
    %dma_start3A_109 = tpu.memref_slice %arg11[%add3A_105, %dma_start3A_108] : memref<10008x128xf32, #tpu.memory_space<vmem_shared>> -> memref<16x128xf32, #tpu.memory_space<vmem_shared>>
    tpu.enqueue_dma source(%arg10 : memref<16x128xf32, #tpu.memory_space<vmem>>) target(%dma_start3A_109 : memref<16x128xf32, #tpu.memory_space<vmem_shared>>) target_semaphore(%arg12 : memref<!tpu.dma_semaphore, #tpu.memory_space<semaphore_mem>>)
    %mul3A_110 = arith.constant 624 : i32
    %mul3A_111 = arith.muli %arg1, %mul3A_110 : i32
    %add3A_112 = arith.constant 208 : i32
    %add3A_113 = arith.addi %mul3A_111, %add3A_112 : i32
    %dma_start3A_114 = arith.constant 0 : i32
    %dma_start3A_115 = tpu.memref_slice %arg11[%add3A_113, %dma_start3A_114] : memref<10008x128xf32, #tpu.memory_space<vmem_shared>> -> memref<16x128xf32, #tpu.memory_space<vmem_shared>>
    %dma_start3A_116 = arith.constant 0 : i32
    %dma_start3A_117 = tpu.memref_slice %arg11[%add3A_113, %dma_start3A_116] : memref<10008x128xf32, #tpu.memory_space<vmem_shared>> -> memref<16x128xf32, #tpu.memory_space<vmem_shared>>
    tpu.enqueue_dma source(%arg10 : memref<16x128xf32, #tpu.memory_space<vmem>>) target(%dma_start3A_117 : memref<16x128xf32, #tpu.memory_space<vmem_shared>>) target_semaphore(%arg12 : memref<!tpu.dma_semaphore, #tpu.memory_space<semaphore_mem>>)
    %mul3A_118 = arith.constant 624 : i32
    %mul3A_119 = arith.muli %arg1, %mul3A_118 : i32
    %add3A_120 = arith.constant 224 : i32
    %add3A_121 = arith.addi %mul3A_119, %add3A_120 : i32
    %dma_start3A_122 = arith.constant 0 : i32
    %dma_start3A_123 = tpu.memref_slice %arg11[%add3A_121, %dma_start3A_122] : memref<10008x128xf32, #tpu.memory_space<vmem_shared>> -> memref<16x128xf32, #tpu.memory_space<vmem_shared>>
    %dma_start3A_124 = arith.constant 0 : i32
    %dma_start3A_125 = tpu.memref_slice %arg11[%add3A_121, %dma_start3A_124] : memref<10008x128xf32, #tpu.memory_space<vmem_shared>> -> memref<16x128xf32, #tpu.memory_space<vmem_shared>>
    tpu.enqueue_dma source(%arg10 : memref<16x128xf32, #tpu.memory_space<vmem>>) target(%dma_start3A_125 : memref<16x128xf32, #tpu.memory_space<vmem_shared>>) target_semaphore(%arg12 : memref<!tpu.dma_semaphore, #tpu.memory_space<semaphore_mem>>)
    %mul3A_126 = arith.constant 624 : i32
    %mul3A_127 = arith.muli %arg1, %mul3A_126 : i32
    %add3A_128 = arith.constant 240 : i32
    %add3A_129 = arith.addi %mul3A_127, %add3A_128 : i32
    %dma_start3A_130 = arith.constant 0 : i32
    %dma_start3A_131 = tpu.memref_slice %arg11[%add3A_129, %dma_start3A_130] : memref<10008x128xf32, #tpu.memory_space<vmem_shared>> -> memref<16x128xf32, #tpu.memory_space<vmem_shared>>
    %dma_start3A_132 = arith.constant 0 : i32
    %dma_start3A_133 = tpu.memref_slice %arg11[%add3A_129, %dma_start3A_132] : memref<10008x128xf32, #tpu.memory_space<vmem_shared>> -> memref<16x128xf32, #tpu.memory_space<vmem_shared>>
    tpu.enqueue_dma source(%arg10 : memref<16x128xf32, #tpu.memory_space<vmem>>) target(%dma_start3A_133 : memref<16x128xf32, #tpu.memory_space<vmem_shared>>) target_semaphore(%arg12 : memref<!tpu.dma_semaphore, #tpu.memory_space<semaphore_mem>>)
    %mul3A_134 = arith.constant 624 : i32
    %mul3A_135 = arith.muli %arg1, %mul3A_134 : i32
    %add3A_136 = arith.constant 256 : i32
    %add3A_137 = arith.addi %mul3A_135, %add3A_136 : i32
    %dma_start3A_138 = arith.constant 0 : i32
    %dma_start3A_139 = tpu.memref_slice %arg11[%add3A_137, %dma_start3A_138] : memref<10008x128xf32, #tpu.memory_space<vmem_shared>> -> memref<16x128xf32, #tpu.memory_space<vmem_shared>>
    %dma_start3A_140 = arith.constant 0 : i32
    %dma_start3A_141 = tpu.memref_slice %arg11[%add3A_137, %dma_start3A_140] : memref<10008x128xf32, #tpu.memory_space<vmem_shared>> -> memref<16x128xf32, #tpu.memory_space<vmem_shared>>
    tpu.enqueue_dma source(%arg10 : memref<16x128xf32, #tpu.memory_space<vmem>>) target(%dma_start3A_141 : memref<16x128xf32, #tpu.memory_space<vmem_shared>>) target_semaphore(%arg12 : memref<!tpu.dma_semaphore, #tpu.memory_space<semaphore_mem>>)
    %mul3A_142 = arith.constant 624 : i32
    %mul3A_143 = arith.muli %arg1, %mul3A_142 : i32
    %add3A_144 = arith.constant 272 : i32
    %add3A_145 = arith.addi %mul3A_143, %add3A_144 : i32
    %dma_start3A_146 = arith.constant 0 : i32
    %dma_start3A_147 = tpu.memref_slice %arg11[%add3A_145, %dma_start3A_146] : memref<10008x128xf32, #tpu.memory_space<vmem_shared>> -> memref<16x128xf32, #tpu.memory_space<vmem_shared>>
    %dma_start3A_148 = arith.constant 0 : i32
    %dma_start3A_149 = tpu.memref_slice %arg11[%add3A_145, %dma_start3A_148] : memref<10008x128xf32, #tpu.memory_space<vmem_shared>> -> memref<16x128xf32, #tpu.memory_space<vmem_shared>>
    tpu.enqueue_dma source(%arg10 : memref<16x128xf32, #tpu.memory_space<vmem>>) target(%dma_start3A_149 : memref<16x128xf32, #tpu.memory_space<vmem_shared>>) target_semaphore(%arg12 : memref<!tpu.dma_semaphore, #tpu.memory_space<semaphore_mem>>)
    %mul3A_150 = arith.constant 624 : i32
    %mul3A_151 = arith.muli %arg1, %mul3A_150 : i32
    %add3A_152 = arith.constant 288 : i32
    %add3A_153 = arith.addi %mul3A_151, %add3A_152 : i32
    %dma_start3A_154 = arith.constant 0 : i32
    %dma_start3A_155 = tpu.memref_slice %arg11[%add3A_153, %dma_start3A_154] : memref<10008x128xf32, #tpu.memory_space<vmem_shared>> -> memref<16x128xf32, #tpu.memory_space<vmem_shared>>
    %dma_start3A_156 = arith.constant 0 : i32
    %dma_start3A_157 = tpu.memref_slice %arg11[%add3A_153, %dma_start3A_156] : memref<10008x128xf32, #tpu.memory_space<vmem_shared>> -> memref<16x128xf32, #tpu.memory_space<vmem_shared>>
    tpu.enqueue_dma source(%arg10 : memref<16x128xf32, #tpu.memory_space<vmem>>) target(%dma_start3A_157 : memref<16x128xf32, #tpu.memory_space<vmem_shared>>) target_semaphore(%arg12 : memref<!tpu.dma_semaphore, #tpu.memory_space<semaphore_mem>>)
    %mul3A_158 = arith.constant 624 : i32
    %mul3A_159 = arith.muli %arg1, %mul3A_158 : i32
    %add3A_160 = arith.constant 304 : i32
    %add3A_161 = arith.addi %mul3A_159, %add3A_160 : i32
    %dma_start3A_162 = arith.constant 0 : i32
    %dma_start3A_163 = tpu.memref_slice %arg11[%add3A_161, %dma_start3A_162] : memref<10008x128xf32, #tpu.memory_space<vmem_shared>> -> memref<16x128xf32, #tpu.memory_space<vmem_shared>>
    %dma_start3A_164 = arith.constant 0 : i32
    %dma_start3A_165 = tpu.memref_slice %arg11[%add3A_161, %dma_start3A_164] : memref<10008x128xf32, #tpu.memory_space<vmem_shared>> -> memref<16x128xf32, #tpu.memory_space<vmem_shared>>
    tpu.enqueue_dma source(%arg10 : memref<16x128xf32, #tpu.memory_space<vmem>>) target(%dma_start3A_165 : memref<16x128xf32, #tpu.memory_space<vmem_shared>>) target_semaphore(%arg12 : memref<!tpu.dma_semaphore, #tpu.memory_space<semaphore_mem>>)
    %mul3A_166 = arith.constant 624 : i32
    %mul3A_167 = arith.muli %arg1, %mul3A_166 : i32
    %add3A_168 = arith.constant 320 : i32
    %add3A_169 = arith.addi %mul3A_167, %add3A_168 : i32
    %dma_start3A_170 = arith.constant 0 : i32
    %dma_start3A_171 = tpu.memref_slice %arg11[%add3A_169, %dma_start3A_170] : memref<10008x128xf32, #tpu.memory_space<vmem_shared>> -> memref<16x128xf32, #tpu.memory_space<vmem_shared>>
    %dma_start3A_172 = arith.constant 0 : i32
    %dma_start3A_173 = tpu.memref_slice %arg11[%add3A_169, %dma_start3A_172] : memref<10008x128xf32, #tpu.memory_space<vmem_shared>> -> memref<16x128xf32, #tpu.memory_space<vmem_shared>>
    tpu.enqueue_dma source(%arg10 : memref<16x128xf32, #tpu.memory_space<vmem>>) target(%dma_start3A_173 : memref<16x128xf32, #tpu.memory_space<vmem_shared>>) target_semaphore(%arg12 : memref<!tpu.dma_semaphore, #tpu.memory_space<semaphore_mem>>)
    %mul3A_174 = arith.constant 624 : i32
    %mul3A_175 = arith.muli %arg1, %mul3A_174 : i32
    %add3A_176 = arith.constant 336 : i32
    %add3A_177 = arith.addi %mul3A_175, %add3A_176 : i32
    %dma_start3A_178 = arith.constant 0 : i32
    %dma_start3A_179 = tpu.memref_slice %arg11[%add3A_177, %dma_start3A_178] : memref<10008x128xf32, #tpu.memory_space<vmem_shared>> -> memref<16x128xf32, #tpu.memory_space<vmem_shared>>
    %dma_start3A_180 = arith.constant 0 : i32
    %dma_start3A_181 = tpu.memref_slice %arg11[%add3A_177, %dma_start3A_180] : memref<10008x128xf32, #tpu.memory_space<vmem_shared>> -> memref<16x128xf32, #tpu.memory_space<vmem_shared>>
    tpu.enqueue_dma source(%arg10 : memref<16x128xf32, #tpu.memory_space<vmem>>) target(%dma_start3A_181 : memref<16x128xf32, #tpu.memory_space<vmem_shared>>) target_semaphore(%arg12 : memref<!tpu.dma_semaphore, #tpu.memory_space<semaphore_mem>>)
    %mul3A_182 = arith.constant 624 : i32
    %mul3A_183 = arith.muli %arg1, %mul3A_182 : i32
    %add3A_184 = arith.constant 352 : i32
    %add3A_185 = arith.addi %mul3A_183, %add3A_184 : i32
    %dma_start3A_186 = arith.constant 0 : i32
    %dma_start3A_187 = tpu.memref_slice %arg11[%add3A_185, %dma_start3A_186] : memref<10008x128xf32, #tpu.memory_space<vmem_shared>> -> memref<16x128xf32, #tpu.memory_space<vmem_shared>>
    %dma_start3A_188 = arith.constant 0 : i32
    %dma_start3A_189 = tpu.memref_slice %arg11[%add3A_185, %dma_start3A_188] : memref<10008x128xf32, #tpu.memory_space<vmem_shared>> -> memref<16x128xf32, #tpu.memory_space<vmem_shared>>
    tpu.enqueue_dma source(%arg10 : memref<16x128xf32, #tpu.memory_space<vmem>>) target(%dma_start3A_189 : memref<16x128xf32, #tpu.memory_space<vmem_shared>>) target_semaphore(%arg12 : memref<!tpu.dma_semaphore, #tpu.memory_space<semaphore_mem>>)
    %mul3A_190 = arith.constant 624 : i32
    %mul3A_191 = arith.muli %arg1, %mul3A_190 : i32
    %add3A_192 = arith.constant 368 : i32
    %add3A_193 = arith.addi %mul3A_191, %add3A_192 : i32
    %dma_start3A_194 = arith.constant 0 : i32
    %dma_start3A_195 = tpu.memref_slice %arg11[%add3A_193, %dma_start3A_194] : memref<10008x128xf32, #tpu.memory_space<vmem_shared>> -> memref<16x128xf32, #tpu.memory_space<vmem_shared>>
    %dma_start3A_196 = arith.constant 0 : i32
    %dma_start3A_197 = tpu.memref_slice %arg11[%add3A_193, %dma_start3A_196] : memref<10008x128xf32, #tpu.memory_space<vmem_shared>> -> memref<16x128xf32, #tpu.memory_space<vmem_shared>>
    tpu.enqueue_dma source(%arg10 : memref<16x128xf32, #tpu.memory_space<vmem>>) target(%dma_start3A_197 : memref<16x128xf32, #tpu.memory_space<vmem_shared>>) target_semaphore(%arg12 : memref<!tpu.dma_semaphore, #tpu.memory_space<semaphore_mem>>)
    %mul3A_198 = arith.constant 624 : i32
    %mul3A_199 = arith.muli %arg1, %mul3A_198 : i32
    %add3A_200 = arith.constant 384 : i32
    %add3A_201 = arith.addi %mul3A_199, %add3A_200 : i32
    %dma_start3A_202 = arith.constant 0 : i32
    %dma_start3A_203 = tpu.memref_slice %arg11[%add3A_201, %dma_start3A_202] : memref<10008x128xf32, #tpu.memory_space<vmem_shared>> -> memref<16x128xf32, #tpu.memory_space<vmem_shared>>
    %dma_start3A_204 = arith.constant 0 : i32
    %dma_start3A_205 = tpu.memref_slice %arg11[%add3A_201, %dma_start3A_204] : memref<10008x128xf32, #tpu.memory_space<vmem_shared>> -> memref<16x128xf32, #tpu.memory_space<vmem_shared>>
    tpu.enqueue_dma source(%arg10 : memref<16x128xf32, #tpu.memory_space<vmem>>) target(%dma_start3A_205 : memref<16x128xf32, #tpu.memory_space<vmem_shared>>) target_semaphore(%arg12 : memref<!tpu.dma_semaphore, #tpu.memory_space<semaphore_mem>>)
    %mul3A_206 = arith.constant 624 : i32
    %mul3A_207 = arith.muli %arg1, %mul3A_206 : i32
    %add3A_208 = arith.constant 400 : i32
    %add3A_209 = arith.addi %mul3A_207, %add3A_208 : i32
    %dma_start3A_210 = arith.constant 0 : i32
    %dma_start3A_211 = tpu.memref_slice %arg11[%add3A_209, %dma_start3A_210] : memref<10008x128xf32, #tpu.memory_space<vmem_shared>> -> memref<16x128xf32, #tpu.memory_space<vmem_shared>>
    %dma_start3A_212 = arith.constant 0 : i32
    %dma_start3A_213 = tpu.memref_slice %arg11[%add3A_209, %dma_start3A_212] : memref<10008x128xf32, #tpu.memory_space<vmem_shared>> -> memref<16x128xf32, #tpu.memory_space<vmem_shared>>
    tpu.enqueue_dma source(%arg10 : memref<16x128xf32, #tpu.memory_space<vmem>>) target(%dma_start3A_213 : memref<16x128xf32, #tpu.memory_space<vmem_shared>>) target_semaphore(%arg12 : memref<!tpu.dma_semaphore, #tpu.memory_space<semaphore_mem>>)
    %mul3A_214 = arith.constant 624 : i32
    %mul3A_215 = arith.muli %arg1, %mul3A_214 : i32
    %add3A_216 = arith.constant 416 : i32
    %add3A_217 = arith.addi %mul3A_215, %add3A_216 : i32
    %dma_start3A_218 = arith.constant 0 : i32
    %dma_start3A_219 = tpu.memref_slice %arg11[%add3A_217, %dma_start3A_218] : memref<10008x128xf32, #tpu.memory_space<vmem_shared>> -> memref<16x128xf32, #tpu.memory_space<vmem_shared>>
    %dma_start3A_220 = arith.constant 0 : i32
    %dma_start3A_221 = tpu.memref_slice %arg11[%add3A_217, %dma_start3A_220] : memref<10008x128xf32, #tpu.memory_space<vmem_shared>> -> memref<16x128xf32, #tpu.memory_space<vmem_shared>>
    tpu.enqueue_dma source(%arg10 : memref<16x128xf32, #tpu.memory_space<vmem>>) target(%dma_start3A_221 : memref<16x128xf32, #tpu.memory_space<vmem_shared>>) target_semaphore(%arg12 : memref<!tpu.dma_semaphore, #tpu.memory_space<semaphore_mem>>)
    %mul3A_222 = arith.constant 624 : i32
    %mul3A_223 = arith.muli %arg1, %mul3A_222 : i32
    %add3A_224 = arith.constant 432 : i32
    %add3A_225 = arith.addi %mul3A_223, %add3A_224 : i32
    %dma_start3A_226 = arith.constant 0 : i32
    %dma_start3A_227 = tpu.memref_slice %arg11[%add3A_225, %dma_start3A_226] : memref<10008x128xf32, #tpu.memory_space<vmem_shared>> -> memref<16x128xf32, #tpu.memory_space<vmem_shared>>
    %dma_start3A_228 = arith.constant 0 : i32
    %dma_start3A_229 = tpu.memref_slice %arg11[%add3A_225, %dma_start3A_228] : memref<10008x128xf32, #tpu.memory_space<vmem_shared>> -> memref<16x128xf32, #tpu.memory_space<vmem_shared>>
    tpu.enqueue_dma source(%arg10 : memref<16x128xf32, #tpu.memory_space<vmem>>) target(%dma_start3A_229 : memref<16x128xf32, #tpu.memory_space<vmem_shared>>) target_semaphore(%arg12 : memref<!tpu.dma_semaphore, #tpu.memory_space<semaphore_mem>>)
    %mul3A_230 = arith.constant 624 : i32
    %mul3A_231 = arith.muli %arg1, %mul3A_230 : i32
    %add3A_232 = arith.constant 448 : i32
    %add3A_233 = arith.addi %mul3A_231, %add3A_232 : i32
    %dma_start3A_234 = arith.constant 0 : i32
    %dma_start3A_235 = tpu.memref_slice %arg11[%add3A_233, %dma_start3A_234] : memref<10008x128xf32, #tpu.memory_space<vmem_shared>> -> memref<16x128xf32, #tpu.memory_space<vmem_shared>>
    %dma_start3A_236 = arith.constant 0 : i32
    %dma_start3A_237 = tpu.memref_slice %arg11[%add3A_233, %dma_start3A_236] : memref<10008x128xf32, #tpu.memory_space<vmem_shared>> -> memref<16x128xf32, #tpu.memory_space<vmem_shared>>
    tpu.enqueue_dma source(%arg10 : memref<16x128xf32, #tpu.memory_space<vmem>>) target(%dma_start3A_237 : memref<16x128xf32, #tpu.memory_space<vmem_shared>>) target_semaphore(%arg12 : memref<!tpu.dma_semaphore, #tpu.memory_space<semaphore_mem>>)
    %mul3A_238 = arith.constant 624 : i32
    %mul3A_239 = arith.muli %arg1, %mul3A_238 : i32
    %add3A_240 = arith.constant 464 : i32
    %add3A_241 = arith.addi %mul3A_239, %add3A_240 : i32
    %dma_start3A_242 = arith.constant 0 : i32
    %dma_start3A_243 = tpu.memref_slice %arg11[%add3A_241, %dma_start3A_242] : memref<10008x128xf32, #tpu.memory_space<vmem_shared>> -> memref<16x128xf32, #tpu.memory_space<vmem_shared>>
    %dma_start3A_244 = arith.constant 0 : i32
    %dma_start3A_245 = tpu.memref_slice %arg11[%add3A_241, %dma_start3A_244] : memref<10008x128xf32, #tpu.memory_space<vmem_shared>> -> memref<16x128xf32, #tpu.memory_space<vmem_shared>>
    tpu.enqueue_dma source(%arg10 : memref<16x128xf32, #tpu.memory_space<vmem>>) target(%dma_start3A_245 : memref<16x128xf32, #tpu.memory_space<vmem_shared>>) target_semaphore(%arg12 : memref<!tpu.dma_semaphore, #tpu.memory_space<semaphore_mem>>)
    %mul3A_246 = arith.constant 624 : i32
    %mul3A_247 = arith.muli %arg1, %mul3A_246 : i32
    %add3A_248 = arith.constant 480 : i32
    %add3A_249 = arith.addi %mul3A_247, %add3A_248 : i32
    %dma_start3A_250 = arith.constant 0 : i32
    %dma_start3A_251 = tpu.memref_slice %arg11[%add3A_249, %dma_start3A_250] : memref<10008x128xf32, #tpu.memory_space<vmem_shared>> -> memref<16x128xf32, #tpu.memory_space<vmem_shared>>
    %dma_start3A_252 = arith.constant 0 : i32
    %dma_start3A_253 = tpu.memref_slice %arg11[%add3A_249, %dma_start3A_252] : memref<10008x128xf32, #tpu.memory_space<vmem_shared>> -> memref<16x128xf32, #tpu.memory_space<vmem_shared>>
    tpu.enqueue_dma source(%arg10 : memref<16x128xf32, #tpu.memory_space<vmem>>) target(%dma_start3A_253 : memref<16x128xf32, #tpu.memory_space<vmem_shared>>) target_semaphore(%arg12 : memref<!tpu.dma_semaphore, #tpu.memory_space<semaphore_mem>>)
    %mul3A_254 = arith.constant 624 : i32
    %mul3A_255 = arith.muli %arg1, %mul3A_254 : i32
    %add3A_256 = arith.constant 496 : i32
    %add3A_257 = arith.addi %mul3A_255, %add3A_256 : i32
    %dma_start3A_258 = arith.constant 0 : i32
    %dma_start3A_259 = tpu.memref_slice %arg11[%add3A_257, %dma_start3A_258] : memref<10008x128xf32, #tpu.memory_space<vmem_shared>> -> memref<16x128xf32, #tpu.memory_space<vmem_shared>>
    %dma_start3A_260 = arith.constant 0 : i32
    %dma_start3A_261 = tpu.memref_slice %arg11[%add3A_257, %dma_start3A_260] : memref<10008x128xf32, #tpu.memory_space<vmem_shared>> -> memref<16x128xf32, #tpu.memory_space<vmem_shared>>
    tpu.enqueue_dma source(%arg10 : memref<16x128xf32, #tpu.memory_space<vmem>>) target(%dma_start3A_261 : memref<16x128xf32, #tpu.memory_space<vmem_shared>>) target_semaphore(%arg12 : memref<!tpu.dma_semaphore, #tpu.memory_space<semaphore_mem>>)
    %mul3A_262 = arith.constant 624 : i32
    %mul3A_263 = arith.muli %arg1, %mul3A_262 : i32
    %add3A_264 = arith.constant 512 : i32
    %add3A_265 = arith.addi %mul3A_263, %add3A_264 : i32
    %dma_start3A_266 = arith.constant 0 : i32
    %dma_start3A_267 = tpu.memref_slice %arg11[%add3A_265, %dma_start3A_266] : memref<10008x128xf32, #tpu.memory_space<vmem_shared>> -> memref<16x128xf32, #tpu.memory_space<vmem_shared>>
    %dma_start3A_268 = arith.constant 0 : i32
    %dma_start3A_269 = tpu.memref_slice %arg11[%add3A_265, %dma_start3A_268] : memref<10008x128xf32, #tpu.memory_space<vmem_shared>> -> memref<16x128xf32, #tpu.memory_space<vmem_shared>>
    tpu.enqueue_dma source(%arg10 : memref<16x128xf32, #tpu.memory_space<vmem>>) target(%dma_start3A_269 : memref<16x128xf32, #tpu.memory_space<vmem_shared>>) target_semaphore(%arg12 : memref<!tpu.dma_semaphore, #tpu.memory_space<semaphore_mem>>)
    %mul3A_270 = arith.constant 624 : i32
    %mul3A_271 = arith.muli %arg1, %mul3A_270 : i32
    %add3A_272 = arith.constant 528 : i32
    %add3A_273 = arith.addi %mul3A_271, %add3A_272 : i32
    %dma_start3A_274 = arith.constant 0 : i32
    %dma_start3A_275 = tpu.memref_slice %arg11[%add3A_273, %dma_start3A_274] : memref<10008x128xf32, #tpu.memory_space<vmem_shared>> -> memref<16x128xf32, #tpu.memory_space<vmem_shared>>
    %dma_start3A_276 = arith.constant 0 : i32
    %dma_start3A_277 = tpu.memref_slice %arg11[%add3A_273, %dma_start3A_276] : memref<10008x128xf32, #tpu.memory_space<vmem_shared>> -> memref<16x128xf32, #tpu.memory_space<vmem_shared>>
    tpu.enqueue_dma source(%arg10 : memref<16x128xf32, #tpu.memory_space<vmem>>) target(%dma_start3A_277 : memref<16x128xf32, #tpu.memory_space<vmem_shared>>) target_semaphore(%arg12 : memref<!tpu.dma_semaphore, #tpu.memory_space<semaphore_mem>>)
    %mul3A_278 = arith.constant 624 : i32
    %mul3A_279 = arith.muli %arg1, %mul3A_278 : i32
    %add3A_280 = arith.constant 544 : i32
    %add3A_281 = arith.addi %mul3A_279, %add3A_280 : i32
    %dma_start3A_282 = arith.constant 0 : i32
    %dma_start3A_283 = tpu.memref_slice %arg11[%add3A_281, %dma_start3A_282] : memref<10008x128xf32, #tpu.memory_space<vmem_shared>> -> memref<16x128xf32, #tpu.memory_space<vmem_shared>>
    %dma_start3A_284 = arith.constant 0 : i32
    %dma_start3A_285 = tpu.memref_slice %arg11[%add3A_281, %dma_start3A_284] : memref<10008x128xf32, #tpu.memory_space<vmem_shared>> -> memref<16x128xf32, #tpu.memory_space<vmem_shared>>
    tpu.enqueue_dma source(%arg10 : memref<16x128xf32, #tpu.memory_space<vmem>>) target(%dma_start3A_285 : memref<16x128xf32, #tpu.memory_space<vmem_shared>>) target_semaphore(%arg12 : memref<!tpu.dma_semaphore, #tpu.memory_space<semaphore_mem>>)
    %mul3A_286 = arith.constant 624 : i32
    %mul3A_287 = arith.muli %arg1, %mul3A_286 : i32
    %add3A_288 = arith.constant 560 : i32
    %add3A_289 = arith.addi %mul3A_287, %add3A_288 : i32
    %dma_start3A_290 = arith.constant 0 : i32
    %dma_start3A_291 = tpu.memref_slice %arg11[%add3A_289, %dma_start3A_290] : memref<10008x128xf32, #tpu.memory_space<vmem_shared>> -> memref<16x128xf32, #tpu.memory_space<vmem_shared>>
    %dma_start3A_292 = arith.constant 0 : i32
    %dma_start3A_293 = tpu.memref_slice %arg11[%add3A_289, %dma_start3A_292] : memref<10008x128xf32, #tpu.memory_space<vmem_shared>> -> memref<16x128xf32, #tpu.memory_space<vmem_shared>>
    tpu.enqueue_dma source(%arg10 : memref<16x128xf32, #tpu.memory_space<vmem>>) target(%dma_start3A_293 : memref<16x128xf32, #tpu.memory_space<vmem_shared>>) target_semaphore(%arg12 : memref<!tpu.dma_semaphore, #tpu.memory_space<semaphore_mem>>)
    %mul3A_294 = arith.constant 624 : i32
    %mul3A_295 = arith.muli %arg1, %mul3A_294 : i32
    %add3A_296 = arith.constant 576 : i32
    %add3A_297 = arith.addi %mul3A_295, %add3A_296 : i32
    %dma_start3A_298 = arith.constant 0 : i32
    %dma_start3A_299 = tpu.memref_slice %arg11[%add3A_297, %dma_start3A_298] : memref<10008x128xf32, #tpu.memory_space<vmem_shared>> -> memref<16x128xf32, #tpu.memory_space<vmem_shared>>
    %dma_start3A_300 = arith.constant 0 : i32
    %dma_start3A_301 = tpu.memref_slice %arg11[%add3A_297, %dma_start3A_300] : memref<10008x128xf32, #tpu.memory_space<vmem_shared>> -> memref<16x128xf32, #tpu.memory_space<vmem_shared>>
    tpu.enqueue_dma source(%arg10 : memref<16x128xf32, #tpu.memory_space<vmem>>) target(%dma_start3A_301 : memref<16x128xf32, #tpu.memory_space<vmem_shared>>) target_semaphore(%arg12 : memref<!tpu.dma_semaphore, #tpu.memory_space<semaphore_mem>>)
    %mul3A_302 = arith.constant 624 : i32
    %mul3A_303 = arith.muli %arg1, %mul3A_302 : i32
    %add3A_304 = arith.constant 592 : i32
    %add3A_305 = arith.addi %mul3A_303, %add3A_304 : i32
    %dma_start3A_306 = arith.constant 0 : i32
    %dma_start3A_307 = tpu.memref_slice %arg11[%add3A_305, %dma_start3A_306] : memref<10008x128xf32, #tpu.memory_space<vmem_shared>> -> memref<16x128xf32, #tpu.memory_space<vmem_shared>>
    %dma_start3A_308 = arith.constant 0 : i32
    %dma_start3A_309 = tpu.memref_slice %arg11[%add3A_305, %dma_start3A_308] : memref<10008x128xf32, #tpu.memory_space<vmem_shared>> -> memref<16x128xf32, #tpu.memory_space<vmem_shared>>
    tpu.enqueue_dma source(%arg10 : memref<16x128xf32, #tpu.memory_space<vmem>>) target(%dma_start3A_309 : memref<16x128xf32, #tpu.memory_space<vmem_shared>>) target_semaphore(%arg12 : memref<!tpu.dma_semaphore, #tpu.memory_space<semaphore_mem>>)
    %mul3A_310 = arith.constant 624 : i32
    %mul3A_311 = arith.muli %arg1, %mul3A_310 : i32
    %add3A_312 = arith.constant 608 : i32
    %add3A_313 = arith.addi %mul3A_311, %add3A_312 : i32
    %dma_start3A_314 = arith.constant 0 : i32
    %dma_start3A_315 = tpu.memref_slice %arg11[%add3A_313, %dma_start3A_314] : memref<10008x128xf32, #tpu.memory_space<vmem_shared>> -> memref<16x128xf32, #tpu.memory_space<vmem_shared>>
    %dma_start3A_316 = arith.constant 0 : i32
    %dma_start3A_317 = tpu.memref_slice %arg11[%add3A_313, %dma_start3A_316] : memref<10008x128xf32, #tpu.memory_space<vmem_shared>> -> memref<16x128xf32, #tpu.memory_space<vmem_shared>>
    tpu.enqueue_dma source(%arg10 : memref<16x128xf32, #tpu.memory_space<vmem>>) target(%dma_start3A_317 : memref<16x128xf32, #tpu.memory_space<vmem_shared>>) target_semaphore(%arg12 : memref<!tpu.dma_semaphore, #tpu.memory_space<semaphore_mem>>)
    %mul3A_318 = arith.constant 624 : i32
    %mul3A_319 = arith.muli %arg1, %mul3A_318 : i32
    %add3A_320 = arith.constant 0 : i32
    %add3A_321 = arith.addi %mul3A_319, %add3A_320 : i32
    %dma_wait3A = arith.constant 0 : i32
    %dma_wait3A_322 = tpu.memref_slice %arg11[%add3A_321, %dma_wait3A] : memref<10008x128xf32, #tpu.memory_space<vmem_shared>> -> memref<16x128xf32, #tpu.memory_space<vmem_shared>>
    %dma_wait3A_323 = arith.constant 0 : i32
    %dma_wait3A_324 = tpu.memref_slice %arg11[%add3A_321, %dma_wait3A_323] : memref<10008x128xf32, #tpu.memory_space<vmem_shared>> -> memref<16x128xf32, #tpu.memory_space<vmem_shared>>
    tpu.wait_dma2 semaphore(%arg12 : memref<!tpu.dma_semaphore, #tpu.memory_space<semaphore_mem>>) src(%arg10 : memref<16x128xf32, #tpu.memory_space<vmem>>) dst(%dma_wait3A_324 : memref<16x128xf32, #tpu.memory_space<vmem_shared>>)
    %mul3A_325 = arith.constant 624 : i32
    %mul3A_326 = arith.muli %arg1, %mul3A_325 : i32
    %add3A_327 = arith.constant 16 : i32
    %add3A_328 = arith.addi %mul3A_326, %add3A_327 : i32
    %dma_wait3A_329 = arith.constant 0 : i32
    %dma_wait3A_330 = tpu.memref_slice %arg11[%add3A_328, %dma_wait3A_329] : memref<10008x128xf32, #tpu.memory_space<vmem_shared>> -> memref<16x128xf32, #tpu.memory_space<vmem_shared>>
    %dma_wait3A_331 = arith.constant 0 : i32
    %dma_wait3A_332 = tpu.memref_slice %arg11[%add3A_328, %dma_wait3A_331] : memref<10008x128xf32, #tpu.memory_space<vmem_shared>> -> memref<16x128xf32, #tpu.memory_space<vmem_shared>>
    tpu.wait_dma2 semaphore(%arg12 : memref<!tpu.dma_semaphore, #tpu.memory_space<semaphore_mem>>) src(%arg10 : memref<16x128xf32, #tpu.memory_space<vmem>>) dst(%dma_wait3A_332 : memref<16x128xf32, #tpu.memory_space<vmem_shared>>)
    %mul3A_333 = arith.constant 624 : i32
    %mul3A_334 = arith.muli %arg1, %mul3A_333 : i32
    %add3A_335 = arith.constant 32 : i32
    %add3A_336 = arith.addi %mul3A_334, %add3A_335 : i32
    %dma_wait3A_337 = arith.constant 0 : i32
    %dma_wait3A_338 = tpu.memref_slice %arg11[%add3A_336, %dma_wait3A_337] : memref<10008x128xf32, #tpu.memory_space<vmem_shared>> -> memref<16x128xf32, #tpu.memory_space<vmem_shared>>
    %dma_wait3A_339 = arith.constant 0 : i32
    %dma_wait3A_340 = tpu.memref_slice %arg11[%add3A_336, %dma_wait3A_339] : memref<10008x128xf32, #tpu.memory_space<vmem_shared>> -> memref<16x128xf32, #tpu.memory_space<vmem_shared>>
    tpu.wait_dma2 semaphore(%arg12 : memref<!tpu.dma_semaphore, #tpu.memory_space<semaphore_mem>>) src(%arg10 : memref<16x128xf32, #tpu.memory_space<vmem>>) dst(%dma_wait3A_340 : memref<16x128xf32, #tpu.memory_space<vmem_shared>>)
    %mul3A_341 = arith.constant 624 : i32
    %mul3A_342 = arith.muli %arg1, %mul3A_341 : i32
    %add3A_343 = arith.constant 48 : i32
    %add3A_344 = arith.addi %mul3A_342, %add3A_343 : i32
    %dma_wait3A_345 = arith.constant 0 : i32
    %dma_wait3A_346 = tpu.memref_slice %arg11[%add3A_344, %dma_wait3A_345] : memref<10008x128xf32, #tpu.memory_space<vmem_shared>> -> memref<16x128xf32, #tpu.memory_space<vmem_shared>>
    %dma_wait3A_347 = arith.constant 0 : i32
    %dma_wait3A_348 = tpu.memref_slice %arg11[%add3A_344, %dma_wait3A_347] : memref<10008x128xf32, #tpu.memory_space<vmem_shared>> -> memref<16x128xf32, #tpu.memory_space<vmem_shared>>
    tpu.wait_dma2 semaphore(%arg12 : memref<!tpu.dma_semaphore, #tpu.memory_space<semaphore_mem>>) src(%arg10 : memref<16x128xf32, #tpu.memory_space<vmem>>) dst(%dma_wait3A_348 : memref<16x128xf32, #tpu.memory_space<vmem_shared>>)
    %mul3A_349 = arith.constant 624 : i32
    %mul3A_350 = arith.muli %arg1, %mul3A_349 : i32
    %add3A_351 = arith.constant 64 : i32
    %add3A_352 = arith.addi %mul3A_350, %add3A_351 : i32
    %dma_wait3A_353 = arith.constant 0 : i32
    %dma_wait3A_354 = tpu.memref_slice %arg11[%add3A_352, %dma_wait3A_353] : memref<10008x128xf32, #tpu.memory_space<vmem_shared>> -> memref<16x128xf32, #tpu.memory_space<vmem_shared>>
    %dma_wait3A_355 = arith.constant 0 : i32
    %dma_wait3A_356 = tpu.memref_slice %arg11[%add3A_352, %dma_wait3A_355] : memref<10008x128xf32, #tpu.memory_space<vmem_shared>> -> memref<16x128xf32, #tpu.memory_space<vmem_shared>>
    tpu.wait_dma2 semaphore(%arg12 : memref<!tpu.dma_semaphore, #tpu.memory_space<semaphore_mem>>) src(%arg10 : memref<16x128xf32, #tpu.memory_space<vmem>>) dst(%dma_wait3A_356 : memref<16x128xf32, #tpu.memory_space<vmem_shared>>)
    %mul3A_357 = arith.constant 624 : i32
    %mul3A_358 = arith.muli %arg1, %mul3A_357 : i32
    %add3A_359 = arith.constant 80 : i32
    %add3A_360 = arith.addi %mul3A_358, %add3A_359 : i32
    %dma_wait3A_361 = arith.constant 0 : i32
    %dma_wait3A_362 = tpu.memref_slice %arg11[%add3A_360, %dma_wait3A_361] : memref<10008x128xf32, #tpu.memory_space<vmem_shared>> -> memref<16x128xf32, #tpu.memory_space<vmem_shared>>
    %dma_wait3A_363 = arith.constant 0 : i32
    %dma_wait3A_364 = tpu.memref_slice %arg11[%add3A_360, %dma_wait3A_363] : memref<10008x128xf32, #tpu.memory_space<vmem_shared>> -> memref<16x128xf32, #tpu.memory_space<vmem_shared>>
    tpu.wait_dma2 semaphore(%arg12 : memref<!tpu.dma_semaphore, #tpu.memory_space<semaphore_mem>>) src(%arg10 : memref<16x128xf32, #tpu.memory_space<vmem>>) dst(%dma_wait3A_364 : memref<16x128xf32, #tpu.memory_space<vmem_shared>>)
    %mul3A_365 = arith.constant 624 : i32
    %mul3A_366 = arith.muli %arg1, %mul3A_365 : i32
    %add3A_367 = arith.constant 96 : i32
    %add3A_368 = arith.addi %mul3A_366, %add3A_367 : i32
    %dma_wait3A_369 = arith.constant 0 : i32
    %dma_wait3A_370 = tpu.memref_slice %arg11[%add3A_368, %dma_wait3A_369] : memref<10008x128xf32, #tpu.memory_space<vmem_shared>> -> memref<16x128xf32, #tpu.memory_space<vmem_shared>>
    %dma_wait3A_371 = arith.constant 0 : i32
    %dma_wait3A_372 = tpu.memref_slice %arg11[%add3A_368, %dma_wait3A_371] : memref<10008x128xf32, #tpu.memory_space<vmem_shared>> -> memref<16x128xf32, #tpu.memory_space<vmem_shared>>
    tpu.wait_dma2 semaphore(%arg12 : memref<!tpu.dma_semaphore, #tpu.memory_space<semaphore_mem>>) src(%arg10 : memref<16x128xf32, #tpu.memory_space<vmem>>) dst(%dma_wait3A_372 : memref<16x128xf32, #tpu.memory_space<vmem_shared>>)
    %mul3A_373 = arith.constant 624 : i32
    %mul3A_374 = arith.muli %arg1, %mul3A_373 : i32
    %add3A_375 = arith.constant 112 : i32
    %add3A_376 = arith.addi %mul3A_374, %add3A_375 : i32
    %dma_wait3A_377 = arith.constant 0 : i32
    %dma_wait3A_378 = tpu.memref_slice %arg11[%add3A_376, %dma_wait3A_377] : memref<10008x128xf32, #tpu.memory_space<vmem_shared>> -> memref<16x128xf32, #tpu.memory_space<vmem_shared>>
    %dma_wait3A_379 = arith.constant 0 : i32
    %dma_wait3A_380 = tpu.memref_slice %arg11[%add3A_376, %dma_wait3A_379] : memref<10008x128xf32, #tpu.memory_space<vmem_shared>> -> memref<16x128xf32, #tpu.memory_space<vmem_shared>>
    tpu.wait_dma2 semaphore(%arg12 : memref<!tpu.dma_semaphore, #tpu.memory_space<semaphore_mem>>) src(%arg10 : memref<16x128xf32, #tpu.memory_space<vmem>>) dst(%dma_wait3A_380 : memref<16x128xf32, #tpu.memory_space<vmem_shared>>)
    %mul3A_381 = arith.constant 624 : i32
    %mul3A_382 = arith.muli %arg1, %mul3A_381 : i32
    %add3A_383 = arith.constant 128 : i32
    %add3A_384 = arith.addi %mul3A_382, %add3A_383 : i32
    %dma_wait3A_385 = arith.constant 0 : i32
    %dma_wait3A_386 = tpu.memref_slice %arg11[%add3A_384, %dma_wait3A_385] : memref<10008x128xf32, #tpu.memory_space<vmem_shared>> -> memref<16x128xf32, #tpu.memory_space<vmem_shared>>
    %dma_wait3A_387 = arith.constant 0 : i32
    %dma_wait3A_388 = tpu.memref_slice %arg11[%add3A_384, %dma_wait3A_387] : memref<10008x128xf32, #tpu.memory_space<vmem_shared>> -> memref<16x128xf32, #tpu.memory_space<vmem_shared>>
    tpu.wait_dma2 semaphore(%arg12 : memref<!tpu.dma_semaphore, #tpu.memory_space<semaphore_mem>>) src(%arg10 : memref<16x128xf32, #tpu.memory_space<vmem>>) dst(%dma_wait3A_388 : memref<16x128xf32, #tpu.memory_space<vmem_shared>>)
    %mul3A_389 = arith.constant 624 : i32
    %mul3A_390 = arith.muli %arg1, %mul3A_389 : i32
    %add3A_391 = arith.constant 144 : i32
    %add3A_392 = arith.addi %mul3A_390, %add3A_391 : i32
    %dma_wait3A_393 = arith.constant 0 : i32
    %dma_wait3A_394 = tpu.memref_slice %arg11[%add3A_392, %dma_wait3A_393] : memref<10008x128xf32, #tpu.memory_space<vmem_shared>> -> memref<16x128xf32, #tpu.memory_space<vmem_shared>>
    %dma_wait3A_395 = arith.constant 0 : i32
    %dma_wait3A_396 = tpu.memref_slice %arg11[%add3A_392, %dma_wait3A_395] : memref<10008x128xf32, #tpu.memory_space<vmem_shared>> -> memref<16x128xf32, #tpu.memory_space<vmem_shared>>
    tpu.wait_dma2 semaphore(%arg12 : memref<!tpu.dma_semaphore, #tpu.memory_space<semaphore_mem>>) src(%arg10 : memref<16x128xf32, #tpu.memory_space<vmem>>) dst(%dma_wait3A_396 : memref<16x128xf32, #tpu.memory_space<vmem_shared>>)
    %mul3A_397 = arith.constant 624 : i32
    %mul3A_398 = arith.muli %arg1, %mul3A_397 : i32
    %add3A_399 = arith.constant 160 : i32
    %add3A_400 = arith.addi %mul3A_398, %add3A_399 : i32
    %dma_wait3A_401 = arith.constant 0 : i32
    %dma_wait3A_402 = tpu.memref_slice %arg11[%add3A_400, %dma_wait3A_401] : memref<10008x128xf32, #tpu.memory_space<vmem_shared>> -> memref<16x128xf32, #tpu.memory_space<vmem_shared>>
    %dma_wait3A_403 = arith.constant 0 : i32
    %dma_wait3A_404 = tpu.memref_slice %arg11[%add3A_400, %dma_wait3A_403] : memref<10008x128xf32, #tpu.memory_space<vmem_shared>> -> memref<16x128xf32, #tpu.memory_space<vmem_shared>>
    tpu.wait_dma2 semaphore(%arg12 : memref<!tpu.dma_semaphore, #tpu.memory_space<semaphore_mem>>) src(%arg10 : memref<16x128xf32, #tpu.memory_space<vmem>>) dst(%dma_wait3A_404 : memref<16x128xf32, #tpu.memory_space<vmem_shared>>)
    %mul3A_405 = arith.constant 624 : i32
    %mul3A_406 = arith.muli %arg1, %mul3A_405 : i32
    %add3A_407 = arith.constant 176 : i32
    %add3A_408 = arith.addi %mul3A_406, %add3A_407 : i32
    %dma_wait3A_409 = arith.constant 0 : i32
    %dma_wait3A_410 = tpu.memref_slice %arg11[%add3A_408, %dma_wait3A_409] : memref<10008x128xf32, #tpu.memory_space<vmem_shared>> -> memref<16x128xf32, #tpu.memory_space<vmem_shared>>
    %dma_wait3A_411 = arith.constant 0 : i32
    %dma_wait3A_412 = tpu.memref_slice %arg11[%add3A_408, %dma_wait3A_411] : memref<10008x128xf32, #tpu.memory_space<vmem_shared>> -> memref<16x128xf32, #tpu.memory_space<vmem_shared>>
    tpu.wait_dma2 semaphore(%arg12 : memref<!tpu.dma_semaphore, #tpu.memory_space<semaphore_mem>>) src(%arg10 : memref<16x128xf32, #tpu.memory_space<vmem>>) dst(%dma_wait3A_412 : memref<16x128xf32, #tpu.memory_space<vmem_shared>>)
    %mul3A_413 = arith.constant 624 : i32
    %mul3A_414 = arith.muli %arg1, %mul3A_413 : i32
    %add3A_415 = arith.constant 192 : i32
    %add3A_416 = arith.addi %mul3A_414, %add3A_415 : i32
    %dma_wait3A_417 = arith.constant 0 : i32
    %dma_wait3A_418 = tpu.memref_slice %arg11[%add3A_416, %dma_wait3A_417] : memref<10008x128xf32, #tpu.memory_space<vmem_shared>> -> memref<16x128xf32, #tpu.memory_space<vmem_shared>>
    %dma_wait3A_419 = arith.constant 0 : i32
    %dma_wait3A_420 = tpu.memref_slice %arg11[%add3A_416, %dma_wait3A_419] : memref<10008x128xf32, #tpu.memory_space<vmem_shared>> -> memref<16x128xf32, #tpu.memory_space<vmem_shared>>
    tpu.wait_dma2 semaphore(%arg12 : memref<!tpu.dma_semaphore, #tpu.memory_space<semaphore_mem>>) src(%arg10 : memref<16x128xf32, #tpu.memory_space<vmem>>) dst(%dma_wait3A_420 : memref<16x128xf32, #tpu.memory_space<vmem_shared>>)
    %mul3A_421 = arith.constant 624 : i32
    %mul3A_422 = arith.muli %arg1, %mul3A_421 : i32
    %add3A_423 = arith.constant 208 : i32
    %add3A_424 = arith.addi %mul3A_422, %add3A_423 : i32
    %dma_wait3A_425 = arith.constant 0 : i32
    %dma_wait3A_426 = tpu.memref_slice %arg11[%add3A_424, %dma_wait3A_425] : memref<10008x128xf32, #tpu.memory_space<vmem_shared>> -> memref<16x128xf32, #tpu.memory_space<vmem_shared>>
    %dma_wait3A_427 = arith.constant 0 : i32
    %dma_wait3A_428 = tpu.memref_slice %arg11[%add3A_424, %dma_wait3A_427] : memref<10008x128xf32, #tpu.memory_space<vmem_shared>> -> memref<16x128xf32, #tpu.memory_space<vmem_shared>>
    tpu.wait_dma2 semaphore(%arg12 : memref<!tpu.dma_semaphore, #tpu.memory_space<semaphore_mem>>) src(%arg10 : memref<16x128xf32, #tpu.memory_space<vmem>>) dst(%dma_wait3A_428 : memref<16x128xf32, #tpu.memory_space<vmem_shared>>)
    %mul3A_429 = arith.constant 624 : i32
    %mul3A_430 = arith.muli %arg1, %mul3A_429 : i32
    %add3A_431 = arith.constant 224 : i32
    %add3A_432 = arith.addi %mul3A_430, %add3A_431 : i32
    %dma_wait3A_433 = arith.constant 0 : i32
    %dma_wait3A_434 = tpu.memref_slice %arg11[%add3A_432, %dma_wait3A_433] : memref<10008x128xf32, #tpu.memory_space<vmem_shared>> -> memref<16x128xf32, #tpu.memory_space<vmem_shared>>
    %dma_wait3A_435 = arith.constant 0 : i32
    %dma_wait3A_436 = tpu.memref_slice %arg11[%add3A_432, %dma_wait3A_435] : memref<10008x128xf32, #tpu.memory_space<vmem_shared>> -> memref<16x128xf32, #tpu.memory_space<vmem_shared>>
    tpu.wait_dma2 semaphore(%arg12 : memref<!tpu.dma_semaphore, #tpu.memory_space<semaphore_mem>>) src(%arg10 : memref<16x128xf32, #tpu.memory_space<vmem>>) dst(%dma_wait3A_436 : memref<16x128xf32, #tpu.memory_space<vmem_shared>>)
    %mul3A_437 = arith.constant 624 : i32
    %mul3A_438 = arith.muli %arg1, %mul3A_437 : i32
    %add3A_439 = arith.constant 240 : i32
    %add3A_440 = arith.addi %mul3A_438, %add3A_439 : i32
    %dma_wait3A_441 = arith.constant 0 : i32
    %dma_wait3A_442 = tpu.memref_slice %arg11[%add3A_440, %dma_wait3A_441] : memref<10008x128xf32, #tpu.memory_space<vmem_shared>> -> memref<16x128xf32, #tpu.memory_space<vmem_shared>>
    %dma_wait3A_443 = arith.constant 0 : i32
    %dma_wait3A_444 = tpu.memref_slice %arg11[%add3A_440, %dma_wait3A_443] : memref<10008x128xf32, #tpu.memory_space<vmem_shared>> -> memref<16x128xf32, #tpu.memory_space<vmem_shared>>
    tpu.wait_dma2 semaphore(%arg12 : memref<!tpu.dma_semaphore, #tpu.memory_space<semaphore_mem>>) src(%arg10 : memref<16x128xf32, #tpu.memory_space<vmem>>) dst(%dma_wait3A_444 : memref<16x128xf32, #tpu.memory_space<vmem_shared>>)
    %mul3A_445 = arith.constant 624 : i32
    %mul3A_446 = arith.muli %arg1, %mul3A_445 : i32
    %add3A_447 = arith.constant 256 : i32
    %add3A_448 = arith.addi %mul3A_446, %add3A_447 : i32
    %dma_wait3A_449 = arith.constant 0 : i32
    %dma_wait3A_450 = tpu.memref_slice %arg11[%add3A_448, %dma_wait3A_449] : memref<10008x128xf32, #tpu.memory_space<vmem_shared>> -> memref<16x128xf32, #tpu.memory_space<vmem_shared>>
    %dma_wait3A_451 = arith.constant 0 : i32
    %dma_wait3A_452 = tpu.memref_slice %arg11[%add3A_448, %dma_wait3A_451] : memref<10008x128xf32, #tpu.memory_space<vmem_shared>> -> memref<16x128xf32, #tpu.memory_space<vmem_shared>>
    tpu.wait_dma2 semaphore(%arg12 : memref<!tpu.dma_semaphore, #tpu.memory_space<semaphore_mem>>) src(%arg10 : memref<16x128xf32, #tpu.memory_space<vmem>>) dst(%dma_wait3A_452 : memref<16x128xf32, #tpu.memory_space<vmem_shared>>)
    %mul3A_453 = arith.constant 624 : i32
    %mul3A_454 = arith.muli %arg1, %mul3A_453 : i32
    %add3A_455 = arith.constant 272 : i32
    %add3A_456 = arith.addi %mul3A_454, %add3A_455 : i32
    %dma_wait3A_457 = arith.constant 0 : i32
    %dma_wait3A_458 = tpu.memref_slice %arg11[%add3A_456, %dma_wait3A_457] : memref<10008x128xf32, #tpu.memory_space<vmem_shared>> -> memref<16x128xf32, #tpu.memory_space<vmem_shared>>
    %dma_wait3A_459 = arith.constant 0 : i32
    %dma_wait3A_460 = tpu.memref_slice %arg11[%add3A_456, %dma_wait3A_459] : memref<10008x128xf32, #tpu.memory_space<vmem_shared>> -> memref<16x128xf32, #tpu.memory_space<vmem_shared>>
    tpu.wait_dma2 semaphore(%arg12 : memref<!tpu.dma_semaphore, #tpu.memory_space<semaphore_mem>>) src(%arg10 : memref<16x128xf32, #tpu.memory_space<vmem>>) dst(%dma_wait3A_460 : memref<16x128xf32, #tpu.memory_space<vmem_shared>>)
    %mul3A_461 = arith.constant 624 : i32
    %mul3A_462 = arith.muli %arg1, %mul3A_461 : i32
    %add3A_463 = arith.constant 288 : i32
    %add3A_464 = arith.addi %mul3A_462, %add3A_463 : i32
    %dma_wait3A_465 = arith.constant 0 : i32
    %dma_wait3A_466 = tpu.memref_slice %arg11[%add3A_464, %dma_wait3A_465] : memref<10008x128xf32, #tpu.memory_space<vmem_shared>> -> memref<16x128xf32, #tpu.memory_space<vmem_shared>>
    %dma_wait3A_467 = arith.constant 0 : i32
    %dma_wait3A_468 = tpu.memref_slice %arg11[%add3A_464, %dma_wait3A_467] : memref<10008x128xf32, #tpu.memory_space<vmem_shared>> -> memref<16x128xf32, #tpu.memory_space<vmem_shared>>
    tpu.wait_dma2 semaphore(%arg12 : memref<!tpu.dma_semaphore, #tpu.memory_space<semaphore_mem>>) src(%arg10 : memref<16x128xf32, #tpu.memory_space<vmem>>) dst(%dma_wait3A_468 : memref<16x128xf32, #tpu.memory_space<vmem_shared>>)
    %mul3A_469 = arith.constant 624 : i32
    %mul3A_470 = arith.muli %arg1, %mul3A_469 : i32
    %add3A_471 = arith.constant 304 : i32
    %add3A_472 = arith.addi %mul3A_470, %add3A_471 : i32
    %dma_wait3A_473 = arith.constant 0 : i32
    %dma_wait3A_474 = tpu.memref_slice %arg11[%add3A_472, %dma_wait3A_473] : memref<10008x128xf32, #tpu.memory_space<vmem_shared>> -> memref<16x128xf32, #tpu.memory_space<vmem_shared>>
    %dma_wait3A_475 = arith.constant 0 : i32
    %dma_wait3A_476 = tpu.memref_slice %arg11[%add3A_472, %dma_wait3A_475] : memref<10008x128xf32, #tpu.memory_space<vmem_shared>> -> memref<16x128xf32, #tpu.memory_space<vmem_shared>>
    tpu.wait_dma2 semaphore(%arg12 : memref<!tpu.dma_semaphore, #tpu.memory_space<semaphore_mem>>) src(%arg10 : memref<16x128xf32, #tpu.memory_space<vmem>>) dst(%dma_wait3A_476 : memref<16x128xf32, #tpu.memory_space<vmem_shared>>)
    %mul3A_477 = arith.constant 624 : i32
    %mul3A_478 = arith.muli %arg1, %mul3A_477 : i32
    %add3A_479 = arith.constant 320 : i32
    %add3A_480 = arith.addi %mul3A_478, %add3A_479 : i32
    %dma_wait3A_481 = arith.constant 0 : i32
    %dma_wait3A_482 = tpu.memref_slice %arg11[%add3A_480, %dma_wait3A_481] : memref<10008x128xf32, #tpu.memory_space<vmem_shared>> -> memref<16x128xf32, #tpu.memory_space<vmem_shared>>
    %dma_wait3A_483 = arith.constant 0 : i32
    %dma_wait3A_484 = tpu.memref_slice %arg11[%add3A_480, %dma_wait3A_483] : memref<10008x128xf32, #tpu.memory_space<vmem_shared>> -> memref<16x128xf32, #tpu.memory_space<vmem_shared>>
    tpu.wait_dma2 semaphore(%arg12 : memref<!tpu.dma_semaphore, #tpu.memory_space<semaphore_mem>>) src(%arg10 : memref<16x128xf32, #tpu.memory_space<vmem>>) dst(%dma_wait3A_484 : memref<16x128xf32, #tpu.memory_space<vmem_shared>>)
    %mul3A_485 = arith.constant 624 : i32
    %mul3A_486 = arith.muli %arg1, %mul3A_485 : i32
    %add3A_487 = arith.constant 336 : i32
    %add3A_488 = arith.addi %mul3A_486, %add3A_487 : i32
    %dma_wait3A_489 = arith.constant 0 : i32
    %dma_wait3A_490 = tpu.memref_slice %arg11[%add3A_488, %dma_wait3A_489] : memref<10008x128xf32, #tpu.memory_space<vmem_shared>> -> memref<16x128xf32, #tpu.memory_space<vmem_shared>>
    %dma_wait3A_491 = arith.constant 0 : i32
    %dma_wait3A_492 = tpu.memref_slice %arg11[%add3A_488, %dma_wait3A_491] : memref<10008x128xf32, #tpu.memory_space<vmem_shared>> -> memref<16x128xf32, #tpu.memory_space<vmem_shared>>
    tpu.wait_dma2 semaphore(%arg12 : memref<!tpu.dma_semaphore, #tpu.memory_space<semaphore_mem>>) src(%arg10 : memref<16x128xf32, #tpu.memory_space<vmem>>) dst(%dma_wait3A_492 : memref<16x128xf32, #tpu.memory_space<vmem_shared>>)
    %mul3A_493 = arith.constant 624 : i32
    %mul3A_494 = arith.muli %arg1, %mul3A_493 : i32
    %add3A_495 = arith.constant 352 : i32
    %add3A_496 = arith.addi %mul3A_494, %add3A_495 : i32
    %dma_wait3A_497 = arith.constant 0 : i32
    %dma_wait3A_498 = tpu.memref_slice %arg11[%add3A_496, %dma_wait3A_497] : memref<10008x128xf32, #tpu.memory_space<vmem_shared>> -> memref<16x128xf32, #tpu.memory_space<vmem_shared>>
    %dma_wait3A_499 = arith.constant 0 : i32
    %dma_wait3A_500 = tpu.memref_slice %arg11[%add3A_496, %dma_wait3A_499] : memref<10008x128xf32, #tpu.memory_space<vmem_shared>> -> memref<16x128xf32, #tpu.memory_space<vmem_shared>>
    tpu.wait_dma2 semaphore(%arg12 : memref<!tpu.dma_semaphore, #tpu.memory_space<semaphore_mem>>) src(%arg10 : memref<16x128xf32, #tpu.memory_space<vmem>>) dst(%dma_wait3A_500 : memref<16x128xf32, #tpu.memory_space<vmem_shared>>)
    %mul3A_501 = arith.constant 624 : i32
    %mul3A_502 = arith.muli %arg1, %mul3A_501 : i32
    %add3A_503 = arith.constant 368 : i32
    %add3A_504 = arith.addi %mul3A_502, %add3A_503 : i32
    %dma_wait3A_505 = arith.constant 0 : i32
    %dma_wait3A_506 = tpu.memref_slice %arg11[%add3A_504, %dma_wait3A_505] : memref<10008x128xf32, #tpu.memory_space<vmem_shared>> -> memref<16x128xf32, #tpu.memory_space<vmem_shared>>
    %dma_wait3A_507 = arith.constant 0 : i32
    %dma_wait3A_508 = tpu.memref_slice %arg11[%add3A_504, %dma_wait3A_507] : memref<10008x128xf32, #tpu.memory_space<vmem_shared>> -> memref<16x128xf32, #tpu.memory_space<vmem_shared>>
    tpu.wait_dma2 semaphore(%arg12 : memref<!tpu.dma_semaphore, #tpu.memory_space<semaphore_mem>>) src(%arg10 : memref<16x128xf32, #tpu.memory_space<vmem>>) dst(%dma_wait3A_508 : memref<16x128xf32, #tpu.memory_space<vmem_shared>>)
    %mul3A_509 = arith.constant 624 : i32
    %mul3A_510 = arith.muli %arg1, %mul3A_509 : i32
    %add3A_511 = arith.constant 384 : i32
    %add3A_512 = arith.addi %mul3A_510, %add3A_511 : i32
    %dma_wait3A_513 = arith.constant 0 : i32
    %dma_wait3A_514 = tpu.memref_slice %arg11[%add3A_512, %dma_wait3A_513] : memref<10008x128xf32, #tpu.memory_space<vmem_shared>> -> memref<16x128xf32, #tpu.memory_space<vmem_shared>>
    %dma_wait3A_515 = arith.constant 0 : i32
    %dma_wait3A_516 = tpu.memref_slice %arg11[%add3A_512, %dma_wait3A_515] : memref<10008x128xf32, #tpu.memory_space<vmem_shared>> -> memref<16x128xf32, #tpu.memory_space<vmem_shared>>
    tpu.wait_dma2 semaphore(%arg12 : memref<!tpu.dma_semaphore, #tpu.memory_space<semaphore_mem>>) src(%arg10 : memref<16x128xf32, #tpu.memory_space<vmem>>) dst(%dma_wait3A_516 : memref<16x128xf32, #tpu.memory_space<vmem_shared>>)
    %mul3A_517 = arith.constant 624 : i32
    %mul3A_518 = arith.muli %arg1, %mul3A_517 : i32
    %add3A_519 = arith.constant 400 : i32
    %add3A_520 = arith.addi %mul3A_518, %add3A_519 : i32
    %dma_wait3A_521 = arith.constant 0 : i32
    %dma_wait3A_522 = tpu.memref_slice %arg11[%add3A_520, %dma_wait3A_521] : memref<10008x128xf32, #tpu.memory_space<vmem_shared>> -> memref<16x128xf32, #tpu.memory_space<vmem_shared>>
    %dma_wait3A_523 = arith.constant 0 : i32
    %dma_wait3A_524 = tpu.memref_slice %arg11[%add3A_520, %dma_wait3A_523] : memref<10008x128xf32, #tpu.memory_space<vmem_shared>> -> memref<16x128xf32, #tpu.memory_space<vmem_shared>>
    tpu.wait_dma2 semaphore(%arg12 : memref<!tpu.dma_semaphore, #tpu.memory_space<semaphore_mem>>) src(%arg10 : memref<16x128xf32, #tpu.memory_space<vmem>>) dst(%dma_wait3A_524 : memref<16x128xf32, #tpu.memory_space<vmem_shared>>)
    %mul3A_525 = arith.constant 624 : i32
    %mul3A_526 = arith.muli %arg1, %mul3A_525 : i32
    %add3A_527 = arith.constant 416 : i32
    %add3A_528 = arith.addi %mul3A_526, %add3A_527 : i32
    %dma_wait3A_529 = arith.constant 0 : i32
    %dma_wait3A_530 = tpu.memref_slice %arg11[%add3A_528, %dma_wait3A_529] : memref<10008x128xf32, #tpu.memory_space<vmem_shared>> -> memref<16x128xf32, #tpu.memory_space<vmem_shared>>
    %dma_wait3A_531 = arith.constant 0 : i32
    %dma_wait3A_532 = tpu.memref_slice %arg11[%add3A_528, %dma_wait3A_531] : memref<10008x128xf32, #tpu.memory_space<vmem_shared>> -> memref<16x128xf32, #tpu.memory_space<vmem_shared>>
    tpu.wait_dma2 semaphore(%arg12 : memref<!tpu.dma_semaphore, #tpu.memory_space<semaphore_mem>>) src(%arg10 : memref<16x128xf32, #tpu.memory_space<vmem>>) dst(%dma_wait3A_532 : memref<16x128xf32, #tpu.memory_space<vmem_shared>>)
    %mul3A_533 = arith.constant 624 : i32
    %mul3A_534 = arith.muli %arg1, %mul3A_533 : i32
    %add3A_535 = arith.constant 432 : i32
    %add3A_536 = arith.addi %mul3A_534, %add3A_535 : i32
    %dma_wait3A_537 = arith.constant 0 : i32
    %dma_wait3A_538 = tpu.memref_slice %arg11[%add3A_536, %dma_wait3A_537] : memref<10008x128xf32, #tpu.memory_space<vmem_shared>> -> memref<16x128xf32, #tpu.memory_space<vmem_shared>>
    %dma_wait3A_539 = arith.constant 0 : i32
    %dma_wait3A_540 = tpu.memref_slice %arg11[%add3A_536, %dma_wait3A_539] : memref<10008x128xf32, #tpu.memory_space<vmem_shared>> -> memref<16x128xf32, #tpu.memory_space<vmem_shared>>
    tpu.wait_dma2 semaphore(%arg12 : memref<!tpu.dma_semaphore, #tpu.memory_space<semaphore_mem>>) src(%arg10 : memref<16x128xf32, #tpu.memory_space<vmem>>) dst(%dma_wait3A_540 : memref<16x128xf32, #tpu.memory_space<vmem_shared>>)
    %mul3A_541 = arith.constant 624 : i32
    %mul3A_542 = arith.muli %arg1, %mul3A_541 : i32
    %add3A_543 = arith.constant 448 : i32
    %add3A_544 = arith.addi %mul3A_542, %add3A_543 : i32
    %dma_wait3A_545 = arith.constant 0 : i32
    %dma_wait3A_546 = tpu.memref_slice %arg11[%add3A_544, %dma_wait3A_545] : memref<10008x128xf32, #tpu.memory_space<vmem_shared>> -> memref<16x128xf32, #tpu.memory_space<vmem_shared>>
    %dma_wait3A_547 = arith.constant 0 : i32
    %dma_wait3A_548 = tpu.memref_slice %arg11[%add3A_544, %dma_wait3A_547] : memref<10008x128xf32, #tpu.memory_space<vmem_shared>> -> memref<16x128xf32, #tpu.memory_space<vmem_shared>>
    tpu.wait_dma2 semaphore(%arg12 : memref<!tpu.dma_semaphore, #tpu.memory_space<semaphore_mem>>) src(%arg10 : memref<16x128xf32, #tpu.memory_space<vmem>>) dst(%dma_wait3A_548 : memref<16x128xf32, #tpu.memory_space<vmem_shared>>)
    %mul3A_549 = arith.constant 624 : i32
    %mul3A_550 = arith.muli %arg1, %mul3A_549 : i32
    %add3A_551 = arith.constant 464 : i32
    %add3A_552 = arith.addi %mul3A_550, %add3A_551 : i32
    %dma_wait3A_553 = arith.constant 0 : i32
    %dma_wait3A_554 = tpu.memref_slice %arg11[%add3A_552, %dma_wait3A_553] : memref<10008x128xf32, #tpu.memory_space<vmem_shared>> -> memref<16x128xf32, #tpu.memory_space<vmem_shared>>
    %dma_wait3A_555 = arith.constant 0 : i32
    %dma_wait3A_556 = tpu.memref_slice %arg11[%add3A_552, %dma_wait3A_555] : memref<10008x128xf32, #tpu.memory_space<vmem_shared>> -> memref<16x128xf32, #tpu.memory_space<vmem_shared>>
    tpu.wait_dma2 semaphore(%arg12 : memref<!tpu.dma_semaphore, #tpu.memory_space<semaphore_mem>>) src(%arg10 : memref<16x128xf32, #tpu.memory_space<vmem>>) dst(%dma_wait3A_556 : memref<16x128xf32, #tpu.memory_space<vmem_shared>>)
    %mul3A_557 = arith.constant 624 : i32
    %mul3A_558 = arith.muli %arg1, %mul3A_557 : i32
    %add3A_559 = arith.constant 480 : i32
    %add3A_560 = arith.addi %mul3A_558, %add3A_559 : i32
    %dma_wait3A_561 = arith.constant 0 : i32
    %dma_wait3A_562 = tpu.memref_slice %arg11[%add3A_560, %dma_wait3A_561] : memref<10008x128xf32, #tpu.memory_space<vmem_shared>> -> memref<16x128xf32, #tpu.memory_space<vmem_shared>>
    %dma_wait3A_563 = arith.constant 0 : i32
    %dma_wait3A_564 = tpu.memref_slice %arg11[%add3A_560, %dma_wait3A_563] : memref<10008x128xf32, #tpu.memory_space<vmem_shared>> -> memref<16x128xf32, #tpu.memory_space<vmem_shared>>
    tpu.wait_dma2 semaphore(%arg12 : memref<!tpu.dma_semaphore, #tpu.memory_space<semaphore_mem>>) src(%arg10 : memref<16x128xf32, #tpu.memory_space<vmem>>) dst(%dma_wait3A_564 : memref<16x128xf32, #tpu.memory_space<vmem_shared>>)
    %mul3A_565 = arith.constant 624 : i32
    %mul3A_566 = arith.muli %arg1, %mul3A_565 : i32
    %add3A_567 = arith.constant 496 : i32
    %add3A_568 = arith.addi %mul3A_566, %add3A_567 : i32
    %dma_wait3A_569 = arith.constant 0 : i32
    %dma_wait3A_570 = tpu.memref_slice %arg11[%add3A_568, %dma_wait3A_569] : memref<10008x128xf32, #tpu.memory_space<vmem_shared>> -> memref<16x128xf32, #tpu.memory_space<vmem_shared>>
    %dma_wait3A_571 = arith.constant 0 : i32
    %dma_wait3A_572 = tpu.memref_slice %arg11[%add3A_568, %dma_wait3A_571] : memref<10008x128xf32, #tpu.memory_space<vmem_shared>> -> memref<16x128xf32, #tpu.memory_space<vmem_shared>>
    tpu.wait_dma2 semaphore(%arg12 : memref<!tpu.dma_semaphore, #tpu.memory_space<semaphore_mem>>) src(%arg10 : memref<16x128xf32, #tpu.memory_space<vmem>>) dst(%dma_wait3A_572 : memref<16x128xf32, #tpu.memory_space<vmem_shared>>)
    %mul3A_573 = arith.constant 624 : i32
    %mul3A_574 = arith.muli %arg1, %mul3A_573 : i32
    %add3A_575 = arith.constant 512 : i32
    %add3A_576 = arith.addi %mul3A_574, %add3A_575 : i32
    %dma_wait3A_577 = arith.constant 0 : i32
    %dma_wait3A_578 = tpu.memref_slice %arg11[%add3A_576, %dma_wait3A_577] : memref<10008x128xf32, #tpu.memory_space<vmem_shared>> -> memref<16x128xf32, #tpu.memory_space<vmem_shared>>
    %dma_wait3A_579 = arith.constant 0 : i32
    %dma_wait3A_580 = tpu.memref_slice %arg11[%add3A_576, %dma_wait3A_579] : memref<10008x128xf32, #tpu.memory_space<vmem_shared>> -> memref<16x128xf32, #tpu.memory_space<vmem_shared>>
    tpu.wait_dma2 semaphore(%arg12 : memref<!tpu.dma_semaphore, #tpu.memory_space<semaphore_mem>>) src(%arg10 : memref<16x128xf32, #tpu.memory_space<vmem>>) dst(%dma_wait3A_580 : memref<16x128xf32, #tpu.memory_space<vmem_shared>>)
    %mul3A_581 = arith.constant 624 : i32
    %mul3A_582 = arith.muli %arg1, %mul3A_581 : i32
    %add3A_583 = arith.constant 528 : i32
    %add3A_584 = arith.addi %mul3A_582, %add3A_583 : i32
    %dma_wait3A_585 = arith.constant 0 : i32
    %dma_wait3A_586 = tpu.memref_slice %arg11[%add3A_584, %dma_wait3A_585] : memref<10008x128xf32, #tpu.memory_space<vmem_shared>> -> memref<16x128xf32, #tpu.memory_space<vmem_shared>>
    %dma_wait3A_587 = arith.constant 0 : i32
    %dma_wait3A_588 = tpu.memref_slice %arg11[%add3A_584, %dma_wait3A_587] : memref<10008x128xf32, #tpu.memory_space<vmem_shared>> -> memref<16x128xf32, #tpu.memory_space<vmem_shared>>
    tpu.wait_dma2 semaphore(%arg12 : memref<!tpu.dma_semaphore, #tpu.memory_space<semaphore_mem>>) src(%arg10 : memref<16x128xf32, #tpu.memory_space<vmem>>) dst(%dma_wait3A_588 : memref<16x128xf32, #tpu.memory_space<vmem_shared>>)
    %mul3A_589 = arith.constant 624 : i32
    %mul3A_590 = arith.muli %arg1, %mul3A_589 : i32
    %add3A_591 = arith.constant 544 : i32
    %add3A_592 = arith.addi %mul3A_590, %add3A_591 : i32
    %dma_wait3A_593 = arith.constant 0 : i32
    %dma_wait3A_594 = tpu.memref_slice %arg11[%add3A_592, %dma_wait3A_593] : memref<10008x128xf32, #tpu.memory_space<vmem_shared>> -> memref<16x128xf32, #tpu.memory_space<vmem_shared>>
    %dma_wait3A_595 = arith.constant 0 : i32
    %dma_wait3A_596 = tpu.memref_slice %arg11[%add3A_592, %dma_wait3A_595] : memref<10008x128xf32, #tpu.memory_space<vmem_shared>> -> memref<16x128xf32, #tpu.memory_space<vmem_shared>>
    tpu.wait_dma2 semaphore(%arg12 : memref<!tpu.dma_semaphore, #tpu.memory_space<semaphore_mem>>) src(%arg10 : memref<16x128xf32, #tpu.memory_space<vmem>>) dst(%dma_wait3A_596 : memref<16x128xf32, #tpu.memory_space<vmem_shared>>)
    %mul3A_597 = arith.constant 624 : i32
    %mul3A_598 = arith.muli %arg1, %mul3A_597 : i32
    %add3A_599 = arith.constant 560 : i32
    %add3A_600 = arith.addi %mul3A_598, %add3A_599 : i32
    %dma_wait3A_601 = arith.constant 0 : i32
    %dma_wait3A_602 = tpu.memref_slice %arg11[%add3A_600, %dma_wait3A_601] : memref<10008x128xf32, #tpu.memory_space<vmem_shared>> -> memref<16x128xf32, #tpu.memory_space<vmem_shared>>
    %dma_wait3A_603 = arith.constant 0 : i32
    %dma_wait3A_604 = tpu.memref_slice %arg11[%add3A_600, %dma_wait3A_603] : memref<10008x128xf32, #tpu.memory_space<vmem_shared>> -> memref<16x128xf32, #tpu.memory_space<vmem_shared>>
    tpu.wait_dma2 semaphore(%arg12 : memref<!tpu.dma_semaphore, #tpu.memory_space<semaphore_mem>>) src(%arg10 : memref<16x128xf32, #tpu.memory_space<vmem>>) dst(%dma_wait3A_604 : memref<16x128xf32, #tpu.memory_space<vmem_shared>>)
    %mul3A_605 = arith.constant 624 : i32
    %mul3A_606 = arith.muli %arg1, %mul3A_605 : i32
    %add3A_607 = arith.constant 576 : i32
    %add3A_608 = arith.addi %mul3A_606, %add3A_607 : i32
    %dma_wait3A_609 = arith.constant 0 : i32
    %dma_wait3A_610 = tpu.memref_slice %arg11[%add3A_608, %dma_wait3A_609] : memref<10008x128xf32, #tpu.memory_space<vmem_shared>> -> memref<16x128xf32, #tpu.memory_space<vmem_shared>>
    %dma_wait3A_611 = arith.constant 0 : i32
    %dma_wait3A_612 = tpu.memref_slice %arg11[%add3A_608, %dma_wait3A_611] : memref<10008x128xf32, #tpu.memory_space<vmem_shared>> -> memref<16x128xf32, #tpu.memory_space<vmem_shared>>
    tpu.wait_dma2 semaphore(%arg12 : memref<!tpu.dma_semaphore, #tpu.memory_space<semaphore_mem>>) src(%arg10 : memref<16x128xf32, #tpu.memory_space<vmem>>) dst(%dma_wait3A_612 : memref<16x128xf32, #tpu.memory_space<vmem_shared>>)
    %mul3A_613 = arith.constant 624 : i32
    %mul3A_614 = arith.muli %arg1, %mul3A_613 : i32
    %add3A_615 = arith.constant 592 : i32
    %add3A_616 = arith.addi %mul3A_614, %add3A_615 : i32
    %dma_wait3A_617 = arith.constant 0 : i32
    %dma_wait3A_618 = tpu.memref_slice %arg11[%add3A_616, %dma_wait3A_617] : memref<10008x128xf32, #tpu.memory_space<vmem_shared>> -> memref<16x128xf32, #tpu.memory_space<vmem_shared>>
    %dma_wait3A_619 = arith.constant 0 : i32
    %dma_wait3A_620 = tpu.memref_slice %arg11[%add3A_616, %dma_wait3A_619] : memref<10008x128xf32, #tpu.memory_space<vmem_shared>> -> memref<16x128xf32, #tpu.memory_space<vmem_shared>>
    tpu.wait_dma2 semaphore(%arg12 : memref<!tpu.dma_semaphore, #tpu.memory_space<semaphore_mem>>) src(%arg10 : memref<16x128xf32, #tpu.memory_space<vmem>>) dst(%dma_wait3A_620 : memref<16x128xf32, #tpu.memory_space<vmem_shared>>)
    %mul3A_621 = arith.constant 624 : i32
    %mul3A_622 = arith.muli %arg1, %mul3A_621 : i32
    %add3A_623 = arith.constant 608 : i32
    %add3A_624 = arith.addi %mul3A_622, %add3A_623 : i32
    %dma_wait3A_625 = arith.constant 0 : i32
    %dma_wait3A_626 = tpu.memref_slice %arg11[%add3A_624, %dma_wait3A_625] : memref<10008x128xf32, #tpu.memory_space<vmem_shared>> -> memref<16x128xf32, #tpu.memory_space<vmem_shared>>
    %dma_wait3A_627 = arith.constant 0 : i32
    %dma_wait3A_628 = tpu.memref_slice %arg11[%add3A_624, %dma_wait3A_627] : memref<10008x128xf32, #tpu.memory_space<vmem_shared>> -> memref<16x128xf32, #tpu.memory_space<vmem_shared>>
    tpu.wait_dma2 semaphore(%arg12 : memref<!tpu.dma_semaphore, #tpu.memory_space<semaphore_mem>>) src(%arg10 : memref<16x128xf32, #tpu.memory_space<vmem>>) dst(%dma_wait3A_628 : memref<16x128xf32, #tpu.memory_space<vmem_shared>>)
    %eq3A = arith.constant 15 : i32
    %eq3A_629 = arith.cmpi eq, %arg1, %eq3A : i32
    %convert_element_type3A = arith.extui %eq3A_629 : i1 to i32
    %cond3A = arith.constant 0 : i32
    %cond3A_630 = arith.cmpi ne, %convert_element_type3A, %cond3A : i32
    scf.if %cond3A_630 {
      "tpu.region"() ({
        %run_scoped3A_684 = tpu.sem_alloc : memref<!tpu.dma_semaphore, #tpu.memory_space<semaphore_mem>>
        %dma_start3A_685 = arith.constant 0 : i32
        %dma_start3A_686 = arith.constant 0 : i32
        %dma_start3A_687 = tpu.memref_slice %arg10[%dma_start3A_685, %dma_start3A_686] : memref<16x128xf32, #tpu.memory_space<vmem>> -> memref<16x128xf32, #tpu.memory_space<vmem>>
        %dma_start3A_688 = arith.constant 9984 : i32
        %dma_start3A_689 = arith.constant 0 : i32
        %dma_start3A_690 = tpu.memref_slice %arg11[%dma_start3A_688, %dma_start3A_689] : memref<10008x128xf32, #tpu.memory_space<vmem_shared>> -> memref<16x128xf32, #tpu.memory_space<vmem_shared>>
        %dma_start3A_691 = arith.constant 9984 : i32
        %dma_start3A_692 = arith.constant 0 : i32
        %dma_start3A_693 = tpu.memref_slice %arg11[%dma_start3A_691, %dma_start3A_692] : memref<10008x128xf32, #tpu.memory_space<vmem_shared>> -> memref<16x128xf32, #tpu.memory_space<vmem_shared>>
        %dma_start3A_694 = arith.constant 0 : i32
        %dma_start3A_695 = arith.constant 0 : i32
        %dma_start3A_696 = tpu.memref_slice %arg10[%dma_start3A_694, %dma_start3A_695] : memref<16x128xf32, #tpu.memory_space<vmem>> -> memref<16x128xf32, #tpu.memory_space<vmem>>
        tpu.enqueue_dma source(%dma_start3A_696 : memref<16x128xf32, #tpu.memory_space<vmem>>) target(%dma_start3A_693 : memref<16x128xf32, #tpu.memory_space<vmem_shared>>) target_semaphore(%run_scoped3A_684 : memref<!tpu.dma_semaphore, #tpu.memory_space<semaphore_mem>>)
        %dma_wait3A_697 = arith.constant 0 : i32
        %dma_wait3A_698 = arith.constant 0 : i32
        %dma_wait3A_699 = tpu.memref_slice %arg10[%dma_wait3A_697, %dma_wait3A_698] : memref<16x128xf32, #tpu.memory_space<vmem>> -> memref<16x128xf32, #tpu.memory_space<vmem>>
        %dma_wait3A_700 = arith.constant 9984 : i32
        %dma_wait3A_701 = arith.constant 0 : i32
        %dma_wait3A_702 = tpu.memref_slice %arg11[%dma_wait3A_700, %dma_wait3A_701] : memref<10008x128xf32, #tpu.memory_space<vmem_shared>> -> memref<16x128xf32, #tpu.memory_space<vmem_shared>>
        %dma_wait3A_703 = arith.constant 9984 : i32
        %dma_wait3A_704 = arith.constant 0 : i32
        %dma_wait3A_705 = tpu.memref_slice %arg11[%dma_wait3A_703, %dma_wait3A_704] : memref<10008x128xf32, #tpu.memory_space<vmem_shared>> -> memref<16x128xf32, #tpu.memory_space<vmem_shared>>
        %dma_wait3A_706 = arith.constant 0 : i32
        %dma_wait3A_707 = arith.constant 0 : i32
        %dma_wait3A_708 = tpu.memref_slice %arg10[%dma_wait3A_706, %dma_wait3A_707] : memref<16x128xf32, #tpu.memory_space<vmem>> -> memref<16x128xf32, #tpu.memory_space<vmem>>
        tpu.wait_dma2 semaphore(%run_scoped3A_684 : memref<!tpu.dma_semaphore, #tpu.memory_space<semaphore_mem>>) src(%dma_wait3A_708 : memref<16x128xf32, #tpu.memory_space<vmem>>) dst(%dma_wait3A_705 : memref<16x128xf32, #tpu.memory_space<vmem_shared>>)
        tpu.yield
      }) : () -> ()
    } else {
    }
    %barrier3A = arith.constant 0 : index
    tpu.barrier barrier_id(%barrier3A)
    %run_scoped3A = arith.constant 0 : i32
    "tpu.region"() ({
      %run_scoped3A_684 = tpu.sem_alloc : memref<!tpu.dma_semaphore, #tpu.memory_space<semaphore_mem>>
      %dma_start3A_685 = arith.constant 0 : i32
      %dma_start3A_686 = arith.constant 0 : i32
      %dma_start3A_687 = tpu.memref_slice %arg3[%add3A, %run_scoped3A, %dma_start3A_685, %dma_start3A_686] : memref<32x2x40x128xi32, #tpu.memory_space<hbm>> -> memref<1x1x40x128xi32, #tpu.memory_space<hbm>>
      %dma_start3A_688 = tpu.memref_squeeze %dma_start3A_687 : memref<1x1x40x128xi32, #tpu.memory_space<hbm>> -> memref<40x128xi32, #tpu.memory_space<hbm>>
      %dma_start3A_689 = arith.constant 0 : i32
      %dma_start3A_690 = arith.constant 0 : i32
      %dma_start3A_691 = tpu.memref_slice %arg3[%add3A, %run_scoped3A, %dma_start3A_689, %dma_start3A_690] : memref<32x2x40x128xi32, #tpu.memory_space<hbm>> -> memref<1x1x40x128xi32, #tpu.memory_space<hbm>>
      %dma_start3A_692 = tpu.memref_squeeze %dma_start3A_691 : memref<1x1x40x128xi32, #tpu.memory_space<hbm>> -> memref<40x128xi32, #tpu.memory_space<hbm>>
      tpu.enqueue_dma source(%dma_start3A_692 : memref<40x128xi32, #tpu.memory_space<hbm>>) target(%arg6 : memref<40x128xi32, #tpu.memory_space<vmem>>) target_semaphore(%run_scoped3A_684 : memref<!tpu.dma_semaphore, #tpu.memory_space<semaphore_mem>>)
      %dma_wait3A_693 = arith.constant 0 : i32
      %dma_wait3A_694 = arith.constant 0 : i32
      %dma_wait3A_695 = tpu.memref_slice %arg3[%add3A, %run_scoped3A, %dma_wait3A_693, %dma_wait3A_694] : memref<32x2x40x128xi32, #tpu.memory_space<hbm>> -> memref<1x1x40x128xi32, #tpu.memory_space<hbm>>
      %dma_wait3A_696 = tpu.memref_squeeze %dma_wait3A_695 : memref<1x1x40x128xi32, #tpu.memory_space<hbm>> -> memref<40x128xi32, #tpu.memory_space<hbm>>
      %dma_wait3A_697 = arith.constant 0 : i32
      %dma_wait3A_698 = arith.constant 0 : i32
      %dma_wait3A_699 = tpu.memref_slice %arg3[%add3A, %run_scoped3A, %dma_wait3A_697, %dma_wait3A_698] : memref<32x2x40x128xi32, #tpu.memory_space<hbm>> -> memref<1x1x40x128xi32, #tpu.memory_space<hbm>>
      %dma_wait3A_700 = tpu.memref_squeeze %dma_wait3A_699 : memref<1x1x40x128xi32, #tpu.memory_space<hbm>> -> memref<40x128xi32, #tpu.memory_space<hbm>>
      tpu.wait_dma2 semaphore(%run_scoped3A_684 : memref<!tpu.dma_semaphore, #tpu.memory_space<semaphore_mem>>) src(%dma_wait3A_700 : memref<40x128xi32, #tpu.memory_space<hbm>>) dst(%arg6 : memref<40x128xi32, #tpu.memory_space<vmem>>)
      tpu.yield
    }) : () -> ()
    %run_scoped3A_631 = arith.constant 0 : i32
    "tpu.region"() ({
      %run_scoped3A_684 = tpu.sem_alloc : memref<!tpu.dma_semaphore, #tpu.memory_space<semaphore_mem>>
      %dma_start3A_685 = arith.constant 0 : i32
      %dma_start3A_686 = arith.constant 0 : i32
      %dma_start3A_687 = tpu.memref_slice %arg4[%add3A, %run_scoped3A_631, %dma_start3A_685, %dma_start3A_686] : memref<32x2x40x128xi32, #tpu.memory_space<hbm>> -> memref<1x1x40x128xi32, #tpu.memory_space<hbm>>
      %dma_start3A_688 = tpu.memref_squeeze %dma_start3A_687 : memref<1x1x40x128xi32, #tpu.memory_space<hbm>> -> memref<40x128xi32, #tpu.memory_space<hbm>>
      %dma_start3A_689 = arith.constant 0 : i32
      %dma_start3A_690 = arith.constant 0 : i32
      %dma_start3A_691 = tpu.memref_slice %arg4[%add3A, %run_scoped3A_631, %dma_start3A_689, %dma_start3A_690] : memref<32x2x40x128xi32, #tpu.memory_space<hbm>> -> memref<1x1x40x128xi32, #tpu.memory_space<hbm>>
      %dma_start3A_692 = tpu.memref_squeeze %dma_start3A_691 : memref<1x1x40x128xi32, #tpu.memory_space<hbm>> -> memref<40x128xi32, #tpu.memory_space<hbm>>
      tpu.enqueue_dma source(%dma_start3A_692 : memref<40x128xi32, #tpu.memory_space<hbm>>) target(%arg7 : memref<40x128xi32, #tpu.memory_space<vmem>>) target_semaphore(%run_scoped3A_684 : memref<!tpu.dma_semaphore, #tpu.memory_space<semaphore_mem>>)
      %dma_wait3A_693 = arith.constant 0 : i32
      %dma_wait3A_694 = arith.constant 0 : i32
      %dma_wait3A_695 = tpu.memref_slice %arg4[%add3A, %run_scoped3A_631, %dma_wait3A_693, %dma_wait3A_694] : memref<32x2x40x128xi32, #tpu.memory_space<hbm>> -> memref<1x1x40x128xi32, #tpu.memory_space<hbm>>
      %dma_wait3A_696 = tpu.memref_squeeze %dma_wait3A_695 : memref<1x1x40x128xi32, #tpu.memory_space<hbm>> -> memref<40x128xi32, #tpu.memory_space<hbm>>
      %dma_wait3A_697 = arith.constant 0 : i32
      %dma_wait3A_698 = arith.constant 0 : i32
      %dma_wait3A_699 = tpu.memref_slice %arg4[%add3A, %run_scoped3A_631, %dma_wait3A_697, %dma_wait3A_698] : memref<32x2x40x128xi32, #tpu.memory_space<hbm>> -> memref<1x1x40x128xi32, #tpu.memory_space<hbm>>
      %dma_wait3A_700 = tpu.memref_squeeze %dma_wait3A_699 : memref<1x1x40x128xi32, #tpu.memory_space<hbm>> -> memref<40x128xi32, #tpu.memory_space<hbm>>
      tpu.wait_dma2 semaphore(%run_scoped3A_684 : memref<!tpu.dma_semaphore, #tpu.memory_space<semaphore_mem>>) src(%dma_wait3A_700 : memref<40x128xi32, #tpu.memory_space<hbm>>) dst(%arg7 : memref<40x128xi32, #tpu.memory_space<vmem>>)
      tpu.yield
    }) : () -> ()
    %dma_start3A_632 = arith.constant 0 : i32
    %dma_start3A_633 = arith.constant 0 : i32
    %dma_start3A_634 = tpu.memref_slice %arg6[%dma_start3A_632, %dma_start3A_633] : memref<40x128xi32, #tpu.memory_space<vmem>> -> memref<1x128xi32, #tpu.memory_space<vmem>>
    %dma_start3A_635 = tpu.memref_squeeze %dma_start3A_634 : memref<1x128xi32, #tpu.memory_space<vmem>> -> memref<128xi32, #tpu.memory_space<vmem>>
    %dma_start3A_636 = arith.constant 0 : i32
    %dma_start3A_637 = arith.constant 0 : i32
    %dma_start3A_638 = tpu.memref_slice %arg2[%dma_start3A_636, %dma_start3A_637] : memref<10000x128xf32, #tpu.memory_space<hbm>> -> memref<10000x128xf32, #tpu.memory_space<hbm>>
    tpu.enqueue_indirect_dma source(%dma_start3A_638 : memref<10000x128xf32, #tpu.memory_space<hbm>>) target(%arg8 : memref<128x128xf32, #tpu.memory_space<vmem>>) offsets(%dma_start3A_635 : memref<128xi32, #tpu.memory_space<vmem>>) semaphore(%arg12 : memref<!tpu.dma_semaphore, #tpu.memory_space<semaphore_mem>>)
    %dma_start3A_639 = arith.constant 1 : i32
    %dma_start3A_640 = arith.constant 0 : i32
    %dma_start3A_641 = tpu.memref_slice %arg6[%dma_start3A_639, %dma_start3A_640] : memref<40x128xi32, #tpu.memory_space<vmem>> -> memref<1x128xi32, #tpu.memory_space<vmem>>
    %dma_start3A_642 = tpu.memref_squeeze %dma_start3A_641 : memref<1x128xi32, #tpu.memory_space<vmem>> -> memref<128xi32, #tpu.memory_space<vmem>>
    %dma_start3A_643 = arith.constant 0 : i32
    %dma_start3A_644 = arith.constant 0 : i32
    %dma_start3A_645 = tpu.memref_slice %arg2[%dma_start3A_643, %dma_start3A_644] : memref<10000x128xf32, #tpu.memory_space<hbm>> -> memref<10000x128xf32, #tpu.memory_space<hbm>>
    tpu.enqueue_indirect_dma source(%dma_start3A_645 : memref<10000x128xf32, #tpu.memory_space<hbm>>) target(%arg9 : memref<128x128xf32, #tpu.memory_space<vmem>>) offsets(%dma_start3A_642 : memref<128xi32, #tpu.memory_space<vmem>>) semaphore(%arg13 : memref<!tpu.dma_semaphore, #tpu.memory_space<semaphore_mem>>)
    %scan3A_646 = arith.constant 0 : i32
    %scan3A_647 = arith.constant 0 : i32
    %scan3A_648 = arith.constant 20 : i32
    %scan3A_649 = arith.addi %scan3A_647, %scan3A_648 : i32
    %scan3A_650 = arith.constant 1 : i32
    scf.for %scan3A_684 = %scan3A_647 to %scan3A_649 step %scan3A_650  : i32 {
      %mul3A_685 = arith.constant 2 : i32
      %mul3A_686 = arith.muli %mul3A_685, %scan3A_684 : i32
      %add3A_687 = arith.constant 0 : i32
      %add3A_688 = arith.addi %mul3A_686, %add3A_687 : i32
      %dma_wait3A_689 = arith.constant 0 : i32
      %dma_wait3A_690 = tpu.memref_slice %arg6[%add3A_688, %dma_wait3A_689] : memref<40x128xi32, #tpu.memory_space<vmem>> -> memref<1x128xi32, #tpu.memory_space<vmem>>
      %dma_wait3A_691 = tpu.memref_squeeze %dma_wait3A_690 : memref<1x128xi32, #tpu.memory_space<vmem>> -> memref<128xi32, #tpu.memory_space<vmem>>
      %dma_wait3A_692 = arith.constant 0 : i32
      %dma_wait3A_693 = arith.constant 0 : i32
      %dma_wait3A_694 = tpu.memref_slice %arg2[%dma_wait3A_692, %dma_wait3A_693] : memref<10000x128xf32, #tpu.memory_space<hbm>> -> memref<10000x128xf32, #tpu.memory_space<hbm>>
      tpu.wait_indirect_dma semaphore(%arg12 : memref<!tpu.dma_semaphore, #tpu.memory_space<semaphore_mem>>) src(%dma_wait3A_694 : memref<10000x128xf32, #tpu.memory_space<hbm>>) dst(%arg8 : memref<128x128xf32, #tpu.memory_space<vmem>>)
      %add3A_695 = arith.constant 0 : i32
      %add3A_696 = arith.addi %mul3A_686, %add3A_695 : i32
      "tpu.region"() ({
        %run_scoped3A_724 = tpu.sem_alloc : memref<!tpu.dma_semaphore, #tpu.memory_space<semaphore_mem>>
        %dma_start3A_725 = arith.constant 0 : i32
        %dma_start3A_726 = tpu.memref_slice %arg7[%add3A_696, %dma_start3A_725] : memref<40x128xi32, #tpu.memory_space<vmem>> -> memref<1x128xi32, #tpu.memory_space<vmem>>
        %dma_start3A_727 = tpu.memref_squeeze %dma_start3A_726 : memref<1x128xi32, #tpu.memory_space<vmem>> -> memref<128xi32, #tpu.memory_space<vmem>>
        %dma_start3A_728 = arith.constant 0 : i32
        %dma_start3A_729 = arith.constant 0 : i32
        %dma_start3A_730 = tpu.memref_slice %arg11[%dma_start3A_728, %dma_start3A_729] : memref<10008x128xf32, #tpu.memory_space<vmem_shared>> -> memref<10008x128xf32, #tpu.memory_space<vmem_shared>>
        tpu.enqueue_indirect_dma source(%arg8 : memref<128x128xf32, #tpu.memory_space<vmem>>) target(%dma_start3A_730 : memref<10008x128xf32, #tpu.memory_space<vmem_shared>>) offsets(%dma_start3A_727 : memref<128xi32, #tpu.memory_space<vmem>>) semaphore(%run_scoped3A_724 : memref<!tpu.dma_semaphore, #tpu.memory_space<semaphore_mem>>) {add = true}
        %dma_wait3A_731 = arith.constant 0 : i32
        %dma_wait3A_732 = tpu.memref_slice %arg7[%add3A_696, %dma_wait3A_731] : memref<40x128xi32, #tpu.memory_space<vmem>> -> memref<1x128xi32, #tpu.memory_space<vmem>>
        %dma_wait3A_733 = tpu.memref_squeeze %dma_wait3A_732 : memref<1x128xi32, #tpu.memory_space<vmem>> -> memref<128xi32, #tpu.memory_space<vmem>>
        %dma_wait3A_734 = arith.constant 0 : i32
        %dma_wait3A_735 = arith.constant 0 : i32
        %dma_wait3A_736 = tpu.memref_slice %arg11[%dma_wait3A_734, %dma_wait3A_735] : memref<10008x128xf32, #tpu.memory_space<vmem_shared>> -> memref<10008x128xf32, #tpu.memory_space<vmem_shared>>
        tpu.wait_indirect_dma semaphore(%run_scoped3A_724 : memref<!tpu.dma_semaphore, #tpu.memory_space<semaphore_mem>>) src(%arg8 : memref<128x128xf32, #tpu.memory_space<vmem>>) dst(%dma_wait3A_736 : memref<10008x128xf32, #tpu.memory_space<vmem_shared>>)
        tpu.yield
      }) : () -> ()
      %add3A_697 = arith.constant 0 : i32
      %add3A_698 = arith.addi %mul3A_686, %add3A_697 : i32
      %add3A_699 = arith.constant 2 : i32
      %add3A_700 = arith.addi %add3A_698, %add3A_699 : i32
      %lt3A = arith.constant 40 : i32
      %lt3A_701 = arith.cmpi slt, %add3A_700, %lt3A : i32
      %convert_element_type3A_702 = arith.extui %lt3A_701 : i1 to i32
      %cond3A_703 = arith.constant 0 : i32
      %cond3A_704 = arith.cmpi ne, %convert_element_type3A_702, %cond3A_703 : i32
      scf.if %cond3A_704 {
        %add3A_724 = arith.constant 0 : i32
        %add3A_725 = arith.addi %mul3A_686, %add3A_724 : i32
        %add3A_726 = arith.constant 2 : i32
        %add3A_727 = arith.addi %add3A_725, %add3A_726 : i32
        %dma_start3A_728 = arith.constant 0 : i32
        %dma_start3A_729 = tpu.memref_slice %arg6[%add3A_727, %dma_start3A_728] : memref<40x128xi32, #tpu.memory_space<vmem>> -> memref<1x128xi32, #tpu.memory_space<vmem>>
        %dma_start3A_730 = tpu.memref_squeeze %dma_start3A_729 : memref<1x128xi32, #tpu.memory_space<vmem>> -> memref<128xi32, #tpu.memory_space<vmem>>
        %dma_start3A_731 = arith.constant 0 : i32
        %dma_start3A_732 = arith.constant 0 : i32
        %dma_start3A_733 = tpu.memref_slice %arg2[%dma_start3A_731, %dma_start3A_732] : memref<10000x128xf32, #tpu.memory_space<hbm>> -> memref<10000x128xf32, #tpu.memory_space<hbm>>
        tpu.enqueue_indirect_dma source(%dma_start3A_733 : memref<10000x128xf32, #tpu.memory_space<hbm>>) target(%arg8 : memref<128x128xf32, #tpu.memory_space<vmem>>) offsets(%dma_start3A_730 : memref<128xi32, #tpu.memory_space<vmem>>) semaphore(%arg12 : memref<!tpu.dma_semaphore, #tpu.memory_space<semaphore_mem>>)
      } else {
      }
      %add3A_705 = arith.constant 1 : i32
      %add3A_706 = arith.addi %mul3A_686, %add3A_705 : i32
      %dma_wait3A_707 = arith.constant 0 : i32
      %dma_wait3A_708 = tpu.memref_slice %arg6[%add3A_706, %dma_wait3A_707] : memref<40x128xi32, #tpu.memory_space<vmem>> -> memref<1x128xi32, #tpu.memory_space<vmem>>
      %dma_wait3A_709 = tpu.memref_squeeze %dma_wait3A_708 : memref<1x128xi32, #tpu.memory_space<vmem>> -> memref<128xi32, #tpu.memory_space<vmem>>
      %dma_wait3A_710 = arith.constant 0 : i32
      %dma_wait3A_711 = arith.constant 0 : i32
      %dma_wait3A_712 = tpu.memref_slice %arg2[%dma_wait3A_710, %dma_wait3A_711] : memref<10000x128xf32, #tpu.memory_space<hbm>> -> memref<10000x128xf32, #tpu.memory_space<hbm>>
      tpu.wait_indirect_dma semaphore(%arg13 : memref<!tpu.dma_semaphore, #tpu.memory_space<semaphore_mem>>) src(%dma_wait3A_712 : memref<10000x128xf32, #tpu.memory_space<hbm>>) dst(%arg9 : memref<128x128xf32, #tpu.memory_space<vmem>>)
      %add3A_713 = arith.constant 1 : i32
      %add3A_714 = arith.addi %mul3A_686, %add3A_713 : i32
      "tpu.region"() ({
        %run_scoped3A_724 = tpu.sem_alloc : memref<!tpu.dma_semaphore, #tpu.memory_space<semaphore_mem>>
        %dma_start3A_725 = arith.constant 0 : i32
        %dma_start3A_726 = tpu.memref_slice %arg7[%add3A_714, %dma_start3A_725] : memref<40x128xi32, #tpu.memory_space<vmem>> -> memref<1x128xi32, #tpu.memory_space<vmem>>
        %dma_start3A_727 = tpu.memref_squeeze %dma_start3A_726 : memref<1x128xi32, #tpu.memory_space<vmem>> -> memref<128xi32, #tpu.memory_space<vmem>>
        %dma_start3A_728 = arith.constant 0 : i32
        %dma_start3A_729 = arith.constant 0 : i32
        %dma_start3A_730 = tpu.memref_slice %arg11[%dma_start3A_728, %dma_start3A_729] : memref<10008x128xf32, #tpu.memory_space<vmem_shared>> -> memref<10008x128xf32, #tpu.memory_space<vmem_shared>>
        tpu.enqueue_indirect_dma source(%arg9 : memref<128x128xf32, #tpu.memory_space<vmem>>) target(%dma_start3A_730 : memref<10008x128xf32, #tpu.memory_space<vmem_shared>>) offsets(%dma_start3A_727 : memref<128xi32, #tpu.memory_space<vmem>>) semaphore(%run_scoped3A_724 : memref<!tpu.dma_semaphore, #tpu.memory_space<semaphore_mem>>) {add = true}
        %dma_wait3A_731 = arith.constant 0 : i32
        %dma_wait3A_732 = tpu.memref_slice %arg7[%add3A_714, %dma_wait3A_731] : memref<40x128xi32, #tpu.memory_space<vmem>> -> memref<1x128xi32, #tpu.memory_space<vmem>>
        %dma_wait3A_733 = tpu.memref_squeeze %dma_wait3A_732 : memref<1x128xi32, #tpu.memory_space<vmem>> -> memref<128xi32, #tpu.memory_space<vmem>>
        %dma_wait3A_734 = arith.constant 0 : i32
        %dma_wait3A_735 = arith.constant 0 : i32
        %dma_wait3A_736 = tpu.memref_slice %arg11[%dma_wait3A_734, %dma_wait3A_735] : memref<10008x128xf32, #tpu.memory_space<vmem_shared>> -> memref<10008x128xf32, #tpu.memory_space<vmem_shared>>
        tpu.wait_indirect_dma semaphore(%run_scoped3A_724 : memref<!tpu.dma_semaphore, #tpu.memory_space<semaphore_mem>>) src(%arg9 : memref<128x128xf32, #tpu.memory_space<vmem>>) dst(%dma_wait3A_736 : memref<10008x128xf32, #tpu.memory_space<vmem_shared>>)
        tpu.yield
      }) : () -> ()
      %add3A_715 = arith.constant 1 : i32
      %add3A_716 = arith.addi %mul3A_686, %add3A_715 : i32
      %add3A_717 = arith.constant 2 : i32
      %add3A_718 = arith.addi %add3A_716, %add3A_717 : i32
      %lt3A_719 = arith.constant 40 : i32
      %lt3A_720 = arith.cmpi slt, %add3A_718, %lt3A_719 : i32
      %convert_element_type3A_721 = arith.extui %lt3A_720 : i1 to i32
      %cond3A_722 = arith.constant 0 : i32
      %cond3A_723 = arith.cmpi ne, %convert_element_type3A_721, %cond3A_722 : i32
      scf.if %cond3A_723 {
        %add3A_724 = arith.constant 1 : i32
        %add3A_725 = arith.addi %mul3A_686, %add3A_724 : i32
        %add3A_726 = arith.constant 2 : i32
        %add3A_727 = arith.addi %add3A_725, %add3A_726 : i32
        %dma_start3A_728 = arith.constant 0 : i32
        %dma_start3A_729 = tpu.memref_slice %arg6[%add3A_727, %dma_start3A_728] : memref<40x128xi32, #tpu.memory_space<vmem>> -> memref<1x128xi32, #tpu.memory_space<vmem>>
        %dma_start3A_730 = tpu.memref_squeeze %dma_start3A_729 : memref<1x128xi32, #tpu.memory_space<vmem>> -> memref<128xi32, #tpu.memory_space<vmem>>
        %dma_start3A_731 = arith.constant 0 : i32
        %dma_start3A_732 = arith.constant 0 : i32
        %dma_start3A_733 = tpu.memref_slice %arg2[%dma_start3A_731, %dma_start3A_732] : memref<10000x128xf32, #tpu.memory_space<hbm>> -> memref<10000x128xf32, #tpu.memory_space<hbm>>
        tpu.enqueue_indirect_dma source(%dma_start3A_733 : memref<10000x128xf32, #tpu.memory_space<hbm>>) target(%arg9 : memref<128x128xf32, #tpu.memory_space<vmem>>) offsets(%dma_start3A_730 : memref<128xi32, #tpu.memory_space<vmem>>) semaphore(%arg13 : memref<!tpu.dma_semaphore, #tpu.memory_space<semaphore_mem>>)
      } else {
      }
    }
    %scan3A_651 = arith.constant 20 : i32
    %run_scoped3A_652 = arith.constant 1 : i32
    "tpu.region"() ({
      %run_scoped3A_684 = tpu.sem_alloc : memref<!tpu.dma_semaphore, #tpu.memory_space<semaphore_mem>>
      %dma_start3A_685 = arith.constant 0 : i32
      %dma_start3A_686 = arith.constant 0 : i32
      %dma_start3A_687 = tpu.memref_slice %arg3[%add3A, %run_scoped3A_652, %dma_start3A_685, %dma_start3A_686] : memref<32x2x40x128xi32, #tpu.memory_space<hbm>> -> memref<1x1x40x128xi32, #tpu.memory_space<hbm>>
      %dma_start3A_688 = tpu.memref_squeeze %dma_start3A_687 : memref<1x1x40x128xi32, #tpu.memory_space<hbm>> -> memref<40x128xi32, #tpu.memory_space<hbm>>
      %dma_start3A_689 = arith.constant 0 : i32
      %dma_start3A_690 = arith.constant 0 : i32
      %dma_start3A_691 = tpu.memref_slice %arg3[%add3A, %run_scoped3A_652, %dma_start3A_689, %dma_start3A_690] : memref<32x2x40x128xi32, #tpu.memory_space<hbm>> -> memref<1x1x40x128xi32, #tpu.memory_space<hbm>>
      %dma_start3A_692 = tpu.memref_squeeze %dma_start3A_691 : memref<1x1x40x128xi32, #tpu.memory_space<hbm>> -> memref<40x128xi32, #tpu.memory_space<hbm>>
      tpu.enqueue_dma source(%dma_start3A_692 : memref<40x128xi32, #tpu.memory_space<hbm>>) target(%arg6 : memref<40x128xi32, #tpu.memory_space<vmem>>) target_semaphore(%run_scoped3A_684 : memref<!tpu.dma_semaphore, #tpu.memory_space<semaphore_mem>>)
      %dma_wait3A_693 = arith.constant 0 : i32
      %dma_wait3A_694 = arith.constant 0 : i32
      %dma_wait3A_695 = tpu.memref_slice %arg3[%add3A, %run_scoped3A_652, %dma_wait3A_693, %dma_wait3A_694] : memref<32x2x40x128xi32, #tpu.memory_space<hbm>> -> memref<1x1x40x128xi32, #tpu.memory_space<hbm>>
      %dma_wait3A_696 = tpu.memref_squeeze %dma_wait3A_695 : memref<1x1x40x128xi32, #tpu.memory_space<hbm>> -> memref<40x128xi32, #tpu.memory_space<hbm>>
      %dma_wait3A_697 = arith.constant 0 : i32
      %dma_wait3A_698 = arith.constant 0 : i32
      %dma_wait3A_699 = tpu.memref_slice %arg3[%add3A, %run_scoped3A_652, %dma_wait3A_697, %dma_wait3A_698] : memref<32x2x40x128xi32, #tpu.memory_space<hbm>> -> memref<1x1x40x128xi32, #tpu.memory_space<hbm>>
      %dma_wait3A_700 = tpu.memref_squeeze %dma_wait3A_699 : memref<1x1x40x128xi32, #tpu.memory_space<hbm>> -> memref<40x128xi32, #tpu.memory_space<hbm>>
      tpu.wait_dma2 semaphore(%run_scoped3A_684 : memref<!tpu.dma_semaphore, #tpu.memory_space<semaphore_mem>>) src(%dma_wait3A_700 : memref<40x128xi32, #tpu.memory_space<hbm>>) dst(%arg6 : memref<40x128xi32, #tpu.memory_space<vmem>>)
      tpu.yield
    }) : () -> ()
    %run_scoped3A_653 = arith.constant 1 : i32
    "tpu.region"() ({
      %run_scoped3A_684 = tpu.sem_alloc : memref<!tpu.dma_semaphore, #tpu.memory_space<semaphore_mem>>
      %dma_start3A_685 = arith.constant 0 : i32
      %dma_start3A_686 = arith.constant 0 : i32
      %dma_start3A_687 = tpu.memref_slice %arg4[%add3A, %run_scoped3A_653, %dma_start3A_685, %dma_start3A_686] : memref<32x2x40x128xi32, #tpu.memory_space<hbm>> -> memref<1x1x40x128xi32, #tpu.memory_space<hbm>>
      %dma_start3A_688 = tpu.memref_squeeze %dma_start3A_687 : memref<1x1x40x128xi32, #tpu.memory_space<hbm>> -> memref<40x128xi32, #tpu.memory_space<hbm>>
      %dma_start3A_689 = arith.constant 0 : i32
      %dma_start3A_690 = arith.constant 0 : i32
      %dma_start3A_691 = tpu.memref_slice %arg4[%add3A, %run_scoped3A_653, %dma_start3A_689, %dma_start3A_690] : memref<32x2x40x128xi32, #tpu.memory_space<hbm>> -> memref<1x1x40x128xi32, #tpu.memory_space<hbm>>
      %dma_start3A_692 = tpu.memref_squeeze %dma_start3A_691 : memref<1x1x40x128xi32, #tpu.memory_space<hbm>> -> memref<40x128xi32, #tpu.memory_space<hbm>>
      tpu.enqueue_dma source(%dma_start3A_692 : memref<40x128xi32, #tpu.memory_space<hbm>>) target(%arg7 : memref<40x128xi32, #tpu.memory_space<vmem>>) target_semaphore(%run_scoped3A_684 : memref<!tpu.dma_semaphore, #tpu.memory_space<semaphore_mem>>)
      %dma_wait3A_693 = arith.constant 0 : i32
      %dma_wait3A_694 = arith.constant 0 : i32
      %dma_wait3A_695 = tpu.memref_slice %arg4[%add3A, %run_scoped3A_653, %dma_wait3A_693, %dma_wait3A_694] : memref<32x2x40x128xi32, #tpu.memory_space<hbm>> -> memref<1x1x40x128xi32, #tpu.memory_space<hbm>>
      %dma_wait3A_696 = tpu.memref_squeeze %dma_wait3A_695 : memref<1x1x40x128xi32, #tpu.memory_space<hbm>> -> memref<40x128xi32, #tpu.memory_space<hbm>>
      %dma_wait3A_697 = arith.constant 0 : i32
      %dma_wait3A_698 = arith.constant 0 : i32
      %dma_wait3A_699 = tpu.memref_slice %arg4[%add3A, %run_scoped3A_653, %dma_wait3A_697, %dma_wait3A_698] : memref<32x2x40x128xi32, #tpu.memory_space<hbm>> -> memref<1x1x40x128xi32, #tpu.memory_space<hbm>>
      %dma_wait3A_700 = tpu.memref_squeeze %dma_wait3A_699 : memref<1x1x40x128xi32, #tpu.memory_space<hbm>> -> memref<40x128xi32, #tpu.memory_space<hbm>>
      tpu.wait_dma2 semaphore(%run_scoped3A_684 : memref<!tpu.dma_semaphore, #tpu.memory_space<semaphore_mem>>) src(%dma_wait3A_700 : memref<40x128xi32, #tpu.memory_space<hbm>>) dst(%arg7 : memref<40x128xi32, #tpu.memory_space<vmem>>)
      tpu.yield
    }) : () -> ()
    %dma_start3A_654 = arith.constant 0 : i32
    %dma_start3A_655 = arith.constant 0 : i32
    %dma_start3A_656 = tpu.memref_slice %arg6[%dma_start3A_654, %dma_start3A_655] : memref<40x128xi32, #tpu.memory_space<vmem>> -> memref<1x128xi32, #tpu.memory_space<vmem>>
    %dma_start3A_657 = tpu.memref_squeeze %dma_start3A_656 : memref<1x128xi32, #tpu.memory_space<vmem>> -> memref<128xi32, #tpu.memory_space<vmem>>
    %dma_start3A_658 = arith.constant 0 : i32
    %dma_start3A_659 = arith.constant 0 : i32
    %dma_start3A_660 = tpu.memref_slice %arg2[%dma_start3A_658, %dma_start3A_659] : memref<10000x128xf32, #tpu.memory_space<hbm>> -> memref<10000x128xf32, #tpu.memory_space<hbm>>
    tpu.enqueue_indirect_dma source(%dma_start3A_660 : memref<10000x128xf32, #tpu.memory_space<hbm>>) target(%arg8 : memref<128x128xf32, #tpu.memory_space<vmem>>) offsets(%dma_start3A_657 : memref<128xi32, #tpu.memory_space<vmem>>) semaphore(%arg12 : memref<!tpu.dma_semaphore, #tpu.memory_space<semaphore_mem>>)
    %dma_start3A_661 = arith.constant 1 : i32
    %dma_start3A_662 = arith.constant 0 : i32
    %dma_start3A_663 = tpu.memref_slice %arg6[%dma_start3A_661, %dma_start3A_662] : memref<40x128xi32, #tpu.memory_space<vmem>> -> memref<1x128xi32, #tpu.memory_space<vmem>>
    %dma_start3A_664 = tpu.memref_squeeze %dma_start3A_663 : memref<1x128xi32, #tpu.memory_space<vmem>> -> memref<128xi32, #tpu.memory_space<vmem>>
    %dma_start3A_665 = arith.constant 0 : i32
    %dma_start3A_666 = arith.constant 0 : i32
    %dma_start3A_667 = tpu.memref_slice %arg2[%dma_start3A_665, %dma_start3A_666] : memref<10000x128xf32, #tpu.memory_space<hbm>> -> memref<10000x128xf32, #tpu.memory_space<hbm>>
    tpu.enqueue_indirect_dma source(%dma_start3A_667 : memref<10000x128xf32, #tpu.memory_space<hbm>>) target(%arg9 : memref<128x128xf32, #tpu.memory_space<vmem>>) offsets(%dma_start3A_664 : memref<128xi32, #tpu.memory_space<vmem>>) semaphore(%arg13 : memref<!tpu.dma_semaphore, #tpu.memory_space<semaphore_mem>>)
    %scan3A_668 = arith.constant 0 : i32
    %scan3A_669 = arith.constant 0 : i32
    %scan3A_670 = arith.constant 20 : i32
    %scan3A_671 = arith.addi %scan3A_669, %scan3A_670 : i32
    %scan3A_672 = arith.constant 1 : i32
    scf.for %scan3A_684 = %scan3A_669 to %scan3A_671 step %scan3A_672  : i32 {
      %mul3A_685 = arith.constant 2 : i32
      %mul3A_686 = arith.muli %mul3A_685, %scan3A_684 : i32
      %add3A_687 = arith.constant 0 : i32
      %add3A_688 = arith.addi %mul3A_686, %add3A_687 : i32
      %dma_wait3A_689 = arith.constant 0 : i32
      %dma_wait3A_690 = tpu.memref_slice %arg6[%add3A_688, %dma_wait3A_689] : memref<40x128xi32, #tpu.memory_space<vmem>> -> memref<1x128xi32, #tpu.memory_space<vmem>>
      %dma_wait3A_691 = tpu.memref_squeeze %dma_wait3A_690 : memref<1x128xi32, #tpu.memory_space<vmem>> -> memref<128xi32, #tpu.memory_space<vmem>>
      %dma_wait3A_692 = arith.constant 0 : i32
      %dma_wait3A_693 = arith.constant 0 : i32
      %dma_wait3A_694 = tpu.memref_slice %arg2[%dma_wait3A_692, %dma_wait3A_693] : memref<10000x128xf32, #tpu.memory_space<hbm>> -> memref<10000x128xf32, #tpu.memory_space<hbm>>
      tpu.wait_indirect_dma semaphore(%arg12 : memref<!tpu.dma_semaphore, #tpu.memory_space<semaphore_mem>>) src(%dma_wait3A_694 : memref<10000x128xf32, #tpu.memory_space<hbm>>) dst(%arg8 : memref<128x128xf32, #tpu.memory_space<vmem>>)
      %add3A_695 = arith.constant 0 : i32
      %add3A_696 = arith.addi %mul3A_686, %add3A_695 : i32
      "tpu.region"() ({
        %run_scoped3A_724 = tpu.sem_alloc : memref<!tpu.dma_semaphore, #tpu.memory_space<semaphore_mem>>
        %dma_start3A_725 = arith.constant 0 : i32
        %dma_start3A_726 = tpu.memref_slice %arg7[%add3A_696, %dma_start3A_725] : memref<40x128xi32, #tpu.memory_space<vmem>> -> memref<1x128xi32, #tpu.memory_space<vmem>>
        %dma_start3A_727 = tpu.memref_squeeze %dma_start3A_726 : memref<1x128xi32, #tpu.memory_space<vmem>> -> memref<128xi32, #tpu.memory_space<vmem>>
        %dma_start3A_728 = arith.constant 0 : i32
        %dma_start3A_729 = arith.constant 0 : i32
        %dma_start3A_730 = tpu.memref_slice %arg11[%dma_start3A_728, %dma_start3A_729] : memref<10008x128xf32, #tpu.memory_space<vmem_shared>> -> memref<10008x128xf32, #tpu.memory_space<vmem_shared>>
        tpu.enqueue_indirect_dma source(%arg8 : memref<128x128xf32, #tpu.memory_space<vmem>>) target(%dma_start3A_730 : memref<10008x128xf32, #tpu.memory_space<vmem_shared>>) offsets(%dma_start3A_727 : memref<128xi32, #tpu.memory_space<vmem>>) semaphore(%run_scoped3A_724 : memref<!tpu.dma_semaphore, #tpu.memory_space<semaphore_mem>>) {add = true}
        %dma_wait3A_731 = arith.constant 0 : i32
        %dma_wait3A_732 = tpu.memref_slice %arg7[%add3A_696, %dma_wait3A_731] : memref<40x128xi32, #tpu.memory_space<vmem>> -> memref<1x128xi32, #tpu.memory_space<vmem>>
        %dma_wait3A_733 = tpu.memref_squeeze %dma_wait3A_732 : memref<1x128xi32, #tpu.memory_space<vmem>> -> memref<128xi32, #tpu.memory_space<vmem>>
        %dma_wait3A_734 = arith.constant 0 : i32
        %dma_wait3A_735 = arith.constant 0 : i32
        %dma_wait3A_736 = tpu.memref_slice %arg11[%dma_wait3A_734, %dma_wait3A_735] : memref<10008x128xf32, #tpu.memory_space<vmem_shared>> -> memref<10008x128xf32, #tpu.memory_space<vmem_shared>>
        tpu.wait_indirect_dma semaphore(%run_scoped3A_724 : memref<!tpu.dma_semaphore, #tpu.memory_space<semaphore_mem>>) src(%arg8 : memref<128x128xf32, #tpu.memory_space<vmem>>) dst(%dma_wait3A_736 : memref<10008x128xf32, #tpu.memory_space<vmem_shared>>)
        tpu.yield
      }) : () -> ()
      %add3A_697 = arith.constant 0 : i32
      %add3A_698 = arith.addi %mul3A_686, %add3A_697 : i32
      %add3A_699 = arith.constant 2 : i32
      %add3A_700 = arith.addi %add3A_698, %add3A_699 : i32
      %lt3A = arith.constant 40 : i32
      %lt3A_701 = arith.cmpi slt, %add3A_700, %lt3A : i32
      %convert_element_type3A_702 = arith.extui %lt3A_701 : i1 to i32
      %cond3A_703 = arith.constant 0 : i32
      %cond3A_704 = arith.cmpi ne, %convert_element_type3A_702, %cond3A_703 : i32
      scf.if %cond3A_704 {
        %add3A_724 = arith.constant 0 : i32
        %add3A_725 = arith.addi %mul3A_686, %add3A_724 : i32
        %add3A_726 = arith.constant 2 : i32
        %add3A_727 = arith.addi %add3A_725, %add3A_726 : i32
        %dma_start3A_728 = arith.constant 0 : i32
        %dma_start3A_729 = tpu.memref_slice %arg6[%add3A_727, %dma_start3A_728] : memref<40x128xi32, #tpu.memory_space<vmem>> -> memref<1x128xi32, #tpu.memory_space<vmem>>
        %dma_start3A_730 = tpu.memref_squeeze %dma_start3A_729 : memref<1x128xi32, #tpu.memory_space<vmem>> -> memref<128xi32, #tpu.memory_space<vmem>>
        %dma_start3A_731 = arith.constant 0 : i32
        %dma_start3A_732 = arith.constant 0 : i32
        %dma_start3A_733 = tpu.memref_slice %arg2[%dma_start3A_731, %dma_start3A_732] : memref<10000x128xf32, #tpu.memory_space<hbm>> -> memref<10000x128xf32, #tpu.memory_space<hbm>>
        tpu.enqueue_indirect_dma source(%dma_start3A_733 : memref<10000x128xf32, #tpu.memory_space<hbm>>) target(%arg8 : memref<128x128xf32, #tpu.memory_space<vmem>>) offsets(%dma_start3A_730 : memref<128xi32, #tpu.memory_space<vmem>>) semaphore(%arg12 : memref<!tpu.dma_semaphore, #tpu.memory_space<semaphore_mem>>)
      } else {
      }
      %add3A_705 = arith.constant 1 : i32
      %add3A_706 = arith.addi %mul3A_686, %add3A_705 : i32
      %dma_wait3A_707 = arith.constant 0 : i32
      %dma_wait3A_708 = tpu.memref_slice %arg6[%add3A_706, %dma_wait3A_707] : memref<40x128xi32, #tpu.memory_space<vmem>> -> memref<1x128xi32, #tpu.memory_space<vmem>>
      %dma_wait3A_709 = tpu.memref_squeeze %dma_wait3A_708 : memref<1x128xi32, #tpu.memory_space<vmem>> -> memref<128xi32, #tpu.memory_space<vmem>>
      %dma_wait3A_710 = arith.constant 0 : i32
      %dma_wait3A_711 = arith.constant 0 : i32
      %dma_wait3A_712 = tpu.memref_slice %arg2[%dma_wait3A_710, %dma_wait3A_711] : memref<10000x128xf32, #tpu.memory_space<hbm>> -> memref<10000x128xf32, #tpu.memory_space<hbm>>
      tpu.wait_indirect_dma semaphore(%arg13 : memref<!tpu.dma_semaphore, #tpu.memory_space<semaphore_mem>>) src(%dma_wait3A_712 : memref<10000x128xf32, #tpu.memory_space<hbm>>) dst(%arg9 : memref<128x128xf32, #tpu.memory_space<vmem>>)
      %add3A_713 = arith.constant 1 : i32
      %add3A_714 = arith.addi %mul3A_686, %add3A_713 : i32
      "tpu.region"() ({
        %run_scoped3A_724 = tpu.sem_alloc : memref<!tpu.dma_semaphore, #tpu.memory_space<semaphore_mem>>
        %dma_start3A_725 = arith.constant 0 : i32
        %dma_start3A_726 = tpu.memref_slice %arg7[%add3A_714, %dma_start3A_725] : memref<40x128xi32, #tpu.memory_space<vmem>> -> memref<1x128xi32, #tpu.memory_space<vmem>>
        %dma_start3A_727 = tpu.memref_squeeze %dma_start3A_726 : memref<1x128xi32, #tpu.memory_space<vmem>> -> memref<128xi32, #tpu.memory_space<vmem>>
        %dma_start3A_728 = arith.constant 0 : i32
        %dma_start3A_729 = arith.constant 0 : i32
        %dma_start3A_730 = tpu.memref_slice %arg11[%dma_start3A_728, %dma_start3A_729] : memref<10008x128xf32, #tpu.memory_space<vmem_shared>> -> memref<10008x128xf32, #tpu.memory_space<vmem_shared>>
        tpu.enqueue_indirect_dma source(%arg9 : memref<128x128xf32, #tpu.memory_space<vmem>>) target(%dma_start3A_730 : memref<10008x128xf32, #tpu.memory_space<vmem_shared>>) offsets(%dma_start3A_727 : memref<128xi32, #tpu.memory_space<vmem>>) semaphore(%run_scoped3A_724 : memref<!tpu.dma_semaphore, #tpu.memory_space<semaphore_mem>>) {add = true}
        %dma_wait3A_731 = arith.constant 0 : i32
        %dma_wait3A_732 = tpu.memref_slice %arg7[%add3A_714, %dma_wait3A_731] : memref<40x128xi32, #tpu.memory_space<vmem>> -> memref<1x128xi32, #tpu.memory_space<vmem>>
        %dma_wait3A_733 = tpu.memref_squeeze %dma_wait3A_732 : memref<1x128xi32, #tpu.memory_space<vmem>> -> memref<128xi32, #tpu.memory_space<vmem>>
        %dma_wait3A_734 = arith.constant 0 : i32
        %dma_wait3A_735 = arith.constant 0 : i32
        %dma_wait3A_736 = tpu.memref_slice %arg11[%dma_wait3A_734, %dma_wait3A_735] : memref<10008x128xf32, #tpu.memory_space<vmem_shared>> -> memref<10008x128xf32, #tpu.memory_space<vmem_shared>>
        tpu.wait_indirect_dma semaphore(%run_scoped3A_724 : memref<!tpu.dma_semaphore, #tpu.memory_space<semaphore_mem>>) src(%arg9 : memref<128x128xf32, #tpu.memory_space<vmem>>) dst(%dma_wait3A_736 : memref<10008x128xf32, #tpu.memory_space<vmem_shared>>)
        tpu.yield
      }) : () -> ()
      %add3A_715 = arith.constant 1 : i32
      %add3A_716 = arith.addi %mul3A_686, %add3A_715 : i32
      %add3A_717 = arith.constant 2 : i32
      %add3A_718 = arith.addi %add3A_716, %add3A_717 : i32
      %lt3A_719 = arith.constant 40 : i32
      %lt3A_720 = arith.cmpi slt, %add3A_718, %lt3A_719 : i32
      %convert_element_type3A_721 = arith.extui %lt3A_720 : i1 to i32
      %cond3A_722 = arith.constant 0 : i32
      %cond3A_723 = arith.cmpi ne, %convert_element_type3A_721, %cond3A_722 : i32
      scf.if %cond3A_723 {
        %add3A_724 = arith.constant 1 : i32
        %add3A_725 = arith.addi %mul3A_686, %add3A_724 : i32
        %add3A_726 = arith.constant 2 : i32
        %add3A_727 = arith.addi %add3A_725, %add3A_726 : i32
        %dma_start3A_728 = arith.constant 0 : i32
        %dma_start3A_729 = tpu.memref_slice %arg6[%add3A_727, %dma_start3A_728] : memref<40x128xi32, #tpu.memory_space<vmem>> -> memref<1x128xi32, #tpu.memory_space<vmem>>
        %dma_start3A_730 = tpu.memref_squeeze %dma_start3A_729 : memref<1x128xi32, #tpu.memory_space<vmem>> -> memref<128xi32, #tpu.memory_space<vmem>>
        %dma_start3A_731 = arith.constant 0 : i32
        %dma_start3A_732 = arith.constant 0 : i32
        %dma_start3A_733 = tpu.memref_slice %arg2[%dma_start3A_731, %dma_start3A_732] : memref<10000x128xf32, #tpu.memory_space<hbm>> -> memref<10000x128xf32, #tpu.memory_space<hbm>>
        tpu.enqueue_indirect_dma source(%dma_start3A_733 : memref<10000x128xf32, #tpu.memory_space<hbm>>) target(%arg9 : memref<128x128xf32, #tpu.memory_space<vmem>>) offsets(%dma_start3A_730 : memref<128xi32, #tpu.memory_space<vmem>>) semaphore(%arg13 : memref<!tpu.dma_semaphore, #tpu.memory_space<semaphore_mem>>)
      } else {
      }
    }
    %scan3A_673 = arith.constant 20 : i32
    %barrier3A_674 = arith.constant 0 : index
    tpu.barrier barrier_id(%barrier3A_674)
    %mul3A_675 = arith.constant 624 : i32
    %mul3A_676 = arith.muli %arg1, %mul3A_675 : i32
    %mul3A_677 = arith.constant 624 : i32
    %mul3A_678 = arith.muli %arg1, %mul3A_677 : i32
    "tpu.region"() ({
      %run_scoped3A_684 = tpu.sem_alloc : memref<!tpu.dma_semaphore, #tpu.memory_space<semaphore_mem>>
      %dma_start3A_685 = arith.constant 0 : i32
      %dma_start3A_686 = tpu.memref_slice %arg5[%arg0, %mul3A_678, %dma_start3A_685] : memref<2x10000x128xf32, #tpu.memory_space<hbm>> -> memref<1x624x128xf32, #tpu.memory_space<hbm>>
      %dma_start3A_687 = tpu.memref_squeeze %dma_start3A_686 : memref<1x624x128xf32, #tpu.memory_space<hbm>> -> memref<624x128xf32, #tpu.memory_space<hbm>>
      %dma_start3A_688 = arith.constant 0 : i32
      %dma_start3A_689 = tpu.memref_slice %arg11[%mul3A_676, %dma_start3A_688] : memref<10008x128xf32, #tpu.memory_space<vmem_shared>> -> memref<624x128xf32, #tpu.memory_space<vmem_shared>>
      tpu.enqueue_dma source(%dma_start3A_689 : memref<624x128xf32, #tpu.memory_space<vmem_shared>>) target(%dma_start3A_687 : memref<624x128xf32, #tpu.memory_space<hbm>>) target_semaphore(%run_scoped3A_684 : memref<!tpu.dma_semaphore, #tpu.memory_space<semaphore_mem>>)
      %dma_wait3A_690 = arith.constant 0 : i32
      %dma_wait3A_691 = tpu.memref_slice %arg5[%arg0, %mul3A_678, %dma_wait3A_690] : memref<2x10000x128xf32, #tpu.memory_space<hbm>> -> memref<1x624x128xf32, #tpu.memory_space<hbm>>
      %dma_wait3A_692 = tpu.memref_squeeze %dma_wait3A_691 : memref<1x624x128xf32, #tpu.memory_space<hbm>> -> memref<624x128xf32, #tpu.memory_space<hbm>>
      %dma_wait3A_693 = arith.constant 0 : i32
      %dma_wait3A_694 = tpu.memref_slice %arg11[%mul3A_676, %dma_wait3A_693] : memref<10008x128xf32, #tpu.memory_space<vmem_shared>> -> memref<624x128xf32, #tpu.memory_space<vmem_shared>>
      tpu.wait_dma2 semaphore(%run_scoped3A_684 : memref<!tpu.dma_semaphore, #tpu.memory_space<semaphore_mem>>) src(%dma_wait3A_694 : memref<624x128xf32, #tpu.memory_space<vmem_shared>>) dst(%dma_wait3A_692 : memref<624x128xf32, #tpu.memory_space<hbm>>)
      tpu.yield
    }) : () -> ()
    %eq3A_679 = arith.constant 15 : i32
    %eq3A_680 = arith.cmpi eq, %arg1, %eq3A_679 : i32
    %convert_element_type3A_681 = arith.extui %eq3A_680 : i1 to i32
    %cond3A_682 = arith.constant 0 : i32
    %cond3A_683 = arith.cmpi ne, %convert_element_type3A_681, %cond3A_682 : i32
    scf.if %cond3A_683 {
      "tpu.region"() ({
        %run_scoped3A_684 = tpu.sem_alloc : memref<!tpu.dma_semaphore, #tpu.memory_space<semaphore_mem>>
        %dma_start3A_685 = arith.constant 9984 : i32
        %dma_start3A_686 = arith.constant 0 : i32
        %dma_start3A_687 = tpu.memref_slice %arg5[%arg0, %dma_start3A_685, %dma_start3A_686] : memref<2x10000x128xf32, #tpu.memory_space<hbm>> -> memref<1x16x128xf32, #tpu.memory_space<hbm>>
        %dma_start3A_688 = tpu.memref_squeeze %dma_start3A_687 : memref<1x16x128xf32, #tpu.memory_space<hbm>> -> memref<16x128xf32, #tpu.memory_space<hbm>>
        %dma_start3A_689 = arith.constant 9984 : i32
        %dma_start3A_690 = arith.constant 0 : i32
        %dma_start3A_691 = tpu.memref_slice %arg11[%dma_start3A_689, %dma_start3A_690] : memref<10008x128xf32, #tpu.memory_space<vmem_shared>> -> memref<16x128xf32, #tpu.memory_space<vmem_shared>>
        tpu.enqueue_dma source(%dma_start3A_691 : memref<16x128xf32, #tpu.memory_space<vmem_shared>>) target(%dma_start3A_688 : memref<16x128xf32, #tpu.memory_space<hbm>>) target_semaphore(%run_scoped3A_684 : memref<!tpu.dma_semaphore, #tpu.memory_space<semaphore_mem>>)
        %dma_wait3A_692 = arith.constant 9984 : i32
        %dma_wait3A_693 = arith.constant 0 : i32
        %dma_wait3A_694 = tpu.memref_slice %arg5[%arg0, %dma_wait3A_692, %dma_wait3A_693] : memref<2x10000x128xf32, #tpu.memory_space<hbm>> -> memref<1x16x128xf32, #tpu.memory_space<hbm>>
        %dma_wait3A_695 = tpu.memref_squeeze %dma_wait3A_694 : memref<1x16x128xf32, #tpu.memory_space<hbm>> -> memref<16x128xf32, #tpu.memory_space<hbm>>
        %dma_wait3A_696 = arith.constant 9984 : i32
        %dma_wait3A_697 = arith.constant 0 : i32
        %dma_wait3A_698 = tpu.memref_slice %arg11[%dma_wait3A_696, %dma_wait3A_697] : memref<10008x128xf32, #tpu.memory_space<vmem_shared>> -> memref<16x128xf32, #tpu.memory_space<vmem_shared>>
        tpu.wait_dma2 semaphore(%run_scoped3A_684 : memref<!tpu.dma_semaphore, #tpu.memory_space<semaphore_mem>>) src(%dma_wait3A_698 : memref<16x128xf32, #tpu.memory_space<vmem_shared>>) dst(%dma_wait3A_695 : memref<16x128xf32, #tpu.memory_space<hbm>>)
        tpu.yield
      }) : () -> ()
    } else {
    }
    return
  }
}

#map = affine_map<(d0, d1) -> (0, 0)>
#map1 = affine_map<(d0, d1) -> (0, 0, 0, 0)>
#map2 = affine_map<(d0, d1) -> (0, 0, 0)>
module attributes {stable_mosaic.version = 14 : i64} {
  func.func @_seg_sum_body(%arg0: i32, %arg1: i32, %arg2: memref<10000x128xf32, #tpu.memory_space<hbm>>, %arg3: memref<32x2x40x128xi32, #tpu.memory_space<hbm>>, %arg4: memref<32x2x40x128xi32, #tpu.memory_space<hbm>>, %arg5: memref<2x10000x128xf32, #tpu.memory_space<hbm>>, %arg6: memref<40x128xi32, #tpu.memory_space<vmem>>, %arg7: memref<40x128xi32, #tpu.memory_space<vmem>>, %arg8: memref<128x128xf32, #tpu.memory_space<vmem>>, %arg9: memref<128x128xf32, #tpu.memory_space<vmem>>, %arg10: memref<16x128xf32, #tpu.memory_space<vmem>>, %arg11: memref<10008x128xf32, #tpu.memory_space<vmem_shared>>, %arg12: memref<!tpu.dma_semaphore, #tpu.memory_space<semaphore_mem>>, %arg13: memref<!tpu.dma_semaphore, #tpu.memory_space<semaphore_mem>>) attributes {dimension_semantics = [#tpu.dimension_semantics<core_parallel>, #tpu.dimension_semantics<subcore_parallel>], iteration_bounds = array<i64: 2, 16>, scalar_prefetch = 0 : i64, scratch_operands = 8 : i64, tpu.core_type = #tpu.core_type<sc_vector_subcore>, window_params = [{transform_indices = #map}, {transform_indices = #map1}, {transform_indices = #map1}, {transform_indices = #map2}]} {
    %mul3A = arith.constant 16 : i32
    %mul3A_0 = arith.muli %arg0, %mul3A : i32
    %add3A = arith.addi %mul3A_0, %arg1 : i32
    %broadcast_in_dim3A = arith.constant 0.000000e+00 : f32
    %broadcast_in_dim3A_1 = vector.broadcast %broadcast_in_dim3A : f32 to vector<16xf32>
    %scan3A = arith.constant 0 : i32
    %scan3A_2 = arith.constant 0 : i32
    %scan3A_3 = arith.constant 16 : i32
    %scan3A_4 = arith.addi %scan3A_2, %scan3A_3 : i32
    %scan3A_5 = arith.constant 1 : i32
    scf.for %scan3A_684 = %scan3A_2 to %scan3A_4 step %scan3A_5  : i32 {
      %scan3A_685 = arith.constant 0 : i32
      %scan3A_686 = arith.constant 8 : i32
      %scan3A_687 = arith.addi %scan3A_685, %scan3A_686 : i32
      %scan3A_688 = arith.constant 1 : i32
      scf.for %scan3A_690 = %scan3A_685 to %scan3A_687 step %scan3A_688  : i32 {
        %mul3A_691 = arith.constant 16 : i32
        %mul3A_692 = arith.muli %scan3A_690, %mul3A_691 : i32
        %swap3A = arith.index_cast %scan3A_684 : i32 to index
        %swap3A_693 = arith.index_cast %mul3A_692 : i32 to index
        %swap3A_694 = tpu.vector_load %arg10[%swap3A, %swap3A_693] {strides = array<i32>} : memref<16x128xf32, #tpu.memory_space<vmem>>, vector<1x16xf32>,
        %swap3A_695 = vector.shape_cast %swap3A_694 : vector<1x16xf32> to vector<16xf32>
        %swap3A_696 = vector.shape_cast %broadcast_in_dim3A_1 : vector<16xf32> to vector<1x16xf32>
        tpu.vector_store %arg10[%swap3A, %swap3A_693], %swap3A_696 {strides = array<i32>} : memref<16x128xf32, #tpu.memory_space<vmem>>, vector<1x16xf32>,
      }
      %scan3A_689 = arith.constant 8 : i32
    }
    %scan3A_6 = arith.constant 16 : i32
    %mul3A_7 = arith.constant 624 : i32
    %mul3A_8 = arith.muli %arg1, %mul3A_7 : i32
    %add3A_9 = arith.constant 0 : i32
    %add3A_10 = arith.addi %mul3A_8, %add3A_9 : i32
    %dma_start3A = arith.constant 0 : i32
    %dma_start3A_11 = tpu.memref_slice %arg11[%add3A_10, %dma_start3A] : memref<10008x128xf32, #tpu.memory_space<vmem_shared>> -> memref<16x128xf32, #tpu.memory_space<vmem_shared>>
    %dma_start3A_12 = arith.constant 0 : i32
    %dma_start3A_13 = tpu.memref_slice %arg11[%add3A_10, %dma_start3A_12] : memref<10008x128xf32, #tpu.memory_space<vmem_shared>> -> memref<16x128xf32, #tpu.memory_space<vmem_shared>>
    tpu.enqueue_dma source(%arg10 : memref<16x128xf32, #tpu.memory_space<vmem>>) target(%dma_start3A_13 : memref<16x128xf32, #tpu.memory_space<vmem_shared>>) target_semaphore(%arg12 : memref<!tpu.dma_semaphore, #tpu.memory_space<semaphore_mem>>)
    %mul3A_14 = arith.constant 624 : i32
    %mul3A_15 = arith.muli %arg1, %mul3A_14 : i32
    %add3A_16 = arith.constant 16 : i32
    %add3A_17 = arith.addi %mul3A_15, %add3A_16 : i32
    %dma_start3A_18 = arith.constant 0 : i32
    %dma_start3A_19 = tpu.memref_slice %arg11[%add3A_17, %dma_start3A_18] : memref<10008x128xf32, #tpu.memory_space<vmem_shared>> -> memref<16x128xf32, #tpu.memory_space<vmem_shared>>
    %dma_start3A_20 = arith.constant 0 : i32
    %dma_start3A_21 = tpu.memref_slice %arg11[%add3A_17, %dma_start3A_20] : memref<10008x128xf32, #tpu.memory_space<vmem_shared>> -> memref<16x128xf32, #tpu.memory_space<vmem_shared>>
    tpu.enqueue_dma source(%arg10 : memref<16x128xf32, #tpu.memory_space<vmem>>) target(%dma_start3A_21 : memref<16x128xf32, #tpu.memory_space<vmem_shared>>) target_semaphore(%arg12 : memref<!tpu.dma_semaphore, #tpu.memory_space<semaphore_mem>>)
    %mul3A_22 = arith.constant 624 : i32
    %mul3A_23 = arith.muli %arg1, %mul3A_22 : i32
    %add3A_24 = arith.constant 32 : i32
    %add3A_25 = arith.addi %mul3A_23, %add3A_24 : i32
    %dma_start3A_26 = arith.constant 0 : i32
    %dma_start3A_27 = tpu.memref_slice %arg11[%add3A_25, %dma_start3A_26] : memref<10008x128xf32, #tpu.memory_space<vmem_shared>> -> memref<16x128xf32, #tpu.memory_space<vmem_shared>>
    %dma_start3A_28 = arith.constant 0 : i32
    %dma_start3A_29 = tpu.memref_slice %arg11[%add3A_25, %dma_start3A_28] : memref<10008x128xf32, #tpu.memory_space<vmem_shared>> -> memref<16x128xf32, #tpu.memory_space<vmem_shared>>
    tpu.enqueue_dma source(%arg10 : memref<16x128xf32, #tpu.memory_space<vmem>>) target(%dma_start3A_29 : memref<16x128xf32, #tpu.memory_space<vmem_shared>>) target_semaphore(%arg12 : memref<!tpu.dma_semaphore, #tpu.memory_space<semaphore_mem>>)
    %mul3A_30 = arith.constant 624 : i32
    %mul3A_31 = arith.muli %arg1, %mul3A_30 : i32
    %add3A_32 = arith.constant 48 : i32
    %add3A_33 = arith.addi %mul3A_31, %add3A_32 : i32
    %dma_start3A_34 = arith.constant 0 : i32
    %dma_start3A_35 = tpu.memref_slice %arg11[%add3A_33, %dma_start3A_34] : memref<10008x128xf32, #tpu.memory_space<vmem_shared>> -> memref<16x128xf32, #tpu.memory_space<vmem_shared>>
    %dma_start3A_36 = arith.constant 0 : i32
    %dma_start3A_37 = tpu.memref_slice %arg11[%add3A_33, %dma_start3A_36] : memref<10008x128xf32, #tpu.memory_space<vmem_shared>> -> memref<16x128xf32, #tpu.memory_space<vmem_shared>>
    tpu.enqueue_dma source(%arg10 : memref<16x128xf32, #tpu.memory_space<vmem>>) target(%dma_start3A_37 : memref<16x128xf32, #tpu.memory_space<vmem_shared>>) target_semaphore(%arg12 : memref<!tpu.dma_semaphore, #tpu.memory_space<semaphore_mem>>)
    %mul3A_38 = arith.constant 624 : i32
    %mul3A_39 = arith.muli %arg1, %mul3A_38 : i32
    %add3A_40 = arith.constant 64 : i32
    %add3A_41 = arith.addi %mul3A_39, %add3A_40 : i32
    %dma_start3A_42 = arith.constant 0 : i32
    %dma_start3A_43 = tpu.memref_slice %arg11[%add3A_41, %dma_start3A_42] : memref<10008x128xf32, #tpu.memory_space<vmem_shared>> -> memref<16x128xf32, #tpu.memory_space<vmem_shared>>
    %dma_start3A_44 = arith.constant 0 : i32
    %dma_start3A_45 = tpu.memref_slice %arg11[%add3A_41, %dma_start3A_44] : memref<10008x128xf32, #tpu.memory_space<vmem_shared>> -> memref<16x128xf32, #tpu.memory_space<vmem_shared>>
    tpu.enqueue_dma source(%arg10 : memref<16x128xf32, #tpu.memory_space<vmem>>) target(%dma_start3A_45 : memref<16x128xf32, #tpu.memory_space<vmem_shared>>) target_semaphore(%arg12 : memref<!tpu.dma_semaphore, #tpu.memory_space<semaphore_mem>>)
    %mul3A_46 = arith.constant 624 : i32
    %mul3A_47 = arith.muli %arg1, %mul3A_46 : i32
    %add3A_48 = arith.constant 80 : i32
    %add3A_49 = arith.addi %mul3A_47, %add3A_48 : i32
    %dma_start3A_50 = arith.constant 0 : i32
    %dma_start3A_51 = tpu.memref_slice %arg11[%add3A_49, %dma_start3A_50] : memref<10008x128xf32, #tpu.memory_space<vmem_shared>> -> memref<16x128xf32, #tpu.memory_space<vmem_shared>>
    %dma_start3A_52 = arith.constant 0 : i32
    %dma_start3A_53 = tpu.memref_slice %arg11[%add3A_49, %dma_start3A_52] : memref<10008x128xf32, #tpu.memory_space<vmem_shared>> -> memref<16x128xf32, #tpu.memory_space<vmem_shared>>
    tpu.enqueue_dma source(%arg10 : memref<16x128xf32, #tpu.memory_space<vmem>>) target(%dma_start3A_53 : memref<16x128xf32, #tpu.memory_space<vmem_shared>>) target_semaphore(%arg12 : memref<!tpu.dma_semaphore, #tpu.memory_space<semaphore_mem>>)
    %mul3A_54 = arith.constant 624 : i32
    %mul3A_55 = arith.muli %arg1, %mul3A_54 : i32
    %add3A_56 = arith.constant 96 : i32
    %add3A_57 = arith.addi %mul3A_55, %add3A_56 : i32
    %dma_start3A_58 = arith.constant 0 : i32
    %dma_start3A_59 = tpu.memref_slice %arg11[%add3A_57, %dma_start3A_58] : memref<10008x128xf32, #tpu.memory_space<vmem_shared>> -> memref<16x128xf32, #tpu.memory_space<vmem_shared>>
    %dma_start3A_60 = arith.constant 0 : i32
    %dma_start3A_61 = tpu.memref_slice %arg11[%add3A_57, %dma_start3A_60] : memref<10008x128xf32, #tpu.memory_space<vmem_shared>> -> memref<16x128xf32, #tpu.memory_space<vmem_shared>>
    tpu.enqueue_dma source(%arg10 : memref<16x128xf32, #tpu.memory_space<vmem>>) target(%dma_start3A_61 : memref<16x128xf32, #tpu.memory_space<vmem_shared>>) target_semaphore(%arg12 : memref<!tpu.dma_semaphore, #tpu.memory_space<semaphore_mem>>)
    %mul3A_62 = arith.constant 624 : i32
    %mul3A_63 = arith.muli %arg1, %mul3A_62 : i32
    %add3A_64 = arith.constant 112 : i32
    %add3A_65 = arith.addi %mul3A_63, %add3A_64 : i32
    %dma_start3A_66 = arith.constant 0 : i32
    %dma_start3A_67 = tpu.memref_slice %arg11[%add3A_65, %dma_start3A_66] : memref<10008x128xf32, #tpu.memory_space<vmem_shared>> -> memref<16x128xf32, #tpu.memory_space<vmem_shared>>
    %dma_start3A_68 = arith.constant 0 : i32
    %dma_start3A_69 = tpu.memref_slice %arg11[%add3A_65, %dma_start3A_68] : memref<10008x128xf32, #tpu.memory_space<vmem_shared>> -> memref<16x128xf32, #tpu.memory_space<vmem_shared>>
    tpu.enqueue_dma source(%arg10 : memref<16x128xf32, #tpu.memory_space<vmem>>) target(%dma_start3A_69 : memref<16x128xf32, #tpu.memory_space<vmem_shared>>) target_semaphore(%arg12 : memref<!tpu.dma_semaphore, #tpu.memory_space<semaphore_mem>>)
    %mul3A_70 = arith.constant 624 : i32
    %mul3A_71 = arith.muli %arg1, %mul3A_70 : i32
    %add3A_72 = arith.constant 128 : i32
    %add3A_73 = arith.addi %mul3A_71, %add3A_72 : i32
    %dma_start3A_74 = arith.constant 0 : i32
    %dma_start3A_75 = tpu.memref_slice %arg11[%add3A_73, %dma_start3A_74] : memref<10008x128xf32, #tpu.memory_space<vmem_shared>> -> memref<16x128xf32, #tpu.memory_space<vmem_shared>>
    %dma_start3A_76 = arith.constant 0 : i32
    %dma_start3A_77 = tpu.memref_slice %arg11[%add3A_73, %dma_start3A_76] : memref<10008x128xf32, #tpu.memory_space<vmem_shared>> -> memref<16x128xf32, #tpu.memory_space<vmem_shared>>
    tpu.enqueue_dma source(%arg10 : memref<16x128xf32, #tpu.memory_space<vmem>>) target(%dma_start3A_77 : memref<16x128xf32, #tpu.memory_space<vmem_shared>>) target_semaphore(%arg12 : memref<!tpu.dma_semaphore, #tpu.memory_space<semaphore_mem>>)
    %mul3A_78 = arith.constant 624 : i32
    %mul3A_79 = arith.muli %arg1, %mul3A_78 : i32
    %add3A_80 = arith.constant 144 : i32
    %add3A_81 = arith.addi %mul3A_79, %add3A_80 : i32
    %dma_start3A_82 = arith.constant 0 : i32
    %dma_start3A_83 = tpu.memref_slice %arg11[%add3A_81, %dma_start3A_82] : memref<10008x128xf32, #tpu.memory_space<vmem_shared>> -> memref<16x128xf32, #tpu.memory_space<vmem_shared>>
    %dma_start3A_84 = arith.constant 0 : i32
    %dma_start3A_85 = tpu.memref_slice %arg11[%add3A_81, %dma_start3A_84] : memref<10008x128xf32, #tpu.memory_space<vmem_shared>> -> memref<16x128xf32, #tpu.memory_space<vmem_shared>>
    tpu.enqueue_dma source(%arg10 : memref<16x128xf32, #tpu.memory_space<vmem>>) target(%dma_start3A_85 : memref<16x128xf32, #tpu.memory_space<vmem_shared>>) target_semaphore(%arg12 : memref<!tpu.dma_semaphore, #tpu.memory_space<semaphore_mem>>)
    %mul3A_86 = arith.constant 624 : i32
    %mul3A_87 = arith.muli %arg1, %mul3A_86 : i32
    %add3A_88 = arith.constant 160 : i32
    %add3A_89 = arith.addi %mul3A_87, %add3A_88 : i32
    %dma_start3A_90 = arith.constant 0 : i32
    %dma_start3A_91 = tpu.memref_slice %arg11[%add3A_89, %dma_start3A_90] : memref<10008x128xf32, #tpu.memory_space<vmem_shared>> -> memref<16x128xf32, #tpu.memory_space<vmem_shared>>
    %dma_start3A_92 = arith.constant 0 : i32
    %dma_start3A_93 = tpu.memref_slice %arg11[%add3A_89, %dma_start3A_92] : memref<10008x128xf32, #tpu.memory_space<vmem_shared>> -> memref<16x128xf32, #tpu.memory_space<vmem_shared>>
    tpu.enqueue_dma source(%arg10 : memref<16x128xf32, #tpu.memory_space<vmem>>) target(%dma_start3A_93 : memref<16x128xf32, #tpu.memory_space<vmem_shared>>) target_semaphore(%arg12 : memref<!tpu.dma_semaphore, #tpu.memory_space<semaphore_mem>>)
    %mul3A_94 = arith.constant 624 : i32
    %mul3A_95 = arith.muli %arg1, %mul3A_94 : i32
    %add3A_96 = arith.constant 176 : i32
    %add3A_97 = arith.addi %mul3A_95, %add3A_96 : i32
    %dma_start3A_98 = arith.constant 0 : i32
    %dma_start3A_99 = tpu.memref_slice %arg11[%add3A_97, %dma_start3A_98] : memref<10008x128xf32, #tpu.memory_space<vmem_shared>> -> memref<16x128xf32, #tpu.memory_space<vmem_shared>>
    %dma_start3A_100 = arith.constant 0 : i32
    %dma_start3A_101 = tpu.memref_slice %arg11[%add3A_97, %dma_start3A_100] : memref<10008x128xf32, #tpu.memory_space<vmem_shared>> -> memref<16x128xf32, #tpu.memory_space<vmem_shared>>
    tpu.enqueue_dma source(%arg10 : memref<16x128xf32, #tpu.memory_space<vmem>>) target(%dma_start3A_101 : memref<16x128xf32, #tpu.memory_space<vmem_shared>>) target_semaphore(%arg12 : memref<!tpu.dma_semaphore, #tpu.memory_space<semaphore_mem>>)
    %mul3A_102 = arith.constant 624 : i32
    %mul3A_103 = arith.muli %arg1, %mul3A_102 : i32
    %add3A_104 = arith.constant 192 : i32
    %add3A_105 = arith.addi %mul3A_103, %add3A_104 : i32
    %dma_start3A_106 = arith.constant 0 : i32
    %dma_start3A_107 = tpu.memref_slice %arg11[%add3A_105, %dma_start3A_106] : memref<10008x128xf32, #tpu.memory_space<vmem_shared>> -> memref<16x128xf32, #tpu.memory_space<vmem_shared>>
    %dma_start3A_108 = arith.constant 0 : i32
    %dma_start3A_109 = tpu.memref_slice %arg11[%add3A_105, %dma_start3A_108] : memref<10008x128xf32, #tpu.memory_space<vmem_shared>> -> memref<16x128xf32, #tpu.memory_space<vmem_shared>>
    tpu.enqueue_dma source(%arg10 : memref<16x128xf32, #tpu.memory_space<vmem>>) target(%dma_start3A_109 : memref<16x128xf32, #tpu.memory_space<vmem_shared>>) target_semaphore(%arg12 : memref<!tpu.dma_semaphore, #tpu.memory_space<semaphore_mem>>)
    %mul3A_110 = arith.constant 624 : i32
    %mul3A_111 = arith.muli %arg1, %mul3A_110 : i32
    %add3A_112 = arith.constant 208 : i32
    %add3A_113 = arith.addi %mul3A_111, %add3A_112 : i32
    %dma_start3A_114 = arith.constant 0 : i32
    %dma_start3A_115 = tpu.memref_slice %arg11[%add3A_113, %dma_start3A_114] : memref<10008x128xf32, #tpu.memory_space<vmem_shared>> -> memref<16x128xf32, #tpu.memory_space<vmem_shared>>
    %dma_start3A_116 = arith.constant 0 : i32
    %dma_start3A_117 = tpu.memref_slice %arg11[%add3A_113, %dma_start3A_116] : memref<10008x128xf32, #tpu.memory_space<vmem_shared>> -> memref<16x128xf32, #tpu.memory_space<vmem_shared>>
    tpu.enqueue_dma source(%arg10 : memref<16x128xf32, #tpu.memory_space<vmem>>) target(%dma_start3A_117 : memref<16x128xf32, #tpu.memory_space<vmem_shared>>) target_semaphore(%arg12 : memref<!tpu.dma_semaphore, #tpu.memory_space<semaphore_mem>>)
    %mul3A_118 = arith.constant 624 : i32
    %mul3A_119 = arith.muli %arg1, %mul3A_118 : i32
    %add3A_120 = arith.constant 224 : i32
    %add3A_121 = arith.addi %mul3A_119, %add3A_120 : i32
    %dma_start3A_122 = arith.constant 0 : i32
    %dma_start3A_123 = tpu.memref_slice %arg11[%add3A_121, %dma_start3A_122] : memref<10008x128xf32, #tpu.memory_space<vmem_shared>> -> memref<16x128xf32, #tpu.memory_space<vmem_shared>>
    %dma_start3A_124 = arith.constant 0 : i32
    %dma_start3A_125 = tpu.memref_slice %arg11[%add3A_121, %dma_start3A_124] : memref<10008x128xf32, #tpu.memory_space<vmem_shared>> -> memref<16x128xf32, #tpu.memory_space<vmem_shared>>
    tpu.enqueue_dma source(%arg10 : memref<16x128xf32, #tpu.memory_space<vmem>>) target(%dma_start3A_125 : memref<16x128xf32, #tpu.memory_space<vmem_shared>>) target_semaphore(%arg12 : memref<!tpu.dma_semaphore, #tpu.memory_space<semaphore_mem>>)
    %mul3A_126 = arith.constant 624 : i32
    %mul3A_127 = arith.muli %arg1, %mul3A_126 : i32
    %add3A_128 = arith.constant 240 : i32
    %add3A_129 = arith.addi %mul3A_127, %add3A_128 : i32
    %dma_start3A_130 = arith.constant 0 : i32
    %dma_start3A_131 = tpu.memref_slice %arg11[%add3A_129, %dma_start3A_130] : memref<10008x128xf32, #tpu.memory_space<vmem_shared>> -> memref<16x128xf32, #tpu.memory_space<vmem_shared>>
    %dma_start3A_132 = arith.constant 0 : i32
    %dma_start3A_133 = tpu.memref_slice %arg11[%add3A_129, %dma_start3A_132] : memref<10008x128xf32, #tpu.memory_space<vmem_shared>> -> memref<16x128xf32, #tpu.memory_space<vmem_shared>>
    tpu.enqueue_dma source(%arg10 : memref<16x128xf32, #tpu.memory_space<vmem>>) target(%dma_start3A_133 : memref<16x128xf32, #tpu.memory_space<vmem_shared>>) target_semaphore(%arg12 : memref<!tpu.dma_semaphore, #tpu.memory_space<semaphore_mem>>)
    %mul3A_134 = arith.constant 624 : i32
    %mul3A_135 = arith.muli %arg1, %mul3A_134 : i32
    %add3A_136 = arith.constant 256 : i32
    %add3A_137 = arith.addi %mul3A_135, %add3A_136 : i32
    %dma_start3A_138 = arith.constant 0 : i32
    %dma_start3A_139 = tpu.memref_slice %arg11[%add3A_137, %dma_start3A_138] : memref<10008x128xf32, #tpu.memory_space<vmem_shared>> -> memref<16x128xf32, #tpu.memory_space<vmem_shared>>
    %dma_start3A_140 = arith.constant 0 : i32
    %dma_start3A_141 = tpu.memref_slice %arg11[%add3A_137, %dma_start3A_140] : memref<10008x128xf32, #tpu.memory_space<vmem_shared>> -> memref<16x128xf32, #tpu.memory_space<vmem_shared>>
    tpu.enqueue_dma source(%arg10 : memref<16x128xf32, #tpu.memory_space<vmem>>) target(%dma_start3A_141 : memref<16x128xf32, #tpu.memory_space<vmem_shared>>) target_semaphore(%arg12 : memref<!tpu.dma_semaphore, #tpu.memory_space<semaphore_mem>>)
    %mul3A_142 = arith.constant 624 : i32
    %mul3A_143 = arith.muli %arg1, %mul3A_142 : i32
    %add3A_144 = arith.constant 272 : i32
    %add3A_145 = arith.addi %mul3A_143, %add3A_144 : i32
    %dma_start3A_146 = arith.constant 0 : i32
    %dma_start3A_147 = tpu.memref_slice %arg11[%add3A_145, %dma_start3A_146] : memref<10008x128xf32, #tpu.memory_space<vmem_shared>> -> memref<16x128xf32, #tpu.memory_space<vmem_shared>>
    %dma_start3A_148 = arith.constant 0 : i32
    %dma_start3A_149 = tpu.memref_slice %arg11[%add3A_145, %dma_start3A_148] : memref<10008x128xf32, #tpu.memory_space<vmem_shared>> -> memref<16x128xf32, #tpu.memory_space<vmem_shared>>
    tpu.enqueue_dma source(%arg10 : memref<16x128xf32, #tpu.memory_space<vmem>>) target(%dma_start3A_149 : memref<16x128xf32, #tpu.memory_space<vmem_shared>>) target_semaphore(%arg12 : memref<!tpu.dma_semaphore, #tpu.memory_space<semaphore_mem>>)
    %mul3A_150 = arith.constant 624 : i32
    %mul3A_151 = arith.muli %arg1, %mul3A_150 : i32
    %add3A_152 = arith.constant 288 : i32
    %add3A_153 = arith.addi %mul3A_151, %add3A_152 : i32
    %dma_start3A_154 = arith.constant 0 : i32
    %dma_start3A_155 = tpu.memref_slice %arg11[%add3A_153, %dma_start3A_154] : memref<10008x128xf32, #tpu.memory_space<vmem_shared>> -> memref<16x128xf32, #tpu.memory_space<vmem_shared>>
    %dma_start3A_156 = arith.constant 0 : i32
    %dma_start3A_157 = tpu.memref_slice %arg11[%add3A_153, %dma_start3A_156] : memref<10008x128xf32, #tpu.memory_space<vmem_shared>> -> memref<16x128xf32, #tpu.memory_space<vmem_shared>>
    tpu.enqueue_dma source(%arg10 : memref<16x128xf32, #tpu.memory_space<vmem>>) target(%dma_start3A_157 : memref<16x128xf32, #tpu.memory_space<vmem_shared>>) target_semaphore(%arg12 : memref<!tpu.dma_semaphore, #tpu.memory_space<semaphore_mem>>)
    %mul3A_158 = arith.constant 624 : i32
    %mul3A_159 = arith.muli %arg1, %mul3A_158 : i32
    %add3A_160 = arith.constant 304 : i32
    %add3A_161 = arith.addi %mul3A_159, %add3A_160 : i32
    %dma_start3A_162 = arith.constant 0 : i32
    %dma_start3A_163 = tpu.memref_slice %arg11[%add3A_161, %dma_start3A_162] : memref<10008x128xf32, #tpu.memory_space<vmem_shared>> -> memref<16x128xf32, #tpu.memory_space<vmem_shared>>
    %dma_start3A_164 = arith.constant 0 : i32
    %dma_start3A_165 = tpu.memref_slice %arg11[%add3A_161, %dma_start3A_164] : memref<10008x128xf32, #tpu.memory_space<vmem_shared>> -> memref<16x128xf32, #tpu.memory_space<vmem_shared>>
    tpu.enqueue_dma source(%arg10 : memref<16x128xf32, #tpu.memory_space<vmem>>) target(%dma_start3A_165 : memref<16x128xf32, #tpu.memory_space<vmem_shared>>) target_semaphore(%arg12 : memref<!tpu.dma_semaphore, #tpu.memory_space<semaphore_mem>>)
    %mul3A_166 = arith.constant 624 : i32
    %mul3A_167 = arith.muli %arg1, %mul3A_166 : i32
    %add3A_168 = arith.constant 320 : i32
    %add3A_169 = arith.addi %mul3A_167, %add3A_168 : i32
    %dma_start3A_170 = arith.constant 0 : i32
    %dma_start3A_171 = tpu.memref_slice %arg11[%add3A_169, %dma_start3A_170] : memref<10008x128xf32, #tpu.memory_space<vmem_shared>> -> memref<16x128xf32, #tpu.memory_space<vmem_shared>>
    %dma_start3A_172 = arith.constant 0 : i32
    %dma_start3A_173 = tpu.memref_slice %arg11[%add3A_169, %dma_start3A_172] : memref<10008x128xf32, #tpu.memory_space<vmem_shared>> -> memref<16x128xf32, #tpu.memory_space<vmem_shared>>
    tpu.enqueue_dma source(%arg10 : memref<16x128xf32, #tpu.memory_space<vmem>>) target(%dma_start3A_173 : memref<16x128xf32, #tpu.memory_space<vmem_shared>>) target_semaphore(%arg12 : memref<!tpu.dma_semaphore, #tpu.memory_space<semaphore_mem>>)
    %mul3A_174 = arith.constant 624 : i32
    %mul3A_175 = arith.muli %arg1, %mul3A_174 : i32
    %add3A_176 = arith.constant 336 : i32
    %add3A_177 = arith.addi %mul3A_175, %add3A_176 : i32
    %dma_start3A_178 = arith.constant 0 : i32
    %dma_start3A_179 = tpu.memref_slice %arg11[%add3A_177, %dma_start3A_178] : memref<10008x128xf32, #tpu.memory_space<vmem_shared>> -> memref<16x128xf32, #tpu.memory_space<vmem_shared>>
    %dma_start3A_180 = arith.constant 0 : i32
    %dma_start3A_181 = tpu.memref_slice %arg11[%add3A_177, %dma_start3A_180] : memref<10008x128xf32, #tpu.memory_space<vmem_shared>> -> memref<16x128xf32, #tpu.memory_space<vmem_shared>>
    tpu.enqueue_dma source(%arg10 : memref<16x128xf32, #tpu.memory_space<vmem>>) target(%dma_start3A_181 : memref<16x128xf32, #tpu.memory_space<vmem_shared>>) target_semaphore(%arg12 : memref<!tpu.dma_semaphore, #tpu.memory_space<semaphore_mem>>)
    %mul3A_182 = arith.constant 624 : i32
    %mul3A_183 = arith.muli %arg1, %mul3A_182 : i32
    %add3A_184 = arith.constant 352 : i32
    %add3A_185 = arith.addi %mul3A_183, %add3A_184 : i32
    %dma_start3A_186 = arith.constant 0 : i32
    %dma_start3A_187 = tpu.memref_slice %arg11[%add3A_185, %dma_start3A_186] : memref<10008x128xf32, #tpu.memory_space<vmem_shared>> -> memref<16x128xf32, #tpu.memory_space<vmem_shared>>
    %dma_start3A_188 = arith.constant 0 : i32
    %dma_start3A_189 = tpu.memref_slice %arg11[%add3A_185, %dma_start3A_188] : memref<10008x128xf32, #tpu.memory_space<vmem_shared>> -> memref<16x128xf32, #tpu.memory_space<vmem_shared>>
    tpu.enqueue_dma source(%arg10 : memref<16x128xf32, #tpu.memory_space<vmem>>) target(%dma_start3A_189 : memref<16x128xf32, #tpu.memory_space<vmem_shared>>) target_semaphore(%arg12 : memref<!tpu.dma_semaphore, #tpu.memory_space<semaphore_mem>>)
    %mul3A_190 = arith.constant 624 : i32
    %mul3A_191 = arith.muli %arg1, %mul3A_190 : i32
    %add3A_192 = arith.constant 368 : i32
    %add3A_193 = arith.addi %mul3A_191, %add3A_192 : i32
    %dma_start3A_194 = arith.constant 0 : i32
    %dma_start3A_195 = tpu.memref_slice %arg11[%add3A_193, %dma_start3A_194] : memref<10008x128xf32, #tpu.memory_space<vmem_shared>> -> memref<16x128xf32, #tpu.memory_space<vmem_shared>>
    %dma_start3A_196 = arith.constant 0 : i32
    %dma_start3A_197 = tpu.memref_slice %arg11[%add3A_193, %dma_start3A_196] : memref<10008x128xf32, #tpu.memory_space<vmem_shared>> -> memref<16x128xf32, #tpu.memory_space<vmem_shared>>
    tpu.enqueue_dma source(%arg10 : memref<16x128xf32, #tpu.memory_space<vmem>>) target(%dma_start3A_197 : memref<16x128xf32, #tpu.memory_space<vmem_shared>>) target_semaphore(%arg12 : memref<!tpu.dma_semaphore, #tpu.memory_space<semaphore_mem>>)
    %mul3A_198 = arith.constant 624 : i32
    %mul3A_199 = arith.muli %arg1, %mul3A_198 : i32
    %add3A_200 = arith.constant 384 : i32
    %add3A_201 = arith.addi %mul3A_199, %add3A_200 : i32
    %dma_start3A_202 = arith.constant 0 : i32
    %dma_start3A_203 = tpu.memref_slice %arg11[%add3A_201, %dma_start3A_202] : memref<10008x128xf32, #tpu.memory_space<vmem_shared>> -> memref<16x128xf32, #tpu.memory_space<vmem_shared>>
    %dma_start3A_204 = arith.constant 0 : i32
    %dma_start3A_205 = tpu.memref_slice %arg11[%add3A_201, %dma_start3A_204] : memref<10008x128xf32, #tpu.memory_space<vmem_shared>> -> memref<16x128xf32, #tpu.memory_space<vmem_shared>>
    tpu.enqueue_dma source(%arg10 : memref<16x128xf32, #tpu.memory_space<vmem>>) target(%dma_start3A_205 : memref<16x128xf32, #tpu.memory_space<vmem_shared>>) target_semaphore(%arg12 : memref<!tpu.dma_semaphore, #tpu.memory_space<semaphore_mem>>)
    %mul3A_206 = arith.constant 624 : i32
    %mul3A_207 = arith.muli %arg1, %mul3A_206 : i32
    %add3A_208 = arith.constant 400 : i32
    %add3A_209 = arith.addi %mul3A_207, %add3A_208 : i32
    %dma_start3A_210 = arith.constant 0 : i32
    %dma_start3A_211 = tpu.memref_slice %arg11[%add3A_209, %dma_start3A_210] : memref<10008x128xf32, #tpu.memory_space<vmem_shared>> -> memref<16x128xf32, #tpu.memory_space<vmem_shared>>
    %dma_start3A_212 = arith.constant 0 : i32
    %dma_start3A_213 = tpu.memref_slice %arg11[%add3A_209, %dma_start3A_212] : memref<10008x128xf32, #tpu.memory_space<vmem_shared>> -> memref<16x128xf32, #tpu.memory_space<vmem_shared>>
    tpu.enqueue_dma source(%arg10 : memref<16x128xf32, #tpu.memory_space<vmem>>) target(%dma_start3A_213 : memref<16x128xf32, #tpu.memory_space<vmem_shared>>) target_semaphore(%arg12 : memref<!tpu.dma_semaphore, #tpu.memory_space<semaphore_mem>>)
    %mul3A_214 = arith.constant 624 : i32
    %mul3A_215 = arith.muli %arg1, %mul3A_214 : i32
    %add3A_216 = arith.constant 416 : i32
    %add3A_217 = arith.addi %mul3A_215, %add3A_216 : i32
    %dma_start3A_218 = arith.constant 0 : i32
    %dma_start3A_219 = tpu.memref_slice %arg11[%add3A_217, %dma_start3A_218] : memref<10008x128xf32, #tpu.memory_space<vmem_shared>> -> memref<16x128xf32, #tpu.memory_space<vmem_shared>>
    %dma_start3A_220 = arith.constant 0 : i32
    %dma_start3A_221 = tpu.memref_slice %arg11[%add3A_217, %dma_start3A_220] : memref<10008x128xf32, #tpu.memory_space<vmem_shared>> -> memref<16x128xf32, #tpu.memory_space<vmem_shared>>
    tpu.enqueue_dma source(%arg10 : memref<16x128xf32, #tpu.memory_space<vmem>>) target(%dma_start3A_221 : memref<16x128xf32, #tpu.memory_space<vmem_shared>>) target_semaphore(%arg12 : memref<!tpu.dma_semaphore, #tpu.memory_space<semaphore_mem>>)
    %mul3A_222 = arith.constant 624 : i32
    %mul3A_223 = arith.muli %arg1, %mul3A_222 : i32
    %add3A_224 = arith.constant 432 : i32
    %add3A_225 = arith.addi %mul3A_223, %add3A_224 : i32
    %dma_start3A_226 = arith.constant 0 : i32
    %dma_start3A_227 = tpu.memref_slice %arg11[%add3A_225, %dma_start3A_226] : memref<10008x128xf32, #tpu.memory_space<vmem_shared>> -> memref<16x128xf32, #tpu.memory_space<vmem_shared>>
    %dma_start3A_228 = arith.constant 0 : i32
    %dma_start3A_229 = tpu.memref_slice %arg11[%add3A_225, %dma_start3A_228] : memref<10008x128xf32, #tpu.memory_space<vmem_shared>> -> memref<16x128xf32, #tpu.memory_space<vmem_shared>>
    tpu.enqueue_dma source(%arg10 : memref<16x128xf32, #tpu.memory_space<vmem>>) target(%dma_start3A_229 : memref<16x128xf32, #tpu.memory_space<vmem_shared>>) target_semaphore(%arg12 : memref<!tpu.dma_semaphore, #tpu.memory_space<semaphore_mem>>)
    %mul3A_230 = arith.constant 624 : i32
    %mul3A_231 = arith.muli %arg1, %mul3A_230 : i32
    %add3A_232 = arith.constant 448 : i32
    %add3A_233 = arith.addi %mul3A_231, %add3A_232 : i32
    %dma_start3A_234 = arith.constant 0 : i32
    %dma_start3A_235 = tpu.memref_slice %arg11[%add3A_233, %dma_start3A_234] : memref<10008x128xf32, #tpu.memory_space<vmem_shared>> -> memref<16x128xf32, #tpu.memory_space<vmem_shared>>
    %dma_start3A_236 = arith.constant 0 : i32
    %dma_start3A_237 = tpu.memref_slice %arg11[%add3A_233, %dma_start3A_236] : memref<10008x128xf32, #tpu.memory_space<vmem_shared>> -> memref<16x128xf32, #tpu.memory_space<vmem_shared>>
    tpu.enqueue_dma source(%arg10 : memref<16x128xf32, #tpu.memory_space<vmem>>) target(%dma_start3A_237 : memref<16x128xf32, #tpu.memory_space<vmem_shared>>) target_semaphore(%arg12 : memref<!tpu.dma_semaphore, #tpu.memory_space<semaphore_mem>>)
    %mul3A_238 = arith.constant 624 : i32
    %mul3A_239 = arith.muli %arg1, %mul3A_238 : i32
    %add3A_240 = arith.constant 464 : i32
    %add3A_241 = arith.addi %mul3A_239, %add3A_240 : i32
    %dma_start3A_242 = arith.constant 0 : i32
    %dma_start3A_243 = tpu.memref_slice %arg11[%add3A_241, %dma_start3A_242] : memref<10008x128xf32, #tpu.memory_space<vmem_shared>> -> memref<16x128xf32, #tpu.memory_space<vmem_shared>>
    %dma_start3A_244 = arith.constant 0 : i32
    %dma_start3A_245 = tpu.memref_slice %arg11[%add3A_241, %dma_start3A_244] : memref<10008x128xf32, #tpu.memory_space<vmem_shared>> -> memref<16x128xf32, #tpu.memory_space<vmem_shared>>
    tpu.enqueue_dma source(%arg10 : memref<16x128xf32, #tpu.memory_space<vmem>>) target(%dma_start3A_245 : memref<16x128xf32, #tpu.memory_space<vmem_shared>>) target_semaphore(%arg12 : memref<!tpu.dma_semaphore, #tpu.memory_space<semaphore_mem>>)
    %mul3A_246 = arith.constant 624 : i32
    %mul3A_247 = arith.muli %arg1, %mul3A_246 : i32
    %add3A_248 = arith.constant 480 : i32
    %add3A_249 = arith.addi %mul3A_247, %add3A_248 : i32
    %dma_start3A_250 = arith.constant 0 : i32
    %dma_start3A_251 = tpu.memref_slice %arg11[%add3A_249, %dma_start3A_250] : memref<10008x128xf32, #tpu.memory_space<vmem_shared>> -> memref<16x128xf32, #tpu.memory_space<vmem_shared>>
    %dma_start3A_252 = arith.constant 0 : i32
    %dma_start3A_253 = tpu.memref_slice %arg11[%add3A_249, %dma_start3A_252] : memref<10008x128xf32, #tpu.memory_space<vmem_shared>> -> memref<16x128xf32, #tpu.memory_space<vmem_shared>>
    tpu.enqueue_dma source(%arg10 : memref<16x128xf32, #tpu.memory_space<vmem>>) target(%dma_start3A_253 : memref<16x128xf32, #tpu.memory_space<vmem_shared>>) target_semaphore(%arg12 : memref<!tpu.dma_semaphore, #tpu.memory_space<semaphore_mem>>)
    %mul3A_254 = arith.constant 624 : i32
    %mul3A_255 = arith.muli %arg1, %mul3A_254 : i32
    %add3A_256 = arith.constant 496 : i32
    %add3A_257 = arith.addi %mul3A_255, %add3A_256 : i32
    %dma_start3A_258 = arith.constant 0 : i32
    %dma_start3A_259 = tpu.memref_slice %arg11[%add3A_257, %dma_start3A_258] : memref<10008x128xf32, #tpu.memory_space<vmem_shared>> -> memref<16x128xf32, #tpu.memory_space<vmem_shared>>
    %dma_start3A_260 = arith.constant 0 : i32
    %dma_start3A_261 = tpu.memref_slice %arg11[%add3A_257, %dma_start3A_260] : memref<10008x128xf32, #tpu.memory_space<vmem_shared>> -> memref<16x128xf32, #tpu.memory_space<vmem_shared>>
    tpu.enqueue_dma source(%arg10 : memref<16x128xf32, #tpu.memory_space<vmem>>) target(%dma_start3A_261 : memref<16x128xf32, #tpu.memory_space<vmem_shared>>) target_semaphore(%arg12 : memref<!tpu.dma_semaphore, #tpu.memory_space<semaphore_mem>>)
    %mul3A_262 = arith.constant 624 : i32
    %mul3A_263 = arith.muli %arg1, %mul3A_262 : i32
    %add3A_264 = arith.constant 512 : i32
    %add3A_265 = arith.addi %mul3A_263, %add3A_264 : i32
    %dma_start3A_266 = arith.constant 0 : i32
    %dma_start3A_267 = tpu.memref_slice %arg11[%add3A_265, %dma_start3A_266] : memref<10008x128xf32, #tpu.memory_space<vmem_shared>> -> memref<16x128xf32, #tpu.memory_space<vmem_shared>>
    %dma_start3A_268 = arith.constant 0 : i32
    %dma_start3A_269 = tpu.memref_slice %arg11[%add3A_265, %dma_start3A_268] : memref<10008x128xf32, #tpu.memory_space<vmem_shared>> -> memref<16x128xf32, #tpu.memory_space<vmem_shared>>
    tpu.enqueue_dma source(%arg10 : memref<16x128xf32, #tpu.memory_space<vmem>>) target(%dma_start3A_269 : memref<16x128xf32, #tpu.memory_space<vmem_shared>>) target_semaphore(%arg12 : memref<!tpu.dma_semaphore, #tpu.memory_space<semaphore_mem>>)
    %mul3A_270 = arith.constant 624 : i32
    %mul3A_271 = arith.muli %arg1, %mul3A_270 : i32
    %add3A_272 = arith.constant 528 : i32
    %add3A_273 = arith.addi %mul3A_271, %add3A_272 : i32
    %dma_start3A_274 = arith.constant 0 : i32
    %dma_start3A_275 = tpu.memref_slice %arg11[%add3A_273, %dma_start3A_274] : memref<10008x128xf32, #tpu.memory_space<vmem_shared>> -> memref<16x128xf32, #tpu.memory_space<vmem_shared>>
    %dma_start3A_276 = arith.constant 0 : i32
    %dma_start3A_277 = tpu.memref_slice %arg11[%add3A_273, %dma_start3A_276] : memref<10008x128xf32, #tpu.memory_space<vmem_shared>> -> memref<16x128xf32, #tpu.memory_space<vmem_shared>>
    tpu.enqueue_dma source(%arg10 : memref<16x128xf32, #tpu.memory_space<vmem>>) target(%dma_start3A_277 : memref<16x128xf32, #tpu.memory_space<vmem_shared>>) target_semaphore(%arg12 : memref<!tpu.dma_semaphore, #tpu.memory_space<semaphore_mem>>)
    %mul3A_278 = arith.constant 624 : i32
    %mul3A_279 = arith.muli %arg1, %mul3A_278 : i32
    %add3A_280 = arith.constant 544 : i32
    %add3A_281 = arith.addi %mul3A_279, %add3A_280 : i32
    %dma_start3A_282 = arith.constant 0 : i32
    %dma_start3A_283 = tpu.memref_slice %arg11[%add3A_281, %dma_start3A_282] : memref<10008x128xf32, #tpu.memory_space<vmem_shared>> -> memref<16x128xf32, #tpu.memory_space<vmem_shared>>
    %dma_start3A_284 = arith.constant 0 : i32
    %dma_start3A_285 = tpu.memref_slice %arg11[%add3A_281, %dma_start3A_284] : memref<10008x128xf32, #tpu.memory_space<vmem_shared>> -> memref<16x128xf32, #tpu.memory_space<vmem_shared>>
    tpu.enqueue_dma source(%arg10 : memref<16x128xf32, #tpu.memory_space<vmem>>) target(%dma_start3A_285 : memref<16x128xf32, #tpu.memory_space<vmem_shared>>) target_semaphore(%arg12 : memref<!tpu.dma_semaphore, #tpu.memory_space<semaphore_mem>>)
    %mul3A_286 = arith.constant 624 : i32
    %mul3A_287 = arith.muli %arg1, %mul3A_286 : i32
    %add3A_288 = arith.constant 560 : i32
    %add3A_289 = arith.addi %mul3A_287, %add3A_288 : i32
    %dma_start3A_290 = arith.constant 0 : i32
    %dma_start3A_291 = tpu.memref_slice %arg11[%add3A_289, %dma_start3A_290] : memref<10008x128xf32, #tpu.memory_space<vmem_shared>> -> memref<16x128xf32, #tpu.memory_space<vmem_shared>>
    %dma_start3A_292 = arith.constant 0 : i32
    %dma_start3A_293 = tpu.memref_slice %arg11[%add3A_289, %dma_start3A_292] : memref<10008x128xf32, #tpu.memory_space<vmem_shared>> -> memref<16x128xf32, #tpu.memory_space<vmem_shared>>
    tpu.enqueue_dma source(%arg10 : memref<16x128xf32, #tpu.memory_space<vmem>>) target(%dma_start3A_293 : memref<16x128xf32, #tpu.memory_space<vmem_shared>>) target_semaphore(%arg12 : memref<!tpu.dma_semaphore, #tpu.memory_space<semaphore_mem>>)
    %mul3A_294 = arith.constant 624 : i32
    %mul3A_295 = arith.muli %arg1, %mul3A_294 : i32
    %add3A_296 = arith.constant 576 : i32
    %add3A_297 = arith.addi %mul3A_295, %add3A_296 : i32
    %dma_start3A_298 = arith.constant 0 : i32
    %dma_start3A_299 = tpu.memref_slice %arg11[%add3A_297, %dma_start3A_298] : memref<10008x128xf32, #tpu.memory_space<vmem_shared>> -> memref<16x128xf32, #tpu.memory_space<vmem_shared>>
    %dma_start3A_300 = arith.constant 0 : i32
    %dma_start3A_301 = tpu.memref_slice %arg11[%add3A_297, %dma_start3A_300] : memref<10008x128xf32, #tpu.memory_space<vmem_shared>> -> memref<16x128xf32, #tpu.memory_space<vmem_shared>>
    tpu.enqueue_dma source(%arg10 : memref<16x128xf32, #tpu.memory_space<vmem>>) target(%dma_start3A_301 : memref<16x128xf32, #tpu.memory_space<vmem_shared>>) target_semaphore(%arg12 : memref<!tpu.dma_semaphore, #tpu.memory_space<semaphore_mem>>)
    %mul3A_302 = arith.constant 624 : i32
    %mul3A_303 = arith.muli %arg1, %mul3A_302 : i32
    %add3A_304 = arith.constant 592 : i32
    %add3A_305 = arith.addi %mul3A_303, %add3A_304 : i32
    %dma_start3A_306 = arith.constant 0 : i32
    %dma_start3A_307 = tpu.memref_slice %arg11[%add3A_305, %dma_start3A_306] : memref<10008x128xf32, #tpu.memory_space<vmem_shared>> -> memref<16x128xf32, #tpu.memory_space<vmem_shared>>
    %dma_start3A_308 = arith.constant 0 : i32
    %dma_start3A_309 = tpu.memref_slice %arg11[%add3A_305, %dma_start3A_308] : memref<10008x128xf32, #tpu.memory_space<vmem_shared>> -> memref<16x128xf32, #tpu.memory_space<vmem_shared>>
    tpu.enqueue_dma source(%arg10 : memref<16x128xf32, #tpu.memory_space<vmem>>) target(%dma_start3A_309 : memref<16x128xf32, #tpu.memory_space<vmem_shared>>) target_semaphore(%arg12 : memref<!tpu.dma_semaphore, #tpu.memory_space<semaphore_mem>>)
    %mul3A_310 = arith.constant 624 : i32
    %mul3A_311 = arith.muli %arg1, %mul3A_310 : i32
    %add3A_312 = arith.constant 608 : i32
    %add3A_313 = arith.addi %mul3A_311, %add3A_312 : i32
    %dma_start3A_314 = arith.constant 0 : i32
    %dma_start3A_315 = tpu.memref_slice %arg11[%add3A_313, %dma_start3A_314] : memref<10008x128xf32, #tpu.memory_space<vmem_shared>> -> memref<16x128xf32, #tpu.memory_space<vmem_shared>>
    %dma_start3A_316 = arith.constant 0 : i32
    %dma_start3A_317 = tpu.memref_slice %arg11[%add3A_313, %dma_start3A_316] : memref<10008x128xf32, #tpu.memory_space<vmem_shared>> -> memref<16x128xf32, #tpu.memory_space<vmem_shared>>
    tpu.enqueue_dma source(%arg10 : memref<16x128xf32, #tpu.memory_space<vmem>>) target(%dma_start3A_317 : memref<16x128xf32, #tpu.memory_space<vmem_shared>>) target_semaphore(%arg12 : memref<!tpu.dma_semaphore, #tpu.memory_space<semaphore_mem>>)
    %mul3A_318 = arith.constant 624 : i32
    %mul3A_319 = arith.muli %arg1, %mul3A_318 : i32
    %add3A_320 = arith.constant 0 : i32
    %add3A_321 = arith.addi %mul3A_319, %add3A_320 : i32
    %dma_wait3A = arith.constant 0 : i32
    %dma_wait3A_322 = tpu.memref_slice %arg11[%add3A_321, %dma_wait3A] : memref<10008x128xf32, #tpu.memory_space<vmem_shared>> -> memref<16x128xf32, #tpu.memory_space<vmem_shared>>
    %dma_wait3A_323 = arith.constant 0 : i32
    %dma_wait3A_324 = tpu.memref_slice %arg11[%add3A_321, %dma_wait3A_323] : memref<10008x128xf32, #tpu.memory_space<vmem_shared>> -> memref<16x128xf32, #tpu.memory_space<vmem_shared>>
    tpu.wait_dma2 semaphore(%arg12 : memref<!tpu.dma_semaphore, #tpu.memory_space<semaphore_mem>>) src(%arg10 : memref<16x128xf32, #tpu.memory_space<vmem>>) dst(%dma_wait3A_324 : memref<16x128xf32, #tpu.memory_space<vmem_shared>>)
    %mul3A_325 = arith.constant 624 : i32
    %mul3A_326 = arith.muli %arg1, %mul3A_325 : i32
    %add3A_327 = arith.constant 16 : i32
    %add3A_328 = arith.addi %mul3A_326, %add3A_327 : i32
    %dma_wait3A_329 = arith.constant 0 : i32
    %dma_wait3A_330 = tpu.memref_slice %arg11[%add3A_328, %dma_wait3A_329] : memref<10008x128xf32, #tpu.memory_space<vmem_shared>> -> memref<16x128xf32, #tpu.memory_space<vmem_shared>>
    %dma_wait3A_331 = arith.constant 0 : i32
    %dma_wait3A_332 = tpu.memref_slice %arg11[%add3A_328, %dma_wait3A_331] : memref<10008x128xf32, #tpu.memory_space<vmem_shared>> -> memref<16x128xf32, #tpu.memory_space<vmem_shared>>
    tpu.wait_dma2 semaphore(%arg12 : memref<!tpu.dma_semaphore, #tpu.memory_space<semaphore_mem>>) src(%arg10 : memref<16x128xf32, #tpu.memory_space<vmem>>) dst(%dma_wait3A_332 : memref<16x128xf32, #tpu.memory_space<vmem_shared>>)
    %mul3A_333 = arith.constant 624 : i32
    %mul3A_334 = arith.muli %arg1, %mul3A_333 : i32
    %add3A_335 = arith.constant 32 : i32
    %add3A_336 = arith.addi %mul3A_334, %add3A_335 : i32
    %dma_wait3A_337 = arith.constant 0 : i32
    %dma_wait3A_338 = tpu.memref_slice %arg11[%add3A_336, %dma_wait3A_337] : memref<10008x128xf32, #tpu.memory_space<vmem_shared>> -> memref<16x128xf32, #tpu.memory_space<vmem_shared>>
    %dma_wait3A_339 = arith.constant 0 : i32
    %dma_wait3A_340 = tpu.memref_slice %arg11[%add3A_336, %dma_wait3A_339] : memref<10008x128xf32, #tpu.memory_space<vmem_shared>> -> memref<16x128xf32, #tpu.memory_space<vmem_shared>>
    tpu.wait_dma2 semaphore(%arg12 : memref<!tpu.dma_semaphore, #tpu.memory_space<semaphore_mem>>) src(%arg10 : memref<16x128xf32, #tpu.memory_space<vmem>>) dst(%dma_wait3A_340 : memref<16x128xf32, #tpu.memory_space<vmem_shared>>)
    %mul3A_341 = arith.constant 624 : i32
    %mul3A_342 = arith.muli %arg1, %mul3A_341 : i32
    %add3A_343 = arith.constant 48 : i32
    %add3A_344 = arith.addi %mul3A_342, %add3A_343 : i32
    %dma_wait3A_345 = arith.constant 0 : i32
    %dma_wait3A_346 = tpu.memref_slice %arg11[%add3A_344, %dma_wait3A_345] : memref<10008x128xf32, #tpu.memory_space<vmem_shared>> -> memref<16x128xf32, #tpu.memory_space<vmem_shared>>
    %dma_wait3A_347 = arith.constant 0 : i32
    %dma_wait3A_348 = tpu.memref_slice %arg11[%add3A_344, %dma_wait3A_347] : memref<10008x128xf32, #tpu.memory_space<vmem_shared>> -> memref<16x128xf32, #tpu.memory_space<vmem_shared>>
    tpu.wait_dma2 semaphore(%arg12 : memref<!tpu.dma_semaphore, #tpu.memory_space<semaphore_mem>>) src(%arg10 : memref<16x128xf32, #tpu.memory_space<vmem>>) dst(%dma_wait3A_348 : memref<16x128xf32, #tpu.memory_space<vmem_shared>>)
    %mul3A_349 = arith.constant 624 : i32
    %mul3A_350 = arith.muli %arg1, %mul3A_349 : i32
    %add3A_351 = arith.constant 64 : i32
    %add3A_352 = arith.addi %mul3A_350, %add3A_351 : i32
    %dma_wait3A_353 = arith.constant 0 : i32
    %dma_wait3A_354 = tpu.memref_slice %arg11[%add3A_352, %dma_wait3A_353] : memref<10008x128xf32, #tpu.memory_space<vmem_shared>> -> memref<16x128xf32, #tpu.memory_space<vmem_shared>>
    %dma_wait3A_355 = arith.constant 0 : i32
    %dma_wait3A_356 = tpu.memref_slice %arg11[%add3A_352, %dma_wait3A_355] : memref<10008x128xf32, #tpu.memory_space<vmem_shared>> -> memref<16x128xf32, #tpu.memory_space<vmem_shared>>
    tpu.wait_dma2 semaphore(%arg12 : memref<!tpu.dma_semaphore, #tpu.memory_space<semaphore_mem>>) src(%arg10 : memref<16x128xf32, #tpu.memory_space<vmem>>) dst(%dma_wait3A_356 : memref<16x128xf32, #tpu.memory_space<vmem_shared>>)
    %mul3A_357 = arith.constant 624 : i32
    %mul3A_358 = arith.muli %arg1, %mul3A_357 : i32
    %add3A_359 = arith.constant 80 : i32
    %add3A_360 = arith.addi %mul3A_358, %add3A_359 : i32
    %dma_wait3A_361 = arith.constant 0 : i32
    %dma_wait3A_362 = tpu.memref_slice %arg11[%add3A_360, %dma_wait3A_361] : memref<10008x128xf32, #tpu.memory_space<vmem_shared>> -> memref<16x128xf32, #tpu.memory_space<vmem_shared>>
    %dma_wait3A_363 = arith.constant 0 : i32
    %dma_wait3A_364 = tpu.memref_slice %arg11[%add3A_360, %dma_wait3A_363] : memref<10008x128xf32, #tpu.memory_space<vmem_shared>> -> memref<16x128xf32, #tpu.memory_space<vmem_shared>>
    tpu.wait_dma2 semaphore(%arg12 : memref<!tpu.dma_semaphore, #tpu.memory_space<semaphore_mem>>) src(%arg10 : memref<16x128xf32, #tpu.memory_space<vmem>>) dst(%dma_wait3A_364 : memref<16x128xf32, #tpu.memory_space<vmem_shared>>)
    %mul3A_365 = arith.constant 624 : i32
    %mul3A_366 = arith.muli %arg1, %mul3A_365 : i32
    %add3A_367 = arith.constant 96 : i32
    %add3A_368 = arith.addi %mul3A_366, %add3A_367 : i32
    %dma_wait3A_369 = arith.constant 0 : i32
    %dma_wait3A_370 = tpu.memref_slice %arg11[%add3A_368, %dma_wait3A_369] : memref<10008x128xf32, #tpu.memory_space<vmem_shared>> -> memref<16x128xf32, #tpu.memory_space<vmem_shared>>
    %dma_wait3A_371 = arith.constant 0 : i32
    %dma_wait3A_372 = tpu.memref_slice %arg11[%add3A_368, %dma_wait3A_371] : memref<10008x128xf32, #tpu.memory_space<vmem_shared>> -> memref<16x128xf32, #tpu.memory_space<vmem_shared>>
    tpu.wait_dma2 semaphore(%arg12 : memref<!tpu.dma_semaphore, #tpu.memory_space<semaphore_mem>>) src(%arg10 : memref<16x128xf32, #tpu.memory_space<vmem>>) dst(%dma_wait3A_372 : memref<16x128xf32, #tpu.memory_space<vmem_shared>>)
    %mul3A_373 = arith.constant 624 : i32
    %mul3A_374 = arith.muli %arg1, %mul3A_373 : i32
    %add3A_375 = arith.constant 112 : i32
    %add3A_376 = arith.addi %mul3A_374, %add3A_375 : i32
    %dma_wait3A_377 = arith.constant 0 : i32
    %dma_wait3A_378 = tpu.memref_slice %arg11[%add3A_376, %dma_wait3A_377] : memref<10008x128xf32, #tpu.memory_space<vmem_shared>> -> memref<16x128xf32, #tpu.memory_space<vmem_shared>>
    %dma_wait3A_379 = arith.constant 0 : i32
    %dma_wait3A_380 = tpu.memref_slice %arg11[%add3A_376, %dma_wait3A_379] : memref<10008x128xf32, #tpu.memory_space<vmem_shared>> -> memref<16x128xf32, #tpu.memory_space<vmem_shared>>
    tpu.wait_dma2 semaphore(%arg12 : memref<!tpu.dma_semaphore, #tpu.memory_space<semaphore_mem>>) src(%arg10 : memref<16x128xf32, #tpu.memory_space<vmem>>) dst(%dma_wait3A_380 : memref<16x128xf32, #tpu.memory_space<vmem_shared>>)
    %mul3A_381 = arith.constant 624 : i32
    %mul3A_382 = arith.muli %arg1, %mul3A_381 : i32
    %add3A_383 = arith.constant 128 : i32
    %add3A_384 = arith.addi %mul3A_382, %add3A_383 : i32
    %dma_wait3A_385 = arith.constant 0 : i32
    %dma_wait3A_386 = tpu.memref_slice %arg11[%add3A_384, %dma_wait3A_385] : memref<10008x128xf32, #tpu.memory_space<vmem_shared>> -> memref<16x128xf32, #tpu.memory_space<vmem_shared>>
    %dma_wait3A_387 = arith.constant 0 : i32
    %dma_wait3A_388 = tpu.memref_slice %arg11[%add3A_384, %dma_wait3A_387] : memref<10008x128xf32, #tpu.memory_space<vmem_shared>> -> memref<16x128xf32, #tpu.memory_space<vmem_shared>>
    tpu.wait_dma2 semaphore(%arg12 : memref<!tpu.dma_semaphore, #tpu.memory_space<semaphore_mem>>) src(%arg10 : memref<16x128xf32, #tpu.memory_space<vmem>>) dst(%dma_wait3A_388 : memref<16x128xf32, #tpu.memory_space<vmem_shared>>)
    %mul3A_389 = arith.constant 624 : i32
    %mul3A_390 = arith.muli %arg1, %mul3A_389 : i32
    %add3A_391 = arith.constant 144 : i32
    %add3A_392 = arith.addi %mul3A_390, %add3A_391 : i32
    %dma_wait3A_393 = arith.constant 0 : i32
    %dma_wait3A_394 = tpu.memref_slice %arg11[%add3A_392, %dma_wait3A_393] : memref<10008x128xf32, #tpu.memory_space<vmem_shared>> -> memref<16x128xf32, #tpu.memory_space<vmem_shared>>
    %dma_wait3A_395 = arith.constant 0 : i32
    %dma_wait3A_396 = tpu.memref_slice %arg11[%add3A_392, %dma_wait3A_395] : memref<10008x128xf32, #tpu.memory_space<vmem_shared>> -> memref<16x128xf32, #tpu.memory_space<vmem_shared>>
    tpu.wait_dma2 semaphore(%arg12 : memref<!tpu.dma_semaphore, #tpu.memory_space<semaphore_mem>>) src(%arg10 : memref<16x128xf32, #tpu.memory_space<vmem>>) dst(%dma_wait3A_396 : memref<16x128xf32, #tpu.memory_space<vmem_shared>>)
    %mul3A_397 = arith.constant 624 : i32
    %mul3A_398 = arith.muli %arg1, %mul3A_397 : i32
    %add3A_399 = arith.constant 160 : i32
    %add3A_400 = arith.addi %mul3A_398, %add3A_399 : i32
    %dma_wait3A_401 = arith.constant 0 : i32
    %dma_wait3A_402 = tpu.memref_slice %arg11[%add3A_400, %dma_wait3A_401] : memref<10008x128xf32, #tpu.memory_space<vmem_shared>> -> memref<16x128xf32, #tpu.memory_space<vmem_shared>>
    %dma_wait3A_403 = arith.constant 0 : i32
    %dma_wait3A_404 = tpu.memref_slice %arg11[%add3A_400, %dma_wait3A_403] : memref<10008x128xf32, #tpu.memory_space<vmem_shared>> -> memref<16x128xf32, #tpu.memory_space<vmem_shared>>
    tpu.wait_dma2 semaphore(%arg12 : memref<!tpu.dma_semaphore, #tpu.memory_space<semaphore_mem>>) src(%arg10 : memref<16x128xf32, #tpu.memory_space<vmem>>) dst(%dma_wait3A_404 : memref<16x128xf32, #tpu.memory_space<vmem_shared>>)
    %mul3A_405 = arith.constant 624 : i32
    %mul3A_406 = arith.muli %arg1, %mul3A_405 : i32
    %add3A_407 = arith.constant 176 : i32
    %add3A_408 = arith.addi %mul3A_406, %add3A_407 : i32
    %dma_wait3A_409 = arith.constant 0 : i32
    %dma_wait3A_410 = tpu.memref_slice %arg11[%add3A_408, %dma_wait3A_409] : memref<10008x128xf32, #tpu.memory_space<vmem_shared>> -> memref<16x128xf32, #tpu.memory_space<vmem_shared>>
    %dma_wait3A_411 = arith.constant 0 : i32
    %dma_wait3A_412 = tpu.memref_slice %arg11[%add3A_408, %dma_wait3A_411] : memref<10008x128xf32, #tpu.memory_space<vmem_shared>> -> memref<16x128xf32, #tpu.memory_space<vmem_shared>>
    tpu.wait_dma2 semaphore(%arg12 : memref<!tpu.dma_semaphore, #tpu.memory_space<semaphore_mem>>) src(%arg10 : memref<16x128xf32, #tpu.memory_space<vmem>>) dst(%dma_wait3A_412 : memref<16x128xf32, #tpu.memory_space<vmem_shared>>)
    %mul3A_413 = arith.constant 624 : i32
    %mul3A_414 = arith.muli %arg1, %mul3A_413 : i32
    %add3A_415 = arith.constant 192 : i32
    %add3A_416 = arith.addi %mul3A_414, %add3A_415 : i32
    %dma_wait3A_417 = arith.constant 0 : i32
    %dma_wait3A_418 = tpu.memref_slice %arg11[%add3A_416, %dma_wait3A_417] : memref<10008x128xf32, #tpu.memory_space<vmem_shared>> -> memref<16x128xf32, #tpu.memory_space<vmem_shared>>
    %dma_wait3A_419 = arith.constant 0 : i32
    %dma_wait3A_420 = tpu.memref_slice %arg11[%add3A_416, %dma_wait3A_419] : memref<10008x128xf32, #tpu.memory_space<vmem_shared>> -> memref<16x128xf32, #tpu.memory_space<vmem_shared>>
    tpu.wait_dma2 semaphore(%arg12 : memref<!tpu.dma_semaphore, #tpu.memory_space<semaphore_mem>>) src(%arg10 : memref<16x128xf32, #tpu.memory_space<vmem>>) dst(%dma_wait3A_420 : memref<16x128xf32, #tpu.memory_space<vmem_shared>>)
    %mul3A_421 = arith.constant 624 : i32
    %mul3A_422 = arith.muli %arg1, %mul3A_421 : i32
    %add3A_423 = arith.constant 208 : i32
    %add3A_424 = arith.addi %mul3A_422, %add3A_423 : i32
    %dma_wait3A_425 = arith.constant 0 : i32
    %dma_wait3A_426 = tpu.memref_slice %arg11[%add3A_424, %dma_wait3A_425] : memref<10008x128xf32, #tpu.memory_space<vmem_shared>> -> memref<16x128xf32, #tpu.memory_space<vmem_shared>>
    %dma_wait3A_427 = arith.constant 0 : i32
    %dma_wait3A_428 = tpu.memref_slice %arg11[%add3A_424, %dma_wait3A_427] : memref<10008x128xf32, #tpu.memory_space<vmem_shared>> -> memref<16x128xf32, #tpu.memory_space<vmem_shared>>
    tpu.wait_dma2 semaphore(%arg12 : memref<!tpu.dma_semaphore, #tpu.memory_space<semaphore_mem>>) src(%arg10 : memref<16x128xf32, #tpu.memory_space<vmem>>) dst(%dma_wait3A_428 : memref<16x128xf32, #tpu.memory_space<vmem_shared>>)
    %mul3A_429 = arith.constant 624 : i32
    %mul3A_430 = arith.muli %arg1, %mul3A_429 : i32
    %add3A_431 = arith.constant 224 : i32
    %add3A_432 = arith.addi %mul3A_430, %add3A_431 : i32
    %dma_wait3A_433 = arith.constant 0 : i32
    %dma_wait3A_434 = tpu.memref_slice %arg11[%add3A_432, %dma_wait3A_433] : memref<10008x128xf32, #tpu.memory_space<vmem_shared>> -> memref<16x128xf32, #tpu.memory_space<vmem_shared>>
    %dma_wait3A_435 = arith.constant 0 : i32
    %dma_wait3A_436 = tpu.memref_slice %arg11[%add3A_432, %dma_wait3A_435] : memref<10008x128xf32, #tpu.memory_space<vmem_shared>> -> memref<16x128xf32, #tpu.memory_space<vmem_shared>>
    tpu.wait_dma2 semaphore(%arg12 : memref<!tpu.dma_semaphore, #tpu.memory_space<semaphore_mem>>) src(%arg10 : memref<16x128xf32, #tpu.memory_space<vmem>>) dst(%dma_wait3A_436 : memref<16x128xf32, #tpu.memory_space<vmem_shared>>)
    %mul3A_437 = arith.constant 624 : i32
    %mul3A_438 = arith.muli %arg1, %mul3A_437 : i32
    %add3A_439 = arith.constant 240 : i32
    %add3A_440 = arith.addi %mul3A_438, %add3A_439 : i32
    %dma_wait3A_441 = arith.constant 0 : i32
    %dma_wait3A_442 = tpu.memref_slice %arg11[%add3A_440, %dma_wait3A_441] : memref<10008x128xf32, #tpu.memory_space<vmem_shared>> -> memref<16x128xf32, #tpu.memory_space<vmem_shared>>
    %dma_wait3A_443 = arith.constant 0 : i32
    %dma_wait3A_444 = tpu.memref_slice %arg11[%add3A_440, %dma_wait3A_443] : memref<10008x128xf32, #tpu.memory_space<vmem_shared>> -> memref<16x128xf32, #tpu.memory_space<vmem_shared>>
    tpu.wait_dma2 semaphore(%arg12 : memref<!tpu.dma_semaphore, #tpu.memory_space<semaphore_mem>>) src(%arg10 : memref<16x128xf32, #tpu.memory_space<vmem>>) dst(%dma_wait3A_444 : memref<16x128xf32, #tpu.memory_space<vmem_shared>>)
    %mul3A_445 = arith.constant 624 : i32
    %mul3A_446 = arith.muli %arg1, %mul3A_445 : i32
    %add3A_447 = arith.constant 256 : i32
    %add3A_448 = arith.addi %mul3A_446, %add3A_447 : i32
    %dma_wait3A_449 = arith.constant 0 : i32
    %dma_wait3A_450 = tpu.memref_slice %arg11[%add3A_448, %dma_wait3A_449] : memref<10008x128xf32, #tpu.memory_space<vmem_shared>> -> memref<16x128xf32, #tpu.memory_space<vmem_shared>>
    %dma_wait3A_451 = arith.constant 0 : i32
    %dma_wait3A_452 = tpu.memref_slice %arg11[%add3A_448, %dma_wait3A_451] : memref<10008x128xf32, #tpu.memory_space<vmem_shared>> -> memref<16x128xf32, #tpu.memory_space<vmem_shared>>
    tpu.wait_dma2 semaphore(%arg12 : memref<!tpu.dma_semaphore, #tpu.memory_space<semaphore_mem>>) src(%arg10 : memref<16x128xf32, #tpu.memory_space<vmem>>) dst(%dma_wait3A_452 : memref<16x128xf32, #tpu.memory_space<vmem_shared>>)
    %mul3A_453 = arith.constant 624 : i32
    %mul3A_454 = arith.muli %arg1, %mul3A_453 : i32
    %add3A_455 = arith.constant 272 : i32
    %add3A_456 = arith.addi %mul3A_454, %add3A_455 : i32
    %dma_wait3A_457 = arith.constant 0 : i32
    %dma_wait3A_458 = tpu.memref_slice %arg11[%add3A_456, %dma_wait3A_457] : memref<10008x128xf32, #tpu.memory_space<vmem_shared>> -> memref<16x128xf32, #tpu.memory_space<vmem_shared>>
    %dma_wait3A_459 = arith.constant 0 : i32
    %dma_wait3A_460 = tpu.memref_slice %arg11[%add3A_456, %dma_wait3A_459] : memref<10008x128xf32, #tpu.memory_space<vmem_shared>> -> memref<16x128xf32, #tpu.memory_space<vmem_shared>>
    tpu.wait_dma2 semaphore(%arg12 : memref<!tpu.dma_semaphore, #tpu.memory_space<semaphore_mem>>) src(%arg10 : memref<16x128xf32, #tpu.memory_space<vmem>>) dst(%dma_wait3A_460 : memref<16x128xf32, #tpu.memory_space<vmem_shared>>)
    %mul3A_461 = arith.constant 624 : i32
    %mul3A_462 = arith.muli %arg1, %mul3A_461 : i32
    %add3A_463 = arith.constant 288 : i32
    %add3A_464 = arith.addi %mul3A_462, %add3A_463 : i32
    %dma_wait3A_465 = arith.constant 0 : i32
    %dma_wait3A_466 = tpu.memref_slice %arg11[%add3A_464, %dma_wait3A_465] : memref<10008x128xf32, #tpu.memory_space<vmem_shared>> -> memref<16x128xf32, #tpu.memory_space<vmem_shared>>
    %dma_wait3A_467 = arith.constant 0 : i32
    %dma_wait3A_468 = tpu.memref_slice %arg11[%add3A_464, %dma_wait3A_467] : memref<10008x128xf32, #tpu.memory_space<vmem_shared>> -> memref<16x128xf32, #tpu.memory_space<vmem_shared>>
    tpu.wait_dma2 semaphore(%arg12 : memref<!tpu.dma_semaphore, #tpu.memory_space<semaphore_mem>>) src(%arg10 : memref<16x128xf32, #tpu.memory_space<vmem>>) dst(%dma_wait3A_468 : memref<16x128xf32, #tpu.memory_space<vmem_shared>>)
    %mul3A_469 = arith.constant 624 : i32
    %mul3A_470 = arith.muli %arg1, %mul3A_469 : i32
    %add3A_471 = arith.constant 304 : i32
    %add3A_472 = arith.addi %mul3A_470, %add3A_471 : i32
    %dma_wait3A_473 = arith.constant 0 : i32
    %dma_wait3A_474 = tpu.memref_slice %arg11[%add3A_472, %dma_wait3A_473] : memref<10008x128xf32, #tpu.memory_space<vmem_shared>> -> memref<16x128xf32, #tpu.memory_space<vmem_shared>>
    %dma_wait3A_475 = arith.constant 0 : i32
    %dma_wait3A_476 = tpu.memref_slice %arg11[%add3A_472, %dma_wait3A_475] : memref<10008x128xf32, #tpu.memory_space<vmem_shared>> -> memref<16x128xf32, #tpu.memory_space<vmem_shared>>
    tpu.wait_dma2 semaphore(%arg12 : memref<!tpu.dma_semaphore, #tpu.memory_space<semaphore_mem>>) src(%arg10 : memref<16x128xf32, #tpu.memory_space<vmem>>) dst(%dma_wait3A_476 : memref<16x128xf32, #tpu.memory_space<vmem_shared>>)
    %mul3A_477 = arith.constant 624 : i32
    %mul3A_478 = arith.muli %arg1, %mul3A_477 : i32
    %add3A_479 = arith.constant 320 : i32
    %add3A_480 = arith.addi %mul3A_478, %add3A_479 : i32
    %dma_wait3A_481 = arith.constant 0 : i32
    %dma_wait3A_482 = tpu.memref_slice %arg11[%add3A_480, %dma_wait3A_481] : memref<10008x128xf32, #tpu.memory_space<vmem_shared>> -> memref<16x128xf32, #tpu.memory_space<vmem_shared>>
    %dma_wait3A_483 = arith.constant 0 : i32
    %dma_wait3A_484 = tpu.memref_slice %arg11[%add3A_480, %dma_wait3A_483] : memref<10008x128xf32, #tpu.memory_space<vmem_shared>> -> memref<16x128xf32, #tpu.memory_space<vmem_shared>>
    tpu.wait_dma2 semaphore(%arg12 : memref<!tpu.dma_semaphore, #tpu.memory_space<semaphore_mem>>) src(%arg10 : memref<16x128xf32, #tpu.memory_space<vmem>>) dst(%dma_wait3A_484 : memref<16x128xf32, #tpu.memory_space<vmem_shared>>)
    %mul3A_485 = arith.constant 624 : i32
    %mul3A_486 = arith.muli %arg1, %mul3A_485 : i32
    %add3A_487 = arith.constant 336 : i32
    %add3A_488 = arith.addi %mul3A_486, %add3A_487 : i32
    %dma_wait3A_489 = arith.constant 0 : i32
    %dma_wait3A_490 = tpu.memref_slice %arg11[%add3A_488, %dma_wait3A_489] : memref<10008x128xf32, #tpu.memory_space<vmem_shared>> -> memref<16x128xf32, #tpu.memory_space<vmem_shared>>
    %dma_wait3A_491 = arith.constant 0 : i32
    %dma_wait3A_492 = tpu.memref_slice %arg11[%add3A_488, %dma_wait3A_491] : memref<10008x128xf32, #tpu.memory_space<vmem_shared>> -> memref<16x128xf32, #tpu.memory_space<vmem_shared>>
    tpu.wait_dma2 semaphore(%arg12 : memref<!tpu.dma_semaphore, #tpu.memory_space<semaphore_mem>>) src(%arg10 : memref<16x128xf32, #tpu.memory_space<vmem>>) dst(%dma_wait3A_492 : memref<16x128xf32, #tpu.memory_space<vmem_shared>>)
    %mul3A_493 = arith.constant 624 : i32
    %mul3A_494 = arith.muli %arg1, %mul3A_493 : i32
    %add3A_495 = arith.constant 352 : i32
    %add3A_496 = arith.addi %mul3A_494, %add3A_495 : i32
    %dma_wait3A_497 = arith.constant 0 : i32
    %dma_wait3A_498 = tpu.memref_slice %arg11[%add3A_496, %dma_wait3A_497] : memref<10008x128xf32, #tpu.memory_space<vmem_shared>> -> memref<16x128xf32, #tpu.memory_space<vmem_shared>>
    %dma_wait3A_499 = arith.constant 0 : i32
    %dma_wait3A_500 = tpu.memref_slice %arg11[%add3A_496, %dma_wait3A_499] : memref<10008x128xf32, #tpu.memory_space<vmem_shared>> -> memref<16x128xf32, #tpu.memory_space<vmem_shared>>
    tpu.wait_dma2 semaphore(%arg12 : memref<!tpu.dma_semaphore, #tpu.memory_space<semaphore_mem>>) src(%arg10 : memref<16x128xf32, #tpu.memory_space<vmem>>) dst(%dma_wait3A_500 : memref<16x128xf32, #tpu.memory_space<vmem_shared>>)
    %mul3A_501 = arith.constant 624 : i32
    %mul3A_502 = arith.muli %arg1, %mul3A_501 : i32
    %add3A_503 = arith.constant 368 : i32
    %add3A_504 = arith.addi %mul3A_502, %add3A_503 : i32
    %dma_wait3A_505 = arith.constant 0 : i32
    %dma_wait3A_506 = tpu.memref_slice %arg11[%add3A_504, %dma_wait3A_505] : memref<10008x128xf32, #tpu.memory_space<vmem_shared>> -> memref<16x128xf32, #tpu.memory_space<vmem_shared>>
    %dma_wait3A_507 = arith.constant 0 : i32
    %dma_wait3A_508 = tpu.memref_slice %arg11[%add3A_504, %dma_wait3A_507] : memref<10008x128xf32, #tpu.memory_space<vmem_shared>> -> memref<16x128xf32, #tpu.memory_space<vmem_shared>>
    tpu.wait_dma2 semaphore(%arg12 : memref<!tpu.dma_semaphore, #tpu.memory_space<semaphore_mem>>) src(%arg10 : memref<16x128xf32, #tpu.memory_space<vmem>>) dst(%dma_wait3A_508 : memref<16x128xf32, #tpu.memory_space<vmem_shared>>)
    %mul3A_509 = arith.constant 624 : i32
    %mul3A_510 = arith.muli %arg1, %mul3A_509 : i32
    %add3A_511 = arith.constant 384 : i32
    %add3A_512 = arith.addi %mul3A_510, %add3A_511 : i32
    %dma_wait3A_513 = arith.constant 0 : i32
    %dma_wait3A_514 = tpu.memref_slice %arg11[%add3A_512, %dma_wait3A_513] : memref<10008x128xf32, #tpu.memory_space<vmem_shared>> -> memref<16x128xf32, #tpu.memory_space<vmem_shared>>
    %dma_wait3A_515 = arith.constant 0 : i32
    %dma_wait3A_516 = tpu.memref_slice %arg11[%add3A_512, %dma_wait3A_515] : memref<10008x128xf32, #tpu.memory_space<vmem_shared>> -> memref<16x128xf32, #tpu.memory_space<vmem_shared>>
    tpu.wait_dma2 semaphore(%arg12 : memref<!tpu.dma_semaphore, #tpu.memory_space<semaphore_mem>>) src(%arg10 : memref<16x128xf32, #tpu.memory_space<vmem>>) dst(%dma_wait3A_516 : memref<16x128xf32, #tpu.memory_space<vmem_shared>>)
    %mul3A_517 = arith.constant 624 : i32
    %mul3A_518 = arith.muli %arg1, %mul3A_517 : i32
    %add3A_519 = arith.constant 400 : i32
    %add3A_520 = arith.addi %mul3A_518, %add3A_519 : i32
    %dma_wait3A_521 = arith.constant 0 : i32
    %dma_wait3A_522 = tpu.memref_slice %arg11[%add3A_520, %dma_wait3A_521] : memref<10008x128xf32, #tpu.memory_space<vmem_shared>> -> memref<16x128xf32, #tpu.memory_space<vmem_shared>>
    %dma_wait3A_523 = arith.constant 0 : i32
    %dma_wait3A_524 = tpu.memref_slice %arg11[%add3A_520, %dma_wait3A_523] : memref<10008x128xf32, #tpu.memory_space<vmem_shared>> -> memref<16x128xf32, #tpu.memory_space<vmem_shared>>
    tpu.wait_dma2 semaphore(%arg12 : memref<!tpu.dma_semaphore, #tpu.memory_space<semaphore_mem>>) src(%arg10 : memref<16x128xf32, #tpu.memory_space<vmem>>) dst(%dma_wait3A_524 : memref<16x128xf32, #tpu.memory_space<vmem_shared>>)
    %mul3A_525 = arith.constant 624 : i32
    %mul3A_526 = arith.muli %arg1, %mul3A_525 : i32
    %add3A_527 = arith.constant 416 : i32
    %add3A_528 = arith.addi %mul3A_526, %add3A_527 : i32
    %dma_wait3A_529 = arith.constant 0 : i32
    %dma_wait3A_530 = tpu.memref_slice %arg11[%add3A_528, %dma_wait3A_529] : memref<10008x128xf32, #tpu.memory_space<vmem_shared>> -> memref<16x128xf32, #tpu.memory_space<vmem_shared>>
    %dma_wait3A_531 = arith.constant 0 : i32
    %dma_wait3A_532 = tpu.memref_slice %arg11[%add3A_528, %dma_wait3A_531] : memref<10008x128xf32, #tpu.memory_space<vmem_shared>> -> memref<16x128xf32, #tpu.memory_space<vmem_shared>>
    tpu.wait_dma2 semaphore(%arg12 : memref<!tpu.dma_semaphore, #tpu.memory_space<semaphore_mem>>) src(%arg10 : memref<16x128xf32, #tpu.memory_space<vmem>>) dst(%dma_wait3A_532 : memref<16x128xf32, #tpu.memory_space<vmem_shared>>)
    %mul3A_533 = arith.constant 624 : i32
    %mul3A_534 = arith.muli %arg1, %mul3A_533 : i32
    %add3A_535 = arith.constant 432 : i32
    %add3A_536 = arith.addi %mul3A_534, %add3A_535 : i32
    %dma_wait3A_537 = arith.constant 0 : i32
    %dma_wait3A_538 = tpu.memref_slice %arg11[%add3A_536, %dma_wait3A_537] : memref<10008x128xf32, #tpu.memory_space<vmem_shared>> -> memref<16x128xf32, #tpu.memory_space<vmem_shared>>
    %dma_wait3A_539 = arith.constant 0 : i32
    %dma_wait3A_540 = tpu.memref_slice %arg11[%add3A_536, %dma_wait3A_539] : memref<10008x128xf32, #tpu.memory_space<vmem_shared>> -> memref<16x128xf32, #tpu.memory_space<vmem_shared>>
    tpu.wait_dma2 semaphore(%arg12 : memref<!tpu.dma_semaphore, #tpu.memory_space<semaphore_mem>>) src(%arg10 : memref<16x128xf32, #tpu.memory_space<vmem>>) dst(%dma_wait3A_540 : memref<16x128xf32, #tpu.memory_space<vmem_shared>>)
    %mul3A_541 = arith.constant 624 : i32
    %mul3A_542 = arith.muli %arg1, %mul3A_541 : i32
    %add3A_543 = arith.constant 448 : i32
    %add3A_544 = arith.addi %mul3A_542, %add3A_543 : i32
    %dma_wait3A_545 = arith.constant 0 : i32
    %dma_wait3A_546 = tpu.memref_slice %arg11[%add3A_544, %dma_wait3A_545] : memref<10008x128xf32, #tpu.memory_space<vmem_shared>> -> memref<16x128xf32, #tpu.memory_space<vmem_shared>>
    %dma_wait3A_547 = arith.constant 0 : i32
    %dma_wait3A_548 = tpu.memref_slice %arg11[%add3A_544, %dma_wait3A_547] : memref<10008x128xf32, #tpu.memory_space<vmem_shared>> -> memref<16x128xf32, #tpu.memory_space<vmem_shared>>
    tpu.wait_dma2 semaphore(%arg12 : memref<!tpu.dma_semaphore, #tpu.memory_space<semaphore_mem>>) src(%arg10 : memref<16x128xf32, #tpu.memory_space<vmem>>) dst(%dma_wait3A_548 : memref<16x128xf32, #tpu.memory_space<vmem_shared>>)
    %mul3A_549 = arith.constant 624 : i32
    %mul3A_550 = arith.muli %arg1, %mul3A_549 : i32
    %add3A_551 = arith.constant 464 : i32
    %add3A_552 = arith.addi %mul3A_550, %add3A_551 : i32
    %dma_wait3A_553 = arith.constant 0 : i32
    %dma_wait3A_554 = tpu.memref_slice %arg11[%add3A_552, %dma_wait3A_553] : memref<10008x128xf32, #tpu.memory_space<vmem_shared>> -> memref<16x128xf32, #tpu.memory_space<vmem_shared>>
    %dma_wait3A_555 = arith.constant 0 : i32
    %dma_wait3A_556 = tpu.memref_slice %arg11[%add3A_552, %dma_wait3A_555] : memref<10008x128xf32, #tpu.memory_space<vmem_shared>> -> memref<16x128xf32, #tpu.memory_space<vmem_shared>>
    tpu.wait_dma2 semaphore(%arg12 : memref<!tpu.dma_semaphore, #tpu.memory_space<semaphore_mem>>) src(%arg10 : memref<16x128xf32, #tpu.memory_space<vmem>>) dst(%dma_wait3A_556 : memref<16x128xf32, #tpu.memory_space<vmem_shared>>)
    %mul3A_557 = arith.constant 624 : i32
    %mul3A_558 = arith.muli %arg1, %mul3A_557 : i32
    %add3A_559 = arith.constant 480 : i32
    %add3A_560 = arith.addi %mul3A_558, %add3A_559 : i32
    %dma_wait3A_561 = arith.constant 0 : i32
    %dma_wait3A_562 = tpu.memref_slice %arg11[%add3A_560, %dma_wait3A_561] : memref<10008x128xf32, #tpu.memory_space<vmem_shared>> -> memref<16x128xf32, #tpu.memory_space<vmem_shared>>
    %dma_wait3A_563 = arith.constant 0 : i32
    %dma_wait3A_564 = tpu.memref_slice %arg11[%add3A_560, %dma_wait3A_563] : memref<10008x128xf32, #tpu.memory_space<vmem_shared>> -> memref<16x128xf32, #tpu.memory_space<vmem_shared>>
    tpu.wait_dma2 semaphore(%arg12 : memref<!tpu.dma_semaphore, #tpu.memory_space<semaphore_mem>>) src(%arg10 : memref<16x128xf32, #tpu.memory_space<vmem>>) dst(%dma_wait3A_564 : memref<16x128xf32, #tpu.memory_space<vmem_shared>>)
    %mul3A_565 = arith.constant 624 : i32
    %mul3A_566 = arith.muli %arg1, %mul3A_565 : i32
    %add3A_567 = arith.constant 496 : i32
    %add3A_568 = arith.addi %mul3A_566, %add3A_567 : i32
    %dma_wait3A_569 = arith.constant 0 : i32
    %dma_wait3A_570 = tpu.memref_slice %arg11[%add3A_568, %dma_wait3A_569] : memref<10008x128xf32, #tpu.memory_space<vmem_shared>> -> memref<16x128xf32, #tpu.memory_space<vmem_shared>>
    %dma_wait3A_571 = arith.constant 0 : i32
    %dma_wait3A_572 = tpu.memref_slice %arg11[%add3A_568, %dma_wait3A_571] : memref<10008x128xf32, #tpu.memory_space<vmem_shared>> -> memref<16x128xf32, #tpu.memory_space<vmem_shared>>
    tpu.wait_dma2 semaphore(%arg12 : memref<!tpu.dma_semaphore, #tpu.memory_space<semaphore_mem>>) src(%arg10 : memref<16x128xf32, #tpu.memory_space<vmem>>) dst(%dma_wait3A_572 : memref<16x128xf32, #tpu.memory_space<vmem_shared>>)
    %mul3A_573 = arith.constant 624 : i32
    %mul3A_574 = arith.muli %arg1, %mul3A_573 : i32
    %add3A_575 = arith.constant 512 : i32
    %add3A_576 = arith.addi %mul3A_574, %add3A_575 : i32
    %dma_wait3A_577 = arith.constant 0 : i32
    %dma_wait3A_578 = tpu.memref_slice %arg11[%add3A_576, %dma_wait3A_577] : memref<10008x128xf32, #tpu.memory_space<vmem_shared>> -> memref<16x128xf32, #tpu.memory_space<vmem_shared>>
    %dma_wait3A_579 = arith.constant 0 : i32
    %dma_wait3A_580 = tpu.memref_slice %arg11[%add3A_576, %dma_wait3A_579] : memref<10008x128xf32, #tpu.memory_space<vmem_shared>> -> memref<16x128xf32, #tpu.memory_space<vmem_shared>>
    tpu.wait_dma2 semaphore(%arg12 : memref<!tpu.dma_semaphore, #tpu.memory_space<semaphore_mem>>) src(%arg10 : memref<16x128xf32, #tpu.memory_space<vmem>>) dst(%dma_wait3A_580 : memref<16x128xf32, #tpu.memory_space<vmem_shared>>)
    %mul3A_581 = arith.constant 624 : i32
    %mul3A_582 = arith.muli %arg1, %mul3A_581 : i32
    %add3A_583 = arith.constant 528 : i32
    %add3A_584 = arith.addi %mul3A_582, %add3A_583 : i32
    %dma_wait3A_585 = arith.constant 0 : i32
    %dma_wait3A_586 = tpu.memref_slice %arg11[%add3A_584, %dma_wait3A_585] : memref<10008x128xf32, #tpu.memory_space<vmem_shared>> -> memref<16x128xf32, #tpu.memory_space<vmem_shared>>
    %dma_wait3A_587 = arith.constant 0 : i32
    %dma_wait3A_588 = tpu.memref_slice %arg11[%add3A_584, %dma_wait3A_587] : memref<10008x128xf32, #tpu.memory_space<vmem_shared>> -> memref<16x128xf32, #tpu.memory_space<vmem_shared>>
    tpu.wait_dma2 semaphore(%arg12 : memref<!tpu.dma_semaphore, #tpu.memory_space<semaphore_mem>>) src(%arg10 : memref<16x128xf32, #tpu.memory_space<vmem>>) dst(%dma_wait3A_588 : memref<16x128xf32, #tpu.memory_space<vmem_shared>>)
    %mul3A_589 = arith.constant 624 : i32
    %mul3A_590 = arith.muli %arg1, %mul3A_589 : i32
    %add3A_591 = arith.constant 544 : i32
    %add3A_592 = arith.addi %mul3A_590, %add3A_591 : i32
    %dma_wait3A_593 = arith.constant 0 : i32
    %dma_wait3A_594 = tpu.memref_slice %arg11[%add3A_592, %dma_wait3A_593] : memref<10008x128xf32, #tpu.memory_space<vmem_shared>> -> memref<16x128xf32, #tpu.memory_space<vmem_shared>>
    %dma_wait3A_595 = arith.constant 0 : i32
    %dma_wait3A_596 = tpu.memref_slice %arg11[%add3A_592, %dma_wait3A_595] : memref<10008x128xf32, #tpu.memory_space<vmem_shared>> -> memref<16x128xf32, #tpu.memory_space<vmem_shared>>
    tpu.wait_dma2 semaphore(%arg12 : memref<!tpu.dma_semaphore, #tpu.memory_space<semaphore_mem>>) src(%arg10 : memref<16x128xf32, #tpu.memory_space<vmem>>) dst(%dma_wait3A_596 : memref<16x128xf32, #tpu.memory_space<vmem_shared>>)
    %mul3A_597 = arith.constant 624 : i32
    %mul3A_598 = arith.muli %arg1, %mul3A_597 : i32
    %add3A_599 = arith.constant 560 : i32
    %add3A_600 = arith.addi %mul3A_598, %add3A_599 : i32
    %dma_wait3A_601 = arith.constant 0 : i32
    %dma_wait3A_602 = tpu.memref_slice %arg11[%add3A_600, %dma_wait3A_601] : memref<10008x128xf32, #tpu.memory_space<vmem_shared>> -> memref<16x128xf32, #tpu.memory_space<vmem_shared>>
    %dma_wait3A_603 = arith.constant 0 : i32
    %dma_wait3A_604 = tpu.memref_slice %arg11[%add3A_600, %dma_wait3A_603] : memref<10008x128xf32, #tpu.memory_space<vmem_shared>> -> memref<16x128xf32, #tpu.memory_space<vmem_shared>>
    tpu.wait_dma2 semaphore(%arg12 : memref<!tpu.dma_semaphore, #tpu.memory_space<semaphore_mem>>) src(%arg10 : memref<16x128xf32, #tpu.memory_space<vmem>>) dst(%dma_wait3A_604 : memref<16x128xf32, #tpu.memory_space<vmem_shared>>)
    %mul3A_605 = arith.constant 624 : i32
    %mul3A_606 = arith.muli %arg1, %mul3A_605 : i32
    %add3A_607 = arith.constant 576 : i32
    %add3A_608 = arith.addi %mul3A_606, %add3A_607 : i32
    %dma_wait3A_609 = arith.constant 0 : i32
    %dma_wait3A_610 = tpu.memref_slice %arg11[%add3A_608, %dma_wait3A_609] : memref<10008x128xf32, #tpu.memory_space<vmem_shared>> -> memref<16x128xf32, #tpu.memory_space<vmem_shared>>
    %dma_wait3A_611 = arith.constant 0 : i32
    %dma_wait3A_612 = tpu.memref_slice %arg11[%add3A_608, %dma_wait3A_611] : memref<10008x128xf32, #tpu.memory_space<vmem_shared>> -> memref<16x128xf32, #tpu.memory_space<vmem_shared>>
    tpu.wait_dma2 semaphore(%arg12 : memref<!tpu.dma_semaphore, #tpu.memory_space<semaphore_mem>>) src(%arg10 : memref<16x128xf32, #tpu.memory_space<vmem>>) dst(%dma_wait3A_612 : memref<16x128xf32, #tpu.memory_space<vmem_shared>>)
    %mul3A_613 = arith.constant 624 : i32
    %mul3A_614 = arith.muli %arg1, %mul3A_613 : i32
    %add3A_615 = arith.constant 592 : i32
    %add3A_616 = arith.addi %mul3A_614, %add3A_615 : i32
    %dma_wait3A_617 = arith.constant 0 : i32
    %dma_wait3A_618 = tpu.memref_slice %arg11[%add3A_616, %dma_wait3A_617] : memref<10008x128xf32, #tpu.memory_space<vmem_shared>> -> memref<16x128xf32, #tpu.memory_space<vmem_shared>>
    %dma_wait3A_619 = arith.constant 0 : i32
    %dma_wait3A_620 = tpu.memref_slice %arg11[%add3A_616, %dma_wait3A_619] : memref<10008x128xf32, #tpu.memory_space<vmem_shared>> -> memref<16x128xf32, #tpu.memory_space<vmem_shared>>
    tpu.wait_dma2 semaphore(%arg12 : memref<!tpu.dma_semaphore, #tpu.memory_space<semaphore_mem>>) src(%arg10 : memref<16x128xf32, #tpu.memory_space<vmem>>) dst(%dma_wait3A_620 : memref<16x128xf32, #tpu.memory_space<vmem_shared>>)
    %mul3A_621 = arith.constant 624 : i32
    %mul3A_622 = arith.muli %arg1, %mul3A_621 : i32
    %add3A_623 = arith.constant 608 : i32
    %add3A_624 = arith.addi %mul3A_622, %add3A_623 : i32
    %dma_wait3A_625 = arith.constant 0 : i32
    %dma_wait3A_626 = tpu.memref_slice %arg11[%add3A_624, %dma_wait3A_625] : memref<10008x128xf32, #tpu.memory_space<vmem_shared>> -> memref<16x128xf32, #tpu.memory_space<vmem_shared>>
    %dma_wait3A_627 = arith.constant 0 : i32
    %dma_wait3A_628 = tpu.memref_slice %arg11[%add3A_624, %dma_wait3A_627] : memref<10008x128xf32, #tpu.memory_space<vmem_shared>> -> memref<16x128xf32, #tpu.memory_space<vmem_shared>>
    tpu.wait_dma2 semaphore(%arg12 : memref<!tpu.dma_semaphore, #tpu.memory_space<semaphore_mem>>) src(%arg10 : memref<16x128xf32, #tpu.memory_space<vmem>>) dst(%dma_wait3A_628 : memref<16x128xf32, #tpu.memory_space<vmem_shared>>)
    %eq3A = arith.constant 15 : i32
    %eq3A_629 = arith.cmpi eq, %arg1, %eq3A : i32
    %convert_element_type3A = arith.extui %eq3A_629 : i1 to i32
    %cond3A = arith.constant 0 : i32
    %cond3A_630 = arith.cmpi ne, %convert_element_type3A, %cond3A : i32
    scf.if %cond3A_630 {
      "tpu.region"() ({
        %run_scoped3A_684 = tpu.sem_alloc : memref<!tpu.dma_semaphore, #tpu.memory_space<semaphore_mem>>
        %dma_start3A_685 = arith.constant 0 : i32
        %dma_start3A_686 = arith.constant 0 : i32
        %dma_start3A_687 = tpu.memref_slice %arg10[%dma_start3A_685, %dma_start3A_686] : memref<16x128xf32, #tpu.memory_space<vmem>> -> memref<16x128xf32, #tpu.memory_space<vmem>>
        %dma_start3A_688 = arith.constant 9984 : i32
        %dma_start3A_689 = arith.constant 0 : i32
        %dma_start3A_690 = tpu.memref_slice %arg11[%dma_start3A_688, %dma_start3A_689] : memref<10008x128xf32, #tpu.memory_space<vmem_shared>> -> memref<16x128xf32, #tpu.memory_space<vmem_shared>>
        %dma_start3A_691 = arith.constant 9984 : i32
        %dma_start3A_692 = arith.constant 0 : i32
        %dma_start3A_693 = tpu.memref_slice %arg11[%dma_start3A_691, %dma_start3A_692] : memref<10008x128xf32, #tpu.memory_space<vmem_shared>> -> memref<16x128xf32, #tpu.memory_space<vmem_shared>>
        %dma_start3A_694 = arith.constant 0 : i32
        %dma_start3A_695 = arith.constant 0 : i32
        %dma_start3A_696 = tpu.memref_slice %arg10[%dma_start3A_694, %dma_start3A_695] : memref<16x128xf32, #tpu.memory_space<vmem>> -> memref<16x128xf32, #tpu.memory_space<vmem>>
        tpu.enqueue_dma source(%dma_start3A_696 : memref<16x128xf32, #tpu.memory_space<vmem>>) target(%dma_start3A_693 : memref<16x128xf32, #tpu.memory_space<vmem_shared>>) target_semaphore(%run_scoped3A_684 : memref<!tpu.dma_semaphore, #tpu.memory_space<semaphore_mem>>)
        %dma_wait3A_697 = arith.constant 0 : i32
        %dma_wait3A_698 = arith.constant 0 : i32
        %dma_wait3A_699 = tpu.memref_slice %arg10[%dma_wait3A_697, %dma_wait3A_698] : memref<16x128xf32, #tpu.memory_space<vmem>> -> memref<16x128xf32, #tpu.memory_space<vmem>>
        %dma_wait3A_700 = arith.constant 9984 : i32
        %dma_wait3A_701 = arith.constant 0 : i32
        %dma_wait3A_702 = tpu.memref_slice %arg11[%dma_wait3A_700, %dma_wait3A_701] : memref<10008x128xf32, #tpu.memory_space<vmem_shared>> -> memref<16x128xf32, #tpu.memory_space<vmem_shared>>
        %dma_wait3A_703 = arith.constant 9984 : i32
        %dma_wait3A_704 = arith.constant 0 : i32
        %dma_wait3A_705 = tpu.memref_slice %arg11[%dma_wait3A_703, %dma_wait3A_704] : memref<10008x128xf32, #tpu.memory_space<vmem_shared>> -> memref<16x128xf32, #tpu.memory_space<vmem_shared>>
        %dma_wait3A_706 = arith.constant 0 : i32
        %dma_wait3A_707 = arith.constant 0 : i32
        %dma_wait3A_708 = tpu.memref_slice %arg10[%dma_wait3A_706, %dma_wait3A_707] : memref<16x128xf32, #tpu.memory_space<vmem>> -> memref<16x128xf32, #tpu.memory_space<vmem>>
        tpu.wait_dma2 semaphore(%run_scoped3A_684 : memref<!tpu.dma_semaphore, #tpu.memory_space<semaphore_mem>>) src(%dma_wait3A_708 : memref<16x128xf32, #tpu.memory_space<vmem>>) dst(%dma_wait3A_705 : memref<16x128xf32, #tpu.memory_space<vmem_shared>>)
        tpu.yield
      }) : () -> ()
    } else {
    }
    %barrier3A = arith.constant 0 : index
    tpu.barrier barrier_id(%barrier3A)
    %run_scoped3A = arith.constant 0 : i32
    "tpu.region"() ({
      %run_scoped3A_684 = tpu.sem_alloc : memref<!tpu.dma_semaphore, #tpu.memory_space<semaphore_mem>>
      %dma_start3A_685 = arith.constant 0 : i32
      %dma_start3A_686 = arith.constant 0 : i32
      %dma_start3A_687 = tpu.memref_slice %arg3[%add3A, %run_scoped3A, %dma_start3A_685, %dma_start3A_686] : memref<32x2x40x128xi32, #tpu.memory_space<hbm>> -> memref<1x1x40x128xi32, #tpu.memory_space<hbm>>
      %dma_start3A_688 = tpu.memref_squeeze %dma_start3A_687 : memref<1x1x40x128xi32, #tpu.memory_space<hbm>> -> memref<40x128xi32, #tpu.memory_space<hbm>>
      %dma_start3A_689 = arith.constant 0 : i32
      %dma_start3A_690 = arith.constant 0 : i32
      %dma_start3A_691 = tpu.memref_slice %arg3[%add3A, %run_scoped3A, %dma_start3A_689, %dma_start3A_690] : memref<32x2x40x128xi32, #tpu.memory_space<hbm>> -> memref<1x1x40x128xi32, #tpu.memory_space<hbm>>
      %dma_start3A_692 = tpu.memref_squeeze %dma_start3A_691 : memref<1x1x40x128xi32, #tpu.memory_space<hbm>> -> memref<40x128xi32, #tpu.memory_space<hbm>>
      tpu.enqueue_dma source(%dma_start3A_692 : memref<40x128xi32, #tpu.memory_space<hbm>>) target(%arg6 : memref<40x128xi32, #tpu.memory_space<vmem>>) target_semaphore(%run_scoped3A_684 : memref<!tpu.dma_semaphore, #tpu.memory_space<semaphore_mem>>)
      %dma_wait3A_693 = arith.constant 0 : i32
      %dma_wait3A_694 = arith.constant 0 : i32
      %dma_wait3A_695 = tpu.memref_slice %arg3[%add3A, %run_scoped3A, %dma_wait3A_693, %dma_wait3A_694] : memref<32x2x40x128xi32, #tpu.memory_space<hbm>> -> memref<1x1x40x128xi32, #tpu.memory_space<hbm>>
      %dma_wait3A_696 = tpu.memref_squeeze %dma_wait3A_695 : memref<1x1x40x128xi32, #tpu.memory_space<hbm>> -> memref<40x128xi32, #tpu.memory_space<hbm>>
      %dma_wait3A_697 = arith.constant 0 : i32
      %dma_wait3A_698 = arith.constant 0 : i32
      %dma_wait3A_699 = tpu.memref_slice %arg3[%add3A, %run_scoped3A, %dma_wait3A_697, %dma_wait3A_698] : memref<32x2x40x128xi32, #tpu.memory_space<hbm>> -> memref<1x1x40x128xi32, #tpu.memory_space<hbm>>
      %dma_wait3A_700 = tpu.memref_squeeze %dma_wait3A_699 : memref<1x1x40x128xi32, #tpu.memory_space<hbm>> -> memref<40x128xi32, #tpu.memory_space<hbm>>
      tpu.wait_dma2 semaphore(%run_scoped3A_684 : memref<!tpu.dma_semaphore, #tpu.memory_space<semaphore_mem>>) src(%dma_wait3A_700 : memref<40x128xi32, #tpu.memory_space<hbm>>) dst(%arg6 : memref<40x128xi32, #tpu.memory_space<vmem>>)
      tpu.yield
    }) : () -> ()
    %run_scoped3A_631 = arith.constant 0 : i32
    "tpu.region"() ({
      %run_scoped3A_684 = tpu.sem_alloc : memref<!tpu.dma_semaphore, #tpu.memory_space<semaphore_mem>>
      %dma_start3A_685 = arith.constant 0 : i32
      %dma_start3A_686 = arith.constant 0 : i32
      %dma_start3A_687 = tpu.memref_slice %arg4[%add3A, %run_scoped3A_631, %dma_start3A_685, %dma_start3A_686] : memref<32x2x40x128xi32, #tpu.memory_space<hbm>> -> memref<1x1x40x128xi32, #tpu.memory_space<hbm>>
      %dma_start3A_688 = tpu.memref_squeeze %dma_start3A_687 : memref<1x1x40x128xi32, #tpu.memory_space<hbm>> -> memref<40x128xi32, #tpu.memory_space<hbm>>
      %dma_start3A_689 = arith.constant 0 : i32
      %dma_start3A_690 = arith.constant 0 : i32
      %dma_start3A_691 = tpu.memref_slice %arg4[%add3A, %run_scoped3A_631, %dma_start3A_689, %dma_start3A_690] : memref<32x2x40x128xi32, #tpu.memory_space<hbm>> -> memref<1x1x40x128xi32, #tpu.memory_space<hbm>>
      %dma_start3A_692 = tpu.memref_squeeze %dma_start3A_691 : memref<1x1x40x128xi32, #tpu.memory_space<hbm>> -> memref<40x128xi32, #tpu.memory_space<hbm>>
      tpu.enqueue_dma source(%dma_start3A_692 : memref<40x128xi32, #tpu.memory_space<hbm>>) target(%arg7 : memref<40x128xi32, #tpu.memory_space<vmem>>) target_semaphore(%run_scoped3A_684 : memref<!tpu.dma_semaphore, #tpu.memory_space<semaphore_mem>>)
      %dma_wait3A_693 = arith.constant 0 : i32
      %dma_wait3A_694 = arith.constant 0 : i32
      %dma_wait3A_695 = tpu.memref_slice %arg4[%add3A, %run_scoped3A_631, %dma_wait3A_693, %dma_wait3A_694] : memref<32x2x40x128xi32, #tpu.memory_space<hbm>> -> memref<1x1x40x128xi32, #tpu.memory_space<hbm>>
      %dma_wait3A_696 = tpu.memref_squeeze %dma_wait3A_695 : memref<1x1x40x128xi32, #tpu.memory_space<hbm>> -> memref<40x128xi32, #tpu.memory_space<hbm>>
      %dma_wait3A_697 = arith.constant 0 : i32
      %dma_wait3A_698 = arith.constant 0 : i32
      %dma_wait3A_699 = tpu.memref_slice %arg4[%add3A, %run_scoped3A_631, %dma_wait3A_697, %dma_wait3A_698] : memref<32x2x40x128xi32, #tpu.memory_space<hbm>> -> memref<1x1x40x128xi32, #tpu.memory_space<hbm>>
      %dma_wait3A_700 = tpu.memref_squeeze %dma_wait3A_699 : memref<1x1x40x128xi32, #tpu.memory_space<hbm>> -> memref<40x128xi32, #tpu.memory_space<hbm>>
      tpu.wait_dma2 semaphore(%run_scoped3A_684 : memref<!tpu.dma_semaphore, #tpu.memory_space<semaphore_mem>>) src(%dma_wait3A_700 : memref<40x128xi32, #tpu.memory_space<hbm>>) dst(%arg7 : memref<40x128xi32, #tpu.memory_space<vmem>>)
      tpu.yield
    }) : () -> ()
    %dma_start3A_632 = arith.constant 0 : i32
    %dma_start3A_633 = arith.constant 0 : i32
    %dma_start3A_634 = tpu.memref_slice %arg6[%dma_start3A_632, %dma_start3A_633] : memref<40x128xi32, #tpu.memory_space<vmem>> -> memref<1x128xi32, #tpu.memory_space<vmem>>
    %dma_start3A_635 = tpu.memref_squeeze %dma_start3A_634 : memref<1x128xi32, #tpu.memory_space<vmem>> -> memref<128xi32, #tpu.memory_space<vmem>>
    %dma_start3A_636 = arith.constant 0 : i32
    %dma_start3A_637 = arith.constant 0 : i32
    %dma_start3A_638 = tpu.memref_slice %arg2[%dma_start3A_636, %dma_start3A_637] : memref<10000x128xf32, #tpu.memory_space<hbm>> -> memref<10000x128xf32, #tpu.memory_space<hbm>>
    tpu.enqueue_indirect_dma source(%dma_start3A_638 : memref<10000x128xf32, #tpu.memory_space<hbm>>) target(%arg8 : memref<128x128xf32, #tpu.memory_space<vmem>>) offsets(%dma_start3A_635 : memref<128xi32, #tpu.memory_space<vmem>>) semaphore(%arg12 : memref<!tpu.dma_semaphore, #tpu.memory_space<semaphore_mem>>)
    %dma_start3A_639 = arith.constant 1 : i32
    %dma_start3A_640 = arith.constant 0 : i32
    %dma_start3A_641 = tpu.memref_slice %arg6[%dma_start3A_639, %dma_start3A_640] : memref<40x128xi32, #tpu.memory_space<vmem>> -> memref<1x128xi32, #tpu.memory_space<vmem>>
    %dma_start3A_642 = tpu.memref_squeeze %dma_start3A_641 : memref<1x128xi32, #tpu.memory_space<vmem>> -> memref<128xi32, #tpu.memory_space<vmem>>
    %dma_start3A_643 = arith.constant 0 : i32
    %dma_start3A_644 = arith.constant 0 : i32
    %dma_start3A_645 = tpu.memref_slice %arg2[%dma_start3A_643, %dma_start3A_644] : memref<10000x128xf32, #tpu.memory_space<hbm>> -> memref<10000x128xf32, #tpu.memory_space<hbm>>
    tpu.enqueue_indirect_dma source(%dma_start3A_645 : memref<10000x128xf32, #tpu.memory_space<hbm>>) target(%arg9 : memref<128x128xf32, #tpu.memory_space<vmem>>) offsets(%dma_start3A_642 : memref<128xi32, #tpu.memory_space<vmem>>) semaphore(%arg13 : memref<!tpu.dma_semaphore, #tpu.memory_space<semaphore_mem>>)
    %scan3A_646 = arith.constant 0 : i32
    %scan3A_647 = arith.constant 0 : i32
    %scan3A_648 = arith.constant 20 : i32
    %scan3A_649 = arith.addi %scan3A_647, %scan3A_648 : i32
    %scan3A_650 = arith.constant 1 : i32
    scf.for %scan3A_684 = %scan3A_647 to %scan3A_649 step %scan3A_650  : i32 {
      %mul3A_685 = arith.constant 2 : i32
      %mul3A_686 = arith.muli %mul3A_685, %scan3A_684 : i32
      %add3A_687 = arith.constant 0 : i32
      %add3A_688 = arith.addi %mul3A_686, %add3A_687 : i32
      %dma_wait3A_689 = arith.constant 0 : i32
      %dma_wait3A_690 = tpu.memref_slice %arg6[%add3A_688, %dma_wait3A_689] : memref<40x128xi32, #tpu.memory_space<vmem>> -> memref<1x128xi32, #tpu.memory_space<vmem>>
      %dma_wait3A_691 = tpu.memref_squeeze %dma_wait3A_690 : memref<1x128xi32, #tpu.memory_space<vmem>> -> memref<128xi32, #tpu.memory_space<vmem>>
      %dma_wait3A_692 = arith.constant 0 : i32
      %dma_wait3A_693 = arith.constant 0 : i32
      %dma_wait3A_694 = tpu.memref_slice %arg2[%dma_wait3A_692, %dma_wait3A_693] : memref<10000x128xf32, #tpu.memory_space<hbm>> -> memref<10000x128xf32, #tpu.memory_space<hbm>>
      tpu.wait_indirect_dma semaphore(%arg12 : memref<!tpu.dma_semaphore, #tpu.memory_space<semaphore_mem>>) src(%dma_wait3A_694 : memref<10000x128xf32, #tpu.memory_space<hbm>>) dst(%arg8 : memref<128x128xf32, #tpu.memory_space<vmem>>)
      %add3A_695 = arith.constant 0 : i32
      %add3A_696 = arith.addi %mul3A_686, %add3A_695 : i32
      "tpu.region"() ({
        %run_scoped3A_724 = tpu.sem_alloc : memref<!tpu.dma_semaphore, #tpu.memory_space<semaphore_mem>>
        %dma_start3A_725 = arith.constant 0 : i32
        %dma_start3A_726 = tpu.memref_slice %arg7[%add3A_696, %dma_start3A_725] : memref<40x128xi32, #tpu.memory_space<vmem>> -> memref<1x128xi32, #tpu.memory_space<vmem>>
        %dma_start3A_727 = tpu.memref_squeeze %dma_start3A_726 : memref<1x128xi32, #tpu.memory_space<vmem>> -> memref<128xi32, #tpu.memory_space<vmem>>
        %dma_start3A_728 = arith.constant 0 : i32
        %dma_start3A_729 = arith.constant 0 : i32
        %dma_start3A_730 = tpu.memref_slice %arg11[%dma_start3A_728, %dma_start3A_729] : memref<10008x128xf32, #tpu.memory_space<vmem_shared>> -> memref<10008x128xf32, #tpu.memory_space<vmem_shared>>
        tpu.enqueue_indirect_dma source(%arg8 : memref<128x128xf32, #tpu.memory_space<vmem>>) target(%dma_start3A_730 : memref<10008x128xf32, #tpu.memory_space<vmem_shared>>) offsets(%dma_start3A_727 : memref<128xi32, #tpu.memory_space<vmem>>) semaphore(%run_scoped3A_724 : memref<!tpu.dma_semaphore, #tpu.memory_space<semaphore_mem>>) {add = true}
        %dma_wait3A_731 = arith.constant 0 : i32
        %dma_wait3A_732 = tpu.memref_slice %arg7[%add3A_696, %dma_wait3A_731] : memref<40x128xi32, #tpu.memory_space<vmem>> -> memref<1x128xi32, #tpu.memory_space<vmem>>
        %dma_wait3A_733 = tpu.memref_squeeze %dma_wait3A_732 : memref<1x128xi32, #tpu.memory_space<vmem>> -> memref<128xi32, #tpu.memory_space<vmem>>
        %dma_wait3A_734 = arith.constant 0 : i32
        %dma_wait3A_735 = arith.constant 0 : i32
        %dma_wait3A_736 = tpu.memref_slice %arg11[%dma_wait3A_734, %dma_wait3A_735] : memref<10008x128xf32, #tpu.memory_space<vmem_shared>> -> memref<10008x128xf32, #tpu.memory_space<vmem_shared>>
        tpu.wait_indirect_dma semaphore(%run_scoped3A_724 : memref<!tpu.dma_semaphore, #tpu.memory_space<semaphore_mem>>) src(%arg8 : memref<128x128xf32, #tpu.memory_space<vmem>>) dst(%dma_wait3A_736 : memref<10008x128xf32, #tpu.memory_space<vmem_shared>>)
        tpu.yield
      }) : () -> ()
      %add3A_697 = arith.constant 0 : i32
      %add3A_698 = arith.addi %mul3A_686, %add3A_697 : i32
      %add3A_699 = arith.constant 2 : i32
      %add3A_700 = arith.addi %add3A_698, %add3A_699 : i32
      %lt3A = arith.constant 40 : i32
      %lt3A_701 = arith.cmpi slt, %add3A_700, %lt3A : i32
      %convert_element_type3A_702 = arith.extui %lt3A_701 : i1 to i32
      %cond3A_703 = arith.constant 0 : i32
      %cond3A_704 = arith.cmpi ne, %convert_element_type3A_702, %cond3A_703 : i32
      scf.if %cond3A_704 {
        %add3A_724 = arith.constant 0 : i32
        %add3A_725 = arith.addi %mul3A_686, %add3A_724 : i32
        %add3A_726 = arith.constant 2 : i32
        %add3A_727 = arith.addi %add3A_725, %add3A_726 : i32
        %dma_start3A_728 = arith.constant 0 : i32
        %dma_start3A_729 = tpu.memref_slice %arg6[%add3A_727, %dma_start3A_728] : memref<40x128xi32, #tpu.memory_space<vmem>> -> memref<1x128xi32, #tpu.memory_space<vmem>>
        %dma_start3A_730 = tpu.memref_squeeze %dma_start3A_729 : memref<1x128xi32, #tpu.memory_space<vmem>> -> memref<128xi32, #tpu.memory_space<vmem>>
        %dma_start3A_731 = arith.constant 0 : i32
        %dma_start3A_732 = arith.constant 0 : i32
        %dma_start3A_733 = tpu.memref_slice %arg2[%dma_start3A_731, %dma_start3A_732] : memref<10000x128xf32, #tpu.memory_space<hbm>> -> memref<10000x128xf32, #tpu.memory_space<hbm>>
        tpu.enqueue_indirect_dma source(%dma_start3A_733 : memref<10000x128xf32, #tpu.memory_space<hbm>>) target(%arg8 : memref<128x128xf32, #tpu.memory_space<vmem>>) offsets(%dma_start3A_730 : memref<128xi32, #tpu.memory_space<vmem>>) semaphore(%arg12 : memref<!tpu.dma_semaphore, #tpu.memory_space<semaphore_mem>>)
      } else {
      }
      %add3A_705 = arith.constant 1 : i32
      %add3A_706 = arith.addi %mul3A_686, %add3A_705 : i32
      %dma_wait3A_707 = arith.constant 0 : i32
      %dma_wait3A_708 = tpu.memref_slice %arg6[%add3A_706, %dma_wait3A_707] : memref<40x128xi32, #tpu.memory_space<vmem>> -> memref<1x128xi32, #tpu.memory_space<vmem>>
      %dma_wait3A_709 = tpu.memref_squeeze %dma_wait3A_708 : memref<1x128xi32, #tpu.memory_space<vmem>> -> memref<128xi32, #tpu.memory_space<vmem>>
      %dma_wait3A_710 = arith.constant 0 : i32
      %dma_wait3A_711 = arith.constant 0 : i32
      %dma_wait3A_712 = tpu.memref_slice %arg2[%dma_wait3A_710, %dma_wait3A_711] : memref<10000x128xf32, #tpu.memory_space<hbm>> -> memref<10000x128xf32, #tpu.memory_space<hbm>>
      tpu.wait_indirect_dma semaphore(%arg13 : memref<!tpu.dma_semaphore, #tpu.memory_space<semaphore_mem>>) src(%dma_wait3A_712 : memref<10000x128xf32, #tpu.memory_space<hbm>>) dst(%arg9 : memref<128x128xf32, #tpu.memory_space<vmem>>)
      %add3A_713 = arith.constant 1 : i32
      %add3A_714 = arith.addi %mul3A_686, %add3A_713 : i32
      "tpu.region"() ({
        %run_scoped3A_724 = tpu.sem_alloc : memref<!tpu.dma_semaphore, #tpu.memory_space<semaphore_mem>>
        %dma_start3A_725 = arith.constant 0 : i32
        %dma_start3A_726 = tpu.memref_slice %arg7[%add3A_714, %dma_start3A_725] : memref<40x128xi32, #tpu.memory_space<vmem>> -> memref<1x128xi32, #tpu.memory_space<vmem>>
        %dma_start3A_727 = tpu.memref_squeeze %dma_start3A_726 : memref<1x128xi32, #tpu.memory_space<vmem>> -> memref<128xi32, #tpu.memory_space<vmem>>
        %dma_start3A_728 = arith.constant 0 : i32
        %dma_start3A_729 = arith.constant 0 : i32
        %dma_start3A_730 = tpu.memref_slice %arg11[%dma_start3A_728, %dma_start3A_729] : memref<10008x128xf32, #tpu.memory_space<vmem_shared>> -> memref<10008x128xf32, #tpu.memory_space<vmem_shared>>
        tpu.enqueue_indirect_dma source(%arg9 : memref<128x128xf32, #tpu.memory_space<vmem>>) target(%dma_start3A_730 : memref<10008x128xf32, #tpu.memory_space<vmem_shared>>) offsets(%dma_start3A_727 : memref<128xi32, #tpu.memory_space<vmem>>) semaphore(%run_scoped3A_724 : memref<!tpu.dma_semaphore, #tpu.memory_space<semaphore_mem>>) {add = true}
        %dma_wait3A_731 = arith.constant 0 : i32
        %dma_wait3A_732 = tpu.memref_slice %arg7[%add3A_714, %dma_wait3A_731] : memref<40x128xi32, #tpu.memory_space<vmem>> -> memref<1x128xi32, #tpu.memory_space<vmem>>
        %dma_wait3A_733 = tpu.memref_squeeze %dma_wait3A_732 : memref<1x128xi32, #tpu.memory_space<vmem>> -> memref<128xi32, #tpu.memory_space<vmem>>
        %dma_wait3A_734 = arith.constant 0 : i32
        %dma_wait3A_735 = arith.constant 0 : i32
        %dma_wait3A_736 = tpu.memref_slice %arg11[%dma_wait3A_734, %dma_wait3A_735] : memref<10008x128xf32, #tpu.memory_space<vmem_shared>> -> memref<10008x128xf32, #tpu.memory_space<vmem_shared>>
        tpu.wait_indirect_dma semaphore(%run_scoped3A_724 : memref<!tpu.dma_semaphore, #tpu.memory_space<semaphore_mem>>) src(%arg9 : memref<128x128xf32, #tpu.memory_space<vmem>>) dst(%dma_wait3A_736 : memref<10008x128xf32, #tpu.memory_space<vmem_shared>>)
        tpu.yield
      }) : () -> ()
      %add3A_715 = arith.constant 1 : i32
      %add3A_716 = arith.addi %mul3A_686, %add3A_715 : i32
      %add3A_717 = arith.constant 2 : i32
      %add3A_718 = arith.addi %add3A_716, %add3A_717 : i32
      %lt3A_719 = arith.constant 40 : i32
      %lt3A_720 = arith.cmpi slt, %add3A_718, %lt3A_719 : i32
      %convert_element_type3A_721 = arith.extui %lt3A_720 : i1 to i32
      %cond3A_722 = arith.constant 0 : i32
      %cond3A_723 = arith.cmpi ne, %convert_element_type3A_721, %cond3A_722 : i32
      scf.if %cond3A_723 {
        %add3A_724 = arith.constant 1 : i32
        %add3A_725 = arith.addi %mul3A_686, %add3A_724 : i32
        %add3A_726 = arith.constant 2 : i32
        %add3A_727 = arith.addi %add3A_725, %add3A_726 : i32
        %dma_start3A_728 = arith.constant 0 : i32
        %dma_start3A_729 = tpu.memref_slice %arg6[%add3A_727, %dma_start3A_728] : memref<40x128xi32, #tpu.memory_space<vmem>> -> memref<1x128xi32, #tpu.memory_space<vmem>>
        %dma_start3A_730 = tpu.memref_squeeze %dma_start3A_729 : memref<1x128xi32, #tpu.memory_space<vmem>> -> memref<128xi32, #tpu.memory_space<vmem>>
        %dma_start3A_731 = arith.constant 0 : i32
        %dma_start3A_732 = arith.constant 0 : i32
        %dma_start3A_733 = tpu.memref_slice %arg2[%dma_start3A_731, %dma_start3A_732] : memref<10000x128xf32, #tpu.memory_space<hbm>> -> memref<10000x128xf32, #tpu.memory_space<hbm>>
        tpu.enqueue_indirect_dma source(%dma_start3A_733 : memref<10000x128xf32, #tpu.memory_space<hbm>>) target(%arg9 : memref<128x128xf32, #tpu.memory_space<vmem>>) offsets(%dma_start3A_730 : memref<128xi32, #tpu.memory_space<vmem>>) semaphore(%arg13 : memref<!tpu.dma_semaphore, #tpu.memory_space<semaphore_mem>>)
      } else {
      }
    }
    %scan3A_651 = arith.constant 20 : i32
    %run_scoped3A_652 = arith.constant 1 : i32
    "tpu.region"() ({
      %run_scoped3A_684 = tpu.sem_alloc : memref<!tpu.dma_semaphore, #tpu.memory_space<semaphore_mem>>
      %dma_start3A_685 = arith.constant 0 : i32
      %dma_start3A_686 = arith.constant 0 : i32
      %dma_start3A_687 = tpu.memref_slice %arg3[%add3A, %run_scoped3A_652, %dma_start3A_685, %dma_start3A_686] : memref<32x2x40x128xi32, #tpu.memory_space<hbm>> -> memref<1x1x40x128xi32, #tpu.memory_space<hbm>>
      %dma_start3A_688 = tpu.memref_squeeze %dma_start3A_687 : memref<1x1x40x128xi32, #tpu.memory_space<hbm>> -> memref<40x128xi32, #tpu.memory_space<hbm>>
      %dma_start3A_689 = arith.constant 0 : i32
      %dma_start3A_690 = arith.constant 0 : i32
      %dma_start3A_691 = tpu.memref_slice %arg3[%add3A, %run_scoped3A_652, %dma_start3A_689, %dma_start3A_690] : memref<32x2x40x128xi32, #tpu.memory_space<hbm>> -> memref<1x1x40x128xi32, #tpu.memory_space<hbm>>
      %dma_start3A_692 = tpu.memref_squeeze %dma_start3A_691 : memref<1x1x40x128xi32, #tpu.memory_space<hbm>> -> memref<40x128xi32, #tpu.memory_space<hbm>>
      tpu.enqueue_dma source(%dma_start3A_692 : memref<40x128xi32, #tpu.memory_space<hbm>>) target(%arg6 : memref<40x128xi32, #tpu.memory_space<vmem>>) target_semaphore(%run_scoped3A_684 : memref<!tpu.dma_semaphore, #tpu.memory_space<semaphore_mem>>)
      %dma_wait3A_693 = arith.constant 0 : i32
      %dma_wait3A_694 = arith.constant 0 : i32
      %dma_wait3A_695 = tpu.memref_slice %arg3[%add3A, %run_scoped3A_652, %dma_wait3A_693, %dma_wait3A_694] : memref<32x2x40x128xi32, #tpu.memory_space<hbm>> -> memref<1x1x40x128xi32, #tpu.memory_space<hbm>>
      %dma_wait3A_696 = tpu.memref_squeeze %dma_wait3A_695 : memref<1x1x40x128xi32, #tpu.memory_space<hbm>> -> memref<40x128xi32, #tpu.memory_space<hbm>>
      %dma_wait3A_697 = arith.constant 0 : i32
      %dma_wait3A_698 = arith.constant 0 : i32
      %dma_wait3A_699 = tpu.memref_slice %arg3[%add3A, %run_scoped3A_652, %dma_wait3A_697, %dma_wait3A_698] : memref<32x2x40x128xi32, #tpu.memory_space<hbm>> -> memref<1x1x40x128xi32, #tpu.memory_space<hbm>>
      %dma_wait3A_700 = tpu.memref_squeeze %dma_wait3A_699 : memref<1x1x40x128xi32, #tpu.memory_space<hbm>> -> memref<40x128xi32, #tpu.memory_space<hbm>>
      tpu.wait_dma2 semaphore(%run_scoped3A_684 : memref<!tpu.dma_semaphore, #tpu.memory_space<semaphore_mem>>) src(%dma_wait3A_700 : memref<40x128xi32, #tpu.memory_space<hbm>>) dst(%arg6 : memref<40x128xi32, #tpu.memory_space<vmem>>)
      tpu.yield
    }) : () -> ()
    %run_scoped3A_653 = arith.constant 1 : i32
    "tpu.region"() ({
      %run_scoped3A_684 = tpu.sem_alloc : memref<!tpu.dma_semaphore, #tpu.memory_space<semaphore_mem>>
      %dma_start3A_685 = arith.constant 0 : i32
      %dma_start3A_686 = arith.constant 0 : i32
      %dma_start3A_687 = tpu.memref_slice %arg4[%add3A, %run_scoped3A_653, %dma_start3A_685, %dma_start3A_686] : memref<32x2x40x128xi32, #tpu.memory_space<hbm>> -> memref<1x1x40x128xi32, #tpu.memory_space<hbm>>
      %dma_start3A_688 = tpu.memref_squeeze %dma_start3A_687 : memref<1x1x40x128xi32, #tpu.memory_space<hbm>> -> memref<40x128xi32, #tpu.memory_space<hbm>>
      %dma_start3A_689 = arith.constant 0 : i32
      %dma_start3A_690 = arith.constant 0 : i32
      %dma_start3A_691 = tpu.memref_slice %arg4[%add3A, %run_scoped3A_653, %dma_start3A_689, %dma_start3A_690] : memref<32x2x40x128xi32, #tpu.memory_space<hbm>> -> memref<1x1x40x128xi32, #tpu.memory_space<hbm>>
      %dma_start3A_692 = tpu.memref_squeeze %dma_start3A_691 : memref<1x1x40x128xi32, #tpu.memory_space<hbm>> -> memref<40x128xi32, #tpu.memory_space<hbm>>
      tpu.enqueue_dma source(%dma_start3A_692 : memref<40x128xi32, #tpu.memory_space<hbm>>) target(%arg7 : memref<40x128xi32, #tpu.memory_space<vmem>>) target_semaphore(%run_scoped3A_684 : memref<!tpu.dma_semaphore, #tpu.memory_space<semaphore_mem>>)
      %dma_wait3A_693 = arith.constant 0 : i32
      %dma_wait3A_694 = arith.constant 0 : i32
      %dma_wait3A_695 = tpu.memref_slice %arg4[%add3A, %run_scoped3A_653, %dma_wait3A_693, %dma_wait3A_694] : memref<32x2x40x128xi32, #tpu.memory_space<hbm>> -> memref<1x1x40x128xi32, #tpu.memory_space<hbm>>
      %dma_wait3A_696 = tpu.memref_squeeze %dma_wait3A_695 : memref<1x1x40x128xi32, #tpu.memory_space<hbm>> -> memref<40x128xi32, #tpu.memory_space<hbm>>
      %dma_wait3A_697 = arith.constant 0 : i32
      %dma_wait3A_698 = arith.constant 0 : i32
      %dma_wait3A_699 = tpu.memref_slice %arg4[%add3A, %run_scoped3A_653, %dma_wait3A_697, %dma_wait3A_698] : memref<32x2x40x128xi32, #tpu.memory_space<hbm>> -> memref<1x1x40x128xi32, #tpu.memory_space<hbm>>
      %dma_wait3A_700 = tpu.memref_squeeze %dma_wait3A_699 : memref<1x1x40x128xi32, #tpu.memory_space<hbm>> -> memref<40x128xi32, #tpu.memory_space<hbm>>
      tpu.wait_dma2 semaphore(%run_scoped3A_684 : memref<!tpu.dma_semaphore, #tpu.memory_space<semaphore_mem>>) src(%dma_wait3A_700 : memref<40x128xi32, #tpu.memory_space<hbm>>) dst(%arg7 : memref<40x128xi32, #tpu.memory_space<vmem>>)
      tpu.yield
    }) : () -> ()
    %dma_start3A_654 = arith.constant 0 : i32
    %dma_start3A_655 = arith.constant 0 : i32
    %dma_start3A_656 = tpu.memref_slice %arg6[%dma_start3A_654, %dma_start3A_655] : memref<40x128xi32, #tpu.memory_space<vmem>> -> memref<1x128xi32, #tpu.memory_space<vmem>>
    %dma_start3A_657 = tpu.memref_squeeze %dma_start3A_656 : memref<1x128xi32, #tpu.memory_space<vmem>> -> memref<128xi32, #tpu.memory_space<vmem>>
    %dma_start3A_658 = arith.constant 0 : i32
    %dma_start3A_659 = arith.constant 0 : i32
    %dma_start3A_660 = tpu.memref_slice %arg2[%dma_start3A_658, %dma_start3A_659] : memref<10000x128xf32, #tpu.memory_space<hbm>> -> memref<10000x128xf32, #tpu.memory_space<hbm>>
    tpu.enqueue_indirect_dma source(%dma_start3A_660 : memref<10000x128xf32, #tpu.memory_space<hbm>>) target(%arg8 : memref<128x128xf32, #tpu.memory_space<vmem>>) offsets(%dma_start3A_657 : memref<128xi32, #tpu.memory_space<vmem>>) semaphore(%arg12 : memref<!tpu.dma_semaphore, #tpu.memory_space<semaphore_mem>>)
    %dma_start3A_661 = arith.constant 1 : i32
    %dma_start3A_662 = arith.constant 0 : i32
    %dma_start3A_663 = tpu.memref_slice %arg6[%dma_start3A_661, %dma_start3A_662] : memref<40x128xi32, #tpu.memory_space<vmem>> -> memref<1x128xi32, #tpu.memory_space<vmem>>
    %dma_start3A_664 = tpu.memref_squeeze %dma_start3A_663 : memref<1x128xi32, #tpu.memory_space<vmem>> -> memref<128xi32, #tpu.memory_space<vmem>>
    %dma_start3A_665 = arith.constant 0 : i32
    %dma_start3A_666 = arith.constant 0 : i32
    %dma_start3A_667 = tpu.memref_slice %arg2[%dma_start3A_665, %dma_start3A_666] : memref<10000x128xf32, #tpu.memory_space<hbm>> -> memref<10000x128xf32, #tpu.memory_space<hbm>>
    tpu.enqueue_indirect_dma source(%dma_start3A_667 : memref<10000x128xf32, #tpu.memory_space<hbm>>) target(%arg9 : memref<128x128xf32, #tpu.memory_space<vmem>>) offsets(%dma_start3A_664 : memref<128xi32, #tpu.memory_space<vmem>>) semaphore(%arg13 : memref<!tpu.dma_semaphore, #tpu.memory_space<semaphore_mem>>)
    %scan3A_668 = arith.constant 0 : i32
    %scan3A_669 = arith.constant 0 : i32
    %scan3A_670 = arith.constant 20 : i32
    %scan3A_671 = arith.addi %scan3A_669, %scan3A_670 : i32
    %scan3A_672 = arith.constant 1 : i32
    scf.for %scan3A_684 = %scan3A_669 to %scan3A_671 step %scan3A_672  : i32 {
      %mul3A_685 = arith.constant 2 : i32
      %mul3A_686 = arith.muli %mul3A_685, %scan3A_684 : i32
      %add3A_687 = arith.constant 0 : i32
      %add3A_688 = arith.addi %mul3A_686, %add3A_687 : i32
      %dma_wait3A_689 = arith.constant 0 : i32
      %dma_wait3A_690 = tpu.memref_slice %arg6[%add3A_688, %dma_wait3A_689] : memref<40x128xi32, #tpu.memory_space<vmem>> -> memref<1x128xi32, #tpu.memory_space<vmem>>
      %dma_wait3A_691 = tpu.memref_squeeze %dma_wait3A_690 : memref<1x128xi32, #tpu.memory_space<vmem>> -> memref<128xi32, #tpu.memory_space<vmem>>
      %dma_wait3A_692 = arith.constant 0 : i32
      %dma_wait3A_693 = arith.constant 0 : i32
      %dma_wait3A_694 = tpu.memref_slice %arg2[%dma_wait3A_692, %dma_wait3A_693] : memref<10000x128xf32, #tpu.memory_space<hbm>> -> memref<10000x128xf32, #tpu.memory_space<hbm>>
      tpu.wait_indirect_dma semaphore(%arg12 : memref<!tpu.dma_semaphore, #tpu.memory_space<semaphore_mem>>) src(%dma_wait3A_694 : memref<10000x128xf32, #tpu.memory_space<hbm>>) dst(%arg8 : memref<128x128xf32, #tpu.memory_space<vmem>>)
      %add3A_695 = arith.constant 0 : i32
      %add3A_696 = arith.addi %mul3A_686, %add3A_695 : i32
      "tpu.region"() ({
        %run_scoped3A_724 = tpu.sem_alloc : memref<!tpu.dma_semaphore, #tpu.memory_space<semaphore_mem>>
        %dma_start3A_725 = arith.constant 0 : i32
        %dma_start3A_726 = tpu.memref_slice %arg7[%add3A_696, %dma_start3A_725] : memref<40x128xi32, #tpu.memory_space<vmem>> -> memref<1x128xi32, #tpu.memory_space<vmem>>
        %dma_start3A_727 = tpu.memref_squeeze %dma_start3A_726 : memref<1x128xi32, #tpu.memory_space<vmem>> -> memref<128xi32, #tpu.memory_space<vmem>>
        %dma_start3A_728 = arith.constant 0 : i32
        %dma_start3A_729 = arith.constant 0 : i32
        %dma_start3A_730 = tpu.memref_slice %arg11[%dma_start3A_728, %dma_start3A_729] : memref<10008x128xf32, #tpu.memory_space<vmem_shared>> -> memref<10008x128xf32, #tpu.memory_space<vmem_shared>>
        tpu.enqueue_indirect_dma source(%arg8 : memref<128x128xf32, #tpu.memory_space<vmem>>) target(%dma_start3A_730 : memref<10008x128xf32, #tpu.memory_space<vmem_shared>>) offsets(%dma_start3A_727 : memref<128xi32, #tpu.memory_space<vmem>>) semaphore(%run_scoped3A_724 : memref<!tpu.dma_semaphore, #tpu.memory_space<semaphore_mem>>) {add = true}
        %dma_wait3A_731 = arith.constant 0 : i32
        %dma_wait3A_732 = tpu.memref_slice %arg7[%add3A_696, %dma_wait3A_731] : memref<40x128xi32, #tpu.memory_space<vmem>> -> memref<1x128xi32, #tpu.memory_space<vmem>>
        %dma_wait3A_733 = tpu.memref_squeeze %dma_wait3A_732 : memref<1x128xi32, #tpu.memory_space<vmem>> -> memref<128xi32, #tpu.memory_space<vmem>>
        %dma_wait3A_734 = arith.constant 0 : i32
        %dma_wait3A_735 = arith.constant 0 : i32
        %dma_wait3A_736 = tpu.memref_slice %arg11[%dma_wait3A_734, %dma_wait3A_735] : memref<10008x128xf32, #tpu.memory_space<vmem_shared>> -> memref<10008x128xf32, #tpu.memory_space<vmem_shared>>
        tpu.wait_indirect_dma semaphore(%run_scoped3A_724 : memref<!tpu.dma_semaphore, #tpu.memory_space<semaphore_mem>>) src(%arg8 : memref<128x128xf32, #tpu.memory_space<vmem>>) dst(%dma_wait3A_736 : memref<10008x128xf32, #tpu.memory_space<vmem_shared>>)
        tpu.yield
      }) : () -> ()
      %add3A_697 = arith.constant 0 : i32
      %add3A_698 = arith.addi %mul3A_686, %add3A_697 : i32
      %add3A_699 = arith.constant 2 : i32
      %add3A_700 = arith.addi %add3A_698, %add3A_699 : i32
      %lt3A = arith.constant 40 : i32
      %lt3A_701 = arith.cmpi slt, %add3A_700, %lt3A : i32
      %convert_element_type3A_702 = arith.extui %lt3A_701 : i1 to i32
      %cond3A_703 = arith.constant 0 : i32
      %cond3A_704 = arith.cmpi ne, %convert_element_type3A_702, %cond3A_703 : i32
      scf.if %cond3A_704 {
        %add3A_724 = arith.constant 0 : i32
        %add3A_725 = arith.addi %mul3A_686, %add3A_724 : i32
        %add3A_726 = arith.constant 2 : i32
        %add3A_727 = arith.addi %add3A_725, %add3A_726 : i32
        %dma_start3A_728 = arith.constant 0 : i32
        %dma_start3A_729 = tpu.memref_slice %arg6[%add3A_727, %dma_start3A_728] : memref<40x128xi32, #tpu.memory_space<vmem>> -> memref<1x128xi32, #tpu.memory_space<vmem>>
        %dma_start3A_730 = tpu.memref_squeeze %dma_start3A_729 : memref<1x128xi32, #tpu.memory_space<vmem>> -> memref<128xi32, #tpu.memory_space<vmem>>
        %dma_start3A_731 = arith.constant 0 : i32
        %dma_start3A_732 = arith.constant 0 : i32
        %dma_start3A_733 = tpu.memref_slice %arg2[%dma_start3A_731, %dma_start3A_732] : memref<10000x128xf32, #tpu.memory_space<hbm>> -> memref<10000x128xf32, #tpu.memory_space<hbm>>
        tpu.enqueue_indirect_dma source(%dma_start3A_733 : memref<10000x128xf32, #tpu.memory_space<hbm>>) target(%arg8 : memref<128x128xf32, #tpu.memory_space<vmem>>) offsets(%dma_start3A_730 : memref<128xi32, #tpu.memory_space<vmem>>) semaphore(%arg12 : memref<!tpu.dma_semaphore, #tpu.memory_space<semaphore_mem>>)
      } else {
      }
      %add3A_705 = arith.constant 1 : i32
      %add3A_706 = arith.addi %mul3A_686, %add3A_705 : i32
      %dma_wait3A_707 = arith.constant 0 : i32
      %dma_wait3A_708 = tpu.memref_slice %arg6[%add3A_706, %dma_wait3A_707] : memref<40x128xi32, #tpu.memory_space<vmem>> -> memref<1x128xi32, #tpu.memory_space<vmem>>
      %dma_wait3A_709 = tpu.memref_squeeze %dma_wait3A_708 : memref<1x128xi32, #tpu.memory_space<vmem>> -> memref<128xi32, #tpu.memory_space<vmem>>
      %dma_wait3A_710 = arith.constant 0 : i32
      %dma_wait3A_711 = arith.constant 0 : i32
      %dma_wait3A_712 = tpu.memref_slice %arg2[%dma_wait3A_710, %dma_wait3A_711] : memref<10000x128xf32, #tpu.memory_space<hbm>> -> memref<10000x128xf32, #tpu.memory_space<hbm>>
      tpu.wait_indirect_dma semaphore(%arg13 : memref<!tpu.dma_semaphore, #tpu.memory_space<semaphore_mem>>) src(%dma_wait3A_712 : memref<10000x128xf32, #tpu.memory_space<hbm>>) dst(%arg9 : memref<128x128xf32, #tpu.memory_space<vmem>>)
      %add3A_713 = arith.constant 1 : i32
      %add3A_714 = arith.addi %mul3A_686, %add3A_713 : i32
      "tpu.region"() ({
        %run_scoped3A_724 = tpu.sem_alloc : memref<!tpu.dma_semaphore, #tpu.memory_space<semaphore_mem>>
        %dma_start3A_725 = arith.constant 0 : i32
        %dma_start3A_726 = tpu.memref_slice %arg7[%add3A_714, %dma_start3A_725] : memref<40x128xi32, #tpu.memory_space<vmem>> -> memref<1x128xi32, #tpu.memory_space<vmem>>
        %dma_start3A_727 = tpu.memref_squeeze %dma_start3A_726 : memref<1x128xi32, #tpu.memory_space<vmem>> -> memref<128xi32, #tpu.memory_space<vmem>>
        %dma_start3A_728 = arith.constant 0 : i32
        %dma_start3A_729 = arith.constant 0 : i32
        %dma_start3A_730 = tpu.memref_slice %arg11[%dma_start3A_728, %dma_start3A_729] : memref<10008x128xf32, #tpu.memory_space<vmem_shared>> -> memref<10008x128xf32, #tpu.memory_space<vmem_shared>>
        tpu.enqueue_indirect_dma source(%arg9 : memref<128x128xf32, #tpu.memory_space<vmem>>) target(%dma_start3A_730 : memref<10008x128xf32, #tpu.memory_space<vmem_shared>>) offsets(%dma_start3A_727 : memref<128xi32, #tpu.memory_space<vmem>>) semaphore(%run_scoped3A_724 : memref<!tpu.dma_semaphore, #tpu.memory_space<semaphore_mem>>) {add = true}
        %dma_wait3A_731 = arith.constant 0 : i32
        %dma_wait3A_732 = tpu.memref_slice %arg7[%add3A_714, %dma_wait3A_731] : memref<40x128xi32, #tpu.memory_space<vmem>> -> memref<1x128xi32, #tpu.memory_space<vmem>>
        %dma_wait3A_733 = tpu.memref_squeeze %dma_wait3A_732 : memref<1x128xi32, #tpu.memory_space<vmem>> -> memref<128xi32, #tpu.memory_space<vmem>>
        %dma_wait3A_734 = arith.constant 0 : i32
        %dma_wait3A_735 = arith.constant 0 : i32
        %dma_wait3A_736 = tpu.memref_slice %arg11[%dma_wait3A_734, %dma_wait3A_735] : memref<10008x128xf32, #tpu.memory_space<vmem_shared>> -> memref<10008x128xf32, #tpu.memory_space<vmem_shared>>
        tpu.wait_indirect_dma semaphore(%run_scoped3A_724 : memref<!tpu.dma_semaphore, #tpu.memory_space<semaphore_mem>>) src(%arg9 : memref<128x128xf32, #tpu.memory_space<vmem>>) dst(%dma_wait3A_736 : memref<10008x128xf32, #tpu.memory_space<vmem_shared>>)
        tpu.yield
      }) : () -> ()
      %add3A_715 = arith.constant 1 : i32
      %add3A_716 = arith.addi %mul3A_686, %add3A_715 : i32
      %add3A_717 = arith.constant 2 : i32
      %add3A_718 = arith.addi %add3A_716, %add3A_717 : i32
      %lt3A_719 = arith.constant 40 : i32
      %lt3A_720 = arith.cmpi slt, %add3A_718, %lt3A_719 : i32
      %convert_element_type3A_721 = arith.extui %lt3A_720 : i1 to i32
      %cond3A_722 = arith.constant 0 : i32
      %cond3A_723 = arith.cmpi ne, %convert_element_type3A_721, %cond3A_722 : i32
      scf.if %cond3A_723 {
        %add3A_724 = arith.constant 1 : i32
        %add3A_725 = arith.addi %mul3A_686, %add3A_724 : i32
        %add3A_726 = arith.constant 2 : i32
        %add3A_727 = arith.addi %add3A_725, %add3A_726 : i32
        %dma_start3A_728 = arith.constant 0 : i32
        %dma_start3A_729 = tpu.memref_slice %arg6[%add3A_727, %dma_start3A_728] : memref<40x128xi32, #tpu.memory_space<vmem>> -> memref<1x128xi32, #tpu.memory_space<vmem>>
        %dma_start3A_730 = tpu.memref_squeeze %dma_start3A_729 : memref<1x128xi32, #tpu.memory_space<vmem>> -> memref<128xi32, #tpu.memory_space<vmem>>
        %dma_start3A_731 = arith.constant 0 : i32
        %dma_start3A_732 = arith.constant 0 : i32
        %dma_start3A_733 = tpu.memref_slice %arg2[%dma_start3A_731, %dma_start3A_732] : memref<10000x128xf32, #tpu.memory_space<hbm>> -> memref<10000x128xf32, #tpu.memory_space<hbm>>
        tpu.enqueue_indirect_dma source(%dma_start3A_733 : memref<10000x128xf32, #tpu.memory_space<hbm>>) target(%arg9 : memref<128x128xf32, #tpu.memory_space<vmem>>) offsets(%dma_start3A_730 : memref<128xi32, #tpu.memory_space<vmem>>) semaphore(%arg13 : memref<!tpu.dma_semaphore, #tpu.memory_space<semaphore_mem>>)
      } else {
      }
    }
    %scan3A_673 = arith.constant 20 : i32
    %barrier3A_674 = arith.constant 0 : index
    tpu.barrier barrier_id(%barrier3A_674)
    %mul3A_675 = arith.constant 624 : i32
    %mul3A_676 = arith.muli %arg1, %mul3A_675 : i32
    %mul3A_677 = arith.constant 624 : i32
    %mul3A_678 = arith.muli %arg1, %mul3A_677 : i32
    "tpu.region"() ({
      %run_scoped3A_684 = tpu.sem_alloc : memref<!tpu.dma_semaphore, #tpu.memory_space<semaphore_mem>>
      %dma_start3A_685 = arith.constant 0 : i32
      %dma_start3A_686 = tpu.memref_slice %arg5[%arg0, %mul3A_678, %dma_start3A_685] : memref<2x10000x128xf32, #tpu.memory_space<hbm>> -> memref<1x624x128xf32, #tpu.memory_space<hbm>>
      %dma_start3A_687 = tpu.memref_squeeze %dma_start3A_686 : memref<1x624x128xf32, #tpu.memory_space<hbm>> -> memref<624x128xf32, #tpu.memory_space<hbm>>
      %dma_start3A_688 = arith.constant 0 : i32
      %dma_start3A_689 = tpu.memref_slice %arg11[%mul3A_676, %dma_start3A_688] : memref<10008x128xf32, #tpu.memory_space<vmem_shared>> -> memref<624x128xf32, #tpu.memory_space<vmem_shared>>
      tpu.enqueue_dma source(%dma_start3A_689 : memref<624x128xf32, #tpu.memory_space<vmem_shared>>) target(%dma_start3A_687 : memref<624x128xf32, #tpu.memory_space<hbm>>) target_semaphore(%run_scoped3A_684 : memref<!tpu.dma_semaphore, #tpu.memory_space<semaphore_mem>>)
      %dma_wait3A_690 = arith.constant 0 : i32
      %dma_wait3A_691 = tpu.memref_slice %arg5[%arg0, %mul3A_678, %dma_wait3A_690] : memref<2x10000x128xf32, #tpu.memory_space<hbm>> -> memref<1x624x128xf32, #tpu.memory_space<hbm>>
      %dma_wait3A_692 = tpu.memref_squeeze %dma_wait3A_691 : memref<1x624x128xf32, #tpu.memory_space<hbm>> -> memref<624x128xf32, #tpu.memory_space<hbm>>
      %dma_wait3A_693 = arith.constant 0 : i32
      %dma_wait3A_694 = tpu.memref_slice %arg11[%mul3A_676, %dma_wait3A_693] : memref<10008x128xf32, #tpu.memory_space<vmem_shared>> -> memref<624x128xf32, #tpu.memory_space<vmem_shared>>
      tpu.wait_dma2 semaphore(%run_scoped3A_684 : memref<!tpu.dma_semaphore, #tpu.memory_space<semaphore_mem>>) src(%dma_wait3A_694 : memref<624x128xf32, #tpu.memory_space<vmem_shared>>) dst(%dma_wait3A_692 : memref<624x128xf32, #tpu.memory_space<hbm>>)
      tpu.yield
    }) : () -> ()
    %eq3A_679 = arith.constant 15 : i32
    %eq3A_680 = arith.cmpi eq, %arg1, %eq3A_679 : i32
    %convert_element_type3A_681 = arith.extui %eq3A_680 : i1 to i32
    %cond3A_682 = arith.constant 0 : i32
    %cond3A_683 = arith.cmpi ne, %convert_element_type3A_681, %cond3A_682 : i32
    scf.if %cond3A_683 {
      "tpu.region"() ({
        %run_scoped3A_684 = tpu.sem_alloc : memref<!tpu.dma_semaphore, #tpu.memory_space<semaphore_mem>>
        %dma_start3A_685 = arith.constant 9984 : i32
        %dma_start3A_686 = arith.constant 0 : i32
        %dma_start3A_687 = tpu.memref_slice %arg5[%arg0, %dma_start3A_685, %dma_start3A_686] : memref<2x10000x128xf32, #tpu.memory_space<hbm>> -> memref<1x16x128xf32, #tpu.memory_space<hbm>>
        %dma_start3A_688 = tpu.memref_squeeze %dma_start3A_687 : memref<1x16x128xf32, #tpu.memory_space<hbm>> -> memref<16x128xf32, #tpu.memory_space<hbm>>
        %dma_start3A_689 = arith.constant 9984 : i32
        %dma_start3A_690 = arith.constant 0 : i32
        %dma_start3A_691 = tpu.memref_slice %arg11[%dma_start3A_689, %dma_start3A_690] : memref<10008x128xf32, #tpu.memory_space<vmem_shared>> -> memref<16x128xf32, #tpu.memory_space<vmem_shared>>
        tpu.enqueue_dma source(%dma_start3A_691 : memref<16x128xf32, #tpu.memory_space<vmem_shared>>) target(%dma_start3A_688 : memref<16x128xf32, #tpu.memory_space<hbm>>) target_semaphore(%run_scoped3A_684 : memref<!tpu.dma_semaphore, #tpu.memory_space<semaphore_mem>>)
        %dma_wait3A_692 = arith.constant 9984 : i32
        %dma_wait3A_693 = arith.constant 0 : i32
        %dma_wait3A_694 = tpu.memref_slice %arg5[%arg0, %dma_wait3A_692, %dma_wait3A_693] : memref<2x10000x128xf32, #tpu.memory_space<hbm>> -> memref<1x16x128xf32, #tpu.memory_space<hbm>>
        %dma_wait3A_695 = tpu.memref_squeeze %dma_wait3A_694 : memref<1x16x128xf32, #tpu.memory_space<hbm>> -> memref<16x128xf32, #tpu.memory_space<hbm>>
        %dma_wait3A_696 = arith.constant 9984 : i32
        %dma_wait3A_697 = arith.constant 0 : i32
        %dma_wait3A_698 = tpu.memref_slice %arg11[%dma_wait3A_696, %dma_wait3A_697] : memref<10008x128xf32, #tpu.memory_space<vmem_shared>> -> memref<16x128xf32, #tpu.memory_space<vmem_shared>>
        tpu.wait_dma2 semaphore(%run_scoped3A_684 : memref<!tpu.dma_semaphore, #tpu.memory_space<semaphore_mem>>) src(%dma_wait3A_698 : memref<16x128xf32, #tpu.memory_space<vmem_shared>>) dst(%dma_wait3A_695 : memref<16x128xf32, #tpu.memory_space<hbm>>)
        tpu.yield
      }) : () -> ()
    } else {
    }
    return
  }
}

#map = affine_map<(d0, d1) -> (0, 0)>
#map1 = affine_map<(d0, d1) -> (0, 0, 0, 0)>
#map2 = affine_map<(d0, d1) -> (0, 0, 0)>
module attributes {stable_mosaic.version = 14 : i64} {
  func.func @_seg_sum_clicked_body(%arg0: i32, %arg1: i32, %arg2: memref<10000x128xf32, #tpu.memory_space<hbm>>, %arg3: memref<32x2x40x128xi32, #tpu.memory_space<hbm>>, %arg4: memref<32x2x40x128xi32, #tpu.memory_space<hbm>>, %arg5: memref<32x50xi32, #tpu.memory_space<hbm>>, %arg6: memref<10000x128xf32, #tpu.memory_space<hbm>>, %arg7: memref<2x32x50x128xf32, #tpu.memory_space<hbm>>, %arg8: memref<32x50x128xf32, #tpu.memory_space<hbm>>, %arg9: memref<40x128xi32, #tpu.memory_space<vmem>>, %arg10: memref<40x128xi32, #tpu.memory_space<vmem>>, %arg11: memref<128x128xf32, #tpu.memory_space<vmem>>, %arg12: memref<128x128xf32, #tpu.memory_space<vmem>>, %arg13: memref<16x128xf32, #tpu.memory_space<vmem>>, %arg14: memref<10008x128xf32, #tpu.memory_space<vmem_shared>>, %arg15: memref<!tpu.dma_semaphore, #tpu.memory_space<semaphore_mem>>, %arg16: memref<!tpu.dma_semaphore, #tpu.memory_space<semaphore_mem>>) attributes {dimension_semantics = [#tpu.dimension_semantics<core_parallel>, #tpu.dimension_semantics<subcore_parallel>], iteration_bounds = array<i64: 2, 16>, scalar_prefetch = 0 : i64, scratch_operands = 8 : i64, tpu.core_type = #tpu.core_type<sc_vector_subcore>, window_params = [{transform_indices = #map}, {transform_indices = #map1}, {transform_indices = #map1}, {transform_indices = #map}, {transform_indices = #map}, {transform_indices = #map1}, {transform_indices = #map2}]} {
    %mul3A = arith.constant 16 : i32
    %mul3A_0 = arith.muli %arg0, %mul3A : i32
    %add3A = arith.addi %mul3A_0, %arg1 : i32
    %broadcast_in_dim3A = arith.constant 0.000000e+00 : f32
    %broadcast_in_dim3A_1 = vector.broadcast %broadcast_in_dim3A : f32 to vector<16xf32>
    %scan3A = arith.constant 0 : i32
    %scan3A_2 = arith.constant 0 : i32
    %scan3A_3 = arith.constant 16 : i32
    %scan3A_4 = arith.addi %scan3A_2, %scan3A_3 : i32
    %scan3A_5 = arith.constant 1 : i32
    scf.for %scan3A_737 = %scan3A_2 to %scan3A_4 step %scan3A_5  : i32 {
      %scan3A_738 = arith.constant 0 : i32
      %scan3A_739 = arith.constant 8 : i32
      %scan3A_740 = arith.addi %scan3A_738, %scan3A_739 : i32
      %scan3A_741 = arith.constant 1 : i32
      scf.for %scan3A_743 = %scan3A_738 to %scan3A_740 step %scan3A_741  : i32 {
        %mul3A_744 = arith.constant 16 : i32
        %mul3A_745 = arith.muli %scan3A_743, %mul3A_744 : i32
        %swap3A = arith.index_cast %scan3A_737 : i32 to index
        %swap3A_746 = arith.index_cast %mul3A_745 : i32 to index
        %swap3A_747 = tpu.vector_load %arg13[%swap3A, %swap3A_746] {strides = array<i32>} : memref<16x128xf32, #tpu.memory_space<vmem>>, vector<1x16xf32>,
        %swap3A_748 = vector.shape_cast %swap3A_747 : vector<1x16xf32> to vector<16xf32>
        %swap3A_749 = vector.shape_cast %broadcast_in_dim3A_1 : vector<16xf32> to vector<1x16xf32>
        tpu.vector_store %arg13[%swap3A, %swap3A_746], %swap3A_749 {strides = array<i32>} : memref<16x128xf32, #tpu.memory_space<vmem>>, vector<1x16xf32>,
      }
      %scan3A_742 = arith.constant 8 : i32
    }
    %scan3A_6 = arith.constant 16 : i32
    %mul3A_7 = arith.constant 624 : i32
    %mul3A_8 = arith.muli %arg1, %mul3A_7 : i32
    %add3A_9 = arith.constant 0 : i32
    %add3A_10 = arith.addi %mul3A_8, %add3A_9 : i32
    %dma_start3A = arith.constant 0 : i32
    %dma_start3A_11 = tpu.memref_slice %arg14[%add3A_10, %dma_start3A] : memref<10008x128xf32, #tpu.memory_space<vmem_shared>> -> memref<16x128xf32, #tpu.memory_space<vmem_shared>>
    %dma_start3A_12 = arith.constant 0 : i32
    %dma_start3A_13 = tpu.memref_slice %arg14[%add3A_10, %dma_start3A_12] : memref<10008x128xf32, #tpu.memory_space<vmem_shared>> -> memref<16x128xf32, #tpu.memory_space<vmem_shared>>
    tpu.enqueue_dma source(%arg13 : memref<16x128xf32, #tpu.memory_space<vmem>>) target(%dma_start3A_13 : memref<16x128xf32, #tpu.memory_space<vmem_shared>>) target_semaphore(%arg15 : memref<!tpu.dma_semaphore, #tpu.memory_space<semaphore_mem>>)
    %mul3A_14 = arith.constant 624 : i32
    %mul3A_15 = arith.muli %arg1, %mul3A_14 : i32
    %add3A_16 = arith.constant 16 : i32
    %add3A_17 = arith.addi %mul3A_15, %add3A_16 : i32
    %dma_start3A_18 = arith.constant 0 : i32
    %dma_start3A_19 = tpu.memref_slice %arg14[%add3A_17, %dma_start3A_18] : memref<10008x128xf32, #tpu.memory_space<vmem_shared>> -> memref<16x128xf32, #tpu.memory_space<vmem_shared>>
    %dma_start3A_20 = arith.constant 0 : i32
    %dma_start3A_21 = tpu.memref_slice %arg14[%add3A_17, %dma_start3A_20] : memref<10008x128xf32, #tpu.memory_space<vmem_shared>> -> memref<16x128xf32, #tpu.memory_space<vmem_shared>>
    tpu.enqueue_dma source(%arg13 : memref<16x128xf32, #tpu.memory_space<vmem>>) target(%dma_start3A_21 : memref<16x128xf32, #tpu.memory_space<vmem_shared>>) target_semaphore(%arg15 : memref<!tpu.dma_semaphore, #tpu.memory_space<semaphore_mem>>)
    %mul3A_22 = arith.constant 624 : i32
    %mul3A_23 = arith.muli %arg1, %mul3A_22 : i32
    %add3A_24 = arith.constant 32 : i32
    %add3A_25 = arith.addi %mul3A_23, %add3A_24 : i32
    %dma_start3A_26 = arith.constant 0 : i32
    %dma_start3A_27 = tpu.memref_slice %arg14[%add3A_25, %dma_start3A_26] : memref<10008x128xf32, #tpu.memory_space<vmem_shared>> -> memref<16x128xf32, #tpu.memory_space<vmem_shared>>
    %dma_start3A_28 = arith.constant 0 : i32
    %dma_start3A_29 = tpu.memref_slice %arg14[%add3A_25, %dma_start3A_28] : memref<10008x128xf32, #tpu.memory_space<vmem_shared>> -> memref<16x128xf32, #tpu.memory_space<vmem_shared>>
    tpu.enqueue_dma source(%arg13 : memref<16x128xf32, #tpu.memory_space<vmem>>) target(%dma_start3A_29 : memref<16x128xf32, #tpu.memory_space<vmem_shared>>) target_semaphore(%arg15 : memref<!tpu.dma_semaphore, #tpu.memory_space<semaphore_mem>>)
    %mul3A_30 = arith.constant 624 : i32
    %mul3A_31 = arith.muli %arg1, %mul3A_30 : i32
    %add3A_32 = arith.constant 48 : i32
    %add3A_33 = arith.addi %mul3A_31, %add3A_32 : i32
    %dma_start3A_34 = arith.constant 0 : i32
    %dma_start3A_35 = tpu.memref_slice %arg14[%add3A_33, %dma_start3A_34] : memref<10008x128xf32, #tpu.memory_space<vmem_shared>> -> memref<16x128xf32, #tpu.memory_space<vmem_shared>>
    %dma_start3A_36 = arith.constant 0 : i32
    %dma_start3A_37 = tpu.memref_slice %arg14[%add3A_33, %dma_start3A_36] : memref<10008x128xf32, #tpu.memory_space<vmem_shared>> -> memref<16x128xf32, #tpu.memory_space<vmem_shared>>
    tpu.enqueue_dma source(%arg13 : memref<16x128xf32, #tpu.memory_space<vmem>>) target(%dma_start3A_37 : memref<16x128xf32, #tpu.memory_space<vmem_shared>>) target_semaphore(%arg15 : memref<!tpu.dma_semaphore, #tpu.memory_space<semaphore_mem>>)
    %mul3A_38 = arith.constant 624 : i32
    %mul3A_39 = arith.muli %arg1, %mul3A_38 : i32
    %add3A_40 = arith.constant 64 : i32
    %add3A_41 = arith.addi %mul3A_39, %add3A_40 : i32
    %dma_start3A_42 = arith.constant 0 : i32
    %dma_start3A_43 = tpu.memref_slice %arg14[%add3A_41, %dma_start3A_42] : memref<10008x128xf32, #tpu.memory_space<vmem_shared>> -> memref<16x128xf32, #tpu.memory_space<vmem_shared>>
    %dma_start3A_44 = arith.constant 0 : i32
    %dma_start3A_45 = tpu.memref_slice %arg14[%add3A_41, %dma_start3A_44] : memref<10008x128xf32, #tpu.memory_space<vmem_shared>> -> memref<16x128xf32, #tpu.memory_space<vmem_shared>>
    tpu.enqueue_dma source(%arg13 : memref<16x128xf32, #tpu.memory_space<vmem>>) target(%dma_start3A_45 : memref<16x128xf32, #tpu.memory_space<vmem_shared>>) target_semaphore(%arg15 : memref<!tpu.dma_semaphore, #tpu.memory_space<semaphore_mem>>)
    %mul3A_46 = arith.constant 624 : i32
    %mul3A_47 = arith.muli %arg1, %mul3A_46 : i32
    %add3A_48 = arith.constant 80 : i32
    %add3A_49 = arith.addi %mul3A_47, %add3A_48 : i32
    %dma_start3A_50 = arith.constant 0 : i32
    %dma_start3A_51 = tpu.memref_slice %arg14[%add3A_49, %dma_start3A_50] : memref<10008x128xf32, #tpu.memory_space<vmem_shared>> -> memref<16x128xf32, #tpu.memory_space<vmem_shared>>
    %dma_start3A_52 = arith.constant 0 : i32
    %dma_start3A_53 = tpu.memref_slice %arg14[%add3A_49, %dma_start3A_52] : memref<10008x128xf32, #tpu.memory_space<vmem_shared>> -> memref<16x128xf32, #tpu.memory_space<vmem_shared>>
    tpu.enqueue_dma source(%arg13 : memref<16x128xf32, #tpu.memory_space<vmem>>) target(%dma_start3A_53 : memref<16x128xf32, #tpu.memory_space<vmem_shared>>) target_semaphore(%arg15 : memref<!tpu.dma_semaphore, #tpu.memory_space<semaphore_mem>>)
    %mul3A_54 = arith.constant 624 : i32
    %mul3A_55 = arith.muli %arg1, %mul3A_54 : i32
    %add3A_56 = arith.constant 96 : i32
    %add3A_57 = arith.addi %mul3A_55, %add3A_56 : i32
    %dma_start3A_58 = arith.constant 0 : i32
    %dma_start3A_59 = tpu.memref_slice %arg14[%add3A_57, %dma_start3A_58] : memref<10008x128xf32, #tpu.memory_space<vmem_shared>> -> memref<16x128xf32, #tpu.memory_space<vmem_shared>>
    %dma_start3A_60 = arith.constant 0 : i32
    %dma_start3A_61 = tpu.memref_slice %arg14[%add3A_57, %dma_start3A_60] : memref<10008x128xf32, #tpu.memory_space<vmem_shared>> -> memref<16x128xf32, #tpu.memory_space<vmem_shared>>
    tpu.enqueue_dma source(%arg13 : memref<16x128xf32, #tpu.memory_space<vmem>>) target(%dma_start3A_61 : memref<16x128xf32, #tpu.memory_space<vmem_shared>>) target_semaphore(%arg15 : memref<!tpu.dma_semaphore, #tpu.memory_space<semaphore_mem>>)
    %mul3A_62 = arith.constant 624 : i32
    %mul3A_63 = arith.muli %arg1, %mul3A_62 : i32
    %add3A_64 = arith.constant 112 : i32
    %add3A_65 = arith.addi %mul3A_63, %add3A_64 : i32
    %dma_start3A_66 = arith.constant 0 : i32
    %dma_start3A_67 = tpu.memref_slice %arg14[%add3A_65, %dma_start3A_66] : memref<10008x128xf32, #tpu.memory_space<vmem_shared>> -> memref<16x128xf32, #tpu.memory_space<vmem_shared>>
    %dma_start3A_68 = arith.constant 0 : i32
    %dma_start3A_69 = tpu.memref_slice %arg14[%add3A_65, %dma_start3A_68] : memref<10008x128xf32, #tpu.memory_space<vmem_shared>> -> memref<16x128xf32, #tpu.memory_space<vmem_shared>>
    tpu.enqueue_dma source(%arg13 : memref<16x128xf32, #tpu.memory_space<vmem>>) target(%dma_start3A_69 : memref<16x128xf32, #tpu.memory_space<vmem_shared>>) target_semaphore(%arg15 : memref<!tpu.dma_semaphore, #tpu.memory_space<semaphore_mem>>)
    %mul3A_70 = arith.constant 624 : i32
    %mul3A_71 = arith.muli %arg1, %mul3A_70 : i32
    %add3A_72 = arith.constant 128 : i32
    %add3A_73 = arith.addi %mul3A_71, %add3A_72 : i32
    %dma_start3A_74 = arith.constant 0 : i32
    %dma_start3A_75 = tpu.memref_slice %arg14[%add3A_73, %dma_start3A_74] : memref<10008x128xf32, #tpu.memory_space<vmem_shared>> -> memref<16x128xf32, #tpu.memory_space<vmem_shared>>
    %dma_start3A_76 = arith.constant 0 : i32
    %dma_start3A_77 = tpu.memref_slice %arg14[%add3A_73, %dma_start3A_76] : memref<10008x128xf32, #tpu.memory_space<vmem_shared>> -> memref<16x128xf32, #tpu.memory_space<vmem_shared>>
    tpu.enqueue_dma source(%arg13 : memref<16x128xf32, #tpu.memory_space<vmem>>) target(%dma_start3A_77 : memref<16x128xf32, #tpu.memory_space<vmem_shared>>) target_semaphore(%arg15 : memref<!tpu.dma_semaphore, #tpu.memory_space<semaphore_mem>>)
    %mul3A_78 = arith.constant 624 : i32
    %mul3A_79 = arith.muli %arg1, %mul3A_78 : i32
    %add3A_80 = arith.constant 144 : i32
    %add3A_81 = arith.addi %mul3A_79, %add3A_80 : i32
    %dma_start3A_82 = arith.constant 0 : i32
    %dma_start3A_83 = tpu.memref_slice %arg14[%add3A_81, %dma_start3A_82] : memref<10008x128xf32, #tpu.memory_space<vmem_shared>> -> memref<16x128xf32, #tpu.memory_space<vmem_shared>>
    %dma_start3A_84 = arith.constant 0 : i32
    %dma_start3A_85 = tpu.memref_slice %arg14[%add3A_81, %dma_start3A_84] : memref<10008x128xf32, #tpu.memory_space<vmem_shared>> -> memref<16x128xf32, #tpu.memory_space<vmem_shared>>
    tpu.enqueue_dma source(%arg13 : memref<16x128xf32, #tpu.memory_space<vmem>>) target(%dma_start3A_85 : memref<16x128xf32, #tpu.memory_space<vmem_shared>>) target_semaphore(%arg15 : memref<!tpu.dma_semaphore, #tpu.memory_space<semaphore_mem>>)
    %mul3A_86 = arith.constant 624 : i32
    %mul3A_87 = arith.muli %arg1, %mul3A_86 : i32
    %add3A_88 = arith.constant 160 : i32
    %add3A_89 = arith.addi %mul3A_87, %add3A_88 : i32
    %dma_start3A_90 = arith.constant 0 : i32
    %dma_start3A_91 = tpu.memref_slice %arg14[%add3A_89, %dma_start3A_90] : memref<10008x128xf32, #tpu.memory_space<vmem_shared>> -> memref<16x128xf32, #tpu.memory_space<vmem_shared>>
    %dma_start3A_92 = arith.constant 0 : i32
    %dma_start3A_93 = tpu.memref_slice %arg14[%add3A_89, %dma_start3A_92] : memref<10008x128xf32, #tpu.memory_space<vmem_shared>> -> memref<16x128xf32, #tpu.memory_space<vmem_shared>>
    tpu.enqueue_dma source(%arg13 : memref<16x128xf32, #tpu.memory_space<vmem>>) target(%dma_start3A_93 : memref<16x128xf32, #tpu.memory_space<vmem_shared>>) target_semaphore(%arg15 : memref<!tpu.dma_semaphore, #tpu.memory_space<semaphore_mem>>)
    %mul3A_94 = arith.constant 624 : i32
    %mul3A_95 = arith.muli %arg1, %mul3A_94 : i32
    %add3A_96 = arith.constant 176 : i32
    %add3A_97 = arith.addi %mul3A_95, %add3A_96 : i32
    %dma_start3A_98 = arith.constant 0 : i32
    %dma_start3A_99 = tpu.memref_slice %arg14[%add3A_97, %dma_start3A_98] : memref<10008x128xf32, #tpu.memory_space<vmem_shared>> -> memref<16x128xf32, #tpu.memory_space<vmem_shared>>
    %dma_start3A_100 = arith.constant 0 : i32
    %dma_start3A_101 = tpu.memref_slice %arg14[%add3A_97, %dma_start3A_100] : memref<10008x128xf32, #tpu.memory_space<vmem_shared>> -> memref<16x128xf32, #tpu.memory_space<vmem_shared>>
    tpu.enqueue_dma source(%arg13 : memref<16x128xf32, #tpu.memory_space<vmem>>) target(%dma_start3A_101 : memref<16x128xf32, #tpu.memory_space<vmem_shared>>) target_semaphore(%arg15 : memref<!tpu.dma_semaphore, #tpu.memory_space<semaphore_mem>>)
    %mul3A_102 = arith.constant 624 : i32
    %mul3A_103 = arith.muli %arg1, %mul3A_102 : i32
    %add3A_104 = arith.constant 192 : i32
    %add3A_105 = arith.addi %mul3A_103, %add3A_104 : i32
    %dma_start3A_106 = arith.constant 0 : i32
    %dma_start3A_107 = tpu.memref_slice %arg14[%add3A_105, %dma_start3A_106] : memref<10008x128xf32, #tpu.memory_space<vmem_shared>> -> memref<16x128xf32, #tpu.memory_space<vmem_shared>>
    %dma_start3A_108 = arith.constant 0 : i32
    %dma_start3A_109 = tpu.memref_slice %arg14[%add3A_105, %dma_start3A_108] : memref<10008x128xf32, #tpu.memory_space<vmem_shared>> -> memref<16x128xf32, #tpu.memory_space<vmem_shared>>
    tpu.enqueue_dma source(%arg13 : memref<16x128xf32, #tpu.memory_space<vmem>>) target(%dma_start3A_109 : memref<16x128xf32, #tpu.memory_space<vmem_shared>>) target_semaphore(%arg15 : memref<!tpu.dma_semaphore, #tpu.memory_space<semaphore_mem>>)
    %mul3A_110 = arith.constant 624 : i32
    %mul3A_111 = arith.muli %arg1, %mul3A_110 : i32
    %add3A_112 = arith.constant 208 : i32
    %add3A_113 = arith.addi %mul3A_111, %add3A_112 : i32
    %dma_start3A_114 = arith.constant 0 : i32
    %dma_start3A_115 = tpu.memref_slice %arg14[%add3A_113, %dma_start3A_114] : memref<10008x128xf32, #tpu.memory_space<vmem_shared>> -> memref<16x128xf32, #tpu.memory_space<vmem_shared>>
    %dma_start3A_116 = arith.constant 0 : i32
    %dma_start3A_117 = tpu.memref_slice %arg14[%add3A_113, %dma_start3A_116] : memref<10008x128xf32, #tpu.memory_space<vmem_shared>> -> memref<16x128xf32, #tpu.memory_space<vmem_shared>>
    tpu.enqueue_dma source(%arg13 : memref<16x128xf32, #tpu.memory_space<vmem>>) target(%dma_start3A_117 : memref<16x128xf32, #tpu.memory_space<vmem_shared>>) target_semaphore(%arg15 : memref<!tpu.dma_semaphore, #tpu.memory_space<semaphore_mem>>)
    %mul3A_118 = arith.constant 624 : i32
    %mul3A_119 = arith.muli %arg1, %mul3A_118 : i32
    %add3A_120 = arith.constant 224 : i32
    %add3A_121 = arith.addi %mul3A_119, %add3A_120 : i32
    %dma_start3A_122 = arith.constant 0 : i32
    %dma_start3A_123 = tpu.memref_slice %arg14[%add3A_121, %dma_start3A_122] : memref<10008x128xf32, #tpu.memory_space<vmem_shared>> -> memref<16x128xf32, #tpu.memory_space<vmem_shared>>
    %dma_start3A_124 = arith.constant 0 : i32
    %dma_start3A_125 = tpu.memref_slice %arg14[%add3A_121, %dma_start3A_124] : memref<10008x128xf32, #tpu.memory_space<vmem_shared>> -> memref<16x128xf32, #tpu.memory_space<vmem_shared>>
    tpu.enqueue_dma source(%arg13 : memref<16x128xf32, #tpu.memory_space<vmem>>) target(%dma_start3A_125 : memref<16x128xf32, #tpu.memory_space<vmem_shared>>) target_semaphore(%arg15 : memref<!tpu.dma_semaphore, #tpu.memory_space<semaphore_mem>>)
    %mul3A_126 = arith.constant 624 : i32
    %mul3A_127 = arith.muli %arg1, %mul3A_126 : i32
    %add3A_128 = arith.constant 240 : i32
    %add3A_129 = arith.addi %mul3A_127, %add3A_128 : i32
    %dma_start3A_130 = arith.constant 0 : i32
    %dma_start3A_131 = tpu.memref_slice %arg14[%add3A_129, %dma_start3A_130] : memref<10008x128xf32, #tpu.memory_space<vmem_shared>> -> memref<16x128xf32, #tpu.memory_space<vmem_shared>>
    %dma_start3A_132 = arith.constant 0 : i32
    %dma_start3A_133 = tpu.memref_slice %arg14[%add3A_129, %dma_start3A_132] : memref<10008x128xf32, #tpu.memory_space<vmem_shared>> -> memref<16x128xf32, #tpu.memory_space<vmem_shared>>
    tpu.enqueue_dma source(%arg13 : memref<16x128xf32, #tpu.memory_space<vmem>>) target(%dma_start3A_133 : memref<16x128xf32, #tpu.memory_space<vmem_shared>>) target_semaphore(%arg15 : memref<!tpu.dma_semaphore, #tpu.memory_space<semaphore_mem>>)
    %mul3A_134 = arith.constant 624 : i32
    %mul3A_135 = arith.muli %arg1, %mul3A_134 : i32
    %add3A_136 = arith.constant 256 : i32
    %add3A_137 = arith.addi %mul3A_135, %add3A_136 : i32
    %dma_start3A_138 = arith.constant 0 : i32
    %dma_start3A_139 = tpu.memref_slice %arg14[%add3A_137, %dma_start3A_138] : memref<10008x128xf32, #tpu.memory_space<vmem_shared>> -> memref<16x128xf32, #tpu.memory_space<vmem_shared>>
    %dma_start3A_140 = arith.constant 0 : i32
    %dma_start3A_141 = tpu.memref_slice %arg14[%add3A_137, %dma_start3A_140] : memref<10008x128xf32, #tpu.memory_space<vmem_shared>> -> memref<16x128xf32, #tpu.memory_space<vmem_shared>>
    tpu.enqueue_dma source(%arg13 : memref<16x128xf32, #tpu.memory_space<vmem>>) target(%dma_start3A_141 : memref<16x128xf32, #tpu.memory_space<vmem_shared>>) target_semaphore(%arg15 : memref<!tpu.dma_semaphore, #tpu.memory_space<semaphore_mem>>)
    %mul3A_142 = arith.constant 624 : i32
    %mul3A_143 = arith.muli %arg1, %mul3A_142 : i32
    %add3A_144 = arith.constant 272 : i32
    %add3A_145 = arith.addi %mul3A_143, %add3A_144 : i32
    %dma_start3A_146 = arith.constant 0 : i32
    %dma_start3A_147 = tpu.memref_slice %arg14[%add3A_145, %dma_start3A_146] : memref<10008x128xf32, #tpu.memory_space<vmem_shared>> -> memref<16x128xf32, #tpu.memory_space<vmem_shared>>
    %dma_start3A_148 = arith.constant 0 : i32
    %dma_start3A_149 = tpu.memref_slice %arg14[%add3A_145, %dma_start3A_148] : memref<10008x128xf32, #tpu.memory_space<vmem_shared>> -> memref<16x128xf32, #tpu.memory_space<vmem_shared>>
    tpu.enqueue_dma source(%arg13 : memref<16x128xf32, #tpu.memory_space<vmem>>) target(%dma_start3A_149 : memref<16x128xf32, #tpu.memory_space<vmem_shared>>) target_semaphore(%arg15 : memref<!tpu.dma_semaphore, #tpu.memory_space<semaphore_mem>>)
    %mul3A_150 = arith.constant 624 : i32
    %mul3A_151 = arith.muli %arg1, %mul3A_150 : i32
    %add3A_152 = arith.constant 288 : i32
    %add3A_153 = arith.addi %mul3A_151, %add3A_152 : i32
    %dma_start3A_154 = arith.constant 0 : i32
    %dma_start3A_155 = tpu.memref_slice %arg14[%add3A_153, %dma_start3A_154] : memref<10008x128xf32, #tpu.memory_space<vmem_shared>> -> memref<16x128xf32, #tpu.memory_space<vmem_shared>>
    %dma_start3A_156 = arith.constant 0 : i32
    %dma_start3A_157 = tpu.memref_slice %arg14[%add3A_153, %dma_start3A_156] : memref<10008x128xf32, #tpu.memory_space<vmem_shared>> -> memref<16x128xf32, #tpu.memory_space<vmem_shared>>
    tpu.enqueue_dma source(%arg13 : memref<16x128xf32, #tpu.memory_space<vmem>>) target(%dma_start3A_157 : memref<16x128xf32, #tpu.memory_space<vmem_shared>>) target_semaphore(%arg15 : memref<!tpu.dma_semaphore, #tpu.memory_space<semaphore_mem>>)
    %mul3A_158 = arith.constant 624 : i32
    %mul3A_159 = arith.muli %arg1, %mul3A_158 : i32
    %add3A_160 = arith.constant 304 : i32
    %add3A_161 = arith.addi %mul3A_159, %add3A_160 : i32
    %dma_start3A_162 = arith.constant 0 : i32
    %dma_start3A_163 = tpu.memref_slice %arg14[%add3A_161, %dma_start3A_162] : memref<10008x128xf32, #tpu.memory_space<vmem_shared>> -> memref<16x128xf32, #tpu.memory_space<vmem_shared>>
    %dma_start3A_164 = arith.constant 0 : i32
    %dma_start3A_165 = tpu.memref_slice %arg14[%add3A_161, %dma_start3A_164] : memref<10008x128xf32, #tpu.memory_space<vmem_shared>> -> memref<16x128xf32, #tpu.memory_space<vmem_shared>>
    tpu.enqueue_dma source(%arg13 : memref<16x128xf32, #tpu.memory_space<vmem>>) target(%dma_start3A_165 : memref<16x128xf32, #tpu.memory_space<vmem_shared>>) target_semaphore(%arg15 : memref<!tpu.dma_semaphore, #tpu.memory_space<semaphore_mem>>)
    %mul3A_166 = arith.constant 624 : i32
    %mul3A_167 = arith.muli %arg1, %mul3A_166 : i32
    %add3A_168 = arith.constant 320 : i32
    %add3A_169 = arith.addi %mul3A_167, %add3A_168 : i32
    %dma_start3A_170 = arith.constant 0 : i32
    %dma_start3A_171 = tpu.memref_slice %arg14[%add3A_169, %dma_start3A_170] : memref<10008x128xf32, #tpu.memory_space<vmem_shared>> -> memref<16x128xf32, #tpu.memory_space<vmem_shared>>
    %dma_start3A_172 = arith.constant 0 : i32
    %dma_start3A_173 = tpu.memref_slice %arg14[%add3A_169, %dma_start3A_172] : memref<10008x128xf32, #tpu.memory_space<vmem_shared>> -> memref<16x128xf32, #tpu.memory_space<vmem_shared>>
    tpu.enqueue_dma source(%arg13 : memref<16x128xf32, #tpu.memory_space<vmem>>) target(%dma_start3A_173 : memref<16x128xf32, #tpu.memory_space<vmem_shared>>) target_semaphore(%arg15 : memref<!tpu.dma_semaphore, #tpu.memory_space<semaphore_mem>>)
    %mul3A_174 = arith.constant 624 : i32
    %mul3A_175 = arith.muli %arg1, %mul3A_174 : i32
    %add3A_176 = arith.constant 336 : i32
    %add3A_177 = arith.addi %mul3A_175, %add3A_176 : i32
    %dma_start3A_178 = arith.constant 0 : i32
    %dma_start3A_179 = tpu.memref_slice %arg14[%add3A_177, %dma_start3A_178] : memref<10008x128xf32, #tpu.memory_space<vmem_shared>> -> memref<16x128xf32, #tpu.memory_space<vmem_shared>>
    %dma_start3A_180 = arith.constant 0 : i32
    %dma_start3A_181 = tpu.memref_slice %arg14[%add3A_177, %dma_start3A_180] : memref<10008x128xf32, #tpu.memory_space<vmem_shared>> -> memref<16x128xf32, #tpu.memory_space<vmem_shared>>
    tpu.enqueue_dma source(%arg13 : memref<16x128xf32, #tpu.memory_space<vmem>>) target(%dma_start3A_181 : memref<16x128xf32, #tpu.memory_space<vmem_shared>>) target_semaphore(%arg15 : memref<!tpu.dma_semaphore, #tpu.memory_space<semaphore_mem>>)
    %mul3A_182 = arith.constant 624 : i32
    %mul3A_183 = arith.muli %arg1, %mul3A_182 : i32
    %add3A_184 = arith.constant 352 : i32
    %add3A_185 = arith.addi %mul3A_183, %add3A_184 : i32
    %dma_start3A_186 = arith.constant 0 : i32
    %dma_start3A_187 = tpu.memref_slice %arg14[%add3A_185, %dma_start3A_186] : memref<10008x128xf32, #tpu.memory_space<vmem_shared>> -> memref<16x128xf32, #tpu.memory_space<vmem_shared>>
    %dma_start3A_188 = arith.constant 0 : i32
    %dma_start3A_189 = tpu.memref_slice %arg14[%add3A_185, %dma_start3A_188] : memref<10008x128xf32, #tpu.memory_space<vmem_shared>> -> memref<16x128xf32, #tpu.memory_space<vmem_shared>>
    tpu.enqueue_dma source(%arg13 : memref<16x128xf32, #tpu.memory_space<vmem>>) target(%dma_start3A_189 : memref<16x128xf32, #tpu.memory_space<vmem_shared>>) target_semaphore(%arg15 : memref<!tpu.dma_semaphore, #tpu.memory_space<semaphore_mem>>)
    %mul3A_190 = arith.constant 624 : i32
    %mul3A_191 = arith.muli %arg1, %mul3A_190 : i32
    %add3A_192 = arith.constant 368 : i32
    %add3A_193 = arith.addi %mul3A_191, %add3A_192 : i32
    %dma_start3A_194 = arith.constant 0 : i32
    %dma_start3A_195 = tpu.memref_slice %arg14[%add3A_193, %dma_start3A_194] : memref<10008x128xf32, #tpu.memory_space<vmem_shared>> -> memref<16x128xf32, #tpu.memory_space<vmem_shared>>
    %dma_start3A_196 = arith.constant 0 : i32
    %dma_start3A_197 = tpu.memref_slice %arg14[%add3A_193, %dma_start3A_196] : memref<10008x128xf32, #tpu.memory_space<vmem_shared>> -> memref<16x128xf32, #tpu.memory_space<vmem_shared>>
    tpu.enqueue_dma source(%arg13 : memref<16x128xf32, #tpu.memory_space<vmem>>) target(%dma_start3A_197 : memref<16x128xf32, #tpu.memory_space<vmem_shared>>) target_semaphore(%arg15 : memref<!tpu.dma_semaphore, #tpu.memory_space<semaphore_mem>>)
    %mul3A_198 = arith.constant 624 : i32
    %mul3A_199 = arith.muli %arg1, %mul3A_198 : i32
    %add3A_200 = arith.constant 384 : i32
    %add3A_201 = arith.addi %mul3A_199, %add3A_200 : i32
    %dma_start3A_202 = arith.constant 0 : i32
    %dma_start3A_203 = tpu.memref_slice %arg14[%add3A_201, %dma_start3A_202] : memref<10008x128xf32, #tpu.memory_space<vmem_shared>> -> memref<16x128xf32, #tpu.memory_space<vmem_shared>>
    %dma_start3A_204 = arith.constant 0 : i32
    %dma_start3A_205 = tpu.memref_slice %arg14[%add3A_201, %dma_start3A_204] : memref<10008x128xf32, #tpu.memory_space<vmem_shared>> -> memref<16x128xf32, #tpu.memory_space<vmem_shared>>
    tpu.enqueue_dma source(%arg13 : memref<16x128xf32, #tpu.memory_space<vmem>>) target(%dma_start3A_205 : memref<16x128xf32, #tpu.memory_space<vmem_shared>>) target_semaphore(%arg15 : memref<!tpu.dma_semaphore, #tpu.memory_space<semaphore_mem>>)
    %mul3A_206 = arith.constant 624 : i32
    %mul3A_207 = arith.muli %arg1, %mul3A_206 : i32
    %add3A_208 = arith.constant 400 : i32
    %add3A_209 = arith.addi %mul3A_207, %add3A_208 : i32
    %dma_start3A_210 = arith.constant 0 : i32
    %dma_start3A_211 = tpu.memref_slice %arg14[%add3A_209, %dma_start3A_210] : memref<10008x128xf32, #tpu.memory_space<vmem_shared>> -> memref<16x128xf32, #tpu.memory_space<vmem_shared>>
    %dma_start3A_212 = arith.constant 0 : i32
    %dma_start3A_213 = tpu.memref_slice %arg14[%add3A_209, %dma_start3A_212] : memref<10008x128xf32, #tpu.memory_space<vmem_shared>> -> memref<16x128xf32, #tpu.memory_space<vmem_shared>>
    tpu.enqueue_dma source(%arg13 : memref<16x128xf32, #tpu.memory_space<vmem>>) target(%dma_start3A_213 : memref<16x128xf32, #tpu.memory_space<vmem_shared>>) target_semaphore(%arg15 : memref<!tpu.dma_semaphore, #tpu.memory_space<semaphore_mem>>)
    %mul3A_214 = arith.constant 624 : i32
    %mul3A_215 = arith.muli %arg1, %mul3A_214 : i32
    %add3A_216 = arith.constant 416 : i32
    %add3A_217 = arith.addi %mul3A_215, %add3A_216 : i32
    %dma_start3A_218 = arith.constant 0 : i32
    %dma_start3A_219 = tpu.memref_slice %arg14[%add3A_217, %dma_start3A_218] : memref<10008x128xf32, #tpu.memory_space<vmem_shared>> -> memref<16x128xf32, #tpu.memory_space<vmem_shared>>
    %dma_start3A_220 = arith.constant 0 : i32
    %dma_start3A_221 = tpu.memref_slice %arg14[%add3A_217, %dma_start3A_220] : memref<10008x128xf32, #tpu.memory_space<vmem_shared>> -> memref<16x128xf32, #tpu.memory_space<vmem_shared>>
    tpu.enqueue_dma source(%arg13 : memref<16x128xf32, #tpu.memory_space<vmem>>) target(%dma_start3A_221 : memref<16x128xf32, #tpu.memory_space<vmem_shared>>) target_semaphore(%arg15 : memref<!tpu.dma_semaphore, #tpu.memory_space<semaphore_mem>>)
    %mul3A_222 = arith.constant 624 : i32
    %mul3A_223 = arith.muli %arg1, %mul3A_222 : i32
    %add3A_224 = arith.constant 432 : i32
    %add3A_225 = arith.addi %mul3A_223, %add3A_224 : i32
    %dma_start3A_226 = arith.constant 0 : i32
    %dma_start3A_227 = tpu.memref_slice %arg14[%add3A_225, %dma_start3A_226] : memref<10008x128xf32, #tpu.memory_space<vmem_shared>> -> memref<16x128xf32, #tpu.memory_space<vmem_shared>>
    %dma_start3A_228 = arith.constant 0 : i32
    %dma_start3A_229 = tpu.memref_slice %arg14[%add3A_225, %dma_start3A_228] : memref<10008x128xf32, #tpu.memory_space<vmem_shared>> -> memref<16x128xf32, #tpu.memory_space<vmem_shared>>
    tpu.enqueue_dma source(%arg13 : memref<16x128xf32, #tpu.memory_space<vmem>>) target(%dma_start3A_229 : memref<16x128xf32, #tpu.memory_space<vmem_shared>>) target_semaphore(%arg15 : memref<!tpu.dma_semaphore, #tpu.memory_space<semaphore_mem>>)
    %mul3A_230 = arith.constant 624 : i32
    %mul3A_231 = arith.muli %arg1, %mul3A_230 : i32
    %add3A_232 = arith.constant 448 : i32
    %add3A_233 = arith.addi %mul3A_231, %add3A_232 : i32
    %dma_start3A_234 = arith.constant 0 : i32
    %dma_start3A_235 = tpu.memref_slice %arg14[%add3A_233, %dma_start3A_234] : memref<10008x128xf32, #tpu.memory_space<vmem_shared>> -> memref<16x128xf32, #tpu.memory_space<vmem_shared>>
    %dma_start3A_236 = arith.constant 0 : i32
    %dma_start3A_237 = tpu.memref_slice %arg14[%add3A_233, %dma_start3A_236] : memref<10008x128xf32, #tpu.memory_space<vmem_shared>> -> memref<16x128xf32, #tpu.memory_space<vmem_shared>>
    tpu.enqueue_dma source(%arg13 : memref<16x128xf32, #tpu.memory_space<vmem>>) target(%dma_start3A_237 : memref<16x128xf32, #tpu.memory_space<vmem_shared>>) target_semaphore(%arg15 : memref<!tpu.dma_semaphore, #tpu.memory_space<semaphore_mem>>)
    %mul3A_238 = arith.constant 624 : i32
    %mul3A_239 = arith.muli %arg1, %mul3A_238 : i32
    %add3A_240 = arith.constant 464 : i32
    %add3A_241 = arith.addi %mul3A_239, %add3A_240 : i32
    %dma_start3A_242 = arith.constant 0 : i32
    %dma_start3A_243 = tpu.memref_slice %arg14[%add3A_241, %dma_start3A_242] : memref<10008x128xf32, #tpu.memory_space<vmem_shared>> -> memref<16x128xf32, #tpu.memory_space<vmem_shared>>
    %dma_start3A_244 = arith.constant 0 : i32
    %dma_start3A_245 = tpu.memref_slice %arg14[%add3A_241, %dma_start3A_244] : memref<10008x128xf32, #tpu.memory_space<vmem_shared>> -> memref<16x128xf32, #tpu.memory_space<vmem_shared>>
    tpu.enqueue_dma source(%arg13 : memref<16x128xf32, #tpu.memory_space<vmem>>) target(%dma_start3A_245 : memref<16x128xf32, #tpu.memory_space<vmem_shared>>) target_semaphore(%arg15 : memref<!tpu.dma_semaphore, #tpu.memory_space<semaphore_mem>>)
    %mul3A_246 = arith.constant 624 : i32
    %mul3A_247 = arith.muli %arg1, %mul3A_246 : i32
    %add3A_248 = arith.constant 480 : i32
    %add3A_249 = arith.addi %mul3A_247, %add3A_248 : i32
    %dma_start3A_250 = arith.constant 0 : i32
    %dma_start3A_251 = tpu.memref_slice %arg14[%add3A_249, %dma_start3A_250] : memref<10008x128xf32, #tpu.memory_space<vmem_shared>> -> memref<16x128xf32, #tpu.memory_space<vmem_shared>>
    %dma_start3A_252 = arith.constant 0 : i32
    %dma_start3A_253 = tpu.memref_slice %arg14[%add3A_249, %dma_start3A_252] : memref<10008x128xf32, #tpu.memory_space<vmem_shared>> -> memref<16x128xf32, #tpu.memory_space<vmem_shared>>
    tpu.enqueue_dma source(%arg13 : memref<16x128xf32, #tpu.memory_space<vmem>>) target(%dma_start3A_253 : memref<16x128xf32, #tpu.memory_space<vmem_shared>>) target_semaphore(%arg15 : memref<!tpu.dma_semaphore, #tpu.memory_space<semaphore_mem>>)
    %mul3A_254 = arith.constant 624 : i32
    %mul3A_255 = arith.muli %arg1, %mul3A_254 : i32
    %add3A_256 = arith.constant 496 : i32
    %add3A_257 = arith.addi %mul3A_255, %add3A_256 : i32
    %dma_start3A_258 = arith.constant 0 : i32
    %dma_start3A_259 = tpu.memref_slice %arg14[%add3A_257, %dma_start3A_258] : memref<10008x128xf32, #tpu.memory_space<vmem_shared>> -> memref<16x128xf32, #tpu.memory_space<vmem_shared>>
    %dma_start3A_260 = arith.constant 0 : i32
    %dma_start3A_261 = tpu.memref_slice %arg14[%add3A_257, %dma_start3A_260] : memref<10008x128xf32, #tpu.memory_space<vmem_shared>> -> memref<16x128xf32, #tpu.memory_space<vmem_shared>>
    tpu.enqueue_dma source(%arg13 : memref<16x128xf32, #tpu.memory_space<vmem>>) target(%dma_start3A_261 : memref<16x128xf32, #tpu.memory_space<vmem_shared>>) target_semaphore(%arg15 : memref<!tpu.dma_semaphore, #tpu.memory_space<semaphore_mem>>)
    %mul3A_262 = arith.constant 624 : i32
    %mul3A_263 = arith.muli %arg1, %mul3A_262 : i32
    %add3A_264 = arith.constant 512 : i32
    %add3A_265 = arith.addi %mul3A_263, %add3A_264 : i32
    %dma_start3A_266 = arith.constant 0 : i32
    %dma_start3A_267 = tpu.memref_slice %arg14[%add3A_265, %dma_start3A_266] : memref<10008x128xf32, #tpu.memory_space<vmem_shared>> -> memref<16x128xf32, #tpu.memory_space<vmem_shared>>
    %dma_start3A_268 = arith.constant 0 : i32
    %dma_start3A_269 = tpu.memref_slice %arg14[%add3A_265, %dma_start3A_268] : memref<10008x128xf32, #tpu.memory_space<vmem_shared>> -> memref<16x128xf32, #tpu.memory_space<vmem_shared>>
    tpu.enqueue_dma source(%arg13 : memref<16x128xf32, #tpu.memory_space<vmem>>) target(%dma_start3A_269 : memref<16x128xf32, #tpu.memory_space<vmem_shared>>) target_semaphore(%arg15 : memref<!tpu.dma_semaphore, #tpu.memory_space<semaphore_mem>>)
    %mul3A_270 = arith.constant 624 : i32
    %mul3A_271 = arith.muli %arg1, %mul3A_270 : i32
    %add3A_272 = arith.constant 528 : i32
    %add3A_273 = arith.addi %mul3A_271, %add3A_272 : i32
    %dma_start3A_274 = arith.constant 0 : i32
    %dma_start3A_275 = tpu.memref_slice %arg14[%add3A_273, %dma_start3A_274] : memref<10008x128xf32, #tpu.memory_space<vmem_shared>> -> memref<16x128xf32, #tpu.memory_space<vmem_shared>>
    %dma_start3A_276 = arith.constant 0 : i32
    %dma_start3A_277 = tpu.memref_slice %arg14[%add3A_273, %dma_start3A_276] : memref<10008x128xf32, #tpu.memory_space<vmem_shared>> -> memref<16x128xf32, #tpu.memory_space<vmem_shared>>
    tpu.enqueue_dma source(%arg13 : memref<16x128xf32, #tpu.memory_space<vmem>>) target(%dma_start3A_277 : memref<16x128xf32, #tpu.memory_space<vmem_shared>>) target_semaphore(%arg15 : memref<!tpu.dma_semaphore, #tpu.memory_space<semaphore_mem>>)
    %mul3A_278 = arith.constant 624 : i32
    %mul3A_279 = arith.muli %arg1, %mul3A_278 : i32
    %add3A_280 = arith.constant 544 : i32
    %add3A_281 = arith.addi %mul3A_279, %add3A_280 : i32
    %dma_start3A_282 = arith.constant 0 : i32
    %dma_start3A_283 = tpu.memref_slice %arg14[%add3A_281, %dma_start3A_282] : memref<10008x128xf32, #tpu.memory_space<vmem_shared>> -> memref<16x128xf32, #tpu.memory_space<vmem_shared>>
    %dma_start3A_284 = arith.constant 0 : i32
    %dma_start3A_285 = tpu.memref_slice %arg14[%add3A_281, %dma_start3A_284] : memref<10008x128xf32, #tpu.memory_space<vmem_shared>> -> memref<16x128xf32, #tpu.memory_space<vmem_shared>>
    tpu.enqueue_dma source(%arg13 : memref<16x128xf32, #tpu.memory_space<vmem>>) target(%dma_start3A_285 : memref<16x128xf32, #tpu.memory_space<vmem_shared>>) target_semaphore(%arg15 : memref<!tpu.dma_semaphore, #tpu.memory_space<semaphore_mem>>)
    %mul3A_286 = arith.constant 624 : i32
    %mul3A_287 = arith.muli %arg1, %mul3A_286 : i32
    %add3A_288 = arith.constant 560 : i32
    %add3A_289 = arith.addi %mul3A_287, %add3A_288 : i32
    %dma_start3A_290 = arith.constant 0 : i32
    %dma_start3A_291 = tpu.memref_slice %arg14[%add3A_289, %dma_start3A_290] : memref<10008x128xf32, #tpu.memory_space<vmem_shared>> -> memref<16x128xf32, #tpu.memory_space<vmem_shared>>
    %dma_start3A_292 = arith.constant 0 : i32
    %dma_start3A_293 = tpu.memref_slice %arg14[%add3A_289, %dma_start3A_292] : memref<10008x128xf32, #tpu.memory_space<vmem_shared>> -> memref<16x128xf32, #tpu.memory_space<vmem_shared>>
    tpu.enqueue_dma source(%arg13 : memref<16x128xf32, #tpu.memory_space<vmem>>) target(%dma_start3A_293 : memref<16x128xf32, #tpu.memory_space<vmem_shared>>) target_semaphore(%arg15 : memref<!tpu.dma_semaphore, #tpu.memory_space<semaphore_mem>>)
    %mul3A_294 = arith.constant 624 : i32
    %mul3A_295 = arith.muli %arg1, %mul3A_294 : i32
    %add3A_296 = arith.constant 576 : i32
    %add3A_297 = arith.addi %mul3A_295, %add3A_296 : i32
    %dma_start3A_298 = arith.constant 0 : i32
    %dma_start3A_299 = tpu.memref_slice %arg14[%add3A_297, %dma_start3A_298] : memref<10008x128xf32, #tpu.memory_space<vmem_shared>> -> memref<16x128xf32, #tpu.memory_space<vmem_shared>>
    %dma_start3A_300 = arith.constant 0 : i32
    %dma_start3A_301 = tpu.memref_slice %arg14[%add3A_297, %dma_start3A_300] : memref<10008x128xf32, #tpu.memory_space<vmem_shared>> -> memref<16x128xf32, #tpu.memory_space<vmem_shared>>
    tpu.enqueue_dma source(%arg13 : memref<16x128xf32, #tpu.memory_space<vmem>>) target(%dma_start3A_301 : memref<16x128xf32, #tpu.memory_space<vmem_shared>>) target_semaphore(%arg15 : memref<!tpu.dma_semaphore, #tpu.memory_space<semaphore_mem>>)
    %mul3A_302 = arith.constant 624 : i32
    %mul3A_303 = arith.muli %arg1, %mul3A_302 : i32
    %add3A_304 = arith.constant 592 : i32
    %add3A_305 = arith.addi %mul3A_303, %add3A_304 : i32
    %dma_start3A_306 = arith.constant 0 : i32
    %dma_start3A_307 = tpu.memref_slice %arg14[%add3A_305, %dma_start3A_306] : memref<10008x128xf32, #tpu.memory_space<vmem_shared>> -> memref<16x128xf32, #tpu.memory_space<vmem_shared>>
    %dma_start3A_308 = arith.constant 0 : i32
    %dma_start3A_309 = tpu.memref_slice %arg14[%add3A_305, %dma_start3A_308] : memref<10008x128xf32, #tpu.memory_space<vmem_shared>> -> memref<16x128xf32, #tpu.memory_space<vmem_shared>>
    tpu.enqueue_dma source(%arg13 : memref<16x128xf32, #tpu.memory_space<vmem>>) target(%dma_start3A_309 : memref<16x128xf32, #tpu.memory_space<vmem_shared>>) target_semaphore(%arg15 : memref<!tpu.dma_semaphore, #tpu.memory_space<semaphore_mem>>)
    %mul3A_310 = arith.constant 624 : i32
    %mul3A_311 = arith.muli %arg1, %mul3A_310 : i32
    %add3A_312 = arith.constant 608 : i32
    %add3A_313 = arith.addi %mul3A_311, %add3A_312 : i32
    %dma_start3A_314 = arith.constant 0 : i32
    %dma_start3A_315 = tpu.memref_slice %arg14[%add3A_313, %dma_start3A_314] : memref<10008x128xf32, #tpu.memory_space<vmem_shared>> -> memref<16x128xf32, #tpu.memory_space<vmem_shared>>
    %dma_start3A_316 = arith.constant 0 : i32
    %dma_start3A_317 = tpu.memref_slice %arg14[%add3A_313, %dma_start3A_316] : memref<10008x128xf32, #tpu.memory_space<vmem_shared>> -> memref<16x128xf32, #tpu.memory_space<vmem_shared>>
    tpu.enqueue_dma source(%arg13 : memref<16x128xf32, #tpu.memory_space<vmem>>) target(%dma_start3A_317 : memref<16x128xf32, #tpu.memory_space<vmem_shared>>) target_semaphore(%arg15 : memref<!tpu.dma_semaphore, #tpu.memory_space<semaphore_mem>>)
    %mul3A_318 = arith.constant 624 : i32
    %mul3A_319 = arith.muli %arg1, %mul3A_318 : i32
    %add3A_320 = arith.constant 0 : i32
    %add3A_321 = arith.addi %mul3A_319, %add3A_320 : i32
    %dma_wait3A = arith.constant 0 : i32
    %dma_wait3A_322 = tpu.memref_slice %arg14[%add3A_321, %dma_wait3A] : memref<10008x128xf32, #tpu.memory_space<vmem_shared>> -> memref<16x128xf32, #tpu.memory_space<vmem_shared>>
    %dma_wait3A_323 = arith.constant 0 : i32
    %dma_wait3A_324 = tpu.memref_slice %arg14[%add3A_321, %dma_wait3A_323] : memref<10008x128xf32, #tpu.memory_space<vmem_shared>> -> memref<16x128xf32, #tpu.memory_space<vmem_shared>>
    tpu.wait_dma2 semaphore(%arg15 : memref<!tpu.dma_semaphore, #tpu.memory_space<semaphore_mem>>) src(%arg13 : memref<16x128xf32, #tpu.memory_space<vmem>>) dst(%dma_wait3A_324 : memref<16x128xf32, #tpu.memory_space<vmem_shared>>)
    %mul3A_325 = arith.constant 624 : i32
    %mul3A_326 = arith.muli %arg1, %mul3A_325 : i32
    %add3A_327 = arith.constant 16 : i32
    %add3A_328 = arith.addi %mul3A_326, %add3A_327 : i32
    %dma_wait3A_329 = arith.constant 0 : i32
    %dma_wait3A_330 = tpu.memref_slice %arg14[%add3A_328, %dma_wait3A_329] : memref<10008x128xf32, #tpu.memory_space<vmem_shared>> -> memref<16x128xf32, #tpu.memory_space<vmem_shared>>
    %dma_wait3A_331 = arith.constant 0 : i32
    %dma_wait3A_332 = tpu.memref_slice %arg14[%add3A_328, %dma_wait3A_331] : memref<10008x128xf32, #tpu.memory_space<vmem_shared>> -> memref<16x128xf32, #tpu.memory_space<vmem_shared>>
    tpu.wait_dma2 semaphore(%arg15 : memref<!tpu.dma_semaphore, #tpu.memory_space<semaphore_mem>>) src(%arg13 : memref<16x128xf32, #tpu.memory_space<vmem>>) dst(%dma_wait3A_332 : memref<16x128xf32, #tpu.memory_space<vmem_shared>>)
    %mul3A_333 = arith.constant 624 : i32
    %mul3A_334 = arith.muli %arg1, %mul3A_333 : i32
    %add3A_335 = arith.constant 32 : i32
    %add3A_336 = arith.addi %mul3A_334, %add3A_335 : i32
    %dma_wait3A_337 = arith.constant 0 : i32
    %dma_wait3A_338 = tpu.memref_slice %arg14[%add3A_336, %dma_wait3A_337] : memref<10008x128xf32, #tpu.memory_space<vmem_shared>> -> memref<16x128xf32, #tpu.memory_space<vmem_shared>>
    %dma_wait3A_339 = arith.constant 0 : i32
    %dma_wait3A_340 = tpu.memref_slice %arg14[%add3A_336, %dma_wait3A_339] : memref<10008x128xf32, #tpu.memory_space<vmem_shared>> -> memref<16x128xf32, #tpu.memory_space<vmem_shared>>
    tpu.wait_dma2 semaphore(%arg15 : memref<!tpu.dma_semaphore, #tpu.memory_space<semaphore_mem>>) src(%arg13 : memref<16x128xf32, #tpu.memory_space<vmem>>) dst(%dma_wait3A_340 : memref<16x128xf32, #tpu.memory_space<vmem_shared>>)
    %mul3A_341 = arith.constant 624 : i32
    %mul3A_342 = arith.muli %arg1, %mul3A_341 : i32
    %add3A_343 = arith.constant 48 : i32
    %add3A_344 = arith.addi %mul3A_342, %add3A_343 : i32
    %dma_wait3A_345 = arith.constant 0 : i32
    %dma_wait3A_346 = tpu.memref_slice %arg14[%add3A_344, %dma_wait3A_345] : memref<10008x128xf32, #tpu.memory_space<vmem_shared>> -> memref<16x128xf32, #tpu.memory_space<vmem_shared>>
    %dma_wait3A_347 = arith.constant 0 : i32
    %dma_wait3A_348 = tpu.memref_slice %arg14[%add3A_344, %dma_wait3A_347] : memref<10008x128xf32, #tpu.memory_space<vmem_shared>> -> memref<16x128xf32, #tpu.memory_space<vmem_shared>>
    tpu.wait_dma2 semaphore(%arg15 : memref<!tpu.dma_semaphore, #tpu.memory_space<semaphore_mem>>) src(%arg13 : memref<16x128xf32, #tpu.memory_space<vmem>>) dst(%dma_wait3A_348 : memref<16x128xf32, #tpu.memory_space<vmem_shared>>)
    %mul3A_349 = arith.constant 624 : i32
    %mul3A_350 = arith.muli %arg1, %mul3A_349 : i32
    %add3A_351 = arith.constant 64 : i32
    %add3A_352 = arith.addi %mul3A_350, %add3A_351 : i32
    %dma_wait3A_353 = arith.constant 0 : i32
    %dma_wait3A_354 = tpu.memref_slice %arg14[%add3A_352, %dma_wait3A_353] : memref<10008x128xf32, #tpu.memory_space<vmem_shared>> -> memref<16x128xf32, #tpu.memory_space<vmem_shared>>
    %dma_wait3A_355 = arith.constant 0 : i32
    %dma_wait3A_356 = tpu.memref_slice %arg14[%add3A_352, %dma_wait3A_355] : memref<10008x128xf32, #tpu.memory_space<vmem_shared>> -> memref<16x128xf32, #tpu.memory_space<vmem_shared>>
    tpu.wait_dma2 semaphore(%arg15 : memref<!tpu.dma_semaphore, #tpu.memory_space<semaphore_mem>>) src(%arg13 : memref<16x128xf32, #tpu.memory_space<vmem>>) dst(%dma_wait3A_356 : memref<16x128xf32, #tpu.memory_space<vmem_shared>>)
    %mul3A_357 = arith.constant 624 : i32
    %mul3A_358 = arith.muli %arg1, %mul3A_357 : i32
    %add3A_359 = arith.constant 80 : i32
    %add3A_360 = arith.addi %mul3A_358, %add3A_359 : i32
    %dma_wait3A_361 = arith.constant 0 : i32
    %dma_wait3A_362 = tpu.memref_slice %arg14[%add3A_360, %dma_wait3A_361] : memref<10008x128xf32, #tpu.memory_space<vmem_shared>> -> memref<16x128xf32, #tpu.memory_space<vmem_shared>>
    %dma_wait3A_363 = arith.constant 0 : i32
    %dma_wait3A_364 = tpu.memref_slice %arg14[%add3A_360, %dma_wait3A_363] : memref<10008x128xf32, #tpu.memory_space<vmem_shared>> -> memref<16x128xf32, #tpu.memory_space<vmem_shared>>
    tpu.wait_dma2 semaphore(%arg15 : memref<!tpu.dma_semaphore, #tpu.memory_space<semaphore_mem>>) src(%arg13 : memref<16x128xf32, #tpu.memory_space<vmem>>) dst(%dma_wait3A_364 : memref<16x128xf32, #tpu.memory_space<vmem_shared>>)
    %mul3A_365 = arith.constant 624 : i32
    %mul3A_366 = arith.muli %arg1, %mul3A_365 : i32
    %add3A_367 = arith.constant 96 : i32
    %add3A_368 = arith.addi %mul3A_366, %add3A_367 : i32
    %dma_wait3A_369 = arith.constant 0 : i32
    %dma_wait3A_370 = tpu.memref_slice %arg14[%add3A_368, %dma_wait3A_369] : memref<10008x128xf32, #tpu.memory_space<vmem_shared>> -> memref<16x128xf32, #tpu.memory_space<vmem_shared>>
    %dma_wait3A_371 = arith.constant 0 : i32
    %dma_wait3A_372 = tpu.memref_slice %arg14[%add3A_368, %dma_wait3A_371] : memref<10008x128xf32, #tpu.memory_space<vmem_shared>> -> memref<16x128xf32, #tpu.memory_space<vmem_shared>>
    tpu.wait_dma2 semaphore(%arg15 : memref<!tpu.dma_semaphore, #tpu.memory_space<semaphore_mem>>) src(%arg13 : memref<16x128xf32, #tpu.memory_space<vmem>>) dst(%dma_wait3A_372 : memref<16x128xf32, #tpu.memory_space<vmem_shared>>)
    %mul3A_373 = arith.constant 624 : i32
    %mul3A_374 = arith.muli %arg1, %mul3A_373 : i32
    %add3A_375 = arith.constant 112 : i32
    %add3A_376 = arith.addi %mul3A_374, %add3A_375 : i32
    %dma_wait3A_377 = arith.constant 0 : i32
    %dma_wait3A_378 = tpu.memref_slice %arg14[%add3A_376, %dma_wait3A_377] : memref<10008x128xf32, #tpu.memory_space<vmem_shared>> -> memref<16x128xf32, #tpu.memory_space<vmem_shared>>
    %dma_wait3A_379 = arith.constant 0 : i32
    %dma_wait3A_380 = tpu.memref_slice %arg14[%add3A_376, %dma_wait3A_379] : memref<10008x128xf32, #tpu.memory_space<vmem_shared>> -> memref<16x128xf32, #tpu.memory_space<vmem_shared>>
    tpu.wait_dma2 semaphore(%arg15 : memref<!tpu.dma_semaphore, #tpu.memory_space<semaphore_mem>>) src(%arg13 : memref<16x128xf32, #tpu.memory_space<vmem>>) dst(%dma_wait3A_380 : memref<16x128xf32, #tpu.memory_space<vmem_shared>>)
    %mul3A_381 = arith.constant 624 : i32
    %mul3A_382 = arith.muli %arg1, %mul3A_381 : i32
    %add3A_383 = arith.constant 128 : i32
    %add3A_384 = arith.addi %mul3A_382, %add3A_383 : i32
    %dma_wait3A_385 = arith.constant 0 : i32
    %dma_wait3A_386 = tpu.memref_slice %arg14[%add3A_384, %dma_wait3A_385] : memref<10008x128xf32, #tpu.memory_space<vmem_shared>> -> memref<16x128xf32, #tpu.memory_space<vmem_shared>>
    %dma_wait3A_387 = arith.constant 0 : i32
    %dma_wait3A_388 = tpu.memref_slice %arg14[%add3A_384, %dma_wait3A_387] : memref<10008x128xf32, #tpu.memory_space<vmem_shared>> -> memref<16x128xf32, #tpu.memory_space<vmem_shared>>
    tpu.wait_dma2 semaphore(%arg15 : memref<!tpu.dma_semaphore, #tpu.memory_space<semaphore_mem>>) src(%arg13 : memref<16x128xf32, #tpu.memory_space<vmem>>) dst(%dma_wait3A_388 : memref<16x128xf32, #tpu.memory_space<vmem_shared>>)
    %mul3A_389 = arith.constant 624 : i32
    %mul3A_390 = arith.muli %arg1, %mul3A_389 : i32
    %add3A_391 = arith.constant 144 : i32
    %add3A_392 = arith.addi %mul3A_390, %add3A_391 : i32
    %dma_wait3A_393 = arith.constant 0 : i32
    %dma_wait3A_394 = tpu.memref_slice %arg14[%add3A_392, %dma_wait3A_393] : memref<10008x128xf32, #tpu.memory_space<vmem_shared>> -> memref<16x128xf32, #tpu.memory_space<vmem_shared>>
    %dma_wait3A_395 = arith.constant 0 : i32
    %dma_wait3A_396 = tpu.memref_slice %arg14[%add3A_392, %dma_wait3A_395] : memref<10008x128xf32, #tpu.memory_space<vmem_shared>> -> memref<16x128xf32, #tpu.memory_space<vmem_shared>>
    tpu.wait_dma2 semaphore(%arg15 : memref<!tpu.dma_semaphore, #tpu.memory_space<semaphore_mem>>) src(%arg13 : memref<16x128xf32, #tpu.memory_space<vmem>>) dst(%dma_wait3A_396 : memref<16x128xf32, #tpu.memory_space<vmem_shared>>)
    %mul3A_397 = arith.constant 624 : i32
    %mul3A_398 = arith.muli %arg1, %mul3A_397 : i32
    %add3A_399 = arith.constant 160 : i32
    %add3A_400 = arith.addi %mul3A_398, %add3A_399 : i32
    %dma_wait3A_401 = arith.constant 0 : i32
    %dma_wait3A_402 = tpu.memref_slice %arg14[%add3A_400, %dma_wait3A_401] : memref<10008x128xf32, #tpu.memory_space<vmem_shared>> -> memref<16x128xf32, #tpu.memory_space<vmem_shared>>
    %dma_wait3A_403 = arith.constant 0 : i32
    %dma_wait3A_404 = tpu.memref_slice %arg14[%add3A_400, %dma_wait3A_403] : memref<10008x128xf32, #tpu.memory_space<vmem_shared>> -> memref<16x128xf32, #tpu.memory_space<vmem_shared>>
    tpu.wait_dma2 semaphore(%arg15 : memref<!tpu.dma_semaphore, #tpu.memory_space<semaphore_mem>>) src(%arg13 : memref<16x128xf32, #tpu.memory_space<vmem>>) dst(%dma_wait3A_404 : memref<16x128xf32, #tpu.memory_space<vmem_shared>>)
    %mul3A_405 = arith.constant 624 : i32
    %mul3A_406 = arith.muli %arg1, %mul3A_405 : i32
    %add3A_407 = arith.constant 176 : i32
    %add3A_408 = arith.addi %mul3A_406, %add3A_407 : i32
    %dma_wait3A_409 = arith.constant 0 : i32
    %dma_wait3A_410 = tpu.memref_slice %arg14[%add3A_408, %dma_wait3A_409] : memref<10008x128xf32, #tpu.memory_space<vmem_shared>> -> memref<16x128xf32, #tpu.memory_space<vmem_shared>>
    %dma_wait3A_411 = arith.constant 0 : i32
    %dma_wait3A_412 = tpu.memref_slice %arg14[%add3A_408, %dma_wait3A_411] : memref<10008x128xf32, #tpu.memory_space<vmem_shared>> -> memref<16x128xf32, #tpu.memory_space<vmem_shared>>
    tpu.wait_dma2 semaphore(%arg15 : memref<!tpu.dma_semaphore, #tpu.memory_space<semaphore_mem>>) src(%arg13 : memref<16x128xf32, #tpu.memory_space<vmem>>) dst(%dma_wait3A_412 : memref<16x128xf32, #tpu.memory_space<vmem_shared>>)
    %mul3A_413 = arith.constant 624 : i32
    %mul3A_414 = arith.muli %arg1, %mul3A_413 : i32
    %add3A_415 = arith.constant 192 : i32
    %add3A_416 = arith.addi %mul3A_414, %add3A_415 : i32
    %dma_wait3A_417 = arith.constant 0 : i32
    %dma_wait3A_418 = tpu.memref_slice %arg14[%add3A_416, %dma_wait3A_417] : memref<10008x128xf32, #tpu.memory_space<vmem_shared>> -> memref<16x128xf32, #tpu.memory_space<vmem_shared>>
    %dma_wait3A_419 = arith.constant 0 : i32
    %dma_wait3A_420 = tpu.memref_slice %arg14[%add3A_416, %dma_wait3A_419] : memref<10008x128xf32, #tpu.memory_space<vmem_shared>> -> memref<16x128xf32, #tpu.memory_space<vmem_shared>>
    tpu.wait_dma2 semaphore(%arg15 : memref<!tpu.dma_semaphore, #tpu.memory_space<semaphore_mem>>) src(%arg13 : memref<16x128xf32, #tpu.memory_space<vmem>>) dst(%dma_wait3A_420 : memref<16x128xf32, #tpu.memory_space<vmem_shared>>)
    %mul3A_421 = arith.constant 624 : i32
    %mul3A_422 = arith.muli %arg1, %mul3A_421 : i32
    %add3A_423 = arith.constant 208 : i32
    %add3A_424 = arith.addi %mul3A_422, %add3A_423 : i32
    %dma_wait3A_425 = arith.constant 0 : i32
    %dma_wait3A_426 = tpu.memref_slice %arg14[%add3A_424, %dma_wait3A_425] : memref<10008x128xf32, #tpu.memory_space<vmem_shared>> -> memref<16x128xf32, #tpu.memory_space<vmem_shared>>
    %dma_wait3A_427 = arith.constant 0 : i32
    %dma_wait3A_428 = tpu.memref_slice %arg14[%add3A_424, %dma_wait3A_427] : memref<10008x128xf32, #tpu.memory_space<vmem_shared>> -> memref<16x128xf32, #tpu.memory_space<vmem_shared>>
    tpu.wait_dma2 semaphore(%arg15 : memref<!tpu.dma_semaphore, #tpu.memory_space<semaphore_mem>>) src(%arg13 : memref<16x128xf32, #tpu.memory_space<vmem>>) dst(%dma_wait3A_428 : memref<16x128xf32, #tpu.memory_space<vmem_shared>>)
    %mul3A_429 = arith.constant 624 : i32
    %mul3A_430 = arith.muli %arg1, %mul3A_429 : i32
    %add3A_431 = arith.constant 224 : i32
    %add3A_432 = arith.addi %mul3A_430, %add3A_431 : i32
    %dma_wait3A_433 = arith.constant 0 : i32
    %dma_wait3A_434 = tpu.memref_slice %arg14[%add3A_432, %dma_wait3A_433] : memref<10008x128xf32, #tpu.memory_space<vmem_shared>> -> memref<16x128xf32, #tpu.memory_space<vmem_shared>>
    %dma_wait3A_435 = arith.constant 0 : i32
    %dma_wait3A_436 = tpu.memref_slice %arg14[%add3A_432, %dma_wait3A_435] : memref<10008x128xf32, #tpu.memory_space<vmem_shared>> -> memref<16x128xf32, #tpu.memory_space<vmem_shared>>
    tpu.wait_dma2 semaphore(%arg15 : memref<!tpu.dma_semaphore, #tpu.memory_space<semaphore_mem>>) src(%arg13 : memref<16x128xf32, #tpu.memory_space<vmem>>) dst(%dma_wait3A_436 : memref<16x128xf32, #tpu.memory_space<vmem_shared>>)
    %mul3A_437 = arith.constant 624 : i32
    %mul3A_438 = arith.muli %arg1, %mul3A_437 : i32
    %add3A_439 = arith.constant 240 : i32
    %add3A_440 = arith.addi %mul3A_438, %add3A_439 : i32
    %dma_wait3A_441 = arith.constant 0 : i32
    %dma_wait3A_442 = tpu.memref_slice %arg14[%add3A_440, %dma_wait3A_441] : memref<10008x128xf32, #tpu.memory_space<vmem_shared>> -> memref<16x128xf32, #tpu.memory_space<vmem_shared>>
    %dma_wait3A_443 = arith.constant 0 : i32
    %dma_wait3A_444 = tpu.memref_slice %arg14[%add3A_440, %dma_wait3A_443] : memref<10008x128xf32, #tpu.memory_space<vmem_shared>> -> memref<16x128xf32, #tpu.memory_space<vmem_shared>>
    tpu.wait_dma2 semaphore(%arg15 : memref<!tpu.dma_semaphore, #tpu.memory_space<semaphore_mem>>) src(%arg13 : memref<16x128xf32, #tpu.memory_space<vmem>>) dst(%dma_wait3A_444 : memref<16x128xf32, #tpu.memory_space<vmem_shared>>)
    %mul3A_445 = arith.constant 624 : i32
    %mul3A_446 = arith.muli %arg1, %mul3A_445 : i32
    %add3A_447 = arith.constant 256 : i32
    %add3A_448 = arith.addi %mul3A_446, %add3A_447 : i32
    %dma_wait3A_449 = arith.constant 0 : i32
    %dma_wait3A_450 = tpu.memref_slice %arg14[%add3A_448, %dma_wait3A_449] : memref<10008x128xf32, #tpu.memory_space<vmem_shared>> -> memref<16x128xf32, #tpu.memory_space<vmem_shared>>
    %dma_wait3A_451 = arith.constant 0 : i32
    %dma_wait3A_452 = tpu.memref_slice %arg14[%add3A_448, %dma_wait3A_451] : memref<10008x128xf32, #tpu.memory_space<vmem_shared>> -> memref<16x128xf32, #tpu.memory_space<vmem_shared>>
    tpu.wait_dma2 semaphore(%arg15 : memref<!tpu.dma_semaphore, #tpu.memory_space<semaphore_mem>>) src(%arg13 : memref<16x128xf32, #tpu.memory_space<vmem>>) dst(%dma_wait3A_452 : memref<16x128xf32, #tpu.memory_space<vmem_shared>>)
    %mul3A_453 = arith.constant 624 : i32
    %mul3A_454 = arith.muli %arg1, %mul3A_453 : i32
    %add3A_455 = arith.constant 272 : i32
    %add3A_456 = arith.addi %mul3A_454, %add3A_455 : i32
    %dma_wait3A_457 = arith.constant 0 : i32
    %dma_wait3A_458 = tpu.memref_slice %arg14[%add3A_456, %dma_wait3A_457] : memref<10008x128xf32, #tpu.memory_space<vmem_shared>> -> memref<16x128xf32, #tpu.memory_space<vmem_shared>>
    %dma_wait3A_459 = arith.constant 0 : i32
    %dma_wait3A_460 = tpu.memref_slice %arg14[%add3A_456, %dma_wait3A_459] : memref<10008x128xf32, #tpu.memory_space<vmem_shared>> -> memref<16x128xf32, #tpu.memory_space<vmem_shared>>
    tpu.wait_dma2 semaphore(%arg15 : memref<!tpu.dma_semaphore, #tpu.memory_space<semaphore_mem>>) src(%arg13 : memref<16x128xf32, #tpu.memory_space<vmem>>) dst(%dma_wait3A_460 : memref<16x128xf32, #tpu.memory_space<vmem_shared>>)
    %mul3A_461 = arith.constant 624 : i32
    %mul3A_462 = arith.muli %arg1, %mul3A_461 : i32
    %add3A_463 = arith.constant 288 : i32
    %add3A_464 = arith.addi %mul3A_462, %add3A_463 : i32
    %dma_wait3A_465 = arith.constant 0 : i32
    %dma_wait3A_466 = tpu.memref_slice %arg14[%add3A_464, %dma_wait3A_465] : memref<10008x128xf32, #tpu.memory_space<vmem_shared>> -> memref<16x128xf32, #tpu.memory_space<vmem_shared>>
    %dma_wait3A_467 = arith.constant 0 : i32
    %dma_wait3A_468 = tpu.memref_slice %arg14[%add3A_464, %dma_wait3A_467] : memref<10008x128xf32, #tpu.memory_space<vmem_shared>> -> memref<16x128xf32, #tpu.memory_space<vmem_shared>>
    tpu.wait_dma2 semaphore(%arg15 : memref<!tpu.dma_semaphore, #tpu.memory_space<semaphore_mem>>) src(%arg13 : memref<16x128xf32, #tpu.memory_space<vmem>>) dst(%dma_wait3A_468 : memref<16x128xf32, #tpu.memory_space<vmem_shared>>)
    %mul3A_469 = arith.constant 624 : i32
    %mul3A_470 = arith.muli %arg1, %mul3A_469 : i32
    %add3A_471 = arith.constant 304 : i32
    %add3A_472 = arith.addi %mul3A_470, %add3A_471 : i32
    %dma_wait3A_473 = arith.constant 0 : i32
    %dma_wait3A_474 = tpu.memref_slice %arg14[%add3A_472, %dma_wait3A_473] : memref<10008x128xf32, #tpu.memory_space<vmem_shared>> -> memref<16x128xf32, #tpu.memory_space<vmem_shared>>
    %dma_wait3A_475 = arith.constant 0 : i32
    %dma_wait3A_476 = tpu.memref_slice %arg14[%add3A_472, %dma_wait3A_475] : memref<10008x128xf32, #tpu.memory_space<vmem_shared>> -> memref<16x128xf32, #tpu.memory_space<vmem_shared>>
    tpu.wait_dma2 semaphore(%arg15 : memref<!tpu.dma_semaphore, #tpu.memory_space<semaphore_mem>>) src(%arg13 : memref<16x128xf32, #tpu.memory_space<vmem>>) dst(%dma_wait3A_476 : memref<16x128xf32, #tpu.memory_space<vmem_shared>>)
    %mul3A_477 = arith.constant 624 : i32
    %mul3A_478 = arith.muli %arg1, %mul3A_477 : i32
    %add3A_479 = arith.constant 320 : i32
    %add3A_480 = arith.addi %mul3A_478, %add3A_479 : i32
    %dma_wait3A_481 = arith.constant 0 : i32
    %dma_wait3A_482 = tpu.memref_slice %arg14[%add3A_480, %dma_wait3A_481] : memref<10008x128xf32, #tpu.memory_space<vmem_shared>> -> memref<16x128xf32, #tpu.memory_space<vmem_shared>>
    %dma_wait3A_483 = arith.constant 0 : i32
    %dma_wait3A_484 = tpu.memref_slice %arg14[%add3A_480, %dma_wait3A_483] : memref<10008x128xf32, #tpu.memory_space<vmem_shared>> -> memref<16x128xf32, #tpu.memory_space<vmem_shared>>
    tpu.wait_dma2 semaphore(%arg15 : memref<!tpu.dma_semaphore, #tpu.memory_space<semaphore_mem>>) src(%arg13 : memref<16x128xf32, #tpu.memory_space<vmem>>) dst(%dma_wait3A_484 : memref<16x128xf32, #tpu.memory_space<vmem_shared>>)
    %mul3A_485 = arith.constant 624 : i32
    %mul3A_486 = arith.muli %arg1, %mul3A_485 : i32
    %add3A_487 = arith.constant 336 : i32
    %add3A_488 = arith.addi %mul3A_486, %add3A_487 : i32
    %dma_wait3A_489 = arith.constant 0 : i32
    %dma_wait3A_490 = tpu.memref_slice %arg14[%add3A_488, %dma_wait3A_489] : memref<10008x128xf32, #tpu.memory_space<vmem_shared>> -> memref<16x128xf32, #tpu.memory_space<vmem_shared>>
    %dma_wait3A_491 = arith.constant 0 : i32
    %dma_wait3A_492 = tpu.memref_slice %arg14[%add3A_488, %dma_wait3A_491] : memref<10008x128xf32, #tpu.memory_space<vmem_shared>> -> memref<16x128xf32, #tpu.memory_space<vmem_shared>>
    tpu.wait_dma2 semaphore(%arg15 : memref<!tpu.dma_semaphore, #tpu.memory_space<semaphore_mem>>) src(%arg13 : memref<16x128xf32, #tpu.memory_space<vmem>>) dst(%dma_wait3A_492 : memref<16x128xf32, #tpu.memory_space<vmem_shared>>)
    %mul3A_493 = arith.constant 624 : i32
    %mul3A_494 = arith.muli %arg1, %mul3A_493 : i32
    %add3A_495 = arith.constant 352 : i32
    %add3A_496 = arith.addi %mul3A_494, %add3A_495 : i32
    %dma_wait3A_497 = arith.constant 0 : i32
    %dma_wait3A_498 = tpu.memref_slice %arg14[%add3A_496, %dma_wait3A_497] : memref<10008x128xf32, #tpu.memory_space<vmem_shared>> -> memref<16x128xf32, #tpu.memory_space<vmem_shared>>
    %dma_wait3A_499 = arith.constant 0 : i32
    %dma_wait3A_500 = tpu.memref_slice %arg14[%add3A_496, %dma_wait3A_499] : memref<10008x128xf32, #tpu.memory_space<vmem_shared>> -> memref<16x128xf32, #tpu.memory_space<vmem_shared>>
    tpu.wait_dma2 semaphore(%arg15 : memref<!tpu.dma_semaphore, #tpu.memory_space<semaphore_mem>>) src(%arg13 : memref<16x128xf32, #tpu.memory_space<vmem>>) dst(%dma_wait3A_500 : memref<16x128xf32, #tpu.memory_space<vmem_shared>>)
    %mul3A_501 = arith.constant 624 : i32
    %mul3A_502 = arith.muli %arg1, %mul3A_501 : i32
    %add3A_503 = arith.constant 368 : i32
    %add3A_504 = arith.addi %mul3A_502, %add3A_503 : i32
    %dma_wait3A_505 = arith.constant 0 : i32
    %dma_wait3A_506 = tpu.memref_slice %arg14[%add3A_504, %dma_wait3A_505] : memref<10008x128xf32, #tpu.memory_space<vmem_shared>> -> memref<16x128xf32, #tpu.memory_space<vmem_shared>>
    %dma_wait3A_507 = arith.constant 0 : i32
    %dma_wait3A_508 = tpu.memref_slice %arg14[%add3A_504, %dma_wait3A_507] : memref<10008x128xf32, #tpu.memory_space<vmem_shared>> -> memref<16x128xf32, #tpu.memory_space<vmem_shared>>
    tpu.wait_dma2 semaphore(%arg15 : memref<!tpu.dma_semaphore, #tpu.memory_space<semaphore_mem>>) src(%arg13 : memref<16x128xf32, #tpu.memory_space<vmem>>) dst(%dma_wait3A_508 : memref<16x128xf32, #tpu.memory_space<vmem_shared>>)
    %mul3A_509 = arith.constant 624 : i32
    %mul3A_510 = arith.muli %arg1, %mul3A_509 : i32
    %add3A_511 = arith.constant 384 : i32
    %add3A_512 = arith.addi %mul3A_510, %add3A_511 : i32
    %dma_wait3A_513 = arith.constant 0 : i32
    %dma_wait3A_514 = tpu.memref_slice %arg14[%add3A_512, %dma_wait3A_513] : memref<10008x128xf32, #tpu.memory_space<vmem_shared>> -> memref<16x128xf32, #tpu.memory_space<vmem_shared>>
    %dma_wait3A_515 = arith.constant 0 : i32
    %dma_wait3A_516 = tpu.memref_slice %arg14[%add3A_512, %dma_wait3A_515] : memref<10008x128xf32, #tpu.memory_space<vmem_shared>> -> memref<16x128xf32, #tpu.memory_space<vmem_shared>>
    tpu.wait_dma2 semaphore(%arg15 : memref<!tpu.dma_semaphore, #tpu.memory_space<semaphore_mem>>) src(%arg13 : memref<16x128xf32, #tpu.memory_space<vmem>>) dst(%dma_wait3A_516 : memref<16x128xf32, #tpu.memory_space<vmem_shared>>)
    %mul3A_517 = arith.constant 624 : i32
    %mul3A_518 = arith.muli %arg1, %mul3A_517 : i32
    %add3A_519 = arith.constant 400 : i32
    %add3A_520 = arith.addi %mul3A_518, %add3A_519 : i32
    %dma_wait3A_521 = arith.constant 0 : i32
    %dma_wait3A_522 = tpu.memref_slice %arg14[%add3A_520, %dma_wait3A_521] : memref<10008x128xf32, #tpu.memory_space<vmem_shared>> -> memref<16x128xf32, #tpu.memory_space<vmem_shared>>
    %dma_wait3A_523 = arith.constant 0 : i32
    %dma_wait3A_524 = tpu.memref_slice %arg14[%add3A_520, %dma_wait3A_523] : memref<10008x128xf32, #tpu.memory_space<vmem_shared>> -> memref<16x128xf32, #tpu.memory_space<vmem_shared>>
    tpu.wait_dma2 semaphore(%arg15 : memref<!tpu.dma_semaphore, #tpu.memory_space<semaphore_mem>>) src(%arg13 : memref<16x128xf32, #tpu.memory_space<vmem>>) dst(%dma_wait3A_524 : memref<16x128xf32, #tpu.memory_space<vmem_shared>>)
    %mul3A_525 = arith.constant 624 : i32
    %mul3A_526 = arith.muli %arg1, %mul3A_525 : i32
    %add3A_527 = arith.constant 416 : i32
    %add3A_528 = arith.addi %mul3A_526, %add3A_527 : i32
    %dma_wait3A_529 = arith.constant 0 : i32
    %dma_wait3A_530 = tpu.memref_slice %arg14[%add3A_528, %dma_wait3A_529] : memref<10008x128xf32, #tpu.memory_space<vmem_shared>> -> memref<16x128xf32, #tpu.memory_space<vmem_shared>>
    %dma_wait3A_531 = arith.constant 0 : i32
    %dma_wait3A_532 = tpu.memref_slice %arg14[%add3A_528, %dma_wait3A_531] : memref<10008x128xf32, #tpu.memory_space<vmem_shared>> -> memref<16x128xf32, #tpu.memory_space<vmem_shared>>
    tpu.wait_dma2 semaphore(%arg15 : memref<!tpu.dma_semaphore, #tpu.memory_space<semaphore_mem>>) src(%arg13 : memref<16x128xf32, #tpu.memory_space<vmem>>) dst(%dma_wait3A_532 : memref<16x128xf32, #tpu.memory_space<vmem_shared>>)
    %mul3A_533 = arith.constant 624 : i32
    %mul3A_534 = arith.muli %arg1, %mul3A_533 : i32
    %add3A_535 = arith.constant 432 : i32
    %add3A_536 = arith.addi %mul3A_534, %add3A_535 : i32
    %dma_wait3A_537 = arith.constant 0 : i32
    %dma_wait3A_538 = tpu.memref_slice %arg14[%add3A_536, %dma_wait3A_537] : memref<10008x128xf32, #tpu.memory_space<vmem_shared>> -> memref<16x128xf32, #tpu.memory_space<vmem_shared>>
    %dma_wait3A_539 = arith.constant 0 : i32
    %dma_wait3A_540 = tpu.memref_slice %arg14[%add3A_536, %dma_wait3A_539] : memref<10008x128xf32, #tpu.memory_space<vmem_shared>> -> memref<16x128xf32, #tpu.memory_space<vmem_shared>>
    tpu.wait_dma2 semaphore(%arg15 : memref<!tpu.dma_semaphore, #tpu.memory_space<semaphore_mem>>) src(%arg13 : memref<16x128xf32, #tpu.memory_space<vmem>>) dst(%dma_wait3A_540 : memref<16x128xf32, #tpu.memory_space<vmem_shared>>)
    %mul3A_541 = arith.constant 624 : i32
    %mul3A_542 = arith.muli %arg1, %mul3A_541 : i32
    %add3A_543 = arith.constant 448 : i32
    %add3A_544 = arith.addi %mul3A_542, %add3A_543 : i32
    %dma_wait3A_545 = arith.constant 0 : i32
    %dma_wait3A_546 = tpu.memref_slice %arg14[%add3A_544, %dma_wait3A_545] : memref<10008x128xf32, #tpu.memory_space<vmem_shared>> -> memref<16x128xf32, #tpu.memory_space<vmem_shared>>
    %dma_wait3A_547 = arith.constant 0 : i32
    %dma_wait3A_548 = tpu.memref_slice %arg14[%add3A_544, %dma_wait3A_547] : memref<10008x128xf32, #tpu.memory_space<vmem_shared>> -> memref<16x128xf32, #tpu.memory_space<vmem_shared>>
    tpu.wait_dma2 semaphore(%arg15 : memref<!tpu.dma_semaphore, #tpu.memory_space<semaphore_mem>>) src(%arg13 : memref<16x128xf32, #tpu.memory_space<vmem>>) dst(%dma_wait3A_548 : memref<16x128xf32, #tpu.memory_space<vmem_shared>>)
    %mul3A_549 = arith.constant 624 : i32
    %mul3A_550 = arith.muli %arg1, %mul3A_549 : i32
    %add3A_551 = arith.constant 464 : i32
    %add3A_552 = arith.addi %mul3A_550, %add3A_551 : i32
    %dma_wait3A_553 = arith.constant 0 : i32
    %dma_wait3A_554 = tpu.memref_slice %arg14[%add3A_552, %dma_wait3A_553] : memref<10008x128xf32, #tpu.memory_space<vmem_shared>> -> memref<16x128xf32, #tpu.memory_space<vmem_shared>>
    %dma_wait3A_555 = arith.constant 0 : i32
    %dma_wait3A_556 = tpu.memref_slice %arg14[%add3A_552, %dma_wait3A_555] : memref<10008x128xf32, #tpu.memory_space<vmem_shared>> -> memref<16x128xf32, #tpu.memory_space<vmem_shared>>
    tpu.wait_dma2 semaphore(%arg15 : memref<!tpu.dma_semaphore, #tpu.memory_space<semaphore_mem>>) src(%arg13 : memref<16x128xf32, #tpu.memory_space<vmem>>) dst(%dma_wait3A_556 : memref<16x128xf32, #tpu.memory_space<vmem_shared>>)
    %mul3A_557 = arith.constant 624 : i32
    %mul3A_558 = arith.muli %arg1, %mul3A_557 : i32
    %add3A_559 = arith.constant 480 : i32
    %add3A_560 = arith.addi %mul3A_558, %add3A_559 : i32
    %dma_wait3A_561 = arith.constant 0 : i32
    %dma_wait3A_562 = tpu.memref_slice %arg14[%add3A_560, %dma_wait3A_561] : memref<10008x128xf32, #tpu.memory_space<vmem_shared>> -> memref<16x128xf32, #tpu.memory_space<vmem_shared>>
    %dma_wait3A_563 = arith.constant 0 : i32
    %dma_wait3A_564 = tpu.memref_slice %arg14[%add3A_560, %dma_wait3A_563] : memref<10008x128xf32, #tpu.memory_space<vmem_shared>> -> memref<16x128xf32, #tpu.memory_space<vmem_shared>>
    tpu.wait_dma2 semaphore(%arg15 : memref<!tpu.dma_semaphore, #tpu.memory_space<semaphore_mem>>) src(%arg13 : memref<16x128xf32, #tpu.memory_space<vmem>>) dst(%dma_wait3A_564 : memref<16x128xf32, #tpu.memory_space<vmem_shared>>)
    %mul3A_565 = arith.constant 624 : i32
    %mul3A_566 = arith.muli %arg1, %mul3A_565 : i32
    %add3A_567 = arith.constant 496 : i32
    %add3A_568 = arith.addi %mul3A_566, %add3A_567 : i32
    %dma_wait3A_569 = arith.constant 0 : i32
    %dma_wait3A_570 = tpu.memref_slice %arg14[%add3A_568, %dma_wait3A_569] : memref<10008x128xf32, #tpu.memory_space<vmem_shared>> -> memref<16x128xf32, #tpu.memory_space<vmem_shared>>
    %dma_wait3A_571 = arith.constant 0 : i32
    %dma_wait3A_572 = tpu.memref_slice %arg14[%add3A_568, %dma_wait3A_571] : memref<10008x128xf32, #tpu.memory_space<vmem_shared>> -> memref<16x128xf32, #tpu.memory_space<vmem_shared>>
    tpu.wait_dma2 semaphore(%arg15 : memref<!tpu.dma_semaphore, #tpu.memory_space<semaphore_mem>>) src(%arg13 : memref<16x128xf32, #tpu.memory_space<vmem>>) dst(%dma_wait3A_572 : memref<16x128xf32, #tpu.memory_space<vmem_shared>>)
    %mul3A_573 = arith.constant 624 : i32
    %mul3A_574 = arith.muli %arg1, %mul3A_573 : i32
    %add3A_575 = arith.constant 512 : i32
    %add3A_576 = arith.addi %mul3A_574, %add3A_575 : i32
    %dma_wait3A_577 = arith.constant 0 : i32
    %dma_wait3A_578 = tpu.memref_slice %arg14[%add3A_576, %dma_wait3A_577] : memref<10008x128xf32, #tpu.memory_space<vmem_shared>> -> memref<16x128xf32, #tpu.memory_space<vmem_shared>>
    %dma_wait3A_579 = arith.constant 0 : i32
    %dma_wait3A_580 = tpu.memref_slice %arg14[%add3A_576, %dma_wait3A_579] : memref<10008x128xf32, #tpu.memory_space<vmem_shared>> -> memref<16x128xf32, #tpu.memory_space<vmem_shared>>
    tpu.wait_dma2 semaphore(%arg15 : memref<!tpu.dma_semaphore, #tpu.memory_space<semaphore_mem>>) src(%arg13 : memref<16x128xf32, #tpu.memory_space<vmem>>) dst(%dma_wait3A_580 : memref<16x128xf32, #tpu.memory_space<vmem_shared>>)
    %mul3A_581 = arith.constant 624 : i32
    %mul3A_582 = arith.muli %arg1, %mul3A_581 : i32
    %add3A_583 = arith.constant 528 : i32
    %add3A_584 = arith.addi %mul3A_582, %add3A_583 : i32
    %dma_wait3A_585 = arith.constant 0 : i32
    %dma_wait3A_586 = tpu.memref_slice %arg14[%add3A_584, %dma_wait3A_585] : memref<10008x128xf32, #tpu.memory_space<vmem_shared>> -> memref<16x128xf32, #tpu.memory_space<vmem_shared>>
    %dma_wait3A_587 = arith.constant 0 : i32
    %dma_wait3A_588 = tpu.memref_slice %arg14[%add3A_584, %dma_wait3A_587] : memref<10008x128xf32, #tpu.memory_space<vmem_shared>> -> memref<16x128xf32, #tpu.memory_space<vmem_shared>>
    tpu.wait_dma2 semaphore(%arg15 : memref<!tpu.dma_semaphore, #tpu.memory_space<semaphore_mem>>) src(%arg13 : memref<16x128xf32, #tpu.memory_space<vmem>>) dst(%dma_wait3A_588 : memref<16x128xf32, #tpu.memory_space<vmem_shared>>)
    %mul3A_589 = arith.constant 624 : i32
    %mul3A_590 = arith.muli %arg1, %mul3A_589 : i32
    %add3A_591 = arith.constant 544 : i32
    %add3A_592 = arith.addi %mul3A_590, %add3A_591 : i32
    %dma_wait3A_593 = arith.constant 0 : i32
    %dma_wait3A_594 = tpu.memref_slice %arg14[%add3A_592, %dma_wait3A_593] : memref<10008x128xf32, #tpu.memory_space<vmem_shared>> -> memref<16x128xf32, #tpu.memory_space<vmem_shared>>
    %dma_wait3A_595 = arith.constant 0 : i32
    %dma_wait3A_596 = tpu.memref_slice %arg14[%add3A_592, %dma_wait3A_595] : memref<10008x128xf32, #tpu.memory_space<vmem_shared>> -> memref<16x128xf32, #tpu.memory_space<vmem_shared>>
    tpu.wait_dma2 semaphore(%arg15 : memref<!tpu.dma_semaphore, #tpu.memory_space<semaphore_mem>>) src(%arg13 : memref<16x128xf32, #tpu.memory_space<vmem>>) dst(%dma_wait3A_596 : memref<16x128xf32, #tpu.memory_space<vmem_shared>>)
    %mul3A_597 = arith.constant 624 : i32
    %mul3A_598 = arith.muli %arg1, %mul3A_597 : i32
    %add3A_599 = arith.constant 560 : i32
    %add3A_600 = arith.addi %mul3A_598, %add3A_599 : i32
    %dma_wait3A_601 = arith.constant 0 : i32
    %dma_wait3A_602 = tpu.memref_slice %arg14[%add3A_600, %dma_wait3A_601] : memref<10008x128xf32, #tpu.memory_space<vmem_shared>> -> memref<16x128xf32, #tpu.memory_space<vmem_shared>>
    %dma_wait3A_603 = arith.constant 0 : i32
    %dma_wait3A_604 = tpu.memref_slice %arg14[%add3A_600, %dma_wait3A_603] : memref<10008x128xf32, #tpu.memory_space<vmem_shared>> -> memref<16x128xf32, #tpu.memory_space<vmem_shared>>
    tpu.wait_dma2 semaphore(%arg15 : memref<!tpu.dma_semaphore, #tpu.memory_space<semaphore_mem>>) src(%arg13 : memref<16x128xf32, #tpu.memory_space<vmem>>) dst(%dma_wait3A_604 : memref<16x128xf32, #tpu.memory_space<vmem_shared>>)
    %mul3A_605 = arith.constant 624 : i32
    %mul3A_606 = arith.muli %arg1, %mul3A_605 : i32
    %add3A_607 = arith.constant 576 : i32
    %add3A_608 = arith.addi %mul3A_606, %add3A_607 : i32
    %dma_wait3A_609 = arith.constant 0 : i32
    %dma_wait3A_610 = tpu.memref_slice %arg14[%add3A_608, %dma_wait3A_609] : memref<10008x128xf32, #tpu.memory_space<vmem_shared>> -> memref<16x128xf32, #tpu.memory_space<vmem_shared>>
    %dma_wait3A_611 = arith.constant 0 : i32
    %dma_wait3A_612 = tpu.memref_slice %arg14[%add3A_608, %dma_wait3A_611] : memref<10008x128xf32, #tpu.memory_space<vmem_shared>> -> memref<16x128xf32, #tpu.memory_space<vmem_shared>>
    tpu.wait_dma2 semaphore(%arg15 : memref<!tpu.dma_semaphore, #tpu.memory_space<semaphore_mem>>) src(%arg13 : memref<16x128xf32, #tpu.memory_space<vmem>>) dst(%dma_wait3A_612 : memref<16x128xf32, #tpu.memory_space<vmem_shared>>)
    %mul3A_613 = arith.constant 624 : i32
    %mul3A_614 = arith.muli %arg1, %mul3A_613 : i32
    %add3A_615 = arith.constant 592 : i32
    %add3A_616 = arith.addi %mul3A_614, %add3A_615 : i32
    %dma_wait3A_617 = arith.constant 0 : i32
    %dma_wait3A_618 = tpu.memref_slice %arg14[%add3A_616, %dma_wait3A_617] : memref<10008x128xf32, #tpu.memory_space<vmem_shared>> -> memref<16x128xf32, #tpu.memory_space<vmem_shared>>
    %dma_wait3A_619 = arith.constant 0 : i32
    %dma_wait3A_620 = tpu.memref_slice %arg14[%add3A_616, %dma_wait3A_619] : memref<10008x128xf32, #tpu.memory_space<vmem_shared>> -> memref<16x128xf32, #tpu.memory_space<vmem_shared>>
    tpu.wait_dma2 semaphore(%arg15 : memref<!tpu.dma_semaphore, #tpu.memory_space<semaphore_mem>>) src(%arg13 : memref<16x128xf32, #tpu.memory_space<vmem>>) dst(%dma_wait3A_620 : memref<16x128xf32, #tpu.memory_space<vmem_shared>>)
    %mul3A_621 = arith.constant 624 : i32
    %mul3A_622 = arith.muli %arg1, %mul3A_621 : i32
    %add3A_623 = arith.constant 608 : i32
    %add3A_624 = arith.addi %mul3A_622, %add3A_623 : i32
    %dma_wait3A_625 = arith.constant 0 : i32
    %dma_wait3A_626 = tpu.memref_slice %arg14[%add3A_624, %dma_wait3A_625] : memref<10008x128xf32, #tpu.memory_space<vmem_shared>> -> memref<16x128xf32, #tpu.memory_space<vmem_shared>>
    %dma_wait3A_627 = arith.constant 0 : i32
    %dma_wait3A_628 = tpu.memref_slice %arg14[%add3A_624, %dma_wait3A_627] : memref<10008x128xf32, #tpu.memory_space<vmem_shared>> -> memref<16x128xf32, #tpu.memory_space<vmem_shared>>
    tpu.wait_dma2 semaphore(%arg15 : memref<!tpu.dma_semaphore, #tpu.memory_space<semaphore_mem>>) src(%arg13 : memref<16x128xf32, #tpu.memory_space<vmem>>) dst(%dma_wait3A_628 : memref<16x128xf32, #tpu.memory_space<vmem_shared>>)
    %eq3A = arith.constant 15 : i32
    %eq3A_629 = arith.cmpi eq, %arg1, %eq3A : i32
    %convert_element_type3A = arith.extui %eq3A_629 : i1 to i32
    %cond3A = arith.constant 0 : i32
    %cond3A_630 = arith.cmpi ne, %convert_element_type3A, %cond3A : i32
    scf.if %cond3A_630 {
      "tpu.region"() ({
        %run_scoped3A_737 = tpu.sem_alloc : memref<!tpu.dma_semaphore, #tpu.memory_space<semaphore_mem>>
        %dma_start3A_738 = arith.constant 0 : i32
        %dma_start3A_739 = arith.constant 0 : i32
        %dma_start3A_740 = tpu.memref_slice %arg13[%dma_start3A_738, %dma_start3A_739] : memref<16x128xf32, #tpu.memory_space<vmem>> -> memref<16x128xf32, #tpu.memory_space<vmem>>
        %dma_start3A_741 = arith.constant 9984 : i32
        %dma_start3A_742 = arith.constant 0 : i32
        %dma_start3A_743 = tpu.memref_slice %arg14[%dma_start3A_741, %dma_start3A_742] : memref<10008x128xf32, #tpu.memory_space<vmem_shared>> -> memref<16x128xf32, #tpu.memory_space<vmem_shared>>
        %dma_start3A_744 = arith.constant 9984 : i32
        %dma_start3A_745 = arith.constant 0 : i32
        %dma_start3A_746 = tpu.memref_slice %arg14[%dma_start3A_744, %dma_start3A_745] : memref<10008x128xf32, #tpu.memory_space<vmem_shared>> -> memref<16x128xf32, #tpu.memory_space<vmem_shared>>
        %dma_start3A_747 = arith.constant 0 : i32
        %dma_start3A_748 = arith.constant 0 : i32
        %dma_start3A_749 = tpu.memref_slice %arg13[%dma_start3A_747, %dma_start3A_748] : memref<16x128xf32, #tpu.memory_space<vmem>> -> memref<16x128xf32, #tpu.memory_space<vmem>>
        tpu.enqueue_dma source(%dma_start3A_749 : memref<16x128xf32, #tpu.memory_space<vmem>>) target(%dma_start3A_746 : memref<16x128xf32, #tpu.memory_space<vmem_shared>>) target_semaphore(%run_scoped3A_737 : memref<!tpu.dma_semaphore, #tpu.memory_space<semaphore_mem>>)
        %dma_wait3A_750 = arith.constant 0 : i32
        %dma_wait3A_751 = arith.constant 0 : i32
        %dma_wait3A_752 = tpu.memref_slice %arg13[%dma_wait3A_750, %dma_wait3A_751] : memref<16x128xf32, #tpu.memory_space<vmem>> -> memref<16x128xf32, #tpu.memory_space<vmem>>
        %dma_wait3A_753 = arith.constant 9984 : i32
        %dma_wait3A_754 = arith.constant 0 : i32
        %dma_wait3A_755 = tpu.memref_slice %arg14[%dma_wait3A_753, %dma_wait3A_754] : memref<10008x128xf32, #tpu.memory_space<vmem_shared>> -> memref<16x128xf32, #tpu.memory_space<vmem_shared>>
        %dma_wait3A_756 = arith.constant 9984 : i32
        %dma_wait3A_757 = arith.constant 0 : i32
        %dma_wait3A_758 = tpu.memref_slice %arg14[%dma_wait3A_756, %dma_wait3A_757] : memref<10008x128xf32, #tpu.memory_space<vmem_shared>> -> memref<16x128xf32, #tpu.memory_space<vmem_shared>>
        %dma_wait3A_759 = arith.constant 0 : i32
        %dma_wait3A_760 = arith.constant 0 : i32
        %dma_wait3A_761 = tpu.memref_slice %arg13[%dma_wait3A_759, %dma_wait3A_760] : memref<16x128xf32, #tpu.memory_space<vmem>> -> memref<16x128xf32, #tpu.memory_space<vmem>>
        tpu.wait_dma2 semaphore(%run_scoped3A_737 : memref<!tpu.dma_semaphore, #tpu.memory_space<semaphore_mem>>) src(%dma_wait3A_761 : memref<16x128xf32, #tpu.memory_space<vmem>>) dst(%dma_wait3A_758 : memref<16x128xf32, #tpu.memory_space<vmem_shared>>)
        tpu.yield
      }) : () -> ()
    } else {
    }
    %barrier3A = arith.constant 0 : index
    tpu.barrier barrier_id(%barrier3A)
    %run_scoped3A = arith.constant 0 : i32
    "tpu.region"() ({
      %run_scoped3A_737 = tpu.sem_alloc : memref<!tpu.dma_semaphore, #tpu.memory_space<semaphore_mem>>
      %dma_start3A_738 = arith.constant 0 : i32
      %dma_start3A_739 = arith.constant 0 : i32
      %dma_start3A_740 = tpu.memref_slice %arg3[%add3A, %run_scoped3A, %dma_start3A_738, %dma_start3A_739] : memref<32x2x40x128xi32, #tpu.memory_space<hbm>> -> memref<1x1x40x128xi32, #tpu.memory_space<hbm>>
      %dma_start3A_741 = tpu.memref_squeeze %dma_start3A_740 : memref<1x1x40x128xi32, #tpu.memory_space<hbm>> -> memref<40x128xi32, #tpu.memory_space<hbm>>
      %dma_start3A_742 = arith.constant 0 : i32
      %dma_start3A_743 = arith.constant 0 : i32
      %dma_start3A_744 = tpu.memref_slice %arg3[%add3A, %run_scoped3A, %dma_start3A_742, %dma_start3A_743] : memref<32x2x40x128xi32, #tpu.memory_space<hbm>> -> memref<1x1x40x128xi32, #tpu.memory_space<hbm>>
      %dma_start3A_745 = tpu.memref_squeeze %dma_start3A_744 : memref<1x1x40x128xi32, #tpu.memory_space<hbm>> -> memref<40x128xi32, #tpu.memory_space<hbm>>
      tpu.enqueue_dma source(%dma_start3A_745 : memref<40x128xi32, #tpu.memory_space<hbm>>) target(%arg9 : memref<40x128xi32, #tpu.memory_space<vmem>>) target_semaphore(%run_scoped3A_737 : memref<!tpu.dma_semaphore, #tpu.memory_space<semaphore_mem>>)
      %dma_wait3A_746 = arith.constant 0 : i32
      %dma_wait3A_747 = arith.constant 0 : i32
      %dma_wait3A_748 = tpu.memref_slice %arg3[%add3A, %run_scoped3A, %dma_wait3A_746, %dma_wait3A_747] : memref<32x2x40x128xi32, #tpu.memory_space<hbm>> -> memref<1x1x40x128xi32, #tpu.memory_space<hbm>>
      %dma_wait3A_749 = tpu.memref_squeeze %dma_wait3A_748 : memref<1x1x40x128xi32, #tpu.memory_space<hbm>> -> memref<40x128xi32, #tpu.memory_space<hbm>>
      %dma_wait3A_750 = arith.constant 0 : i32
      %dma_wait3A_751 = arith.constant 0 : i32
      %dma_wait3A_752 = tpu.memref_slice %arg3[%add3A, %run_scoped3A, %dma_wait3A_750, %dma_wait3A_751] : memref<32x2x40x128xi32, #tpu.memory_space<hbm>> -> memref<1x1x40x128xi32, #tpu.memory_space<hbm>>
      %dma_wait3A_753 = tpu.memref_squeeze %dma_wait3A_752 : memref<1x1x40x128xi32, #tpu.memory_space<hbm>> -> memref<40x128xi32, #tpu.memory_space<hbm>>
      tpu.wait_dma2 semaphore(%run_scoped3A_737 : memref<!tpu.dma_semaphore, #tpu.memory_space<semaphore_mem>>) src(%dma_wait3A_753 : memref<40x128xi32, #tpu.memory_space<hbm>>) dst(%arg9 : memref<40x128xi32, #tpu.memory_space<vmem>>)
      tpu.yield
    }) : () -> ()
    %run_scoped3A_631 = arith.constant 0 : i32
    "tpu.region"() ({
      %run_scoped3A_737 = tpu.sem_alloc : memref<!tpu.dma_semaphore, #tpu.memory_space<semaphore_mem>>
      %dma_start3A_738 = arith.constant 0 : i32
      %dma_start3A_739 = arith.constant 0 : i32
      %dma_start3A_740 = tpu.memref_slice %arg4[%add3A, %run_scoped3A_631, %dma_start3A_738, %dma_start3A_739] : memref<32x2x40x128xi32, #tpu.memory_space<hbm>> -> memref<1x1x40x128xi32, #tpu.memory_space<hbm>>
      %dma_start3A_741 = tpu.memref_squeeze %dma_start3A_740 : memref<1x1x40x128xi32, #tpu.memory_space<hbm>> -> memref<40x128xi32, #tpu.memory_space<hbm>>
      %dma_start3A_742 = arith.constant 0 : i32
      %dma_start3A_743 = arith.constant 0 : i32
      %dma_start3A_744 = tpu.memref_slice %arg4[%add3A, %run_scoped3A_631, %dma_start3A_742, %dma_start3A_743] : memref<32x2x40x128xi32, #tpu.memory_space<hbm>> -> memref<1x1x40x128xi32, #tpu.memory_space<hbm>>
      %dma_start3A_745 = tpu.memref_squeeze %dma_start3A_744 : memref<1x1x40x128xi32, #tpu.memory_space<hbm>> -> memref<40x128xi32, #tpu.memory_space<hbm>>
      tpu.enqueue_dma source(%dma_start3A_745 : memref<40x128xi32, #tpu.memory_space<hbm>>) target(%arg10 : memref<40x128xi32, #tpu.memory_space<vmem>>) target_semaphore(%run_scoped3A_737 : memref<!tpu.dma_semaphore, #tpu.memory_space<semaphore_mem>>)
      %dma_wait3A_746 = arith.constant 0 : i32
      %dma_wait3A_747 = arith.constant 0 : i32
      %dma_wait3A_748 = tpu.memref_slice %arg4[%add3A, %run_scoped3A_631, %dma_wait3A_746, %dma_wait3A_747] : memref<32x2x40x128xi32, #tpu.memory_space<hbm>> -> memref<1x1x40x128xi32, #tpu.memory_space<hbm>>
      %dma_wait3A_749 = tpu.memref_squeeze %dma_wait3A_748 : memref<1x1x40x128xi32, #tpu.memory_space<hbm>> -> memref<40x128xi32, #tpu.memory_space<hbm>>
      %dma_wait3A_750 = arith.constant 0 : i32
      %dma_wait3A_751 = arith.constant 0 : i32
      %dma_wait3A_752 = tpu.memref_slice %arg4[%add3A, %run_scoped3A_631, %dma_wait3A_750, %dma_wait3A_751] : memref<32x2x40x128xi32, #tpu.memory_space<hbm>> -> memref<1x1x40x128xi32, #tpu.memory_space<hbm>>
      %dma_wait3A_753 = tpu.memref_squeeze %dma_wait3A_752 : memref<1x1x40x128xi32, #tpu.memory_space<hbm>> -> memref<40x128xi32, #tpu.memory_space<hbm>>
      tpu.wait_dma2 semaphore(%run_scoped3A_737 : memref<!tpu.dma_semaphore, #tpu.memory_space<semaphore_mem>>) src(%dma_wait3A_753 : memref<40x128xi32, #tpu.memory_space<hbm>>) dst(%arg10 : memref<40x128xi32, #tpu.memory_space<vmem>>)
      tpu.yield
    }) : () -> ()
    %dma_start3A_632 = arith.constant 0 : i32
    %dma_start3A_633 = arith.constant 0 : i32
    %dma_start3A_634 = tpu.memref_slice %arg9[%dma_start3A_632, %dma_start3A_633] : memref<40x128xi32, #tpu.memory_space<vmem>> -> memref<1x128xi32, #tpu.memory_space<vmem>>
    %dma_start3A_635 = tpu.memref_squeeze %dma_start3A_634 : memref<1x128xi32, #tpu.memory_space<vmem>> -> memref<128xi32, #tpu.memory_space<vmem>>
    %dma_start3A_636 = arith.constant 0 : i32
    %dma_start3A_637 = arith.constant 0 : i32
    %dma_start3A_638 = tpu.memref_slice %arg2[%dma_start3A_636, %dma_start3A_637] : memref<10000x128xf32, #tpu.memory_space<hbm>> -> memref<10000x128xf32, #tpu.memory_space<hbm>>
    tpu.enqueue_indirect_dma source(%dma_start3A_638 : memref<10000x128xf32, #tpu.memory_space<hbm>>) target(%arg11 : memref<128x128xf32, #tpu.memory_space<vmem>>) offsets(%dma_start3A_635 : memref<128xi32, #tpu.memory_space<vmem>>) semaphore(%arg15 : memref<!tpu.dma_semaphore, #tpu.memory_space<semaphore_mem>>)
    %dma_start3A_639 = arith.constant 1 : i32
    %dma_start3A_640 = arith.constant 0 : i32
    %dma_start3A_641 = tpu.memref_slice %arg9[%dma_start3A_639, %dma_start3A_640] : memref<40x128xi32, #tpu.memory_space<vmem>> -> memref<1x128xi32, #tpu.memory_space<vmem>>
    %dma_start3A_642 = tpu.memref_squeeze %dma_start3A_641 : memref<1x128xi32, #tpu.memory_space<vmem>> -> memref<128xi32, #tpu.memory_space<vmem>>
    %dma_start3A_643 = arith.constant 0 : i32
    %dma_start3A_644 = arith.constant 0 : i32
    %dma_start3A_645 = tpu.memref_slice %arg2[%dma_start3A_643, %dma_start3A_644] : memref<10000x128xf32, #tpu.memory_space<hbm>> -> memref<10000x128xf32, #tpu.memory_space<hbm>>
    tpu.enqueue_indirect_dma source(%dma_start3A_645 : memref<10000x128xf32, #tpu.memory_space<hbm>>) target(%arg12 : memref<128x128xf32, #tpu.memory_space<vmem>>) offsets(%dma_start3A_642 : memref<128xi32, #tpu.memory_space<vmem>>) semaphore(%arg16 : memref<!tpu.dma_semaphore, #tpu.memory_space<semaphore_mem>>)
    %scan3A_646 = arith.constant 0 : i32
    %scan3A_647 = arith.constant 0 : i32
    %scan3A_648 = arith.constant 20 : i32
    %scan3A_649 = arith.addi %scan3A_647, %scan3A_648 : i32
    %scan3A_650 = arith.constant 1 : i32
    scf.for %scan3A_737 = %scan3A_647 to %scan3A_649 step %scan3A_650  : i32 {
      %mul3A_738 = arith.constant 2 : i32
      %mul3A_739 = arith.muli %mul3A_738, %scan3A_737 : i32
      %add3A_740 = arith.constant 0 : i32
      %add3A_741 = arith.addi %mul3A_739, %add3A_740 : i32
      %dma_wait3A_742 = arith.constant 0 : i32
      %dma_wait3A_743 = tpu.memref_slice %arg9[%add3A_741, %dma_wait3A_742] : memref<40x128xi32, #tpu.memory_space<vmem>> -> memref<1x128xi32, #tpu.memory_space<vmem>>
      %dma_wait3A_744 = tpu.memref_squeeze %dma_wait3A_743 : memref<1x128xi32, #tpu.memory_space<vmem>> -> memref<128xi32, #tpu.memory_space<vmem>>
      %dma_wait3A_745 = arith.constant 0 : i32
      %dma_wait3A_746 = arith.constant 0 : i32
      %dma_wait3A_747 = tpu.memref_slice %arg2[%dma_wait3A_745, %dma_wait3A_746] : memref<10000x128xf32, #tpu.memory_space<hbm>> -> memref<10000x128xf32, #tpu.memory_space<hbm>>
      tpu.wait_indirect_dma semaphore(%arg15 : memref<!tpu.dma_semaphore, #tpu.memory_space<semaphore_mem>>) src(%dma_wait3A_747 : memref<10000x128xf32, #tpu.memory_space<hbm>>) dst(%arg11 : memref<128x128xf32, #tpu.memory_space<vmem>>)
      %add3A_748 = arith.constant 0 : i32
      %add3A_749 = arith.addi %mul3A_739, %add3A_748 : i32
      "tpu.region"() ({
        %run_scoped3A_777 = tpu.sem_alloc : memref<!tpu.dma_semaphore, #tpu.memory_space<semaphore_mem>>
        %dma_start3A_778 = arith.constant 0 : i32
        %dma_start3A_779 = tpu.memref_slice %arg10[%add3A_749, %dma_start3A_778] : memref<40x128xi32, #tpu.memory_space<vmem>> -> memref<1x128xi32, #tpu.memory_space<vmem>>
        %dma_start3A_780 = tpu.memref_squeeze %dma_start3A_779 : memref<1x128xi32, #tpu.memory_space<vmem>> -> memref<128xi32, #tpu.memory_space<vmem>>
        %dma_start3A_781 = arith.constant 0 : i32
        %dma_start3A_782 = arith.constant 0 : i32
        %dma_start3A_783 = tpu.memref_slice %arg14[%dma_start3A_781, %dma_start3A_782] : memref<10008x128xf32, #tpu.memory_space<vmem_shared>> -> memref<10008x128xf32, #tpu.memory_space<vmem_shared>>
        tpu.enqueue_indirect_dma source(%arg11 : memref<128x128xf32, #tpu.memory_space<vmem>>) target(%dma_start3A_783 : memref<10008x128xf32, #tpu.memory_space<vmem_shared>>) offsets(%dma_start3A_780 : memref<128xi32, #tpu.memory_space<vmem>>) semaphore(%run_scoped3A_777 : memref<!tpu.dma_semaphore, #tpu.memory_space<semaphore_mem>>) {add = true}
        %dma_wait3A_784 = arith.constant 0 : i32
        %dma_wait3A_785 = tpu.memref_slice %arg10[%add3A_749, %dma_wait3A_784] : memref<40x128xi32, #tpu.memory_space<vmem>> -> memref<1x128xi32, #tpu.memory_space<vmem>>
        %dma_wait3A_786 = tpu.memref_squeeze %dma_wait3A_785 : memref<1x128xi32, #tpu.memory_space<vmem>> -> memref<128xi32, #tpu.memory_space<vmem>>
        %dma_wait3A_787 = arith.constant 0 : i32
        %dma_wait3A_788 = arith.constant 0 : i32
        %dma_wait3A_789 = tpu.memref_slice %arg14[%dma_wait3A_787, %dma_wait3A_788] : memref<10008x128xf32, #tpu.memory_space<vmem_shared>> -> memref<10008x128xf32, #tpu.memory_space<vmem_shared>>
        tpu.wait_indirect_dma semaphore(%run_scoped3A_777 : memref<!tpu.dma_semaphore, #tpu.memory_space<semaphore_mem>>) src(%arg11 : memref<128x128xf32, #tpu.memory_space<vmem>>) dst(%dma_wait3A_789 : memref<10008x128xf32, #tpu.memory_space<vmem_shared>>)
        tpu.yield
      }) : () -> ()
      %add3A_750 = arith.constant 0 : i32
      %add3A_751 = arith.addi %mul3A_739, %add3A_750 : i32
      %add3A_752 = arith.constant 2 : i32
      %add3A_753 = arith.addi %add3A_751, %add3A_752 : i32
      %lt3A = arith.constant 40 : i32
      %lt3A_754 = arith.cmpi slt, %add3A_753, %lt3A : i32
      %convert_element_type3A_755 = arith.extui %lt3A_754 : i1 to i32
      %cond3A_756 = arith.constant 0 : i32
      %cond3A_757 = arith.cmpi ne, %convert_element_type3A_755, %cond3A_756 : i32
      scf.if %cond3A_757 {
        %add3A_777 = arith.constant 0 : i32
        %add3A_778 = arith.addi %mul3A_739, %add3A_777 : i32
        %add3A_779 = arith.constant 2 : i32
        %add3A_780 = arith.addi %add3A_778, %add3A_779 : i32
        %dma_start3A_781 = arith.constant 0 : i32
        %dma_start3A_782 = tpu.memref_slice %arg9[%add3A_780, %dma_start3A_781] : memref<40x128xi32, #tpu.memory_space<vmem>> -> memref<1x128xi32, #tpu.memory_space<vmem>>
        %dma_start3A_783 = tpu.memref_squeeze %dma_start3A_782 : memref<1x128xi32, #tpu.memory_space<vmem>> -> memref<128xi32, #tpu.memory_space<vmem>>
        %dma_start3A_784 = arith.constant 0 : i32
        %dma_start3A_785 = arith.constant 0 : i32
        %dma_start3A_786 = tpu.memref_slice %arg2[%dma_start3A_784, %dma_start3A_785] : memref<10000x128xf32, #tpu.memory_space<hbm>> -> memref<10000x128xf32, #tpu.memory_space<hbm>>
        tpu.enqueue_indirect_dma source(%dma_start3A_786 : memref<10000x128xf32, #tpu.memory_space<hbm>>) target(%arg11 : memref<128x128xf32, #tpu.memory_space<vmem>>) offsets(%dma_start3A_783 : memref<128xi32, #tpu.memory_space<vmem>>) semaphore(%arg15 : memref<!tpu.dma_semaphore, #tpu.memory_space<semaphore_mem>>)
      } else {
      }
      %add3A_758 = arith.constant 1 : i32
      %add3A_759 = arith.addi %mul3A_739, %add3A_758 : i32
      %dma_wait3A_760 = arith.constant 0 : i32
      %dma_wait3A_761 = tpu.memref_slice %arg9[%add3A_759, %dma_wait3A_760] : memref<40x128xi32, #tpu.memory_space<vmem>> -> memref<1x128xi32, #tpu.memory_space<vmem>>
      %dma_wait3A_762 = tpu.memref_squeeze %dma_wait3A_761 : memref<1x128xi32, #tpu.memory_space<vmem>> -> memref<128xi32, #tpu.memory_space<vmem>>
      %dma_wait3A_763 = arith.constant 0 : i32
      %dma_wait3A_764 = arith.constant 0 : i32
      %dma_wait3A_765 = tpu.memref_slice %arg2[%dma_wait3A_763, %dma_wait3A_764] : memref<10000x128xf32, #tpu.memory_space<hbm>> -> memref<10000x128xf32, #tpu.memory_space<hbm>>
      tpu.wait_indirect_dma semaphore(%arg16 : memref<!tpu.dma_semaphore, #tpu.memory_space<semaphore_mem>>) src(%dma_wait3A_765 : memref<10000x128xf32, #tpu.memory_space<hbm>>) dst(%arg12 : memref<128x128xf32, #tpu.memory_space<vmem>>)
      %add3A_766 = arith.constant 1 : i32
      %add3A_767 = arith.addi %mul3A_739, %add3A_766 : i32
      "tpu.region"() ({
        %run_scoped3A_777 = tpu.sem_alloc : memref<!tpu.dma_semaphore, #tpu.memory_space<semaphore_mem>>
        %dma_start3A_778 = arith.constant 0 : i32
        %dma_start3A_779 = tpu.memref_slice %arg10[%add3A_767, %dma_start3A_778] : memref<40x128xi32, #tpu.memory_space<vmem>> -> memref<1x128xi32, #tpu.memory_space<vmem>>
        %dma_start3A_780 = tpu.memref_squeeze %dma_start3A_779 : memref<1x128xi32, #tpu.memory_space<vmem>> -> memref<128xi32, #tpu.memory_space<vmem>>
        %dma_start3A_781 = arith.constant 0 : i32
        %dma_start3A_782 = arith.constant 0 : i32
        %dma_start3A_783 = tpu.memref_slice %arg14[%dma_start3A_781, %dma_start3A_782] : memref<10008x128xf32, #tpu.memory_space<vmem_shared>> -> memref<10008x128xf32, #tpu.memory_space<vmem_shared>>
        tpu.enqueue_indirect_dma source(%arg12 : memref<128x128xf32, #tpu.memory_space<vmem>>) target(%dma_start3A_783 : memref<10008x128xf32, #tpu.memory_space<vmem_shared>>) offsets(%dma_start3A_780 : memref<128xi32, #tpu.memory_space<vmem>>) semaphore(%run_scoped3A_777 : memref<!tpu.dma_semaphore, #tpu.memory_space<semaphore_mem>>) {add = true}
        %dma_wait3A_784 = arith.constant 0 : i32
        %dma_wait3A_785 = tpu.memref_slice %arg10[%add3A_767, %dma_wait3A_784] : memref<40x128xi32, #tpu.memory_space<vmem>> -> memref<1x128xi32, #tpu.memory_space<vmem>>
        %dma_wait3A_786 = tpu.memref_squeeze %dma_wait3A_785 : memref<1x128xi32, #tpu.memory_space<vmem>> -> memref<128xi32, #tpu.memory_space<vmem>>
        %dma_wait3A_787 = arith.constant 0 : i32
        %dma_wait3A_788 = arith.constant 0 : i32
        %dma_wait3A_789 = tpu.memref_slice %arg14[%dma_wait3A_787, %dma_wait3A_788] : memref<10008x128xf32, #tpu.memory_space<vmem_shared>> -> memref<10008x128xf32, #tpu.memory_space<vmem_shared>>
        tpu.wait_indirect_dma semaphore(%run_scoped3A_777 : memref<!tpu.dma_semaphore, #tpu.memory_space<semaphore_mem>>) src(%arg12 : memref<128x128xf32, #tpu.memory_space<vmem>>) dst(%dma_wait3A_789 : memref<10008x128xf32, #tpu.memory_space<vmem_shared>>)
        tpu.yield
      }) : () -> ()
      %add3A_768 = arith.constant 1 : i32
      %add3A_769 = arith.addi %mul3A_739, %add3A_768 : i32
      %add3A_770 = arith.constant 2 : i32
      %add3A_771 = arith.addi %add3A_769, %add3A_770 : i32
      %lt3A_772 = arith.constant 40 : i32
      %lt3A_773 = arith.cmpi slt, %add3A_771, %lt3A_772 : i32
      %convert_element_type3A_774 = arith.extui %lt3A_773 : i1 to i32
      %cond3A_775 = arith.constant 0 : i32
      %cond3A_776 = arith.cmpi ne, %convert_element_type3A_774, %cond3A_775 : i32
      scf.if %cond3A_776 {
        %add3A_777 = arith.constant 1 : i32
        %add3A_778 = arith.addi %mul3A_739, %add3A_777 : i32
        %add3A_779 = arith.constant 2 : i32
        %add3A_780 = arith.addi %add3A_778, %add3A_779 : i32
        %dma_start3A_781 = arith.constant 0 : i32
        %dma_start3A_782 = tpu.memref_slice %arg9[%add3A_780, %dma_start3A_781] : memref<40x128xi32, #tpu.memory_space<vmem>> -> memref<1x128xi32, #tpu.memory_space<vmem>>
        %dma_start3A_783 = tpu.memref_squeeze %dma_start3A_782 : memref<1x128xi32, #tpu.memory_space<vmem>> -> memref<128xi32, #tpu.memory_space<vmem>>
        %dma_start3A_784 = arith.constant 0 : i32
        %dma_start3A_785 = arith.constant 0 : i32
        %dma_start3A_786 = tpu.memref_slice %arg2[%dma_start3A_784, %dma_start3A_785] : memref<10000x128xf32, #tpu.memory_space<hbm>> -> memref<10000x128xf32, #tpu.memory_space<hbm>>
        tpu.enqueue_indirect_dma source(%dma_start3A_786 : memref<10000x128xf32, #tpu.memory_space<hbm>>) target(%arg12 : memref<128x128xf32, #tpu.memory_space<vmem>>) offsets(%dma_start3A_783 : memref<128xi32, #tpu.memory_space<vmem>>) semaphore(%arg16 : memref<!tpu.dma_semaphore, #tpu.memory_space<semaphore_mem>>)
      } else {
      }
    }
    %scan3A_651 = arith.constant 20 : i32
    %run_scoped3A_652 = arith.constant 1 : i32
    "tpu.region"() ({
      %run_scoped3A_737 = tpu.sem_alloc : memref<!tpu.dma_semaphore, #tpu.memory_space<semaphore_mem>>
      %dma_start3A_738 = arith.constant 0 : i32
      %dma_start3A_739 = arith.constant 0 : i32
      %dma_start3A_740 = tpu.memref_slice %arg3[%add3A, %run_scoped3A_652, %dma_start3A_738, %dma_start3A_739] : memref<32x2x40x128xi32, #tpu.memory_space<hbm>> -> memref<1x1x40x128xi32, #tpu.memory_space<hbm>>
      %dma_start3A_741 = tpu.memref_squeeze %dma_start3A_740 : memref<1x1x40x128xi32, #tpu.memory_space<hbm>> -> memref<40x128xi32, #tpu.memory_space<hbm>>
      %dma_start3A_742 = arith.constant 0 : i32
      %dma_start3A_743 = arith.constant 0 : i32
      %dma_start3A_744 = tpu.memref_slice %arg3[%add3A, %run_scoped3A_652, %dma_start3A_742, %dma_start3A_743] : memref<32x2x40x128xi32, #tpu.memory_space<hbm>> -> memref<1x1x40x128xi32, #tpu.memory_space<hbm>>
      %dma_start3A_745 = tpu.memref_squeeze %dma_start3A_744 : memref<1x1x40x128xi32, #tpu.memory_space<hbm>> -> memref<40x128xi32, #tpu.memory_space<hbm>>
      tpu.enqueue_dma source(%dma_start3A_745 : memref<40x128xi32, #tpu.memory_space<hbm>>) target(%arg9 : memref<40x128xi32, #tpu.memory_space<vmem>>) target_semaphore(%run_scoped3A_737 : memref<!tpu.dma_semaphore, #tpu.memory_space<semaphore_mem>>)
      %dma_wait3A_746 = arith.constant 0 : i32
      %dma_wait3A_747 = arith.constant 0 : i32
      %dma_wait3A_748 = tpu.memref_slice %arg3[%add3A, %run_scoped3A_652, %dma_wait3A_746, %dma_wait3A_747] : memref<32x2x40x128xi32, #tpu.memory_space<hbm>> -> memref<1x1x40x128xi32, #tpu.memory_space<hbm>>
      %dma_wait3A_749 = tpu.memref_squeeze %dma_wait3A_748 : memref<1x1x40x128xi32, #tpu.memory_space<hbm>> -> memref<40x128xi32, #tpu.memory_space<hbm>>
      %dma_wait3A_750 = arith.constant 0 : i32
      %dma_wait3A_751 = arith.constant 0 : i32
      %dma_wait3A_752 = tpu.memref_slice %arg3[%add3A, %run_scoped3A_652, %dma_wait3A_750, %dma_wait3A_751] : memref<32x2x40x128xi32, #tpu.memory_space<hbm>> -> memref<1x1x40x128xi32, #tpu.memory_space<hbm>>
      %dma_wait3A_753 = tpu.memref_squeeze %dma_wait3A_752 : memref<1x1x40x128xi32, #tpu.memory_space<hbm>> -> memref<40x128xi32, #tpu.memory_space<hbm>>
      tpu.wait_dma2 semaphore(%run_scoped3A_737 : memref<!tpu.dma_semaphore, #tpu.memory_space<semaphore_mem>>) src(%dma_wait3A_753 : memref<40x128xi32, #tpu.memory_space<hbm>>) dst(%arg9 : memref<40x128xi32, #tpu.memory_space<vmem>>)
      tpu.yield
    }) : () -> ()
    %run_scoped3A_653 = arith.constant 1 : i32
    "tpu.region"() ({
      %run_scoped3A_737 = tpu.sem_alloc : memref<!tpu.dma_semaphore, #tpu.memory_space<semaphore_mem>>
      %dma_start3A_738 = arith.constant 0 : i32
      %dma_start3A_739 = arith.constant 0 : i32
      %dma_start3A_740 = tpu.memref_slice %arg4[%add3A, %run_scoped3A_653, %dma_start3A_738, %dma_start3A_739] : memref<32x2x40x128xi32, #tpu.memory_space<hbm>> -> memref<1x1x40x128xi32, #tpu.memory_space<hbm>>
      %dma_start3A_741 = tpu.memref_squeeze %dma_start3A_740 : memref<1x1x40x128xi32, #tpu.memory_space<hbm>> -> memref<40x128xi32, #tpu.memory_space<hbm>>
      %dma_start3A_742 = arith.constant 0 : i32
      %dma_start3A_743 = arith.constant 0 : i32
      %dma_start3A_744 = tpu.memref_slice %arg4[%add3A, %run_scoped3A_653, %dma_start3A_742, %dma_start3A_743] : memref<32x2x40x128xi32, #tpu.memory_space<hbm>> -> memref<1x1x40x128xi32, #tpu.memory_space<hbm>>
      %dma_start3A_745 = tpu.memref_squeeze %dma_start3A_744 : memref<1x1x40x128xi32, #tpu.memory_space<hbm>> -> memref<40x128xi32, #tpu.memory_space<hbm>>
      tpu.enqueue_dma source(%dma_start3A_745 : memref<40x128xi32, #tpu.memory_space<hbm>>) target(%arg10 : memref<40x128xi32, #tpu.memory_space<vmem>>) target_semaphore(%run_scoped3A_737 : memref<!tpu.dma_semaphore, #tpu.memory_space<semaphore_mem>>)
      %dma_wait3A_746 = arith.constant 0 : i32
      %dma_wait3A_747 = arith.constant 0 : i32
      %dma_wait3A_748 = tpu.memref_slice %arg4[%add3A, %run_scoped3A_653, %dma_wait3A_746, %dma_wait3A_747] : memref<32x2x40x128xi32, #tpu.memory_space<hbm>> -> memref<1x1x40x128xi32, #tpu.memory_space<hbm>>
      %dma_wait3A_749 = tpu.memref_squeeze %dma_wait3A_748 : memref<1x1x40x128xi32, #tpu.memory_space<hbm>> -> memref<40x128xi32, #tpu.memory_space<hbm>>
      %dma_wait3A_750 = arith.constant 0 : i32
      %dma_wait3A_751 = arith.constant 0 : i32
      %dma_wait3A_752 = tpu.memref_slice %arg4[%add3A, %run_scoped3A_653, %dma_wait3A_750, %dma_wait3A_751] : memref<32x2x40x128xi32, #tpu.memory_space<hbm>> -> memref<1x1x40x128xi32, #tpu.memory_space<hbm>>
      %dma_wait3A_753 = tpu.memref_squeeze %dma_wait3A_752 : memref<1x1x40x128xi32, #tpu.memory_space<hbm>> -> memref<40x128xi32, #tpu.memory_space<hbm>>
      tpu.wait_dma2 semaphore(%run_scoped3A_737 : memref<!tpu.dma_semaphore, #tpu.memory_space<semaphore_mem>>) src(%dma_wait3A_753 : memref<40x128xi32, #tpu.memory_space<hbm>>) dst(%arg10 : memref<40x128xi32, #tpu.memory_space<vmem>>)
      tpu.yield
    }) : () -> ()
    %dma_start3A_654 = arith.constant 0 : i32
    %dma_start3A_655 = arith.constant 0 : i32
    %dma_start3A_656 = tpu.memref_slice %arg9[%dma_start3A_654, %dma_start3A_655] : memref<40x128xi32, #tpu.memory_space<vmem>> -> memref<1x128xi32, #tpu.memory_space<vmem>>
    %dma_start3A_657 = tpu.memref_squeeze %dma_start3A_656 : memref<1x128xi32, #tpu.memory_space<vmem>> -> memref<128xi32, #tpu.memory_space<vmem>>
    %dma_start3A_658 = arith.constant 0 : i32
    %dma_start3A_659 = arith.constant 0 : i32
    %dma_start3A_660 = tpu.memref_slice %arg2[%dma_start3A_658, %dma_start3A_659] : memref<10000x128xf32, #tpu.memory_space<hbm>> -> memref<10000x128xf32, #tpu.memory_space<hbm>>
    tpu.enqueue_indirect_dma source(%dma_start3A_660 : memref<10000x128xf32, #tpu.memory_space<hbm>>) target(%arg11 : memref<128x128xf32, #tpu.memory_space<vmem>>) offsets(%dma_start3A_657 : memref<128xi32, #tpu.memory_space<vmem>>) semaphore(%arg15 : memref<!tpu.dma_semaphore, #tpu.memory_space<semaphore_mem>>)
    %dma_start3A_661 = arith.constant 1 : i32
    %dma_start3A_662 = arith.constant 0 : i32
    %dma_start3A_663 = tpu.memref_slice %arg9[%dma_start3A_661, %dma_start3A_662] : memref<40x128xi32, #tpu.memory_space<vmem>> -> memref<1x128xi32, #tpu.memory_space<vmem>>
    %dma_start3A_664 = tpu.memref_squeeze %dma_start3A_663 : memref<1x128xi32, #tpu.memory_space<vmem>> -> memref<128xi32, #tpu.memory_space<vmem>>
    %dma_start3A_665 = arith.constant 0 : i32
    %dma_start3A_666 = arith.constant 0 : i32
    %dma_start3A_667 = tpu.memref_slice %arg2[%dma_start3A_665, %dma_start3A_666] : memref<10000x128xf32, #tpu.memory_space<hbm>> -> memref<10000x128xf32, #tpu.memory_space<hbm>>
    tpu.enqueue_indirect_dma source(%dma_start3A_667 : memref<10000x128xf32, #tpu.memory_space<hbm>>) target(%arg12 : memref<128x128xf32, #tpu.memory_space<vmem>>) offsets(%dma_start3A_664 : memref<128xi32, #tpu.memory_space<vmem>>) semaphore(%arg16 : memref<!tpu.dma_semaphore, #tpu.memory_space<semaphore_mem>>)
    %scan3A_668 = arith.constant 0 : i32
    %scan3A_669 = arith.constant 0 : i32
    %scan3A_670 = arith.constant 20 : i32
    %scan3A_671 = arith.addi %scan3A_669, %scan3A_670 : i32
    %scan3A_672 = arith.constant 1 : i32
    scf.for %scan3A_737 = %scan3A_669 to %scan3A_671 step %scan3A_672  : i32 {
      %mul3A_738 = arith.constant 2 : i32
      %mul3A_739 = arith.muli %mul3A_738, %scan3A_737 : i32
      %add3A_740 = arith.constant 0 : i32
      %add3A_741 = arith.addi %mul3A_739, %add3A_740 : i32
      %dma_wait3A_742 = arith.constant 0 : i32
      %dma_wait3A_743 = tpu.memref_slice %arg9[%add3A_741, %dma_wait3A_742] : memref<40x128xi32, #tpu.memory_space<vmem>> -> memref<1x128xi32, #tpu.memory_space<vmem>>
      %dma_wait3A_744 = tpu.memref_squeeze %dma_wait3A_743 : memref<1x128xi32, #tpu.memory_space<vmem>> -> memref<128xi32, #tpu.memory_space<vmem>>
      %dma_wait3A_745 = arith.constant 0 : i32
      %dma_wait3A_746 = arith.constant 0 : i32
      %dma_wait3A_747 = tpu.memref_slice %arg2[%dma_wait3A_745, %dma_wait3A_746] : memref<10000x128xf32, #tpu.memory_space<hbm>> -> memref<10000x128xf32, #tpu.memory_space<hbm>>
      tpu.wait_indirect_dma semaphore(%arg15 : memref<!tpu.dma_semaphore, #tpu.memory_space<semaphore_mem>>) src(%dma_wait3A_747 : memref<10000x128xf32, #tpu.memory_space<hbm>>) dst(%arg11 : memref<128x128xf32, #tpu.memory_space<vmem>>)
      %add3A_748 = arith.constant 0 : i32
      %add3A_749 = arith.addi %mul3A_739, %add3A_748 : i32
      "tpu.region"() ({
        %run_scoped3A_777 = tpu.sem_alloc : memref<!tpu.dma_semaphore, #tpu.memory_space<semaphore_mem>>
        %dma_start3A_778 = arith.constant 0 : i32
        %dma_start3A_779 = tpu.memref_slice %arg10[%add3A_749, %dma_start3A_778] : memref<40x128xi32, #tpu.memory_space<vmem>> -> memref<1x128xi32, #tpu.memory_space<vmem>>
        %dma_start3A_780 = tpu.memref_squeeze %dma_start3A_779 : memref<1x128xi32, #tpu.memory_space<vmem>> -> memref<128xi32, #tpu.memory_space<vmem>>
        %dma_start3A_781 = arith.constant 0 : i32
        %dma_start3A_782 = arith.constant 0 : i32
        %dma_start3A_783 = tpu.memref_slice %arg14[%dma_start3A_781, %dma_start3A_782] : memref<10008x128xf32, #tpu.memory_space<vmem_shared>> -> memref<10008x128xf32, #tpu.memory_space<vmem_shared>>
        tpu.enqueue_indirect_dma source(%arg11 : memref<128x128xf32, #tpu.memory_space<vmem>>) target(%dma_start3A_783 : memref<10008x128xf32, #tpu.memory_space<vmem_shared>>) offsets(%dma_start3A_780 : memref<128xi32, #tpu.memory_space<vmem>>) semaphore(%run_scoped3A_777 : memref<!tpu.dma_semaphore, #tpu.memory_space<semaphore_mem>>) {add = true}
        %dma_wait3A_784 = arith.constant 0 : i32
        %dma_wait3A_785 = tpu.memref_slice %arg10[%add3A_749, %dma_wait3A_784] : memref<40x128xi32, #tpu.memory_space<vmem>> -> memref<1x128xi32, #tpu.memory_space<vmem>>
        %dma_wait3A_786 = tpu.memref_squeeze %dma_wait3A_785 : memref<1x128xi32, #tpu.memory_space<vmem>> -> memref<128xi32, #tpu.memory_space<vmem>>
        %dma_wait3A_787 = arith.constant 0 : i32
        %dma_wait3A_788 = arith.constant 0 : i32
        %dma_wait3A_789 = tpu.memref_slice %arg14[%dma_wait3A_787, %dma_wait3A_788] : memref<10008x128xf32, #tpu.memory_space<vmem_shared>> -> memref<10008x128xf32, #tpu.memory_space<vmem_shared>>
        tpu.wait_indirect_dma semaphore(%run_scoped3A_777 : memref<!tpu.dma_semaphore, #tpu.memory_space<semaphore_mem>>) src(%arg11 : memref<128x128xf32, #tpu.memory_space<vmem>>) dst(%dma_wait3A_789 : memref<10008x128xf32, #tpu.memory_space<vmem_shared>>)
        tpu.yield
      }) : () -> ()
      %add3A_750 = arith.constant 0 : i32
      %add3A_751 = arith.addi %mul3A_739, %add3A_750 : i32
      %add3A_752 = arith.constant 2 : i32
      %add3A_753 = arith.addi %add3A_751, %add3A_752 : i32
      %lt3A = arith.constant 40 : i32
      %lt3A_754 = arith.cmpi slt, %add3A_753, %lt3A : i32
      %convert_element_type3A_755 = arith.extui %lt3A_754 : i1 to i32
      %cond3A_756 = arith.constant 0 : i32
      %cond3A_757 = arith.cmpi ne, %convert_element_type3A_755, %cond3A_756 : i32
      scf.if %cond3A_757 {
        %add3A_777 = arith.constant 0 : i32
        %add3A_778 = arith.addi %mul3A_739, %add3A_777 : i32
        %add3A_779 = arith.constant 2 : i32
        %add3A_780 = arith.addi %add3A_778, %add3A_779 : i32
        %dma_start3A_781 = arith.constant 0 : i32
        %dma_start3A_782 = tpu.memref_slice %arg9[%add3A_780, %dma_start3A_781] : memref<40x128xi32, #tpu.memory_space<vmem>> -> memref<1x128xi32, #tpu.memory_space<vmem>>
        %dma_start3A_783 = tpu.memref_squeeze %dma_start3A_782 : memref<1x128xi32, #tpu.memory_space<vmem>> -> memref<128xi32, #tpu.memory_space<vmem>>
        %dma_start3A_784 = arith.constant 0 : i32
        %dma_start3A_785 = arith.constant 0 : i32
        %dma_start3A_786 = tpu.memref_slice %arg2[%dma_start3A_784, %dma_start3A_785] : memref<10000x128xf32, #tpu.memory_space<hbm>> -> memref<10000x128xf32, #tpu.memory_space<hbm>>
        tpu.enqueue_indirect_dma source(%dma_start3A_786 : memref<10000x128xf32, #tpu.memory_space<hbm>>) target(%arg11 : memref<128x128xf32, #tpu.memory_space<vmem>>) offsets(%dma_start3A_783 : memref<128xi32, #tpu.memory_space<vmem>>) semaphore(%arg15 : memref<!tpu.dma_semaphore, #tpu.memory_space<semaphore_mem>>)
      } else {
      }
      %add3A_758 = arith.constant 1 : i32
      %add3A_759 = arith.addi %mul3A_739, %add3A_758 : i32
      %dma_wait3A_760 = arith.constant 0 : i32
      %dma_wait3A_761 = tpu.memref_slice %arg9[%add3A_759, %dma_wait3A_760] : memref<40x128xi32, #tpu.memory_space<vmem>> -> memref<1x128xi32, #tpu.memory_space<vmem>>
      %dma_wait3A_762 = tpu.memref_squeeze %dma_wait3A_761 : memref<1x128xi32, #tpu.memory_space<vmem>> -> memref<128xi32, #tpu.memory_space<vmem>>
      %dma_wait3A_763 = arith.constant 0 : i32
      %dma_wait3A_764 = arith.constant 0 : i32
      %dma_wait3A_765 = tpu.memref_slice %arg2[%dma_wait3A_763, %dma_wait3A_764] : memref<10000x128xf32, #tpu.memory_space<hbm>> -> memref<10000x128xf32, #tpu.memory_space<hbm>>
      tpu.wait_indirect_dma semaphore(%arg16 : memref<!tpu.dma_semaphore, #tpu.memory_space<semaphore_mem>>) src(%dma_wait3A_765 : memref<10000x128xf32, #tpu.memory_space<hbm>>) dst(%arg12 : memref<128x128xf32, #tpu.memory_space<vmem>>)
      %add3A_766 = arith.constant 1 : i32
      %add3A_767 = arith.addi %mul3A_739, %add3A_766 : i32
      "tpu.region"() ({
        %run_scoped3A_777 = tpu.sem_alloc : memref<!tpu.dma_semaphore, #tpu.memory_space<semaphore_mem>>
        %dma_start3A_778 = arith.constant 0 : i32
        %dma_start3A_779 = tpu.memref_slice %arg10[%add3A_767, %dma_start3A_778] : memref<40x128xi32, #tpu.memory_space<vmem>> -> memref<1x128xi32, #tpu.memory_space<vmem>>
        %dma_start3A_780 = tpu.memref_squeeze %dma_start3A_779 : memref<1x128xi32, #tpu.memory_space<vmem>> -> memref<128xi32, #tpu.memory_space<vmem>>
        %dma_start3A_781 = arith.constant 0 : i32
        %dma_start3A_782 = arith.constant 0 : i32
        %dma_start3A_783 = tpu.memref_slice %arg14[%dma_start3A_781, %dma_start3A_782] : memref<10008x128xf32, #tpu.memory_space<vmem_shared>> -> memref<10008x128xf32, #tpu.memory_space<vmem_shared>>
        tpu.enqueue_indirect_dma source(%arg12 : memref<128x128xf32, #tpu.memory_space<vmem>>) target(%dma_start3A_783 : memref<10008x128xf32, #tpu.memory_space<vmem_shared>>) offsets(%dma_start3A_780 : memref<128xi32, #tpu.memory_space<vmem>>) semaphore(%run_scoped3A_777 : memref<!tpu.dma_semaphore, #tpu.memory_space<semaphore_mem>>) {add = true}
        %dma_wait3A_784 = arith.constant 0 : i32
        %dma_wait3A_785 = tpu.memref_slice %arg10[%add3A_767, %dma_wait3A_784] : memref<40x128xi32, #tpu.memory_space<vmem>> -> memref<1x128xi32, #tpu.memory_space<vmem>>
        %dma_wait3A_786 = tpu.memref_squeeze %dma_wait3A_785 : memref<1x128xi32, #tpu.memory_space<vmem>> -> memref<128xi32, #tpu.memory_space<vmem>>
        %dma_wait3A_787 = arith.constant 0 : i32
        %dma_wait3A_788 = arith.constant 0 : i32
        %dma_wait3A_789 = tpu.memref_slice %arg14[%dma_wait3A_787, %dma_wait3A_788] : memref<10008x128xf32, #tpu.memory_space<vmem_shared>> -> memref<10008x128xf32, #tpu.memory_space<vmem_shared>>
        tpu.wait_indirect_dma semaphore(%run_scoped3A_777 : memref<!tpu.dma_semaphore, #tpu.memory_space<semaphore_mem>>) src(%arg12 : memref<128x128xf32, #tpu.memory_space<vmem>>) dst(%dma_wait3A_789 : memref<10008x128xf32, #tpu.memory_space<vmem_shared>>)
        tpu.yield
      }) : () -> ()
      %add3A_768 = arith.constant 1 : i32
      %add3A_769 = arith.addi %mul3A_739, %add3A_768 : i32
      %add3A_770 = arith.constant 2 : i32
      %add3A_771 = arith.addi %add3A_769, %add3A_770 : i32
      %lt3A_772 = arith.constant 40 : i32
      %lt3A_773 = arith.cmpi slt, %add3A_771, %lt3A_772 : i32
      %convert_element_type3A_774 = arith.extui %lt3A_773 : i1 to i32
      %cond3A_775 = arith.constant 0 : i32
      %cond3A_776 = arith.cmpi ne, %convert_element_type3A_774, %cond3A_775 : i32
      scf.if %cond3A_776 {
        %add3A_777 = arith.constant 1 : i32
        %add3A_778 = arith.addi %mul3A_739, %add3A_777 : i32
        %add3A_779 = arith.constant 2 : i32
        %add3A_780 = arith.addi %add3A_778, %add3A_779 : i32
        %dma_start3A_781 = arith.constant 0 : i32
        %dma_start3A_782 = tpu.memref_slice %arg9[%add3A_780, %dma_start3A_781] : memref<40x128xi32, #tpu.memory_space<vmem>> -> memref<1x128xi32, #tpu.memory_space<vmem>>
        %dma_start3A_783 = tpu.memref_squeeze %dma_start3A_782 : memref<1x128xi32, #tpu.memory_space<vmem>> -> memref<128xi32, #tpu.memory_space<vmem>>
        %dma_start3A_784 = arith.constant 0 : i32
        %dma_start3A_785 = arith.constant 0 : i32
        %dma_start3A_786 = tpu.memref_slice %arg2[%dma_start3A_784, %dma_start3A_785] : memref<10000x128xf32, #tpu.memory_space<hbm>> -> memref<10000x128xf32, #tpu.memory_space<hbm>>
        tpu.enqueue_indirect_dma source(%dma_start3A_786 : memref<10000x128xf32, #tpu.memory_space<hbm>>) target(%arg12 : memref<128x128xf32, #tpu.memory_space<vmem>>) offsets(%dma_start3A_783 : memref<128xi32, #tpu.memory_space<vmem>>) semaphore(%arg16 : memref<!tpu.dma_semaphore, #tpu.memory_space<semaphore_mem>>)
      } else {
      }
    }
    %scan3A_673 = arith.constant 20 : i32
    %barrier3A_674 = arith.constant 0 : index
    tpu.barrier barrier_id(%barrier3A_674)
    %mul3A_675 = arith.constant 2 : i32
    %mul3A_676 = arith.muli %mul3A_675, %arg1 : i32
    %add3A_677 = arith.constant 0 : i32
    %add3A_678 = arith.addi %mul3A_676, %add3A_677 : i32
    %run_scoped3A_679 = arith.constant 0 : i32
    "tpu.region"() ({
      %run_scoped3A_737 = tpu.sem_alloc : memref<!tpu.dma_semaphore, #tpu.memory_space<semaphore_mem>>
      %dma_start3A_738 = arith.constant 0 : i32
      %dma_start3A_739 = tpu.memref_slice %arg9[%run_scoped3A_679, %dma_start3A_738] : memref<40x128xi32, #tpu.memory_space<vmem>> -> memref<1x50xi32, #tpu.memory_space<vmem>>
      %dma_start3A_740 = tpu.memref_squeeze %dma_start3A_739 : memref<1x50xi32, #tpu.memory_space<vmem>> -> memref<50xi32, #tpu.memory_space<vmem>>
      %dma_start3A_741 = arith.constant 0 : i32
      %dma_start3A_742 = tpu.memref_slice %arg5[%add3A_678, %dma_start3A_741] : memref<32x50xi32, #tpu.memory_space<hbm>> -> memref<1x50xi32, #tpu.memory_space<hbm>>
      %dma_start3A_743 = tpu.memref_squeeze %dma_start3A_742 : memref<1x50xi32, #tpu.memory_space<hbm>> -> memref<50xi32, #tpu.memory_space<hbm>>
      %dma_start3A_744 = arith.constant 0 : i32
      %dma_start3A_745 = tpu.memref_slice %arg9[%run_scoped3A_679, %dma_start3A_744] : memref<40x128xi32, #tpu.memory_space<vmem>> -> memref<1x50xi32, #tpu.memory_space<vmem>>
      %dma_start3A_746 = tpu.memref_squeeze %dma_start3A_745 : memref<1x50xi32, #tpu.memory_space<vmem>> -> memref<50xi32, #tpu.memory_space<vmem>>
      %dma_start3A_747 = arith.constant 0 : i32
      %dma_start3A_748 = tpu.memref_slice %arg5[%add3A_678, %dma_start3A_747] : memref<32x50xi32, #tpu.memory_space<hbm>> -> memref<1x50xi32, #tpu.memory_space<hbm>>
      %dma_start3A_749 = tpu.memref_squeeze %dma_start3A_748 : memref<1x50xi32, #tpu.memory_space<hbm>> -> memref<50xi32, #tpu.memory_space<hbm>>
      tpu.enqueue_dma source(%dma_start3A_749 : memref<50xi32, #tpu.memory_space<hbm>>) target(%dma_start3A_746 : memref<50xi32, #tpu.memory_space<vmem>>) target_semaphore(%run_scoped3A_737 : memref<!tpu.dma_semaphore, #tpu.memory_space<semaphore_mem>>)
      %dma_wait3A_750 = arith.constant 0 : i32
      %dma_wait3A_751 = tpu.memref_slice %arg9[%run_scoped3A_679, %dma_wait3A_750] : memref<40x128xi32, #tpu.memory_space<vmem>> -> memref<1x50xi32, #tpu.memory_space<vmem>>
      %dma_wait3A_752 = tpu.memref_squeeze %dma_wait3A_751 : memref<1x50xi32, #tpu.memory_space<vmem>> -> memref<50xi32, #tpu.memory_space<vmem>>
      %dma_wait3A_753 = arith.constant 0 : i32
      %dma_wait3A_754 = tpu.memref_slice %arg5[%add3A_678, %dma_wait3A_753] : memref<32x50xi32, #tpu.memory_space<hbm>> -> memref<1x50xi32, #tpu.memory_space<hbm>>
      %dma_wait3A_755 = tpu.memref_squeeze %dma_wait3A_754 : memref<1x50xi32, #tpu.memory_space<hbm>> -> memref<50xi32, #tpu.memory_space<hbm>>
      %dma_wait3A_756 = arith.constant 0 : i32
      %dma_wait3A_757 = tpu.memref_slice %arg9[%run_scoped3A_679, %dma_wait3A_756] : memref<40x128xi32, #tpu.memory_space<vmem>> -> memref<1x50xi32, #tpu.memory_space<vmem>>
      %dma_wait3A_758 = tpu.memref_squeeze %dma_wait3A_757 : memref<1x50xi32, #tpu.memory_space<vmem>> -> memref<50xi32, #tpu.memory_space<vmem>>
      %dma_wait3A_759 = arith.constant 0 : i32
      %dma_wait3A_760 = tpu.memref_slice %arg5[%add3A_678, %dma_wait3A_759] : memref<32x50xi32, #tpu.memory_space<hbm>> -> memref<1x50xi32, #tpu.memory_space<hbm>>
      %dma_wait3A_761 = tpu.memref_squeeze %dma_wait3A_760 : memref<1x50xi32, #tpu.memory_space<hbm>> -> memref<50xi32, #tpu.memory_space<hbm>>
      tpu.wait_dma2 semaphore(%run_scoped3A_737 : memref<!tpu.dma_semaphore, #tpu.memory_space<semaphore_mem>>) src(%dma_wait3A_761 : memref<50xi32, #tpu.memory_space<hbm>>) dst(%dma_wait3A_758 : memref<50xi32, #tpu.memory_space<vmem>>)
      tpu.yield
    }) : () -> ()
    %dma_start3A_680 = arith.constant 0 : i32
    %dma_start3A_681 = arith.constant 0 : i32
    %dma_start3A_682 = arith.constant 0 : i32
    %dma_start3A_683 = tpu.memref_slice %arg11[%dma_start3A_681, %dma_start3A_682] : memref<128x128xf32, #tpu.memory_space<vmem>> -> memref<50x128xf32, #tpu.memory_space<vmem>>
    %dma_start3A_684 = arith.constant 0 : i32
    %dma_start3A_685 = tpu.memref_slice %arg9[%dma_start3A_680, %dma_start3A_684] : memref<40x128xi32, #tpu.memory_space<vmem>> -> memref<1x50xi32, #tpu.memory_space<vmem>>
    %dma_start3A_686 = tpu.memref_squeeze %dma_start3A_685 : memref<1x50xi32, #tpu.memory_space<vmem>> -> memref<50xi32, #tpu.memory_space<vmem>>
    %dma_start3A_687 = arith.constant 0 : i32
    %dma_start3A_688 = arith.constant 0 : i32
    %dma_start3A_689 = tpu.memref_slice %arg14[%dma_start3A_687, %dma_start3A_688] : memref<10008x128xf32, #tpu.memory_space<vmem_shared>> -> memref<10008x128xf32, #tpu.memory_space<vmem_shared>>
    tpu.enqueue_indirect_dma source(%dma_start3A_689 : memref<10008x128xf32, #tpu.memory_space<vmem_shared>>) target(%dma_start3A_683 : memref<50x128xf32, #tpu.memory_space<vmem>>) offsets(%dma_start3A_686 : memref<50xi32, #tpu.memory_space<vmem>>) semaphore(%arg15 : memref<!tpu.dma_semaphore, #tpu.memory_space<semaphore_mem>>)
    %dma_wait3A_690 = arith.constant 0 : i32
    %dma_wait3A_691 = arith.constant 0 : i32
    %dma_wait3A_692 = arith.constant 0 : i32
    %dma_wait3A_693 = tpu.memref_slice %arg11[%dma_wait3A_691, %dma_wait3A_692] : memref<128x128xf32, #tpu.memory_space<vmem>> -> memref<50x128xf32, #tpu.memory_space<vmem>>
    %dma_wait3A_694 = arith.constant 0 : i32
    %dma_wait3A_695 = tpu.memref_slice %arg9[%dma_wait3A_690, %dma_wait3A_694] : memref<40x128xi32, #tpu.memory_space<vmem>> -> memref<1x50xi32, #tpu.memory_space<vmem>>
    %dma_wait3A_696 = tpu.memref_squeeze %dma_wait3A_695 : memref<1x50xi32, #tpu.memory_space<vmem>> -> memref<50xi32, #tpu.memory_space<vmem>>
    %dma_wait3A_697 = arith.constant 0 : i32
    %dma_wait3A_698 = arith.constant 0 : i32
    %dma_wait3A_699 = tpu.memref_slice %arg14[%dma_wait3A_697, %dma_wait3A_698] : memref<10008x128xf32, #tpu.memory_space<vmem_shared>> -> memref<10008x128xf32, #tpu.memory_space<vmem_shared>>
    tpu.wait_indirect_dma semaphore(%arg15 : memref<!tpu.dma_semaphore, #tpu.memory_space<semaphore_mem>>) src(%dma_wait3A_699 : memref<10008x128xf32, #tpu.memory_space<vmem_shared>>) dst(%dma_wait3A_693 : memref<50x128xf32, #tpu.memory_space<vmem>>)
    "tpu.region"() ({
      %run_scoped3A_737 = tpu.sem_alloc : memref<!tpu.dma_semaphore, #tpu.memory_space<semaphore_mem>>
      %dma_start3A_738 = arith.constant 0 : i32
      %dma_start3A_739 = arith.constant 0 : i32
      %dma_start3A_740 = tpu.memref_slice %arg11[%dma_start3A_738, %dma_start3A_739] : memref<128x128xf32, #tpu.memory_space<vmem>> -> memref<50x128xf32, #tpu.memory_space<vmem>>
      %dma_start3A_741 = arith.constant 0 : i32
      %dma_start3A_742 = arith.constant 0 : i32
      %dma_start3A_743 = tpu.memref_slice %arg7[%arg0, %add3A_678, %dma_start3A_741, %dma_start3A_742] : memref<2x32x50x128xf32, #tpu.memory_space<hbm>> -> memref<1x1x50x128xf32, #tpu.memory_space<hbm>>
      %dma_start3A_744 = tpu.memref_squeeze %dma_start3A_743 : memref<1x1x50x128xf32, #tpu.memory_space<hbm>> -> memref<50x128xf32, #tpu.memory_space<hbm>>
      %dma_start3A_745 = arith.constant 0 : i32
      %dma_start3A_746 = arith.constant 0 : i32
      %dma_start3A_747 = tpu.memref_slice %arg7[%arg0, %add3A_678, %dma_start3A_745, %dma_start3A_746] : memref<2x32x50x128xf32, #tpu.memory_space<hbm>> -> memref<1x1x50x128xf32, #tpu.memory_space<hbm>>
      %dma_start3A_748 = tpu.memref_squeeze %dma_start3A_747 : memref<1x1x50x128xf32, #tpu.memory_space<hbm>> -> memref<50x128xf32, #tpu.memory_space<hbm>>
      %dma_start3A_749 = arith.constant 0 : i32
      %dma_start3A_750 = arith.constant 0 : i32
      %dma_start3A_751 = tpu.memref_slice %arg11[%dma_start3A_749, %dma_start3A_750] : memref<128x128xf32, #tpu.memory_space<vmem>> -> memref<50x128xf32, #tpu.memory_space<vmem>>
      tpu.enqueue_dma source(%dma_start3A_751 : memref<50x128xf32, #tpu.memory_space<vmem>>) target(%dma_start3A_748 : memref<50x128xf32, #tpu.memory_space<hbm>>) target_semaphore(%run_scoped3A_737 : memref<!tpu.dma_semaphore, #tpu.memory_space<semaphore_mem>>)
      %dma_wait3A_752 = arith.constant 0 : i32
      %dma_wait3A_753 = arith.constant 0 : i32
      %dma_wait3A_754 = tpu.memref_slice %arg11[%dma_wait3A_752, %dma_wait3A_753] : memref<128x128xf32, #tpu.memory_space<vmem>> -> memref<50x128xf32, #tpu.memory_space<vmem>>
      %dma_wait3A_755 = arith.constant 0 : i32
      %dma_wait3A_756 = arith.constant 0 : i32
      %dma_wait3A_757 = tpu.memref_slice %arg7[%arg0, %add3A_678, %dma_wait3A_755, %dma_wait3A_756] : memref<2x32x50x128xf32, #tpu.memory_space<hbm>> -> memref<1x1x50x128xf32, #tpu.memory_space<hbm>>
      %dma_wait3A_758 = tpu.memref_squeeze %dma_wait3A_757 : memref<1x1x50x128xf32, #tpu.memory_space<hbm>> -> memref<50x128xf32, #tpu.memory_space<hbm>>
      %dma_wait3A_759 = arith.constant 0 : i32
      %dma_wait3A_760 = arith.constant 0 : i32
      %dma_wait3A_761 = tpu.memref_slice %arg7[%arg0, %add3A_678, %dma_wait3A_759, %dma_wait3A_760] : memref<2x32x50x128xf32, #tpu.memory_space<hbm>> -> memref<1x1x50x128xf32, #tpu.memory_space<hbm>>
      %dma_wait3A_762 = tpu.memref_squeeze %dma_wait3A_761 : memref<1x1x50x128xf32, #tpu.memory_space<hbm>> -> memref<50x128xf32, #tpu.memory_space<hbm>>
      %dma_wait3A_763 = arith.constant 0 : i32
      %dma_wait3A_764 = arith.constant 0 : i32
      %dma_wait3A_765 = tpu.memref_slice %arg11[%dma_wait3A_763, %dma_wait3A_764] : memref<128x128xf32, #tpu.memory_space<vmem>> -> memref<50x128xf32, #tpu.memory_space<vmem>>
      tpu.wait_dma2 semaphore(%run_scoped3A_737 : memref<!tpu.dma_semaphore, #tpu.memory_space<semaphore_mem>>) src(%dma_wait3A_765 : memref<50x128xf32, #tpu.memory_space<vmem>>) dst(%dma_wait3A_762 : memref<50x128xf32, #tpu.memory_space<hbm>>)
      tpu.yield
    }) : () -> ()
    %eq3A_700 = arith.constant 0 : i32
    %eq3A_701 = arith.cmpi eq, %arg0, %eq3A_700 : i32
    %convert_element_type3A_702 = arith.extui %eq3A_701 : i1 to i32
    %cond3A_703 = arith.constant 0 : i32
    %cond3A_704 = arith.constant 0 : i32
    %cond3A_705 = arith.cmpi ne, %convert_element_type3A_702, %cond3A_704 : i32
    scf.if %cond3A_705 {
      %dma_start3A_737 = arith.constant 0 : i32
      %dma_start3A_738 = arith.constant 0 : i32
      %dma_start3A_739 = tpu.memref_slice %arg12[%dma_start3A_737, %dma_start3A_738] : memref<128x128xf32, #tpu.memory_space<vmem>> -> memref<50x128xf32, #tpu.memory_space<vmem>>
      %dma_start3A_740 = arith.constant 0 : i32
      %dma_start3A_741 = tpu.memref_slice %arg9[%cond3A_703, %dma_start3A_740] : memref<40x128xi32, #tpu.memory_space<vmem>> -> memref<1x50xi32, #tpu.memory_space<vmem>>
      %dma_start3A_742 = tpu.memref_squeeze %dma_start3A_741 : memref<1x50xi32, #tpu.memory_space<vmem>> -> memref<50xi32, #tpu.memory_space<vmem>>
      %dma_start3A_743 = arith.constant 0 : i32
      %dma_start3A_744 = arith.constant 0 : i32
      %dma_start3A_745 = tpu.memref_slice %arg6[%dma_start3A_743, %dma_start3A_744] : memref<10000x128xf32, #tpu.memory_space<hbm>> -> memref<10000x128xf32, #tpu.memory_space<hbm>>
      tpu.enqueue_indirect_dma source(%dma_start3A_745 : memref<10000x128xf32, #tpu.memory_space<hbm>>) target(%dma_start3A_739 : memref<50x128xf32, #tpu.memory_space<vmem>>) offsets(%dma_start3A_742 : memref<50xi32, #tpu.memory_space<vmem>>) semaphore(%arg16 : memref<!tpu.dma_semaphore, #tpu.memory_space<semaphore_mem>>)
      %dma_wait3A_746 = arith.constant 0 : i32
      %dma_wait3A_747 = arith.constant 0 : i32
      %dma_wait3A_748 = tpu.memref_slice %arg12[%dma_wait3A_746, %dma_wait3A_747] : memref<128x128xf32, #tpu.memory_space<vmem>> -> memref<50x128xf32, #tpu.memory_space<vmem>>
      %dma_wait3A_749 = arith.constant 0 : i32
      %dma_wait3A_750 = tpu.memref_slice %arg9[%cond3A_703, %dma_wait3A_749] : memref<40x128xi32, #tpu.memory_space<vmem>> -> memref<1x50xi32, #tpu.memory_space<vmem>>
      %dma_wait3A_751 = tpu.memref_squeeze %dma_wait3A_750 : memref<1x50xi32, #tpu.memory_space<vmem>> -> memref<50xi32, #tpu.memory_space<vmem>>
      %dma_wait3A_752 = arith.constant 0 : i32
      %dma_wait3A_753 = arith.constant 0 : i32
      %dma_wait3A_754 = tpu.memref_slice %arg6[%dma_wait3A_752, %dma_wait3A_753] : memref<10000x128xf32, #tpu.memory_space<hbm>> -> memref<10000x128xf32, #tpu.memory_space<hbm>>
      tpu.wait_indirect_dma semaphore(%arg16 : memref<!tpu.dma_semaphore, #tpu.memory_space<semaphore_mem>>) src(%dma_wait3A_754 : memref<10000x128xf32, #tpu.memory_space<hbm>>) dst(%dma_wait3A_748 : memref<50x128xf32, #tpu.memory_space<vmem>>)
      "tpu.region"() ({
        %run_scoped3A_755 = tpu.sem_alloc : memref<!tpu.dma_semaphore, #tpu.memory_space<semaphore_mem>>
        %dma_start3A_756 = arith.constant 0 : i32
        %dma_start3A_757 = arith.constant 0 : i32
        %dma_start3A_758 = tpu.memref_slice %arg12[%dma_start3A_756, %dma_start3A_757] : memref<128x128xf32, #tpu.memory_space<vmem>> -> memref<50x128xf32, #tpu.memory_space<vmem>>
        %dma_start3A_759 = arith.constant 0 : i32
        %dma_start3A_760 = arith.constant 0 : i32
        %dma_start3A_761 = tpu.memref_slice %arg8[%add3A_678, %dma_start3A_759, %dma_start3A_760] : memref<32x50x128xf32, #tpu.memory_space<hbm>> -> memref<1x50x128xf32, #tpu.memory_space<hbm>>
        %dma_start3A_762 = tpu.memref_squeeze %dma_start3A_761 : memref<1x50x128xf32, #tpu.memory_space<hbm>> -> memref<50x128xf32, #tpu.memory_space<hbm>>
        %dma_start3A_763 = arith.constant 0 : i32
        %dma_start3A_764 = arith.constant 0 : i32
        %dma_start3A_765 = tpu.memref_slice %arg8[%add3A_678, %dma_start3A_763, %dma_start3A_764] : memref<32x50x128xf32, #tpu.memory_space<hbm>> -> memref<1x50x128xf32, #tpu.memory_space<hbm>>
        %dma_start3A_766 = tpu.memref_squeeze %dma_start3A_765 : memref<1x50x128xf32, #tpu.memory_space<hbm>> -> memref<50x128xf32, #tpu.memory_space<hbm>>
        %dma_start3A_767 = arith.constant 0 : i32
        %dma_start3A_768 = arith.constant 0 : i32
        %dma_start3A_769 = tpu.memref_slice %arg12[%dma_start3A_767, %dma_start3A_768] : memref<128x128xf32, #tpu.memory_space<vmem>> -> memref<50x128xf32, #tpu.memory_space<vmem>>
        tpu.enqueue_dma source(%dma_start3A_769 : memref<50x128xf32, #tpu.memory_space<vmem>>) target(%dma_start3A_766 : memref<50x128xf32, #tpu.memory_space<hbm>>) target_semaphore(%run_scoped3A_755 : memref<!tpu.dma_semaphore, #tpu.memory_space<semaphore_mem>>)
        %dma_wait3A_770 = arith.constant 0 : i32
        %dma_wait3A_771 = arith.constant 0 : i32
        %dma_wait3A_772 = tpu.memref_slice %arg12[%dma_wait3A_770, %dma_wait3A_771] : memref<128x128xf32, #tpu.memory_space<vmem>> -> memref<50x128xf32, #tpu.memory_space<vmem>>
        %dma_wait3A_773 = arith.constant 0 : i32
        %dma_wait3A_774 = arith.constant 0 : i32
        %dma_wait3A_775 = tpu.memref_slice %arg8[%add3A_678, %dma_wait3A_773, %dma_wait3A_774] : memref<32x50x128xf32, #tpu.memory_space<hbm>> -> memref<1x50x128xf32, #tpu.memory_space<hbm>>
        %dma_wait3A_776 = tpu.memref_squeeze %dma_wait3A_775 : memref<1x50x128xf32, #tpu.memory_space<hbm>> -> memref<50x128xf32, #tpu.memory_space<hbm>>
        %dma_wait3A_777 = arith.constant 0 : i32
        %dma_wait3A_778 = arith.constant 0 : i32
        %dma_wait3A_779 = tpu.memref_slice %arg8[%add3A_678, %dma_wait3A_777, %dma_wait3A_778] : memref<32x50x128xf32, #tpu.memory_space<hbm>> -> memref<1x50x128xf32, #tpu.memory_space<hbm>>
        %dma_wait3A_780 = tpu.memref_squeeze %dma_wait3A_779 : memref<1x50x128xf32, #tpu.memory_space<hbm>> -> memref<50x128xf32, #tpu.memory_space<hbm>>
        %dma_wait3A_781 = arith.constant 0 : i32
        %dma_wait3A_782 = arith.constant 0 : i32
        %dma_wait3A_783 = tpu.memref_slice %arg12[%dma_wait3A_781, %dma_wait3A_782] : memref<128x128xf32, #tpu.memory_space<vmem>> -> memref<50x128xf32, #tpu.memory_space<vmem>>
        tpu.wait_dma2 semaphore(%run_scoped3A_755 : memref<!tpu.dma_semaphore, #tpu.memory_space<semaphore_mem>>) src(%dma_wait3A_783 : memref<50x128xf32, #tpu.memory_space<vmem>>) dst(%dma_wait3A_780 : memref<50x128xf32, #tpu.memory_space<hbm>>)
        tpu.yield
      }) : () -> ()
    } else {
    }
    %mul3A_706 = arith.constant 2 : i32
    %mul3A_707 = arith.muli %mul3A_706, %arg1 : i32
    %add3A_708 = arith.constant 1 : i32
    %add3A_709 = arith.addi %mul3A_707, %add3A_708 : i32
    %run_scoped3A_710 = arith.constant 0 : i32
    "tpu.region"() ({
      %run_scoped3A_737 = tpu.sem_alloc : memref<!tpu.dma_semaphore, #tpu.memory_space<semaphore_mem>>
      %dma_start3A_738 = arith.constant 0 : i32
      %dma_start3A_739 = tpu.memref_slice %arg9[%run_scoped3A_710, %dma_start3A_738] : memref<40x128xi32, #tpu.memory_space<vmem>> -> memref<1x50xi32, #tpu.memory_space<vmem>>
      %dma_start3A_740 = tpu.memref_squeeze %dma_start3A_739 : memref<1x50xi32, #tpu.memory_space<vmem>> -> memref<50xi32, #tpu.memory_space<vmem>>
      %dma_start3A_741 = arith.constant 0 : i32
      %dma_start3A_742 = tpu.memref_slice %arg5[%add3A_709, %dma_start3A_741] : memref<32x50xi32, #tpu.memory_space<hbm>> -> memref<1x50xi32, #tpu.memory_space<hbm>>
      %dma_start3A_743 = tpu.memref_squeeze %dma_start3A_742 : memref<1x50xi32, #tpu.memory_space<hbm>> -> memref<50xi32, #tpu.memory_space<hbm>>
      %dma_start3A_744 = arith.constant 0 : i32
      %dma_start3A_745 = tpu.memref_slice %arg9[%run_scoped3A_710, %dma_start3A_744] : memref<40x128xi32, #tpu.memory_space<vmem>> -> memref<1x50xi32, #tpu.memory_space<vmem>>
      %dma_start3A_746 = tpu.memref_squeeze %dma_start3A_745 : memref<1x50xi32, #tpu.memory_space<vmem>> -> memref<50xi32, #tpu.memory_space<vmem>>
      %dma_start3A_747 = arith.constant 0 : i32
      %dma_start3A_748 = tpu.memref_slice %arg5[%add3A_709, %dma_start3A_747] : memref<32x50xi32, #tpu.memory_space<hbm>> -> memref<1x50xi32, #tpu.memory_space<hbm>>
      %dma_start3A_749 = tpu.memref_squeeze %dma_start3A_748 : memref<1x50xi32, #tpu.memory_space<hbm>> -> memref<50xi32, #tpu.memory_space<hbm>>
      tpu.enqueue_dma source(%dma_start3A_749 : memref<50xi32, #tpu.memory_space<hbm>>) target(%dma_start3A_746 : memref<50xi32, #tpu.memory_space<vmem>>) target_semaphore(%run_scoped3A_737 : memref<!tpu.dma_semaphore, #tpu.memory_space<semaphore_mem>>)
      %dma_wait3A_750 = arith.constant 0 : i32
      %dma_wait3A_751 = tpu.memref_slice %arg9[%run_scoped3A_710, %dma_wait3A_750] : memref<40x128xi32, #tpu.memory_space<vmem>> -> memref<1x50xi32, #tpu.memory_space<vmem>>
      %dma_wait3A_752 = tpu.memref_squeeze %dma_wait3A_751 : memref<1x50xi32, #tpu.memory_space<vmem>> -> memref<50xi32, #tpu.memory_space<vmem>>
      %dma_wait3A_753 = arith.constant 0 : i32
      %dma_wait3A_754 = tpu.memref_slice %arg5[%add3A_709, %dma_wait3A_753] : memref<32x50xi32, #tpu.memory_space<hbm>> -> memref<1x50xi32, #tpu.memory_space<hbm>>
      %dma_wait3A_755 = tpu.memref_squeeze %dma_wait3A_754 : memref<1x50xi32, #tpu.memory_space<hbm>> -> memref<50xi32, #tpu.memory_space<hbm>>
      %dma_wait3A_756 = arith.constant 0 : i32
      %dma_wait3A_757 = tpu.memref_slice %arg9[%run_scoped3A_710, %dma_wait3A_756] : memref<40x128xi32, #tpu.memory_space<vmem>> -> memref<1x50xi32, #tpu.memory_space<vmem>>
      %dma_wait3A_758 = tpu.memref_squeeze %dma_wait3A_757 : memref<1x50xi32, #tpu.memory_space<vmem>> -> memref<50xi32, #tpu.memory_space<vmem>>
      %dma_wait3A_759 = arith.constant 0 : i32
      %dma_wait3A_760 = tpu.memref_slice %arg5[%add3A_709, %dma_wait3A_759] : memref<32x50xi32, #tpu.memory_space<hbm>> -> memref<1x50xi32, #tpu.memory_space<hbm>>
      %dma_wait3A_761 = tpu.memref_squeeze %dma_wait3A_760 : memref<1x50xi32, #tpu.memory_space<hbm>> -> memref<50xi32, #tpu.memory_space<hbm>>
      tpu.wait_dma2 semaphore(%run_scoped3A_737 : memref<!tpu.dma_semaphore, #tpu.memory_space<semaphore_mem>>) src(%dma_wait3A_761 : memref<50xi32, #tpu.memory_space<hbm>>) dst(%dma_wait3A_758 : memref<50xi32, #tpu.memory_space<vmem>>)
      tpu.yield
    }) : () -> ()
    %dma_start3A_711 = arith.constant 0 : i32
    %dma_start3A_712 = arith.constant 0 : i32
    %dma_start3A_713 = arith.constant 0 : i32
    %dma_start3A_714 = tpu.memref_slice %arg11[%dma_start3A_712, %dma_start3A_713] : memref<128x128xf32, #tpu.memory_space<vmem>> -> memref<50x128xf32, #tpu.memory_space<vmem>>
    %dma_start3A_715 = arith.constant 0 : i32
    %dma_start3A_716 = tpu.memref_slice %arg9[%dma_start3A_711, %dma_start3A_715] : memref<40x128xi32, #tpu.memory_space<vmem>> -> memref<1x50xi32, #tpu.memory_space<vmem>>
    %dma_start3A_717 = tpu.memref_squeeze %dma_start3A_716 : memref<1x50xi32, #tpu.memory_space<vmem>> -> memref<50xi32, #tpu.memory_space<vmem>>
    %dma_start3A_718 = arith.constant 0 : i32
    %dma_start3A_719 = arith.constant 0 : i32
    %dma_start3A_720 = tpu.memref_slice %arg14[%dma_start3A_718, %dma_start3A_719] : memref<10008x128xf32, #tpu.memory_space<vmem_shared>> -> memref<10008x128xf32, #tpu.memory_space<vmem_shared>>
    tpu.enqueue_indirect_dma source(%dma_start3A_720 : memref<10008x128xf32, #tpu.memory_space<vmem_shared>>) target(%dma_start3A_714 : memref<50x128xf32, #tpu.memory_space<vmem>>) offsets(%dma_start3A_717 : memref<50xi32, #tpu.memory_space<vmem>>) semaphore(%arg15 : memref<!tpu.dma_semaphore, #tpu.memory_space<semaphore_mem>>)
    %dma_wait3A_721 = arith.constant 0 : i32
    %dma_wait3A_722 = arith.constant 0 : i32
    %dma_wait3A_723 = arith.constant 0 : i32
    %dma_wait3A_724 = tpu.memref_slice %arg11[%dma_wait3A_722, %dma_wait3A_723] : memref<128x128xf32, #tpu.memory_space<vmem>> -> memref<50x128xf32, #tpu.memory_space<vmem>>
    %dma_wait3A_725 = arith.constant 0 : i32
    %dma_wait3A_726 = tpu.memref_slice %arg9[%dma_wait3A_721, %dma_wait3A_725] : memref<40x128xi32, #tpu.memory_space<vmem>> -> memref<1x50xi32, #tpu.memory_space<vmem>>
    %dma_wait3A_727 = tpu.memref_squeeze %dma_wait3A_726 : memref<1x50xi32, #tpu.memory_space<vmem>> -> memref<50xi32, #tpu.memory_space<vmem>>
    %dma_wait3A_728 = arith.constant 0 : i32
    %dma_wait3A_729 = arith.constant 0 : i32
    %dma_wait3A_730 = tpu.memref_slice %arg14[%dma_wait3A_728, %dma_wait3A_729] : memref<10008x128xf32, #tpu.memory_space<vmem_shared>> -> memref<10008x128xf32, #tpu.memory_space<vmem_shared>>
    tpu.wait_indirect_dma semaphore(%arg15 : memref<!tpu.dma_semaphore, #tpu.memory_space<semaphore_mem>>) src(%dma_wait3A_730 : memref<10008x128xf32, #tpu.memory_space<vmem_shared>>) dst(%dma_wait3A_724 : memref<50x128xf32, #tpu.memory_space<vmem>>)
    "tpu.region"() ({
      %run_scoped3A_737 = tpu.sem_alloc : memref<!tpu.dma_semaphore, #tpu.memory_space<semaphore_mem>>
      %dma_start3A_738 = arith.constant 0 : i32
      %dma_start3A_739 = arith.constant 0 : i32
      %dma_start3A_740 = tpu.memref_slice %arg11[%dma_start3A_738, %dma_start3A_739] : memref<128x128xf32, #tpu.memory_space<vmem>> -> memref<50x128xf32, #tpu.memory_space<vmem>>
      %dma_start3A_741 = arith.constant 0 : i32
      %dma_start3A_742 = arith.constant 0 : i32
      %dma_start3A_743 = tpu.memref_slice %arg7[%arg0, %add3A_709, %dma_start3A_741, %dma_start3A_742] : memref<2x32x50x128xf32, #tpu.memory_space<hbm>> -> memref<1x1x50x128xf32, #tpu.memory_space<hbm>>
      %dma_start3A_744 = tpu.memref_squeeze %dma_start3A_743 : memref<1x1x50x128xf32, #tpu.memory_space<hbm>> -> memref<50x128xf32, #tpu.memory_space<hbm>>
      %dma_start3A_745 = arith.constant 0 : i32
      %dma_start3A_746 = arith.constant 0 : i32
      %dma_start3A_747 = tpu.memref_slice %arg7[%arg0, %add3A_709, %dma_start3A_745, %dma_start3A_746] : memref<2x32x50x128xf32, #tpu.memory_space<hbm>> -> memref<1x1x50x128xf32, #tpu.memory_space<hbm>>
      %dma_start3A_748 = tpu.memref_squeeze %dma_start3A_747 : memref<1x1x50x128xf32, #tpu.memory_space<hbm>> -> memref<50x128xf32, #tpu.memory_space<hbm>>
      %dma_start3A_749 = arith.constant 0 : i32
      %dma_start3A_750 = arith.constant 0 : i32
      %dma_start3A_751 = tpu.memref_slice %arg11[%dma_start3A_749, %dma_start3A_750] : memref<128x128xf32, #tpu.memory_space<vmem>> -> memref<50x128xf32, #tpu.memory_space<vmem>>
      tpu.enqueue_dma source(%dma_start3A_751 : memref<50x128xf32, #tpu.memory_space<vmem>>) target(%dma_start3A_748 : memref<50x128xf32, #tpu.memory_space<hbm>>) target_semaphore(%run_scoped3A_737 : memref<!tpu.dma_semaphore, #tpu.memory_space<semaphore_mem>>)
      %dma_wait3A_752 = arith.constant 0 : i32
      %dma_wait3A_753 = arith.constant 0 : i32
      %dma_wait3A_754 = tpu.memref_slice %arg11[%dma_wait3A_752, %dma_wait3A_753] : memref<128x128xf32, #tpu.memory_space<vmem>> -> memref<50x128xf32, #tpu.memory_space<vmem>>
      %dma_wait3A_755 = arith.constant 0 : i32
      %dma_wait3A_756 = arith.constant 0 : i32
      %dma_wait3A_757 = tpu.memref_slice %arg7[%arg0, %add3A_709, %dma_wait3A_755, %dma_wait3A_756] : memref<2x32x50x128xf32, #tpu.memory_space<hbm>> -> memref<1x1x50x128xf32, #tpu.memory_space<hbm>>
      %dma_wait3A_758 = tpu.memref_squeeze %dma_wait3A_757 : memref<1x1x50x128xf32, #tpu.memory_space<hbm>> -> memref<50x128xf32, #tpu.memory_space<hbm>>
      %dma_wait3A_759 = arith.constant 0 : i32
      %dma_wait3A_760 = arith.constant 0 : i32
      %dma_wait3A_761 = tpu.memref_slice %arg7[%arg0, %add3A_709, %dma_wait3A_759, %dma_wait3A_760] : memref<2x32x50x128xf32, #tpu.memory_space<hbm>> -> memref<1x1x50x128xf32, #tpu.memory_space<hbm>>
      %dma_wait3A_762 = tpu.memref_squeeze %dma_wait3A_761 : memref<1x1x50x128xf32, #tpu.memory_space<hbm>> -> memref<50x128xf32, #tpu.memory_space<hbm>>
      %dma_wait3A_763 = arith.constant 0 : i32
      %dma_wait3A_764 = arith.constant 0 : i32
      %dma_wait3A_765 = tpu.memref_slice %arg11[%dma_wait3A_763, %dma_wait3A_764] : memref<128x128xf32, #tpu.memory_space<vmem>> -> memref<50x128xf32, #tpu.memory_space<vmem>>
      tpu.wait_dma2 semaphore(%run_scoped3A_737 : memref<!tpu.dma_semaphore, #tpu.memory_space<semaphore_mem>>) src(%dma_wait3A_765 : memref<50x128xf32, #tpu.memory_space<vmem>>) dst(%dma_wait3A_762 : memref<50x128xf32, #tpu.memory_space<hbm>>)
      tpu.yield
    }) : () -> ()
    %eq3A_731 = arith.constant 0 : i32
    %eq3A_732 = arith.cmpi eq, %arg0, %eq3A_731 : i32
    %convert_element_type3A_733 = arith.extui %eq3A_732 : i1 to i32
    %cond3A_734 = arith.constant 0 : i32
    %cond3A_735 = arith.constant 0 : i32
    %cond3A_736 = arith.cmpi ne, %convert_element_type3A_733, %cond3A_735 : i32
    scf.if %cond3A_736 {
      %dma_start3A_737 = arith.constant 0 : i32
      %dma_start3A_738 = arith.constant 0 : i32
      %dma_start3A_739 = tpu.memref_slice %arg12[%dma_start3A_737, %dma_start3A_738] : memref<128x128xf32, #tpu.memory_space<vmem>> -> memref<50x128xf32, #tpu.memory_space<vmem>>
      %dma_start3A_740 = arith.constant 0 : i32
      %dma_start3A_741 = tpu.memref_slice %arg9[%cond3A_734, %dma_start3A_740] : memref<40x128xi32, #tpu.memory_space<vmem>> -> memref<1x50xi32, #tpu.memory_space<vmem>>
      %dma_start3A_742 = tpu.memref_squeeze %dma_start3A_741 : memref<1x50xi32, #tpu.memory_space<vmem>> -> memref<50xi32, #tpu.memory_space<vmem>>
      %dma_start3A_743 = arith.constant 0 : i32
      %dma_start3A_744 = arith.constant 0 : i32
      %dma_start3A_745 = tpu.memref_slice %arg6[%dma_start3A_743, %dma_start3A_744] : memref<10000x128xf32, #tpu.memory_space<hbm>> -> memref<10000x128xf32, #tpu.memory_space<hbm>>
      tpu.enqueue_indirect_dma source(%dma_start3A_745 : memref<10000x128xf32, #tpu.memory_space<hbm>>) target(%dma_start3A_739 : memref<50x128xf32, #tpu.memory_space<vmem>>) offsets(%dma_start3A_742 : memref<50xi32, #tpu.memory_space<vmem>>) semaphore(%arg16 : memref<!tpu.dma_semaphore, #tpu.memory_space<semaphore_mem>>)
      %dma_wait3A_746 = arith.constant 0 : i32
      %dma_wait3A_747 = arith.constant 0 : i32
      %dma_wait3A_748 = tpu.memref_slice %arg12[%dma_wait3A_746, %dma_wait3A_747] : memref<128x128xf32, #tpu.memory_space<vmem>> -> memref<50x128xf32, #tpu.memory_space<vmem>>
      %dma_wait3A_749 = arith.constant 0 : i32
      %dma_wait3A_750 = tpu.memref_slice %arg9[%cond3A_734, %dma_wait3A_749] : memref<40x128xi32, #tpu.memory_space<vmem>> -> memref<1x50xi32, #tpu.memory_space<vmem>>
      %dma_wait3A_751 = tpu.memref_squeeze %dma_wait3A_750 : memref<1x50xi32, #tpu.memory_space<vmem>> -> memref<50xi32, #tpu.memory_space<vmem>>
      %dma_wait3A_752 = arith.constant 0 : i32
      %dma_wait3A_753 = arith.constant 0 : i32
      %dma_wait3A_754 = tpu.memref_slice %arg6[%dma_wait3A_752, %dma_wait3A_753] : memref<10000x128xf32, #tpu.memory_space<hbm>> -> memref<10000x128xf32, #tpu.memory_space<hbm>>
      tpu.wait_indirect_dma semaphore(%arg16 : memref<!tpu.dma_semaphore, #tpu.memory_space<semaphore_mem>>) src(%dma_wait3A_754 : memref<10000x128xf32, #tpu.memory_space<hbm>>) dst(%dma_wait3A_748 : memref<50x128xf32, #tpu.memory_space<vmem>>)
      "tpu.region"() ({
        %run_scoped3A_755 = tpu.sem_alloc : memref<!tpu.dma_semaphore, #tpu.memory_space<semaphore_mem>>
        %dma_start3A_756 = arith.constant 0 : i32
        %dma_start3A_757 = arith.constant 0 : i32
        %dma_start3A_758 = tpu.memref_slice %arg12[%dma_start3A_756, %dma_start3A_757] : memref<128x128xf32, #tpu.memory_space<vmem>> -> memref<50x128xf32, #tpu.memory_space<vmem>>
        %dma_start3A_759 = arith.constant 0 : i32
        %dma_start3A_760 = arith.constant 0 : i32
        %dma_start3A_761 = tpu.memref_slice %arg8[%add3A_709, %dma_start3A_759, %dma_start3A_760] : memref<32x50x128xf32, #tpu.memory_space<hbm>> -> memref<1x50x128xf32, #tpu.memory_space<hbm>>
        %dma_start3A_762 = tpu.memref_squeeze %dma_start3A_761 : memref<1x50x128xf32, #tpu.memory_space<hbm>> -> memref<50x128xf32, #tpu.memory_space<hbm>>
        %dma_start3A_763 = arith.constant 0 : i32
        %dma_start3A_764 = arith.constant 0 : i32
        %dma_start3A_765 = tpu.memref_slice %arg8[%add3A_709, %dma_start3A_763, %dma_start3A_764] : memref<32x50x128xf32, #tpu.memory_space<hbm>> -> memref<1x50x128xf32, #tpu.memory_space<hbm>>
        %dma_start3A_766 = tpu.memref_squeeze %dma_start3A_765 : memref<1x50x128xf32, #tpu.memory_space<hbm>> -> memref<50x128xf32, #tpu.memory_space<hbm>>
        %dma_start3A_767 = arith.constant 0 : i32
        %dma_start3A_768 = arith.constant 0 : i32
        %dma_start3A_769 = tpu.memref_slice %arg12[%dma_start3A_767, %dma_start3A_768] : memref<128x128xf32, #tpu.memory_space<vmem>> -> memref<50x128xf32, #tpu.memory_space<vmem>>
        tpu.enqueue_dma source(%dma_start3A_769 : memref<50x128xf32, #tpu.memory_space<vmem>>) target(%dma_start3A_766 : memref<50x128xf32, #tpu.memory_space<hbm>>) target_semaphore(%run_scoped3A_755 : memref<!tpu.dma_semaphore, #tpu.memory_space<semaphore_mem>>)
        %dma_wait3A_770 = arith.constant 0 : i32
        %dma_wait3A_771 = arith.constant 0 : i32
        %dma_wait3A_772 = tpu.memref_slice %arg12[%dma_wait3A_770, %dma_wait3A_771] : memref<128x128xf32, #tpu.memory_space<vmem>> -> memref<50x128xf32, #tpu.memory_space<vmem>>
        %dma_wait3A_773 = arith.constant 0 : i32
        %dma_wait3A_774 = arith.constant 0 : i32
        %dma_wait3A_775 = tpu.memref_slice %arg8[%add3A_709, %dma_wait3A_773, %dma_wait3A_774] : memref<32x50x128xf32, #tpu.memory_space<hbm>> -> memref<1x50x128xf32, #tpu.memory_space<hbm>>
        %dma_wait3A_776 = tpu.memref_squeeze %dma_wait3A_775 : memref<1x50x128xf32, #tpu.memory_space<hbm>> -> memref<50x128xf32, #tpu.memory_space<hbm>>
        %dma_wait3A_777 = arith.constant 0 : i32
        %dma_wait3A_778 = arith.constant 0 : i32
        %dma_wait3A_779 = tpu.memref_slice %arg8[%add3A_709, %dma_wait3A_777, %dma_wait3A_778] : memref<32x50x128xf32, #tpu.memory_space<hbm>> -> memref<1x50x128xf32, #tpu.memory_space<hbm>>
        %dma_wait3A_780 = tpu.memref_squeeze %dma_wait3A_779 : memref<1x50x128xf32, #tpu.memory_space<hbm>> -> memref<50x128xf32, #tpu.memory_space<hbm>>
        %dma_wait3A_781 = arith.constant 0 : i32
        %dma_wait3A_782 = arith.constant 0 : i32
        %dma_wait3A_783 = tpu.memref_slice %arg12[%dma_wait3A_781, %dma_wait3A_782] : memref<128x128xf32, #tpu.memory_space<vmem>> -> memref<50x128xf32, #tpu.memory_space<vmem>>
        tpu.wait_dma2 semaphore(%run_scoped3A_755 : memref<!tpu.dma_semaphore, #tpu.memory_space<semaphore_mem>>) src(%dma_wait3A_783 : memref<50x128xf32, #tpu.memory_space<vmem>>) dst(%dma_wait3A_780 : memref<50x128xf32, #tpu.memory_space<hbm>>)
        tpu.yield
      }) : () -> ()
    } else {
    }
    return
  }
}

module attributes {stable_mosaic.version = 14 : i64} {
  func.func @_mm_body(%arg0: i32, %arg1: memref<2000x128xf32, #tpu.memory_space<vmem>>, %arg2: memref<128x128xf32, #tpu.memory_space<vmem>>, %arg3: memref<2000x128xf32, #tpu.memory_space<vmem>>) attributes {dimension_semantics = [#tpu.dimension_semantics<arbitrary>], iteration_bounds = array<i64: 5>, scalar_prefetch = 0 : i64, scratch_operands = 0 : i64, tpu.core_type = #tpu.core_type<tc>, window_params = [{transform_indices = @transform_0, window_bounds = array<i64: 2000, 128>}, {pipeline_mode = #tpu.pipeline_mode<synchronous>, transform_indices = @transform_1, window_bounds = array<i64: 128, 128>}, {transform_indices = @transform_2, window_bounds = array<i64: 2000, 128>}]} {
    %get3A = arith.constant 0 : index
    %get3A_0 = arith.constant 0 : index
    %get3A_1 = vector.load %arg1[%get3A, %get3A_0] : memref<2000x128xf32, #tpu.memory_space<vmem>>, vector<2000x128xf32>
    %get3A_2 = arith.constant 0 : index
    %get3A_3 = arith.constant 0 : index
    %get3A_4 = vector.load %arg2[%get3A_2, %get3A_3] : memref<128x128xf32, #tpu.memory_space<vmem>>, vector<128x128xf32>
    %dot_general3A = arith.constant dense<0.000000e+00> : vector<2000x128xf32>
    %dot_general3A_5 = tpu.matmul %get3A_1, %get3A_4, %dot_general3A {dimension_numbers = #tpu.dot_dimension_numbers<[1], [0], [0], [1], [0, 0, 1, 1], [], []>, transpose_lhs_hint = false} : vector<2000x128xf32>, vector<128x128xf32>, vector<2000x128xf32> -> vector<2000x128xf32>
    %swap3A = arith.constant 0 : index
    %swap3A_6 = arith.constant 0 : index
    %swap3A_7 = vector.load %arg3[%swap3A, %swap3A_6] : memref<2000x128xf32, #tpu.memory_space<vmem>>, vector<2000x128xf32>
    tpu.vector_store %arg3[%swap3A, %swap3A_6], %dot_general3A_5 {strides = array<i32>} : memref<2000x128xf32, #tpu.memory_space<vmem>>, vector<2000x128xf32>,
    return
  }
  func.func @transform_0(%arg0: i32) -> (i32, i32) {
    %c0_i32 = arith.constant 0 : i32
    %c0_i32_0 = arith.constant 0 : i32
    return %arg0, %c0_i32 : i32, i32
  }
  func.func @transform_1(%arg0: i32) -> (i32, i32) {
    %c0_i32 = arith.constant 0 : i32
    %c0_i32_0 = arith.constant 0 : i32
    %c0_i32_1 = arith.constant 0 : i32
    return %c0_i32, %c0_i32_0 : i32, i32
  }
  func.func @transform_2(%arg0: i32) -> (i32, i32) {
    %c0_i32 = arith.constant 0 : i32
    %c0_i32_0 = arith.constant 0 : i32
    return %arg0, %c0_i32 : i32, i32
  }
}

module attributes {stable_mosaic.version = 14 : i64} {
  func.func @_gru_mm_body(%arg0: i32, %arg1: memref<2x2000x128xf32, #tpu.memory_space<vmem>>, %arg2: memref<2000x128xf32, #tpu.memory_space<vmem>>, %arg3: memref<128x384xf32, #tpu.memory_space<vmem>>, %arg4: memref<128x384xf32, #tpu.memory_space<vmem>>, %arg5: memref<1x384xf32, #tpu.memory_space<vmem>>, %arg6: memref<1x384xf32, #tpu.memory_space<vmem>>, %arg7: memref<128x128xf32, #tpu.memory_space<vmem>>, %arg8: memref<2000x128xf32, #tpu.memory_space<vmem>>, %arg9: memref<2000x128xf32, #tpu.memory_space<vmem>>) attributes {dimension_semantics = [#tpu.dimension_semantics<arbitrary>], iteration_bounds = array<i64: 5>, scalar_prefetch = 0 : i64, scratch_operands = 0 : i64, tpu.core_type = #tpu.core_type<tc>, window_params = [{transform_indices = @transform_0, window_bounds = array<i64: 2, 2000, 128>}, {transform_indices = @transform_1, window_bounds = array<i64: 2000, 128>}, {pipeline_mode = #tpu.pipeline_mode<synchronous>, transform_indices = @transform_2, window_bounds = array<i64: 128, 384>}, {pipeline_mode = #tpu.pipeline_mode<synchronous>, transform_indices = @transform_3, window_bounds = array<i64: 128, 384>}, {pipeline_mode = #tpu.pipeline_mode<synchronous>, transform_indices = @transform_4, window_bounds = array<i64: 1, 384>}, {pipeline_mode = #tpu.pipeline_mode<synchronous>, transform_indices = @transform_5, window_bounds = array<i64: 1, 384>}, {pipeline_mode = #tpu.pipeline_mode<synchronous>, transform_indices = @transform_6, window_bounds = array<i64: 128, 128>}, {transform_indices = @transform_7, window_bounds = array<i64: 2000, 128>}, {transform_indices = @transform_8, window_bounds = array<i64: 2000, 128>}]} {
    %get3A = arith.constant 0 : index
    %get3A_0 = arith.constant 0 : index
    %get3A_1 = arith.constant 0 : index
    %get3A_2 = vector.load %arg1[%get3A, %get3A_0, %get3A_1] : memref<2x2000x128xf32, #tpu.memory_space<vmem>>, vector<1x2000x128xf32>
    %get3A_3 = vector.shape_cast %get3A_2 : vector<1x2000x128xf32> to vector<2000x128xf32>
    %get3A_4 = arith.constant 1 : index
    %get3A_5 = arith.constant 0 : index
    %get3A_6 = arith.constant 0 : index
    %get3A_7 = vector.load %arg1[%get3A_4, %get3A_5, %get3A_6] : memref<2x2000x128xf32, #tpu.memory_space<vmem>>, vector<1x2000x128xf32>
    %get3A_8 = vector.shape_cast %get3A_7 : vector<1x2000x128xf32> to vector<2000x128xf32>
    %add3A = arith.addf %get3A_3, %get3A_8 : vector<2000x128xf32>
    %get3A_9 = arith.constant 0 : index
    %get3A_10 = arith.constant 0 : index
    %get3A_11 = vector.load %arg2[%get3A_9, %get3A_10] : memref<2000x128xf32, #tpu.memory_space<vmem>>, vector<2000x128xf32>
    %get3A_12 = arith.constant 0 : index
    %get3A_13 = arith.constant 0 : index
    %get3A_14 = vector.load %arg3[%get3A_12, %get3A_13] : memref<128x384xf32, #tpu.memory_space<vmem>>, vector<128x384xf32>
    %dot_general3A = arith.constant dense<0.000000e+00> : vector<2000x384xf32>
    %dot_general3A_15 = tpu.matmul %add3A, %get3A_14, %dot_general3A {dimension_numbers = #tpu.dot_dimension_numbers<[1], [0], [0], [1], [0, 0, 1, 1], [], []>, transpose_lhs_hint = false} : vector<2000x128xf32>, vector<128x384xf32>, vector<2000x384xf32> -> vector<2000x384xf32>
    %get3A_16 = arith.constant 0 : index
    %get3A_17 = arith.constant 0 : index
    %get3A_18 = vector.load %arg5[%get3A_16, %get3A_17] : memref<1x384xf32, #tpu.memory_space<vmem>>, vector<1x384xf32>
    %add3A_19 = vector.broadcast %get3A_18 : vector<1x384xf32> to vector<2000x384xf32>
    %add3A_20 = arith.addf %dot_general3A_15, %add3A_19 : vector<2000x384xf32>
    %get3A_21 = arith.constant 0 : index
    %get3A_22 = arith.constant 0 : index
    %get3A_23 = vector.load %arg4[%get3A_21, %get3A_22] : memref<128x384xf32, #tpu.memory_space<vmem>>, vector<128x384xf32>
    %dot_general3A_24 = arith.constant dense<0.000000e+00> : vector<2000x384xf32>
    %dot_general3A_25 = tpu.matmul %get3A_11, %get3A_23, %dot_general3A_24 {dimension_numbers = #tpu.dot_dimension_numbers<[1], [0], [0], [1], [0, 0, 1, 1], [], []>, transpose_lhs_hint = false} : vector<2000x128xf32>, vector<128x384xf32>, vector<2000x384xf32> -> vector<2000x384xf32>
    %get3A_26 = arith.constant 0 : index
    %get3A_27 = arith.constant 0 : index
    %get3A_28 = vector.load %arg6[%get3A_26, %get3A_27] : memref<1x384xf32, #tpu.memory_space<vmem>>, vector<1x384xf32>
    %add3A_29 = vector.broadcast %get3A_28 : vector<1x384xf32> to vector<2000x384xf32>
    %add3A_30 = arith.addf %dot_general3A_25, %add3A_29 : vector<2000x384xf32>
    %slice3A = vector.extract_strided_slice %add3A_20 {offsets = [0, 0], sizes = [2000, 128], strides = [1, 1]} : vector<2000x384xf32> to vector<2000x128xf32>
    %slice3A_31 = vector.extract_strided_slice %add3A_30 {offsets = [0, 0], sizes = [2000, 128], strides = [1, 1]} : vector<2000x384xf32> to vector<2000x128xf32>
    %add3A_32 = arith.addf %slice3A, %slice3A_31 : vector<2000x128xf32>
    %logistic3A = arith.negf %add3A_32 : vector<2000x128xf32>
    %logistic3A_33 = math.exp %logistic3A : vector<2000x128xf32>
    %logistic3A_34 = arith.constant 1.000000e+00 : f32
    %logistic3A_35 = vector.broadcast %logistic3A_34 : f32 to vector<2000x128xf32>
    %logistic3A_36 = arith.addf %logistic3A_35, %logistic3A_33 : vector<2000x128xf32>
    %logistic3A_37 = arith.divf %logistic3A_35, %logistic3A_36 : vector<2000x128xf32>
    %slice3A_38 = vector.extract_strided_slice %add3A_20 {offsets = [0, 128], sizes = [2000, 128], strides = [1, 1]} : vector<2000x384xf32> to vector<2000x128xf32>
    %slice3A_39 = vector.extract_strided_slice %add3A_30 {offsets = [0, 128], sizes = [2000, 128], strides = [1, 1]} : vector<2000x384xf32> to vector<2000x128xf32>
    %add3A_40 = arith.addf %slice3A_38, %slice3A_39 : vector<2000x128xf32>
    %logistic3A_41 = arith.negf %add3A_40 : vector<2000x128xf32>
    %logistic3A_42 = math.exp %logistic3A_41 : vector<2000x128xf32>
    %logistic3A_43 = arith.constant 1.000000e+00 : f32
    %logistic3A_44 = vector.broadcast %logistic3A_43 : f32 to vector<2000x128xf32>
    %logistic3A_45 = arith.addf %logistic3A_44, %logistic3A_42 : vector<2000x128xf32>
    %logistic3A_46 = arith.divf %logistic3A_44, %logistic3A_45 : vector<2000x128xf32>
    %slice3A_47 = vector.extract_strided_slice %add3A_20 {offsets = [0, 256], sizes = [2000, 128], strides = [1, 1]} : vector<2000x384xf32> to vector<2000x128xf32>
    %slice3A_48 = vector.extract_strided_slice %add3A_30 {offsets = [0, 256], sizes = [2000, 128], strides = [1, 1]} : vector<2000x384xf32> to vector<2000x128xf32>
    %mul3A = arith.mulf %logistic3A_37, %slice3A_48 : vector<2000x128xf32>
    %add3A_49 = arith.addf %slice3A_47, %mul3A : vector<2000x128xf32>
    %tanh3A = math.tanh %add3A_49 : vector<2000x128xf32>
    %sub3A = arith.constant 1.000000e+00 : f32
    %sub3A_50 = vector.broadcast %sub3A : f32 to vector<2000x128xf32>
    %sub3A_51 = arith.subf %sub3A_50, %logistic3A_46 : vector<2000x128xf32>
    %mul3A_52 = arith.mulf %sub3A_51, %tanh3A : vector<2000x128xf32>
    %mul3A_53 = arith.mulf %logistic3A_46, %get3A_11 : vector<2000x128xf32>
    %add3A_54 = arith.addf %mul3A_52, %mul3A_53 : vector<2000x128xf32>
    %swap3A = arith.constant 0 : index
    %swap3A_55 = arith.constant 0 : index
    %swap3A_56 = vector.load %arg8[%swap3A, %swap3A_55] : memref<2000x128xf32, #tpu.memory_space<vmem>>, vector<2000x128xf32>
    tpu.vector_store %arg8[%swap3A, %swap3A_55], %add3A_54 {strides = array<i32>} : memref<2000x128xf32, #tpu.memory_space<vmem>>, vector<2000x128xf32>,
    %get3A_57 = arith.constant 0 : index
    %get3A_58 = arith.constant 0 : index
    %get3A_59 = vector.load %arg7[%get3A_57, %get3A_58] : memref<128x128xf32, #tpu.memory_space<vmem>>, vector<128x128xf32>
    %dot_general3A_60 = arith.constant dense<0.000000e+00> : vector<2000x128xf32>
    %dot_general3A_61 = tpu.matmul %add3A_54, %get3A_59, %dot_general3A_60 {dimension_numbers = #tpu.dot_dimension_numbers<[1], [0], [0], [1], [0, 0, 1, 1], [], []>, transpose_lhs_hint = false} : vector<2000x128xf32>, vector<128x128xf32>, vector<2000x128xf32> -> vector<2000x128xf32>
    %swap3A_62 = arith.constant 0 : index
    %swap3A_63 = arith.constant 0 : index
    %swap3A_64 = vector.load %arg9[%swap3A_62, %swap3A_63] : memref<2000x128xf32, #tpu.memory_space<vmem>>, vector<2000x128xf32>
    tpu.vector_store %arg9[%swap3A_62, %swap3A_63], %dot_general3A_61 {strides = array<i32>} : memref<2000x128xf32, #tpu.memory_space<vmem>>, vector<2000x128xf32>,
    return
  }
  func.func @transform_0(%arg0: i32) -> (i32, i32, i32) {
    %c0_i32 = arith.constant 0 : i32
    %c0_i32_0 = arith.constant 0 : i32
    %c0_i32_1 = arith.constant 0 : i32
    return %c0_i32, %arg0, %c0_i32_0 : i32, i32, i32
  }
  func.func @transform_1(%arg0: i32) -> (i32, i32) {
    %c0_i32 = arith.constant 0 : i32
    %c0_i32_0 = arith.constant 0 : i32
    return %arg0, %c0_i32 : i32, i32
  }
  func.func @transform_2(%arg0: i32) -> (i32, i32) {
    %c0_i32 = arith.constant 0 : i32
    %c0_i32_0 = arith.constant 0 : i32
    %c0_i32_1 = arith.constant 0 : i32
    return %c0_i32, %c0_i32_0 : i32, i32
  }
  func.func @transform_3(%arg0: i32) -> (i32, i32) {
    %c0_i32 = arith.constant 0 : i32
    %c0_i32_0 = arith.constant 0 : i32
    %c0_i32_1 = arith.constant 0 : i32
    return %c0_i32, %c0_i32_0 : i32, i32
  }
  func.func @transform_4(%arg0: i32) -> (i32, i32) {
    %c0_i32 = arith.constant 0 : i32
    %c0_i32_0 = arith.constant 0 : i32
    %c0_i32_1 = arith.constant 0 : i32
    return %c0_i32, %c0_i32_0 : i32, i32
  }
  func.func @transform_5(%arg0: i32) -> (i32, i32) {
    %c0_i32 = arith.constant 0 : i32
    %c0_i32_0 = arith.constant 0 : i32
    %c0_i32_1 = arith.constant 0 : i32
    return %c0_i32, %c0_i32_0 : i32, i32
  }
  func.func @transform_6(%arg0: i32) -> (i32, i32) {
    %c0_i32 = arith.constant 0 : i32
    %c0_i32_0 = arith.constant 0 : i32
    %c0_i32_1 = arith.constant 0 : i32
    return %c0_i32, %c0_i32_0 : i32, i32
  }
  func.func @transform_7(%arg0: i32) -> (i32, i32) {
    %c0_i32 = arith.constant 0 : i32
    %c0_i32_0 = arith.constant 0 : i32
    return %arg0, %c0_i32 : i32, i32
  }
  func.func @transform_8(%arg0: i32) -> (i32, i32) {
    %c0_i32 = arith.constant 0 : i32
    %c0_i32_0 = arith.constant 0 : i32
    return %arg0, %c0_i32 : i32, i32
  }
}

module attributes {stable_mosaic.version = 14 : i64} {
  func.func @_gru_body(%arg0: i32, %arg1: memref<2x1600x128xf32, #tpu.memory_space<vmem>>, %arg2: memref<1600x128xf32, #tpu.memory_space<vmem>>, %arg3: memref<128x384xf32, #tpu.memory_space<vmem>>, %arg4: memref<128x384xf32, #tpu.memory_space<vmem>>, %arg5: memref<1x384xf32, #tpu.memory_space<vmem>>, %arg6: memref<1x384xf32, #tpu.memory_space<vmem>>, %arg7: memref<1600x128xf32, #tpu.memory_space<vmem>>) attributes {dimension_semantics = [#tpu.dimension_semantics<arbitrary>], iteration_bounds = array<i64: 1>, scalar_prefetch = 0 : i64, scratch_operands = 0 : i64, tpu.core_type = #tpu.core_type<tc>, window_params = [{pipeline_mode = #tpu.pipeline_mode<synchronous>, transform_indices = @transform_0, window_bounds = array<i64: 2, 1600, 128>}, {pipeline_mode = #tpu.pipeline_mode<synchronous>, transform_indices = @transform_1, window_bounds = array<i64: 1600, 128>}, {pipeline_mode = #tpu.pipeline_mode<synchronous>, transform_indices = @transform_2, window_bounds = array<i64: 128, 384>}, {pipeline_mode = #tpu.pipeline_mode<synchronous>, transform_indices = @transform_3, window_bounds = array<i64: 128, 384>}, {pipeline_mode = #tpu.pipeline_mode<synchronous>, transform_indices = @transform_4, window_bounds = array<i64: 1, 384>}, {pipeline_mode = #tpu.pipeline_mode<synchronous>, transform_indices = @transform_5, window_bounds = array<i64: 1, 384>}, {pipeline_mode = #tpu.pipeline_mode<synchronous>, transform_indices = @transform_6, window_bounds = array<i64: 1600, 128>}]} {
    %get3A = arith.constant 0 : index
    %get3A_0 = arith.constant 0 : index
    %get3A_1 = arith.constant 0 : index
    %get3A_2 = vector.load %arg1[%get3A, %get3A_0, %get3A_1] : memref<2x1600x128xf32, #tpu.memory_space<vmem>>, vector<1x1600x128xf32>
    %get3A_3 = vector.shape_cast %get3A_2 : vector<1x1600x128xf32> to vector<1600x128xf32>
    %get3A_4 = arith.constant 1 : index
    %get3A_5 = arith.constant 0 : index
    %get3A_6 = arith.constant 0 : index
    %get3A_7 = vector.load %arg1[%get3A_4, %get3A_5, %get3A_6] : memref<2x1600x128xf32, #tpu.memory_space<vmem>>, vector<1x1600x128xf32>
    %get3A_8 = vector.shape_cast %get3A_7 : vector<1x1600x128xf32> to vector<1600x128xf32>
    %add3A = arith.addf %get3A_3, %get3A_8 : vector<1600x128xf32>
    %get3A_9 = arith.constant 0 : index
    %get3A_10 = arith.constant 0 : index
    %get3A_11 = vector.load %arg2[%get3A_9, %get3A_10] : memref<1600x128xf32, #tpu.memory_space<vmem>>, vector<1600x128xf32>
    %get3A_12 = arith.constant 0 : index
    %get3A_13 = arith.constant 0 : index
    %get3A_14 = vector.load %arg3[%get3A_12, %get3A_13] : memref<128x384xf32, #tpu.memory_space<vmem>>, vector<128x384xf32>
    %dot_general3A = arith.constant dense<0.000000e+00> : vector<1600x384xf32>
    %dot_general3A_15 = tpu.matmul %add3A, %get3A_14, %dot_general3A {dimension_numbers = #tpu.dot_dimension_numbers<[1], [0], [0], [1], [0, 0, 1, 1], [], []>, transpose_lhs_hint = false} : vector<1600x128xf32>, vector<128x384xf32>, vector<1600x384xf32> -> vector<1600x384xf32>
    %get3A_16 = arith.constant 0 : index
    %get3A_17 = arith.constant 0 : index
    %get3A_18 = vector.load %arg5[%get3A_16, %get3A_17] : memref<1x384xf32, #tpu.memory_space<vmem>>, vector<1x384xf32>
    %add3A_19 = vector.broadcast %get3A_18 : vector<1x384xf32> to vector<1600x384xf32>
    %add3A_20 = arith.addf %dot_general3A_15, %add3A_19 : vector<1600x384xf32>
    %get3A_21 = arith.constant 0 : index
    %get3A_22 = arith.constant 0 : index
    %get3A_23 = vector.load %arg4[%get3A_21, %get3A_22] : memref<128x384xf32, #tpu.memory_space<vmem>>, vector<128x384xf32>
    %dot_general3A_24 = arith.constant dense<0.000000e+00> : vector<1600x384xf32>
    %dot_general3A_25 = tpu.matmul %get3A_11, %get3A_23, %dot_general3A_24 {dimension_numbers = #tpu.dot_dimension_numbers<[1], [0], [0], [1], [0, 0, 1, 1], [], []>, transpose_lhs_hint = false} : vector<1600x128xf32>, vector<128x384xf32>, vector<1600x384xf32> -> vector<1600x384xf32>
    %get3A_26 = arith.constant 0 : index
    %get3A_27 = arith.constant 0 : index
    %get3A_28 = vector.load %arg6[%get3A_26, %get3A_27] : memref<1x384xf32, #tpu.memory_space<vmem>>, vector<1x384xf32>
    %add3A_29 = vector.broadcast %get3A_28 : vector<1x384xf32> to vector<1600x384xf32>
    %add3A_30 = arith.addf %dot_general3A_25, %add3A_29 : vector<1600x384xf32>
    %slice3A = vector.extract_strided_slice %add3A_20 {offsets = [0, 0], sizes = [1600, 128], strides = [1, 1]} : vector<1600x384xf32> to vector<1600x128xf32>
    %slice3A_31 = vector.extract_strided_slice %add3A_30 {offsets = [0, 0], sizes = [1600, 128], strides = [1, 1]} : vector<1600x384xf32> to vector<1600x128xf32>
    %add3A_32 = arith.addf %slice3A, %slice3A_31 : vector<1600x128xf32>
    %logistic3A = arith.negf %add3A_32 : vector<1600x128xf32>
    %logistic3A_33 = math.exp %logistic3A : vector<1600x128xf32>
    %logistic3A_34 = arith.constant 1.000000e+00 : f32
    %logistic3A_35 = vector.broadcast %logistic3A_34 : f32 to vector<1600x128xf32>
    %logistic3A_36 = arith.addf %logistic3A_35, %logistic3A_33 : vector<1600x128xf32>
    %logistic3A_37 = arith.divf %logistic3A_35, %logistic3A_36 : vector<1600x128xf32>
    %slice3A_38 = vector.extract_strided_slice %add3A_20 {offsets = [0, 128], sizes = [1600, 128], strides = [1, 1]} : vector<1600x384xf32> to vector<1600x128xf32>
    %slice3A_39 = vector.extract_strided_slice %add3A_30 {offsets = [0, 128], sizes = [1600, 128], strides = [1, 1]} : vector<1600x384xf32> to vector<1600x128xf32>
    %add3A_40 = arith.addf %slice3A_38, %slice3A_39 : vector<1600x128xf32>
    %logistic3A_41 = arith.negf %add3A_40 : vector<1600x128xf32>
    %logistic3A_42 = math.exp %logistic3A_41 : vector<1600x128xf32>
    %logistic3A_43 = arith.constant 1.000000e+00 : f32
    %logistic3A_44 = vector.broadcast %logistic3A_43 : f32 to vector<1600x128xf32>
    %logistic3A_45 = arith.addf %logistic3A_44, %logistic3A_42 : vector<1600x128xf32>
    %logistic3A_46 = arith.divf %logistic3A_44, %logistic3A_45 : vector<1600x128xf32>
    %slice3A_47 = vector.extract_strided_slice %add3A_20 {offsets = [0, 256], sizes = [1600, 128], strides = [1, 1]} : vector<1600x384xf32> to vector<1600x128xf32>
    %slice3A_48 = vector.extract_strided_slice %add3A_30 {offsets = [0, 256], sizes = [1600, 128], strides = [1, 1]} : vector<1600x384xf32> to vector<1600x128xf32>
    %mul3A = arith.mulf %logistic3A_37, %slice3A_48 : vector<1600x128xf32>
    %add3A_49 = arith.addf %slice3A_47, %mul3A : vector<1600x128xf32>
    %tanh3A = math.tanh %add3A_49 : vector<1600x128xf32>
    %sub3A = arith.constant 1.000000e+00 : f32
    %sub3A_50 = vector.broadcast %sub3A : f32 to vector<1600x128xf32>
    %sub3A_51 = arith.subf %sub3A_50, %logistic3A_46 : vector<1600x128xf32>
    %mul3A_52 = arith.mulf %sub3A_51, %tanh3A : vector<1600x128xf32>
    %mul3A_53 = arith.mulf %logistic3A_46, %get3A_11 : vector<1600x128xf32>
    %add3A_54 = arith.addf %mul3A_52, %mul3A_53 : vector<1600x128xf32>
    %swap3A = arith.constant 0 : index
    %swap3A_55 = arith.constant 0 : index
    %swap3A_56 = vector.load %arg7[%swap3A, %swap3A_55] : memref<1600x128xf32, #tpu.memory_space<vmem>>, vector<1600x128xf32>
    tpu.vector_store %arg7[%swap3A, %swap3A_55], %add3A_54 {strides = array<i32>} : memref<1600x128xf32, #tpu.memory_space<vmem>>, vector<1600x128xf32>,
    return
  }
  func.func @transform_0(%arg0: i32) -> (i32, i32, i32) {
    %c0_i32 = arith.constant 0 : i32
    %c0_i32_0 = arith.constant 0 : i32
    %c0_i32_1 = arith.constant 0 : i32
    %c0_i32_2 = arith.constant 0 : i32
    return %c0_i32, %c0_i32_0, %c0_i32_1 : i32, i32, i32
  }
  func.func @transform_1(%arg0: i32) -> (i32, i32) {
    %c0_i32 = arith.constant 0 : i32
    %c0_i32_0 = arith.constant 0 : i32
    %c0_i32_1 = arith.constant 0 : i32
    return %c0_i32, %c0_i32_0 : i32, i32
  }
  func.func @transform_2(%arg0: i32) -> (i32, i32) {
    %c0_i32 = arith.constant 0 : i32
    %c0_i32_0 = arith.constant 0 : i32
    %c0_i32_1 = arith.constant 0 : i32
    return %c0_i32, %c0_i32_0 : i32, i32
  }
  func.func @transform_3(%arg0: i32) -> (i32, i32) {
    %c0_i32 = arith.constant 0 : i32
    %c0_i32_0 = arith.constant 0 : i32
    %c0_i32_1 = arith.constant 0 : i32
    return %c0_i32, %c0_i32_0 : i32, i32
  }
  func.func @transform_4(%arg0: i32) -> (i32, i32) {
    %c0_i32 = arith.constant 0 : i32
    %c0_i32_0 = arith.constant 0 : i32
    %c0_i32_1 = arith.constant 0 : i32
    return %c0_i32, %c0_i32_0 : i32, i32
  }
  func.func @transform_5(%arg0: i32) -> (i32, i32) {
    %c0_i32 = arith.constant 0 : i32
    %c0_i32_0 = arith.constant 0 : i32
    %c0_i32_1 = arith.constant 0 : i32
    return %c0_i32, %c0_i32_0 : i32, i32
  }
  func.func @transform_6(%arg0: i32) -> (i32, i32) {
    %c0_i32 = arith.constant 0 : i32
    %c0_i32_0 = arith.constant 0 : i32
    %c0_i32_1 = arith.constant 0 : i32
    return %c0_i32, %c0_i32_0 : i32, i32
  }
}

</mosaic_0001>

<sc_bundles>
// kernel: kernel.12.cloned.1.call-start
scs
__scs_entry_jumppad:
0x0: {  	(pc) =	sbr.rel $0x88, $3  }
0x1: {  	(tag) =	ssettag $0x0;
	lr =	simm.s32 $0x1  }
0x2: {  	[smem:$0x3F99] =	sst lr;
	_ =	strace $0xD0000000  }
0x3: {  	_ = 	snop  }
0x4: {  	_ = 	snop  }
0x5: {  	_ = 	snop  }
0x6: {  	_ = 	snop  }
0x7: {  	_ = 	snop  }
__scs_overlays_trampoline_lowered:
0x8: {  	[smem:$0x3FA8] =	sst s0  }
0x9: {  	[smem:$0x3FA9] =	sst s1  }
0xa: {  	[smem:$0x3FAA] =	sst s2  }
0xb: {  	[smem:$0x3FAB] =	sst s3  }
0xc: {  	[smem:$0x3FAC] =	sst s4  }
0xd: {  	[smem:$0x3FAD] =	sst s5  }
0xe: {  	[smem:$0x3FAE] =	sst s6  }
0xf: {  	[smem:$0x3FAF] =	sst s7  }
0x10: {  	[smem:$0x3FB0] =	sst s8  }
0x11: {  	[smem:$0x3FB1] =	sst s9;
	s0 =	simm.s32 @!p0 $0x0  }
0x12: {  	s1 =	sld [smem:$0x3F97];
	s0 =	simm.s32 @p0 $0x1  }
0x13: {  	[smem:$0x3FB2] =	sst s0;
	s0 =	simm.s32 @!p1 $0x0  }
0x14: {  	s2 =	sld [smem:$0x3F96];
	s0 =	simm.s32 @p1 $0x1  }
0x15: {  	[smem:$0x3FB3] =	sst s0;
	s0 =	simm.s32 @!p2 $0x0  }
0x16: {  	s3 =	sld [smem:$0x3FDB];
	s0 =	simm.s32 @p2 $0x1  }
0x17: {  	s4 =	simm.s32 $0x1BF5;
	[smem:$0x3FB5] =	sst s0  }
0x18: {  	s0 =	sld [smem:$0x3F98];
	_ =	swait.ge [sflag:s4], $0x0  }
0x19: {  	s7 =	sld [smem:$0x3F99]  }
0x1a: {  	s8 =	sadd.s32 $0xFFFFE003, lr  }
0x1b: {  	s9 =	sadd.s32 $0xFFFFFEF7, lr;
	s5 =	simm.s32 $0xFFFFFFFF;
	p2 =	slt.u32 s8, $0xFFFFF086  }
0x1c: {  	p1 =	slt.u32 s9, $0xF7A;
	s5 =	simm.s32 @!p2 $0x0  }
0x1d: {  	s5 =	simm.s32 @p1 $0x1;
	p0 =	seq.s32 s7, s2  }
0x1e: {  	s7 =	smul.u32 @!p0 $0xF7A, s2;
	p2 =	seq.s32 @!p0 s5, $0x0  }
0x1f: {  	s9 =	smul.u32 $0xF7A, s1;
	s8 =	simm.s32 @!p0 $0x1BF5;
	p2 =	por !p2, p0  }
0x20: {  	[sflag:s8] =	ssyncset.s32 @!p0 $0xFFFFF086;
	s6 =	sadd.s32 @!p0 s3, s7;
	s7 =	simm.s32 @!p0 $0x108  }
0x21: {  	s3 =	sadd.s32 s3, s9;
	s6 =	sadd.s32 @!p0 $0x88, s6;
	s7 =	simm.s32 @p2 $0x1082  }
0x22: {  	[simem:s7], [sflag:s8] =	dma.local @!p0 [hbm:s6], $0xF7A  }
0x23: {  	s9 =	sor.u32 $0xD0000000, s2;
	s6 =	simm.s32 $0x108;
	_ =	swait.ge @!p0 [sflag:s8], $0x0  }
0x24: {  	s3 =	sadd.s32 $0x88, s3;
	s6 =	simm.s32 @!p1 $0x1082;
	[sflag:s4] =	ssyncset.s32 $0xFFFFF086  }
0x25: {  	[simem:s6], [sflag:s4] =	dma.local [hbm:s3], $0xF7A  }
0x26: {  	[smem:$0x3F99] =	sst s1;
	(tag) =	ssettag s2;
	_ =	strace s9  }
0x27: {  	s1 =	sld [smem:$0x3FA9]  }
0x28: {  	s2 =	sld [smem:$0x3FAA]  }
0x29: {  	s4 =	sld [smem:$0x3FAC]  }
0x2a: {  	p0 =	seq.s32 s5, $0x0;
	s5 =	sld [smem:$0x3FAD]  }
0x2b: {  	s6 =	sld [smem:$0x3FAE]  }
0x2c: {  	s7 =	sld [smem:$0x3FAF]  }
0x2d: {  	s3 =	simm.s32 $0x108;
	s8 =	sld [smem:$0x3FB0]  }
0x2e: {  	s3 =	simm.s32 @!p0 $0x1082;
	s9 =	sld [smem:$0x3FB1]  }
0x2f: {  	lr =	sadd.s32 s0, s3;
	s0 =	sld [smem:$0x3FA8]  }
0x30: {  	s3 =	sld [smem:$0x3FAB]  }
0x31: {  	[smem:$0x3FB4] =	sst s10  }
0x32: {  	s10 =	sld [smem:$0x3FB2];
	_ =	sdelay $0x3  }
0x33: {  	p0 =	seq.s32 s10, $0x1;
	s10 =	sld [smem:$0x3FB4];
	_ =	sdelay $0x3  }
0x34: {  	[smem:$0x3FB4] =	sst s10  }
0x35: {  	s10 =	sld [smem:$0x3FB3];
	_ =	sdelay $0x3  }
0x36: {  	p1 =	seq.s32 s10, $0x1;
	s10 =	sld [smem:$0x3FB4];
	_ =	sdelay $0x3  }
0x37: {  	[smem:$0x3FB4] =	sst s10  }
0x38: {  	s10 =	sld [smem:$0x3FB5]  }
0x39: {  	_ = 	snop;
	(pc) =	sbr.ind lr, $3  }
0x3a: {  	_ = 	snop  }
0x3b: {  	_ = 	snop  }
0x3c: {  	p2 =	seq.s32 s10, $0x1;
	s10 =	sld [smem:$0x3FB4]  }
0x3d: {  	_ =	shalt  }
0x3e: {  	_ =	shalt  }
0x3f: {  	_ =	shalt  }
0x40: {  	_ =	shalt  }
0x41: {  	_ =	shalt  }
0x42: {  	_ =	shalt  }
0x43: {  	_ =	shalt  }
0x44: {  	_ =	shalt  }
0x45: {  	_ =	shalt  }
0x46: {  	_ =	shalt  }
0x47: {  	_ =	shalt  }
0x48: {  	_ =	shalt  }
0x49: {  	_ =	shalt  }
0x4a: {  	_ =	shalt  }
0x4b: {  	_ =	shalt  }
0x4c: {  	_ =	shalt  }
0x4d: {  	_ =	shalt  }
0x4e: {  	_ =	shalt  }
0x4f: {  	_ =	shalt  }
0x50: {  	_ =	shalt  }
0x51: {  	_ =	shalt  }
0x52: {  	_ =	shalt  }
0x53: {  	_ =	shalt  }
0x54: {  	_ =	shalt  }
0x55: {  	_ =	shalt  }
0x56: {  	_ =	shalt  }
0x57: {  	_ =	shalt  }
0x58: {  	_ =	shalt  }
0x59: {  	_ =	shalt  }
0x5a: {  	_ =	shalt  }
0x5b: {  	_ =	shalt  }
0x5c: {  	_ =	shalt  }
0x5d: {  	_ =	shalt  }
0x5e: {  	_ =	shalt  }
0x5f: {  	_ =	shalt  }
0x60: {  	_ =	shalt  }
0x61: {  	_ =	shalt  }
0x62: {  	_ =	shalt  }
0x63: {  	_ =	shalt  }
0x64: {  	_ =	shalt  }
0x65: {  	_ =	shalt  }
0x66: {  	_ =	shalt  }
0x67: {  	_ =	shalt  }
0x68: {  	_ =	shalt  }
0x69: {  	_ =	shalt  }
0x6a: {  	_ =	shalt  }
0x6b: {  	_ =	shalt  }
0x6c: {  	_ =	shalt  }
0x6d: {  	_ =	shalt  }
0x6e: {  	_ =	shalt  }
0x6f: {  	_ =	shalt  }
0x70: {  	_ =	shalt  }
0x71: {  	_ =	shalt  }
0x72: {  	_ =	shalt  }
0x73: {  	_ =	shalt  }
0x74: {  	_ =	shalt  }
0x75: {  	_ =	shalt  }
0x76: {  	_ =	shalt  }
0x77: {  	_ =	shalt  }
0x78: {  	_ =	shalt  }
0x79: {  	_ =	shalt  }
0x7a: {  	_ =	shalt  }
0x7b: {  	_ =	shalt  }
0x7c: {  	_ =	shalt  }
0x7d: {  	_ =	shalt  }
0x7e: {  	_ =	shalt  }
0x7f: {  	_ =	shalt  }
0x80: {  	_ =	shalt  }
0x81: {  	_ =	shalt  }
0x82: {  	_ =	shalt  }
0x83: {  	_ =	shalt  }
0x84: {  	_ =	shalt  }
0x85: {  	_ =	shalt  }
0x86: {  	_ =	shalt  }
0x87: {  	_ =	shalt  }
.Lfunc_end0:
.L_simem_size_0:
called_computation.1_lowered:
.L_overlay_start_0:
0x88: {  	s2 =	sld [smem:$0x3FD9]  }
0x89: {  	s3 =	sld [smem:$0x3FFE];
	_ =	sdelay $0x1  }
0x8a: {  	s1 =	srdreg.scid  }
0x8b: {  	s0 =	sand.u32 $0x1, s1  }
0x8c: {  	s16 =	sshll.u32 s0, $0xA;
	s2 =	sadd.s32 s3, s2  }
0x8d: {  	s2 =	sadd.s32 s2, s16  }
0x8e: {  	[smem:$0x3FC0] =	sst s2  }
0x8f: {  	_ = 	snop  }
0x90: {  	(tm) =	ssettm $0x1  }
0x91: {  	s17 =	sld [smem:$0x3FFB];
	_ =	sdelay $0x3  }
0x92: {  	_ =	strace s17  }
0x93: {  	s2 =	sld [smem:$0x3FFC];
	_ =	sdelay $0x3  }
0x94: {  	_ =	strace s2  }
0x95: {  	s2 =	sld [smem:$0x3FFD];
	_ =	sdelay $0x3  }
0x96: {  	_ =	strace s2  }
0x97: {  	_ =	strace $0x8FFFFFFF  }
0x98: {  	s18 =	sld [smem:$0x3FDB];
	_ =	sdelay $0x1  }
0x99: {  	s19 =	simm.s32 $_scs_section_size  }
0x9a: {  	s4 =	simm.s32 $_size__tile_overlayer_lowered;
	s5 =	simm.s32 $_tile_overlayer_lowered  }
0x9b: {  	s22 =	simm.s32 $0x1BFF;
	s21 =	sshll.u32 s5, $0x1;
	s2 =	sadd.s32 s19, s18  }
0x9c: {  	s6 =	simm.s32 $0x0;
	s20 =	sshll.u32 s4, $0x1;
	s4 =	sadd.s32 s21, s2  }
0x9d: {  	[timem:s6], [sflag:s22] =	dma.local [hbm:s4], s20  }
0x9e: {  	_ =	swait.ge [sflag:s22], s20  }
0x9f: {  	s3 =	ssub.s32 $0x0, s20;
	[sflag:s22] =	ssyncset.done $0x0  }
0xa0: {  	[sflag:s22] =	ssyncadd.s32 s3;
	_ =	sdelay $0x1  }
0xa1: {  	s23 =	simm.s32 $0x1B8B  }
0xa2: {  	_ =	swait.ge [sflag:s23], $0x1  }
0xa3: {  	[sflag:s23] =	ssyncset.done $0x0  }
0xa4: {  	s25 =	simm.s32 $0x1B8E;
	s24 =	sld [smem:$0x3FFE];
	[sflag:s23] =	ssyncadd.s32 $0xFFFFFFFF  }
0xa5: {  	s26 =	simm.s32 $execute0_lowered;
	[smem:$0x3FD2] =	sst s25  }
0xa6: {  	s4 =	sshll.u32 s26, $0x1;
	_ =	strace $0x80000049;
	[dreg:$0x1] =	wrdreg $0xFFFFFFFF  }
0xa7: {  	s28 =	simm.s32 $_size_execute0_lowered;
	s2 =	sadd.s32 s2, s4;
	[dreg:$0x0] =	wrdreg $0x0  }
0xa8: {  	s4 =	sshll.u32 s28, $0x1;
	[dreg:$0x2] =	wrdreg s2  }
0xa9: {  	[dreg:$0x3] =	wrdreg s4  }
0xaa: {  	[dreg:$0x4] =	wrdreg $0xC0  }
0xab: {  	_ =	task [dreg:s6], $0x5FFFF  }
0xac: {  	[dreg:$0x1] =	wrdreg $0xFFFFFFFF  }
0xad: {  	[dreg:$0x0] =	wrdreg $0x60  }
0xae: {  	[dreg:$0x2] =	wrdreg s24  }
0xaf: {  	[dreg:$0x3] =	wrdreg $0xB0000  }
0xb0: {  	[dreg:$0x4] =	wrdreg $0x9  }
0xb1: {  	_ =	task.clear_ibuf [dreg:s6], $0x5FFFF;
	_ =	strace $0x90000049  }
0xb2: {  	s29 =	simm.s32 $0x9;
	_ =	strace $0x8000004B  }
0xb3: {  	_ =	swait.ge [sflag:s29], $0x1  }
0xb4: {  	[sflag:s29] =	ssyncadd.s32 $0xFFFFFFFF  }
0xb5: {  	_ =	strace $0x9000004B  }
0xb6: {  	_ =	sfence  }
0xb7: {  	s30 =	sld [smem:$0x0];
	_ =	sdelay $0x2  }
0xb8: {  	s31 =	sshll.u32 s1, $0xD;
	s1 =	sshrl.u32 s1, $0x2  }
0xb9: {  	s3 =	sand.u32 $0x4000, s31;
	s1 =	sadd.s32 s1, s30  }
0xba: {  	s0 =	sor.u32 s3, s0;
	s1 =	sshll.u32 s1, $0x11  }
0xbb: {  	s0 =	sor.u32 s1, s0  }
0xbc: {  	s0 =	sadd.s32 $0x8F2B, s0  }
0xbd: {  	[sflag:s0] =	ssyncadd.remote.s32 $0x1  }
0xbe: {  	_ =	sfence.sel $0xFFFF  }
0xbf: {  	[dreg:$0x0] =	wrdreg $0xFFFFFFFF;
	(pc) =	sbr.abs _section_cstart, $3  }
0xc0: {  	[dreg:$0x1] =	wrdreg $0xFFFFFFFF  }
0xc1: {  	_ =	task.clear_ibuf [dreg:s6], $0x2FFFF;
	_ =	strace $0x9FFFFFFF  }
0xc2: {  	(tm) =	ssettm $0x7FFFFFFF  }
0xc3: {  	_ =	shalt  }
tec
execute0_lowered:
.L_overlay_start_1:
0x0: {  	(tag) =	ssettag $0x1  }
0x1: {  	s11 =	stileid.u32  }
0x2: {  	s0 =	rddreg [dreg:$0x0];
	s5 =	smul.u32 $0x4E000, s11  }
0x3: {  	s1 =	rddreg [dreg:$0x1]  }
0x4: {  	s2 =	simm.s32 $0x0;
	s3 =	srdreg.scid;
	s5 =	sshrl.u32 s5, $0x2  }
0x5: {  	s28 =	simm.s32 $0x3;
	s29 =	simm.s32 $0x1400;
	s5 =	sadd.s32 s5, s1  }
0x6: {  	s30 =	simm.s32 $0x80;
	[smem:$0x7FF] =	sst s2;
	s14 =	sadd.s32 $0x800, s5  }
0x7: {  	_ =	strace $0x8000004A;
	s15 =	sadd.s32 $0x1000, s5;
	[dreg:$0x3] =	wrdreg s14  }
0x8: {  	s31 =	simm.s32 $0x2800;
	s16 =	sadd.s32 $0x1800, s5;
	[dreg:$0x4] =	wrdreg s15  }
0x9: {  	s3 =	sand.u32 $0x1, s3;
	s17 =	sadd.s32 $0x2000, s5;
	[dreg:$0x5] =	wrdreg s16  }
0xa: {  	s25 =	smul.u32 $0x13800, s11;
	s18 =	sadd.s32 $0x2800, s5;
	[dreg:$0x6] =	wrdreg s17  }
0xb: {  	s8 =	ssub.s32 $0x2, s3;
	s19 =	sadd.s32 $0x3000, s5;
	[dreg:$0x7] =	wrdreg s18  }
0xc: {  	s10 =	sshll.u32 s3, $0x4;
	s20 =	sadd.s32 $0x3800, s5;
	[dreg:$0x8] =	wrdreg s19  }
0xd: {  	s3 =	smul.u32 $0x138800, s3;
	s21 =	sadd.s32 $0x4000, s5;
	[dreg:$0x9] =	wrdreg s20  }
0xe: {  	s9 =	sshrl.u32 s8, $0x1;
	s22 =	sadd.s32 $0x4800, s5;
	[dreg:$0xa] =	wrdreg s21  }
0xf: {  	s13 =	sor.u32 s11, s10;
	s23 =	sadd.s32 $0x5000, s5;
	[dreg:$0xb] =	wrdreg s22  }
0x10: {  	s8 =	ssub.s32 s8, s9;
	s24 =	sadd.s32 $0x5800, s5;
	[dreg:$0xc] =	wrdreg s23  }
0x11: {  	s9 =	smul.u32 $0x2800, s13;
	s13 =	sadd.s32 $0x6800, s5;
	[dreg:$0xd] =	wrdreg s24  }
0x12: {  	s10 =	sadd.s32 s25, s3;
	s25 =	sadd.s32 $0xC000, s5;
	[dreg:$0x14] =	wrdreg s13  }
0x13: {  	s4 =	sadd.s32 $0x2400, s0;
	s14 =	smax.u32 s8, $0x1;
	[smem:$0x7FC] =	sst s25  }
0x14: {  	s6 =	sadd.s32 $0x29600, s0;
	s15 =	sadd.s32 $0x7000, s5;
	[dreg:$0x16] =	wrdreg s14  }
0x15: {  	s7 =	sadd.s32 $0x33600, s0;
	s16 =	sadd.s32 $0x7800, s5;
	[dreg:$0x17] =	wrdreg s15  }
0x16: {  	s0 =	sadd.s32 $0x3D600, s0;
	s17 =	sadd.s32 $0x8000, s5;
	[dreg:$0x18] =	wrdreg s16  }
0x17: {  	p0 =	sne.s32 s11, $0xF;
	s18 =	sadd.s32 $0x8800, s5;
	[dreg:$0x19] =	wrdreg s17  }
0x18: {  	s3 =	sshrl.u32 s3, $0x3;
	s19 =	sadd.s32 $0x9000, s5;
	[dreg:$0x1a] =	wrdreg s18  }
0x19: {  	s11 =	sadd.s32 $0xD000, s5;
	s20 =	sadd.s32 $0x9800, s5;
	[dreg:$0x1b] =	wrdreg s19  }
0x1a: {  	s9 =	sshrl.u32 s9, $0x3;
	s21 =	sadd.s32 $0xA000, s5;
	[dreg:$0x1c] =	wrdreg s20  }
0x1b: {  	s22 =	sadd.s32 $0xA800, s5;
	s23 =	sadd.s32 $0xB000, s5;
	[dreg:$0x1d] =	wrdreg s21  }
0x1c: {  	s24 =	sadd.s32 $0xB800, s5;
	s13 =	sadd.s32 $0xE000, s5;
	[dreg:$0x1e] =	wrdreg s22  }
0x1d: {  	s25 =	simm.s32 $0xA800;
	s12 =	sadd.s32 s6, s9;
	[dreg:$0x1f] =	wrdreg s23  }
0x1e: {  	s26 =	sadd.s32 s7, s9;
	s9 =	sadd.s32 $0x280, s9;
	[smem:$0x7FB] =	sst s24  }
0x1f: {  	s14 =	sadd.s32 $0xE800, s5;
	s15 =	sadd.s32 $0xF000, s5;
	s16 =	sadd.s32 $0xF800, s5  }
0x20: {  	s17 =	sadd.s32 $0x10000, s5;
	s18 =	sadd.s32 $0x10800, s5;
	s19 =	sadd.s32 $0x11000, s5  }
0x21: {  	s20 =	sadd.s32 $0x11800, s5;
	s21 =	sadd.s32 $0x12000, s5;
	[dreg:$0xe] =	wrdreg s12  }
0x22: {  	s22 =	sadd.s32 $0x12800, s5;
	[dreg:$0xf] =	wrdreg s26;
	s6 =	sadd.s32 s6, s9  }
0x23: {  	s23 =	sadd.s32 $0x13000, s5;
	s9 =	sadd.s32 s7, s9;
	[dreg:$0x10] =	wrdreg s6  }
0x24: {  	s24 =	sadd.s32 $0x138000, s1;
	s12 =	sadd.s32 $0x6000, s5;
	[dreg:$0x11] =	wrdreg s9  }
0x25: {  	s26 =	sadd.s32 $0xC800, s5;
	s7 =	simm.s32 $0x2780;
	[dreg:$0x12] =	wrdreg s12  }
0x26: {  	s6 =	sshrl.u32 s10, $0x3;
	[smem:$0x7FD] =	sst s26;
	s12 =	sadd.s32 $0xD800, s5  }
0x27: {  	s26 =	simm.s32 $0x1;
	s6 =	sadd.s32 s0, s6;
	s0 =	sadd.s32 s0, s3  }
0x28: {  	s3 =	simm.s32 $0x2;
	[dreg:$0x13] =	wrdreg s6;
	s0 =	sadd.s32 $0x27000, s0  }
0x29: {  	v0 =	vimm.f32 $0.0e+00;
	s6 =	simm.s32 $0x2700;
	[dreg:$0x15] =	wrdreg s0;
	s0 =	simm.s32 $0x6800  }
.LBB2_1:
0x2a: {  	s8 =	simm.s32 $0x0;
	s9 =	simm.s32 $0x200  }
.LBB2_2:
0x2b: {  	p1 =	sne.s32 s9, $0x1E00;
	[tilespmem:s8+$0xA870] =	vst v0  }
0x2c: {  	[tilespmem:s8+$0xA800] =	vst v0  }
0x2d: {  	[tilespmem:s8+$0xA810] =	vst v0  }
.Ltmp0:
0x2e: {  	[tilespmem:s8+$0xA820] =	vst v0;
	(pc) =	sbr.rel @p1 .LBB2_2-.Ltmp0, $4  }
0x2f: {  	[tilespmem:s8+$0xA830] =	vst v0  }
0x30: {  	[tilespmem:s8+$0xA840] =	vst v0  }
0x31: {  	[tilespmem:s8+$0xA850] =	vst v0  }
0x32: {  	[tilespmem:s8+$0xA860] =	vst v0;
	s8 =	sshra.s32 s9, $0x2;
	s9 =	sadd.s32 $0x200, s9  }
0x33: {  	[tilespmem:s8+$0xA870] =	vst v0  }
0x34: {  	[tilespmem:s8+$0xA800] =	vst v0  }
0x35: {  	[tilespmem:s8+$0xA810] =	vst v0  }
0x36: {  	[tilespmem:s8+$0xA820] =	vst v0  }
0x37: {  	[tilespmem:s8+$0xA830] =	vst v0  }
0x38: {  	[tilespmem:s8+$0xA840] =	vst v0  }
0x39: {  	[tilespmem:s8+$0xA850] =	vst v0  }
0x3a: {  	[tilespmem:s8+$0xA860] =	vst v0;
	s9 =	rddreg [dreg:$0x3]  }
0x3b: {  	[spmem:s5] =	stream.linear.scatter [tilespmem:s25], [sflag:$0x1], $0x800, $0x38;
	[tilespmem:$0x1E8C0] =	vst v63  }
0x3c: {  	s10 =	rddreg [dreg:$0x4]  }
0x3d: {  	[spmem:s9] =	stream.linear.scatter [tilespmem:s25], [sflag:$0x1], $0x800, $0x38;
	[tilespmem:$0x1E8C0] =	vst v63  }
0x3e: {  	s9 =	rddreg [dreg:$0x5]  }
0x3f: {  	[spmem:s10] =	stream.linear.scatter [tilespmem:s25], [sflag:$0x1], $0x800, $0x38;
	[tilespmem:$0x1E8C0] =	vst v63  }
0x40: {  	s10 =	rddreg [dreg:$0x6]  }
0x41: {  	[spmem:s9] =	stream.linear.scatter [tilespmem:s25], [sflag:$0x1], $0x800, $0x38;
	[tilespmem:$0x1E8C0] =	vst v63  }
0x42: {  	s9 =	rddreg [dreg:$0x7]  }
0x43: {  	[spmem:s10] =	stream.linear.scatter [tilespmem:s25], [sflag:$0x1], $0x800, $0x38;
	[tilespmem:$0x1E8C0] =	vst v63  }
0x44: {  	s10 =	rddreg [dreg:$0x8]  }
0x45: {  	[spmem:s9] =	stream.linear.scatter [tilespmem:s25], [sflag:$0x1], $0x800, $0x38;
	[tilespmem:$0x1E8C0] =	vst v63  }
0x46: {  	s9 =	rddreg [dreg:$0x9]  }
0x47: {  	[spmem:s10] =	stream.linear.scatter [tilespmem:s25], [sflag:$0x1], $0x800, $0x38;
	[tilespmem:$0x1E8C0] =	vst v63  }
0x48: {  	s10 =	rddreg [dreg:$0xa]  }
0x49: {  	[spmem:s9] =	stream.linear.scatter [tilespmem:s25], [sflag:$0x1], $0x800, $0x38;
	[tilespmem:$0x1E8C0] =	vst v63  }
0x4a: {  	s9 =	rddreg [dreg:$0xb]  }
0x4b: {  	[spmem:s10] =	stream.linear.scatter [tilespmem:s25], [sflag:$0x1], $0x800, $0x38;
	[tilespmem:$0x1E8C0] =	vst v63  }
0x4c: {  	s10 =	rddreg [dreg:$0xc]  }
0x4d: {  	[spmem:s9] =	stream.linear.scatter [tilespmem:s25], [sflag:$0x1], $0x800, $0x38;
	[tilespmem:$0x1E8C0] =	vst v63  }
0x4e: {  	s9 =	rddreg [dreg:$0xd]  }
0x4f: {  	[spmem:s10] =	stream.linear.scatter [tilespmem:s25], [sflag:$0x1], $0x800, $0x38;
	[tilespmem:$0x1E8C0] =	vst v63  }
0x50: {  	s10 =	rddreg [dreg:$0x12]  }
0x51: {  	[spmem:s9] =	stream.linear.scatter [tilespmem:s25], [sflag:$0x1], $0x800, $0x38;
	[tilespmem:$0x1E8C0] =	vst v63  }
0x52: {  	s9 =	rddreg [dreg:$0x14]  }
0x53: {  	[spmem:s10] =	stream.linear.scatter [tilespmem:s25], [sflag:$0x1], $0x800, $0x38;
	[tilespmem:$0x1E8C0] =	vst v63  }
0x54: {  	s10 =	rddreg [dreg:$0x17]  }
0x55: {  	[spmem:s9] =	stream.linear.scatter [tilespmem:s25], [sflag:$0x1], $0x800, $0x38;
	[tilespmem:$0x1E8C0] =	vst v63  }
0x56: {  	s9 =	rddreg [dreg:$0x18]  }
0x57: {  	[spmem:s10] =	stream.linear.scatter [tilespmem:s25], [sflag:$0x1], $0x800, $0x38;
	[tilespmem:$0x1E8C0] =	vst v63  }
0x58: {  	s10 =	rddreg [dreg:$0x19]  }
0x59: {  	[spmem:s9] =	stream.linear.scatter [tilespmem:s25], [sflag:$0x1], $0x800, $0x38;
	[tilespmem:$0x1E8C0] =	vst v63  }
0x5a: {  	s9 =	rddreg [dreg:$0x1a]  }
0x5b: {  	[spmem:s10] =	stream.linear.scatter [tilespmem:s25], [sflag:$0x1], $0x800, $0x38;
	[tilespmem:$0x1E8C0] =	vst v63  }
0x5c: {  	s10 =	rddreg [dreg:$0x1b]  }
0x5d: {  	[spmem:s9] =	stream.linear.scatter [tilespmem:s25], [sflag:$0x1], $0x800, $0x38;
	[tilespmem:$0x1E8C0] =	vst v63  }
0x5e: {  	s9 =	rddreg [dreg:$0x1c]  }
0x5f: {  	[spmem:s10] =	stream.linear.scatter [tilespmem:s25], [sflag:$0x1], $0x800, $0x38;
	[tilespmem:$0x1E8C0] =	vst v63  }
0x60: {  	s10 =	rddreg [dreg:$0x1d]  }
0x61: {  	[spmem:s9] =	stream.linear.scatter [tilespmem:s25], [sflag:$0x1], $0x800, $0x38;
	[tilespmem:$0x1E8C0] =	vst v63  }
0x62: {  	s9 =	rddreg [dreg:$0x1e]  }
0x63: {  	[spmem:s10] =	stream.linear.scatter [tilespmem:s25], [sflag:$0x1], $0x800, $0x38;
	[tilespmem:$0x1E8C0] =	vst v63  }
0x64: {  	s10 =	rddreg [dreg:$0x1f]  }
0x65: {  	[spmem:s9] =	stream.linear.scatter [tilespmem:s25], [sflag:$0x1], $0x800, $0x38;
	[tilespmem:$0x1E8C0] =	vst v63  }
0x66: {  	s9 =	sld [smem:$0x7FB]  }
0x67: {  	[spmem:s10] =	stream.linear.scatter [tilespmem:s25], [sflag:$0x1], $0x800, $0x38;
	[tilespmem:$0x1E8C0] =	vst v63  }
0x68: {  	s10 =	sld [smem:$0x7FC]  }
0x69: {  	[spmem:s9] =	stream.linear.scatter [tilespmem:s25], [sflag:$0x1], $0x800, $0x38;
	[tilespmem:$0x1E8C0] =	vst v63  }
0x6a: {  	s9 =	sld [smem:$0x7FD]  }
0x6b: {  	[spmem:s10] =	stream.linear.scatter [tilespmem:s25], [sflag:$0x1], $0x800, $0x38;
	[tilespmem:$0x1E8C0] =	vst v63  }
0x6c: {  	_ = 	snop  }
0x6d: {  	[spmem:s9] =	stream.linear.scatter [tilespmem:s25], [sflag:$0x1], $0x800, $0x38;
	[tilespmem:$0x1E8C0] =	vst v63  }
0x6e: {  	_ = 	snop  }
0x6f: {  	[spmem:s11] =	stream.linear.scatter [tilespmem:s25], [sflag:$0x1], $0x800, $0x38;
	[tilespmem:$0x1E8C0] =	vst v63  }
0x70: {  	_ = 	snop  }
0x71: {  	[spmem:s12] =	stream.linear.scatter [tilespmem:s25], [sflag:$0x1], $0x800, $0x38;
	[tilespmem:$0x1E8C0] =	vst v63  }
0x72: {  	_ = 	snop  }
0x73: {  	[spmem:s13] =	stream.linear.scatter [tilespmem:s25], [sflag:$0x1], $0x800, $0x38;
	[tilespmem:$0x1E8C0] =	vst v63  }
0x74: {  	_ = 	snop  }
0x75: {  	[spmem:s14] =	stream.linear.scatter [tilespmem:s25], [sflag:$0x1], $0x800, $0x38;
	[tilespmem:$0x1E8C0] =	vst v63  }
0x76: {  	_ = 	snop  }
0x77: {  	[spmem:s15] =	stream.linear.scatter [tilespmem:s25], [sflag:$0x1], $0x800, $0x38;
	[tilespmem:$0x1E8C0] =	vst v63  }
0x78: {  	_ = 	snop  }
0x79: {  	[spmem:s16] =	stream.linear.scatter [tilespmem:s25], [sflag:$0x1], $0x800, $0x38;
	[tilespmem:$0x1E8C0] =	vst v63  }
0x7a: {  	_ = 	snop  }
0x7b: {  	[spmem:s17] =	stream.linear.scatter [tilespmem:s25], [sflag:$0x1], $0x800, $0x38;
	[tilespmem:$0x1E8C0] =	vst v63  }
0x7c: {  	_ = 	snop  }
0x7d: {  	[spmem:s18] =	stream.linear.scatter [tilespmem:s25], [sflag:$0x1], $0x800, $0x38;
	[tilespmem:$0x1E8C0] =	vst v63  }
0x7e: {  	_ = 	snop  }
0x7f: {  	[spmem:s19] =	stream.linear.scatter [tilespmem:s25], [sflag:$0x1], $0x800, $0x38;
	[tilespmem:$0x1E8C0] =	vst v63  }
0x80: {  	_ = 	snop  }
0x81: {  	[spmem:s20] =	stream.linear.scatter [tilespmem:s25], [sflag:$0x1], $0x800, $0x38;
	[tilespmem:$0x1E8C0] =	vst v63  }
0x82: {  	_ = 	snop  }
0x83: {  	[spmem:s21] =	stream.linear.scatter [tilespmem:s25], [sflag:$0x1], $0x800, $0x38;
	[tilespmem:$0x1E8C0] =	vst v63  }
0x84: {  	_ = 	snop  }
0x85: {  	[spmem:s22] =	stream.linear.scatter [tilespmem:s25], [sflag:$0x1], $0x800, $0x38;
	[tilespmem:$0x1E8C0] =	vst v63  }
0x86: {  	_ = 	snop  }
0x87: {  	[spmem:s23] =	stream.linear.scatter [tilespmem:s25], [sflag:$0x1], $0x800, $0x38;
	[tilespmem:$0x1E8C0] =	vst v63  }
0x88: {  	_ =	swait.ge [sflag:s26], $0x800  }
0x89: {  	[sflag:s26] =	ssyncset.done $0x0  }
0x8a: {  	[sflag:s26] =	ssyncadd.s32 $0xFFFFF800  }
0x8b: {  	_ =	swait.ge [sflag:s26], $0x800  }
0x8c: {  	[sflag:s26] =	ssyncset.done $0x0  }
0x8d: {  	[sflag:s26] =	ssyncadd.s32 $0xFFFFF800  }
0x8e: {  	_ =	swait.ge [sflag:s26], $0x800  }
0x8f: {  	[sflag:s26] =	ssyncset.done $0x0  }
0x90: {  	[sflag:s26] =	ssyncadd.s32 $0xFFFFF800  }
0x91: {  	_ =	swait.ge [sflag:s26], $0x800  }
0x92: {  	[sflag:s26] =	ssyncset.done $0x0  }
0x93: {  	[sflag:s26] =	ssyncadd.s32 $0xFFFFF800  }
0x94: {  	_ =	swait.ge [sflag:s26], $0x800  }
0x95: {  	[sflag:s26] =	ssyncset.done $0x0  }
0x96: {  	[sflag:s26] =	ssyncadd.s32 $0xFFFFF800  }
0x97: {  	_ =	swait.ge [sflag:s26], $0x800  }
0x98: {  	[sflag:s26] =	ssyncset.done $0x0  }
0x99: {  	[sflag:s26] =	ssyncadd.s32 $0xFFFFF800  }
0x9a: {  	_ =	swait.ge [sflag:s26], $0x800  }
0x9b: {  	[sflag:s26] =	ssyncset.done $0x0  }
0x9c: {  	[sflag:s26] =	ssyncadd.s32 $0xFFFFF800  }
0x9d: {  	_ =	swait.ge [sflag:s26], $0x800  }
0x9e: {  	[sflag:s26] =	ssyncset.done $0x0  }
0x9f: {  	[sflag:s26] =	ssyncadd.s32 $0xFFFFF800  }
0xa0: {  	_ =	swait.ge [sflag:s26], $0x800  }
0xa1: {  	[sflag:s26] =	ssyncset.done $0x0  }
0xa2: {  	[sflag:s26] =	ssyncadd.s32 $0xFFFFF800  }
0xa3: {  	_ =	swait.ge [sflag:s26], $0x800  }
0xa4: {  	[sflag:s26] =	ssyncset.done $0x0  }
0xa5: {  	[sflag:s26] =	ssyncadd.s32 $0xFFFFF800  }
0xa6: {  	_ =	swait.ge [sflag:s26], $0x800  }
0xa7: {  	[sflag:s26] =	ssyncset.done $0x0  }
0xa8: {  	[sflag:s26] =	ssyncadd.s32 $0xFFFFF800  }
0xa9: {  	_ =	swait.ge [sflag:s26], $0x800  }
0xaa: {  	[sflag:s26] =	ssyncset.done $0x0  }
0xab: {  	[sflag:s26] =	ssyncadd.s32 $0xFFFFF800  }
0xac: {  	_ =	swait.ge [sflag:s26], $0x800  }
0xad: {  	[sflag:s26] =	ssyncset.done $0x0  }
0xae: {  	[sflag:s26] =	ssyncadd.s32 $0xFFFFF800  }
0xaf: {  	_ =	swait.ge [sflag:s26], $0x800  }
0xb0: {  	[sflag:s26] =	ssyncset.done $0x0  }
0xb1: {  	[sflag:s26] =	ssyncadd.s32 $0xFFFFF800  }
0xb2: {  	_ =	swait.ge [sflag:s26], $0x800  }
0xb3: {  	[sflag:s26] =	ssyncset.done $0x0  }
0xb4: {  	[sflag:s26] =	ssyncadd.s32 $0xFFFFF800  }
0xb5: {  	_ =	swait.ge [sflag:s26], $0x800  }
0xb6: {  	[sflag:s26] =	ssyncset.done $0x0  }
0xb7: {  	[sflag:s26] =	ssyncadd.s32 $0xFFFFF800  }
0xb8: {  	_ =	swait.ge [sflag:s26], $0x800  }
0xb9: {  	[sflag:s26] =	ssyncset.done $0x0  }
0xba: {  	[sflag:s26] =	ssyncadd.s32 $0xFFFFF800  }
0xbb: {  	_ =	swait.ge [sflag:s26], $0x800  }
0xbc: {  	[sflag:s26] =	ssyncset.done $0x0  }
0xbd: {  	[sflag:s26] =	ssyncadd.s32 $0xFFFFF800  }
0xbe: {  	_ =	swait.ge [sflag:s26], $0x800  }
0xbf: {  	[sflag:s26] =	ssyncset.done $0x0  }
0xc0: {  	[sflag:s26] =	ssyncadd.s32 $0xFFFFF800  }
0xc1: {  	_ =	swait.ge [sflag:s26], $0x800  }
0xc2: {  	[sflag:s26] =	ssyncset.done $0x0  }
0xc3: {  	[sflag:s26] =	ssyncadd.s32 $0xFFFFF800  }
0xc4: {  	_ =	swait.ge [sflag:s26], $0x800  }
0xc5: {  	[sflag:s26] =	ssyncset.done $0x0  }
0xc6: {  	[sflag:s26] =	ssyncadd.s32 $0xFFFFF800  }
0xc7: {  	_ =	swait.ge [sflag:s26], $0x800  }
0xc8: {  	[sflag:s26] =	ssyncset.done $0x0  }
0xc9: {  	[sflag:s26] =	ssyncadd.s32 $0xFFFFF800  }
0xca: {  	_ =	swait.ge [sflag:s26], $0x800  }
0xcb: {  	[sflag:s26] =	ssyncset.done $0x0  }
0xcc: {  	[sflag:s26] =	ssyncadd.s32 $0xFFFFF800  }
0xcd: {  	_ =	swait.ge [sflag:s26], $0x800  }
0xce: {  	[sflag:s26] =	ssyncset.done $0x0  }
0xcf: {  	[sflag:s26] =	ssyncadd.s32 $0xFFFFF800  }
0xd0: {  	_ =	swait.ge [sflag:s26], $0x800  }
0xd1: {  	[sflag:s26] =	ssyncset.done $0x0  }
0xd2: {  	[sflag:s26] =	ssyncadd.s32 $0xFFFFF800  }
0xd3: {  	_ =	swait.ge [sflag:s26], $0x800  }
0xd4: {  	[sflag:s26] =	ssyncset.done $0x0  }
0xd5: {  	[sflag:s26] =	ssyncadd.s32 $0xFFFFF800  }
0xd6: {  	_ =	swait.ge [sflag:s26], $0x800  }
0xd7: {  	[sflag:s26] =	ssyncset.done $0x0  }
0xd8: {  	[sflag:s26] =	ssyncadd.s32 $0xFFFFF800  }
0xd9: {  	_ =	swait.ge [sflag:s26], $0x800  }
0xda: {  	[sflag:s26] =	ssyncset.done $0x0  }
0xdb: {  	[sflag:s26] =	ssyncadd.s32 $0xFFFFF800  }
0xdc: {  	_ =	swait.ge [sflag:s26], $0x800  }
0xdd: {  	[sflag:s26] =	ssyncset.done $0x0  }
0xde: {  	[sflag:s26] =	ssyncadd.s32 $0xFFFFF800  }
0xdf: {  	_ =	swait.ge [sflag:s26], $0x800  }
0xe0: {  	[sflag:s26] =	ssyncset.done $0x0  }
0xe1: {  	[sflag:s26] =	ssyncadd.s32 $0xFFFFF800  }
0xe2: {  	_ =	swait.ge [sflag:s26], $0x800  }
0xe3: {  	[sflag:s26] =	ssyncset.done $0x0  }
0xe4: {  	[sflag:s26] =	ssyncadd.s32 $0xFFFFF800  }
0xe5: {  	_ =	swait.ge [sflag:s26], $0x800  }
0xe6: {  	[sflag:s26] =	ssyncset.done $0x0  }
0xe7: {  	[sflag:s26] =	ssyncadd.s32 $0xFFFFF800  }
0xe8: {  	_ =	swait.ge [sflag:s26], $0x800  }
0xe9: {  	[sflag:s26] =	ssyncset.done $0x0  }
0xea: {  	[sflag:s26] =	ssyncadd.s32 $0xFFFFF800  }
0xeb: {  	_ =	swait.ge [sflag:s26], $0x800  }
0xec: {  	[sflag:s26] =	ssyncset.done $0x0  }
0xed: {  	[sflag:s26] =	ssyncadd.s32 $0xFFFFF800  }
0xee: {  	_ =	swait.ge [sflag:s26], $0x800  }
0xef: {  	[sflag:s26] =	ssyncset.done $0x0  }
0xf0: {  	[sflag:s26] =	ssyncadd.s32 $0xFFFFF800  }
0xf1: {  	_ =	swait.ge [sflag:s26], $0x800  }
0xf2: {  	[sflag:s26] =	ssyncset.done $0x0  }
0xf3: {  	[sflag:s26] =	ssyncadd.s32 $0xFFFFF800  }
0xf4: {  	_ =	swait.ge [sflag:s26], $0x800  }
0xf5: {  	[sflag:s26] =	ssyncset.done $0x0  }
0xf6: {  	[sflag:s26] =	ssyncadd.s32 $0xFFFFF800  }
0xf7: {  	_ =	swait.ge [sflag:s26], $0x800  }
0xf8: {  	[sflag:s26] =	ssyncset.done $0x0  }
0xf9: {  	[sflag:s26] =	ssyncadd.s32 $0xFFFFF800  }
0xfa: {  	_ =	swait.ge [sflag:s26], $0x800  }
0xfb: {  	[sflag:s26] =	ssyncset.done $0x0  }
0xfc: {  	s8 =	simm.s32 @!p0 $0xA800;
	[sflag:s26] =	ssyncadd.s32 $0xFFFFF800  }
0xfd: {  	[spmem:s24] =	stream.linear.scatter @!p0 [tilespmem:s8], [sflag:$0x3], $0x800, $0x38;
	[tilespmem:$0x1E8C0] =	vst v63  }
0xfe: {  	s8 =	simm.s32 @!p0 $0x3  }
0xff: {  	_ =	swait.ge @!p0 [sflag:s8], $0x800  }
0x100: {  	[sflag:s8] =	ssyncset.done @!p0 $0x0  }
0x101: {  	[sflag:s8] =	ssyncadd.s32 @!p0 $0xFFFFF800  }
0x102: {  	[bflag:$0x0] =	sbarrier.arrive $0xFFFF  }
0x103: {  	s8 =	simm.s32 $0x0;
	s9 =	rddreg [dreg:$0xe]  }
0x104: {  	[tilespmem:s8], [sflag:$0x3] =	stream.linear.gather [hbm4b:s9+s8], $0x1400, $0x38;
	[tilespmem:$0x1E8C0] =	vst v63  }
0x105: {  	_ =	swait.ge [sflag:s28], $0x1400  }
0x106: {  	[sflag:s28] =	ssyncset.done $0x0  }
0x107: {  	s10 =	rddreg [dreg:$0xf];
	[sflag:s28] =	ssyncadd.s32 $0xFFFFEC00  }
0x108: {  	[tilespmem:s29], [sflag:$0x3] =	stream.linear.gather [hbm4b:s10+s8], $0x1400, $0x38;
	[tilespmem:$0x1E8C0] =	vst v63  }
0x109: {  	_ =	swait.ge [sflag:s28], $0x1400  }
0x10a: {  	[sflag:s28] =	ssyncset.done $0x0  }
0x10b: {  	[sflag:s28] =	ssyncadd.s32 $0xFFFFEC00  }
0x10c: {  	[tilespmem:s31], [sflag:$0x1] =	stream.indirect.gather [hbm4b:s4+s30], $0x80, s8, s30, $0xb8;
	[tilespmem:$0x1E8C0] =	vst v63  }
0x10d: {  	_ = 	snop  }
0x10e: {  	[tilespmem:s0], [sflag:$0x2] =	stream.indirect.gather [hbm4b:s4+s30], $0x80, s30, s30, $0xb8;
	[tilespmem:$0x1E8C0] =	vst v63  }
0x10f: {  	_ =	swait.ge [sflag:s26], $0x4000  }
0x110: {  	[sflag:s26] =	ssyncset.done $0x0  }
0x111: {  	s10 =	simm.s32 $0x1400;
	[sflag:s26] =	ssyncadd.s32 $0xFFFFC000  }
0x112: {  	[spmem:s1] =	stream.indirect.scatter.add.f32 [tilespmem:s31], [sflag:$0x3], $0x80, s10, s30, $0xb8;
	[tilespmem:$0x1E8C0] =	vst v63  }
0x113: {  	_ =	swait.ge [sflag:s28], $0x4000  }
0x114: {  	[sflag:s28] =	ssyncset.done $0x0  }
0x115: {  	s9 =	simm.s32 $0x100;
	[sflag:s28] =	ssyncadd.s32 $0xFFFFC000  }
0x116: {  	[tilespmem:s31], [sflag:$0x1] =	stream.indirect.gather [hbm4b:s4+s30], $0x80, s9, s30, $0xb8;
	[tilespmem:$0x1E8C0] =	vst v63  }
0x117: {  	_ =	swait.ge [sflag:s3], $0x4000  }
0x118: {  	[sflag:s3] =	ssyncset.done $0x0  }
0x119: {  	s10 =	simm.s32 $0x1480;
	[sflag:s3] =	ssyncadd.s32 $0xFFFFC000  }
0x11a: {  	[spmem:s1] =	stream.indirect.scatter.add.f32 [tilespmem:s0], [sflag:$0x3], $0x80, s10, s30, $0xb8;
	[tilespmem:$0x1E8C0] =	vst v63  }
0x11b: {  	_ =	swait.ge [sflag:s28], $0x4000  }
0x11c: {  	[sflag:s28] =	ssyncset.done $0x0  }
0x11d: {  	s8 =	simm.s32 $0x400;
	s9 =	simm.s32 $0x180;
	[sflag:s28] =	ssyncadd.s32 $0xFFFFC000  }
.LBB2_4:
0x11e: {  	[tilespmem:s0], [sflag:$0x2] =	stream.indirect.gather [hbm4b:s4+s30], $0x80, s9, s30, $0xb8;
	[tilespmem:$0x1E8C0] =	vst v63  }
0x11f: {  	s9 =	smov.u32 s8  }
0x120: {  	p1 =	sne.s32 s8, $0x4800;
	s8 =	sadd.s32 $0x400, s8;
	_ =	swait.ge [sflag:s26], $0x4000  }
0x121: {  	s9 =	sshra.s32 s9, $0x2;
	[sflag:s26] =	ssyncset.done $0x0  }
0x122: {  	s10 =	sadd.s32 $0x1400, s9;
	[sflag:s26] =	ssyncadd.s32 $0xFFFFC000  }
0x123: {  	[spmem:s1] =	stream.indirect.scatter.add.f32 [tilespmem:s31], [sflag:$0x3], $0x80, s10, s30, $0xb8;
	[tilespmem:$0x1E8C0] =	vst v63  }
0x124: {  	_ =	swait.ge [sflag:s28], $0x4000  }
0x125: {  	[sflag:s28] =	ssyncset.done $0x0  }
0x126: {  	s10 =	sadd.s32 $0x100, s9;
	[sflag:s28] =	ssyncadd.s32 $0xFFFFC000  }
0x127: {  	[tilespmem:s31], [sflag:$0x1] =	stream.indirect.gather [hbm4b:s4+s30], $0x80, s10, s30, $0xb8;
	[tilespmem:$0x1E8C0] =	vst v63  }
0x128: {  	_ =	swait.ge [sflag:s3], $0x4000  }
0x129: {  	[sflag:s3] =	ssyncset.done $0x0  }
.Ltmp1:
0x12a: {  	s10 =	sadd.s32 $0x1480, s9;
	[sflag:s3] =	ssyncadd.s32 $0xFFFFC000;
	(pc) =	sbr.rel @p1 .LBB2_4-.Ltmp1, $4  }
0x12b: {  	[spmem:s1] =	stream.indirect.scatter.add.f32 [tilespmem:s0], [sflag:$0x3], $0x80, s10, s30, $0xb8;
	[tilespmem:$0x1E8C0] =	vst v63  }
0x12c: {  	_ =	swait.ge [sflag:s28], $0x4000  }
0x12d: {  	[sflag:s28] =	ssyncset.done $0x0  }
0x12e: {  	s9 =	sadd.s32 $0x180, s9;
	[sflag:s28] =	ssyncadd.s32 $0xFFFFC000  }
0x12f: {  	[tilespmem:s0], [sflag:$0x2] =	stream.indirect.gather [hbm4b:s4+s30], $0x80, s9, s30, $0xb8;
	[tilespmem:$0x1E8C0] =	vst v63  }
0x130: {  	_ =	swait.ge [sflag:s26], $0x4000  }
0x131: {  	[sflag:s26] =	ssyncset.done $0x0  }
0x132: {  	[sflag:s26] =	ssyncadd.s32 $0xFFFFC000  }
0x133: {  	[spmem:s1] =	stream.indirect.scatter.add.f32 [tilespmem:s31], [sflag:$0x3], $0x80, s6, s30, $0xb8;
	[tilespmem:$0x1E8C0] =	vst v63  }
0x134: {  	_ =	swait.ge [sflag:s28], $0x4000  }
0x135: {  	[sflag:s28] =	ssyncset.done $0x0  }
0x136: {  	[sflag:s28] =	ssyncadd.s32 $0xFFFFC000  }
0x137: {  	_ =	swait.ge [sflag:s3], $0x4000  }
0x138: {  	[sflag:s3] =	ssyncset.done $0x0  }
0x139: {  	[sflag:s3] =	ssyncadd.s32 $0xFFFFC000  }
0x13a: {  	[spmem:s1] =	stream.indirect.scatter.add.f32 [tilespmem:s0], [sflag:$0x3], $0x80, s7, s30, $0xb8;
	[tilespmem:$0x1E8C0] =	vst v63  }
0x13b: {  	_ =	swait.ge [sflag:s28], $0x4000  }
0x13c: {  	[sflag:s28] =	ssyncset.done $0x0  }
0x13d: {  	s8 =	simm.s32 $0x0;
	s10 =	rddreg [dreg:$0x10];
	[sflag:s28] =	ssyncadd.s32 $0xFFFFC000  }
0x13e: {  	[tilespmem:s8], [sflag:$0x3] =	stream.linear.gather [hbm4b:s10+s8], $0x1400, $0x38;
	[tilespmem:$0x1E8C0] =	vst v63  }
0x13f: {  	_ =	swait.ge [sflag:s28], $0x1400  }
0x140: {  	[sflag:s28] =	ssyncset.done $0x0  }
0x141: {  	s10 =	rddreg [dreg:$0x11];
	[sflag:s28] =	ssyncadd.s32 $0xFFFFEC00  }
0x142: {  	[tilespmem:s29], [sflag:$0x3] =	stream.linear.gather [hbm4b:s10+s8], $0x1400, $0x38;
	[tilespmem:$0x1E8C0] =	vst v63  }
0x143: {  	_ =	swait.ge [sflag:s28], $0x1400  }
0x144: {  	[sflag:s28] =	ssyncset.done $0x0  }
0x145: {  	[sflag:s28] =	ssyncadd.s32 $0xFFFFEC00  }
0x146: {  	[tilespmem:s31], [sflag:$0x1] =	stream.indirect.gather [hbm4b:s4+s30], $0x80, s8, s30, $0xb8;
	[tilespmem:$0x1E8C0] =	vst v63  }
0x147: {  	_ = 	snop  }
0x148: {  	[tilespmem:s0], [sflag:$0x2] =	stream.indirect.gather [hbm4b:s4+s30], $0x80, s30, s30, $0xb8;
	[tilespmem:$0x1E8C0] =	vst v63  }
0x149: {  	_ =	swait.ge [sflag:s26], $0x4000  }
0x14a: {  	[sflag:s26] =	ssyncset.done $0x0  }
0x14b: {  	s10 =	simm.s32 $0x1400;
	[sflag:s26] =	ssyncadd.s32 $0xFFFFC000  }
0x14c: {  	[spmem:s1] =	stream.indirect.scatter.add.f32 [tilespmem:s31], [sflag:$0x3], $0x80, s10, s30, $0xb8;
	[tilespmem:$0x1E8C0] =	vst v63  }
0x14d: {  	_ =	swait.ge [sflag:s28], $0x4000  }
0x14e: {  	[sflag:s28] =	ssyncset.done $0x0  }
0x14f: {  	s9 =	simm.s32 $0x100;
	[sflag:s28] =	ssyncadd.s32 $0xFFFFC000  }
0x150: {  	[tilespmem:s31], [sflag:$0x1] =	stream.indirect.gather [hbm4b:s4+s30], $0x80, s9, s30, $0xb8;
	[tilespmem:$0x1E8C0] =	vst v63  }
0x151: {  	_ =	swait.ge [sflag:s3], $0x4000  }
0x152: {  	[sflag:s3] =	ssyncset.done $0x0  }
0x153: {  	s10 =	simm.s32 $0x1480;
	[sflag:s3] =	ssyncadd.s32 $0xFFFFC000  }
0x154: {  	[spmem:s1] =	stream.indirect.scatter.add.f32 [tilespmem:s0], [sflag:$0x3], $0x80, s10, s30, $0xb8;
	[tilespmem:$0x1E8C0] =	vst v63  }
0x155: {  	_ =	swait.ge [sflag:s28], $0x4000  }
0x156: {  	[sflag:s28] =	ssyncset.done $0x0  }
0x157: {  	s8 =	simm.s32 $0x400;
	s9 =	simm.s32 $0x180;
	[sflag:s28] =	ssyncadd.s32 $0xFFFFC000  }
.LBB2_6:
0x158: {  	[tilespmem:s0], [sflag:$0x2] =	stream.indirect.gather [hbm4b:s4+s30], $0x80, s9, s30, $0xb8;
	[tilespmem:$0x1E8C0] =	vst v63  }
0x159: {  	s9 =	smov.u32 s8  }
0x15a: {  	p1 =	sne.s32 s8, $0x4800;
	s8 =	sadd.s32 $0x400, s8;
	_ =	swait.ge [sflag:s26], $0x4000  }
0x15b: {  	s9 =	sshra.s32 s9, $0x2;
	[sflag:s26] =	ssyncset.done $0x0  }
0x15c: {  	s10 =	sadd.s32 $0x1400, s9;
	[sflag:s26] =	ssyncadd.s32 $0xFFFFC000  }
0x15d: {  	[spmem:s1] =	stream.indirect.scatter.add.f32 [tilespmem:s31], [sflag:$0x3], $0x80, s10, s30, $0xb8;
	[tilespmem:$0x1E8C0] =	vst v63  }
0x15e: {  	_ =	swait.ge [sflag:s28], $0x4000  }
0x15f: {  	[sflag:s28] =	ssyncset.done $0x0  }
0x160: {  	s10 =	sadd.s32 $0x100, s9;
	[sflag:s28] =	ssyncadd.s32 $0xFFFFC000  }
0x161: {  	[tilespmem:s31], [sflag:$0x1] =	stream.indirect.gather [hbm4b:s4+s30], $0x80, s10, s30, $0xb8;
	[tilespmem:$0x1E8C0] =	vst v63  }
0x162: {  	_ =	swait.ge [sflag:s3], $0x4000  }
0x163: {  	[sflag:s3] =	ssyncset.done $0x0  }
.Ltmp2:
0x164: {  	s10 =	sadd.s32 $0x1480, s9;
	[sflag:s3] =	ssyncadd.s32 $0xFFFFC000;
	(pc) =	sbr.rel @p1 .LBB2_6-.Ltmp2, $4  }
0x165: {  	[spmem:s1] =	stream.indirect.scatter.add.f32 [tilespmem:s0], [sflag:$0x3], $0x80, s10, s30, $0xb8;
	[tilespmem:$0x1E8C0] =	vst v63  }
0x166: {  	_ =	swait.ge [sflag:s28], $0x4000  }
0x167: {  	[sflag:s28] =	ssyncset.done $0x0  }
0x168: {  	s9 =	sadd.s32 $0x180, s9;
	[sflag:s28] =	ssyncadd.s32 $0xFFFFC000  }
0x169: {  	[tilespmem:s0], [sflag:$0x2] =	stream.indirect.gather [hbm4b:s4+s30], $0x80, s9, s30, $0xb8;
	[tilespmem:$0x1E8C0] =	vst v63  }
0x16a: {  	_ =	swait.ge [sflag:s26], $0x4000  }
0x16b: {  	[sflag:s26] =	ssyncset.done $0x0  }
0x16c: {  	[sflag:s26] =	ssyncadd.s32 $0xFFFFC000  }
0x16d: {  	[spmem:s1] =	stream.indirect.scatter.add.f32 [tilespmem:s31], [sflag:$0x3], $0x80, s6, s30, $0xb8;
	[tilespmem:$0x1E8C0] =	vst v63  }
0x16e: {  	_ =	swait.ge [sflag:s28], $0x4000  }
0x16f: {  	[sflag:s28] =	ssyncset.done $0x0  }
0x170: {  	[sflag:s28] =	ssyncadd.s32 $0xFFFFC000  }
0x171: {  	_ =	swait.ge [sflag:s3], $0x4000  }
0x172: {  	[sflag:s3] =	ssyncset.done $0x0  }
0x173: {  	[sflag:s3] =	ssyncadd.s32 $0xFFFFC000  }
0x174: {  	[spmem:s1] =	stream.indirect.scatter.add.f32 [tilespmem:s0], [sflag:$0x3], $0x80, s7, s30, $0xb8;
	[tilespmem:$0x1E8C0] =	vst v63  }
0x175: {  	_ =	swait.ge [sflag:s28], $0x4000  }
0x176: {  	[sflag:s28] =	ssyncset.done $0x0  }
0x177: {  	s8 =	stileid.u32;
	[sflag:s28] =	ssyncadd.s32 $0xFFFFC000  }
0x178: {  	s8 =	sshll.u32 s8, $0x6;
	[bflag:$0x0] =	sbarrier.arrive $0xFFFF  }
0x179: {  	s9 =	sshrl.u32 s5, $0x3;
	s8 =	sor.u32 $0x1C03, s8;
	s10 =	rddreg [dreg:$0x13]  }
0x17a: {  	[hbm:s10], [sflag:s8] =	dma.local [spmem:s9], $0x2700  }
0x17b: {  	_ =	swait.ge [sflag:s28], $0x2700  }
0x17c: {  	[sflag:s28] =	ssyncset.done $0x0  }
0x17d: {  	s9 =	sshrl.u32 @!p0 s24, $0x3;
	s10 =	rddreg [dreg:$0x15];
	[sflag:s28] =	ssyncadd.s32 $0xFFFFD900  }
0x17e: {  	[hbm:s10], [sflag:s8] =	dma.local @!p0 [spmem:s9], $0x100  }
0x17f: {  	s8 =	simm.s32 @!p0 $0x3  }
0x180: {  	_ =	swait.ge @!p0 [sflag:s8], $0x100  }
0x181: {  	s2 =	sadd.s32 $0x1, s2;
	s10 =	rddreg [dreg:$0x16]  }
0x182: {  	p1 =	sne.s32 s2, s10  }
.Ltmp3:
0x183: {  	_ = 	snop;
	(pc) =	sbr.rel @p1 .LBB2_1-.Ltmp3, $3  }
0x184: {  	_ =	sdelay $0x1  }
0x185: {  	[sflag:s8] =	ssyncset.done @!p0 $0x0  }
0x186: {  	[sflag:s8] =	ssyncadd.s32 @!p0 $0xFFFFFF00  }
0x187: {  	_ =	sfence.sel $0x180000  }
0x188: {  	[bflag:$0x0] =	sbarrier.arrive $0xFFFF  }
0x189: {  	_ =	strace $0x9000004A  }
0x18a: {  	s0 =	stileid.u32;
	[bflag:$0x2] =	sbarrier.arrive $0xFFFF  }
0x18b: {  	p0 =	sne.s32 s0, $0x0;
	s0 =	rddreg [dreg:$0x2]  }
0x18c: {  	s0 =	sadd.s32 @!p0 $0x100000, s0  }
0x18d: {  	[sflag:s0] =	ssyncadd.tile.s32 @!p0 $0x1;
	_ =	shalt  }
.Lfunc_end2:
_tile_overlayer_lowered:
.L_overlay_start_2:
0x18e: {  	(tag) =	ssettag $0x2  }
0x18f: {  	s0 =	rddreg [dreg:$0x0];
	s2 =	stileid.u32  }
0x190: {  	s1 =	rddreg [dreg:$0x1];
	p0 =	sne.s32 s2, $0x0  }
0x191: {  	s3 =	rddreg [dreg:$0x2];
	[bflag:$0x3] =	sbarrier.arrive $0xFFFF;
	s2 =	simm.s32 @!p0 $0x1C03  }
0x192: {  	[timem:s3], [sflag:s2] =	dma.local @!p0 [hbm:s0], s1  }
0x193: {  	s0 =	simm.s32 @!p0 $0x3  }
0x194: {  	_ =	swait.ge @!p0 [sflag:s0], s1  }
0x195: {  	s1 =	ssub.s32 @!p0 $0x0, s1;
	[sflag:s0] =	ssyncset.done @!p0 $0x0  }
0x196: {  	[sflag:s0] =	ssyncadd.s32 @!p0 s1  }
0x197: {  	[bflag:$0x3] =	sbarrier.arrive $0xFFFF  }
0x198: {  	_ =	shalt  }

// kernel: kernel.15.cloned.1.call-start
scs
__scs_entry_jumppad:
0x0: {  	(pc) =	sbr.rel $0x88, $3  }
0x1: {  	(tag) =	ssettag $0x0;
	lr =	simm.s32 $0x1  }
0x2: {  	[smem:$0x3F99] =	sst lr;
	_ =	strace $0xD0000000  }
0x3: {  	_ = 	snop  }
0x4: {  	_ = 	snop  }
0x5: {  	_ = 	snop  }
0x6: {  	_ = 	snop  }
0x7: {  	_ = 	snop  }
__scs_overlays_trampoline_lowered:
0x8: {  	[smem:$0x3FA8] =	sst s0  }
0x9: {  	[smem:$0x3FA9] =	sst s1  }
0xa: {  	[smem:$0x3FAA] =	sst s2  }
0xb: {  	[smem:$0x3FAB] =	sst s3  }
0xc: {  	[smem:$0x3FAC] =	sst s4  }
0xd: {  	[smem:$0x3FAD] =	sst s5  }
0xe: {  	[smem:$0x3FAE] =	sst s6  }
0xf: {  	[smem:$0x3FAF] =	sst s7  }
0x10: {  	[smem:$0x3FB0] =	sst s8  }
0x11: {  	[smem:$0x3FB1] =	sst s9;
	s0 =	simm.s32 @!p0 $0x0  }
0x12: {  	s1 =	sld [smem:$0x3F97];
	s0 =	simm.s32 @p0 $0x1  }
0x13: {  	[smem:$0x3FB2] =	sst s0;
	s0 =	simm.s32 @!p1 $0x0  }
0x14: {  	s2 =	sld [smem:$0x3F96];
	s0 =	simm.s32 @p1 $0x1  }
0x15: {  	[smem:$0x3FB3] =	sst s0;
	s0 =	simm.s32 @!p2 $0x0  }
0x16: {  	s3 =	sld [smem:$0x3FDB];
	s0 =	simm.s32 @p2 $0x1  }
0x17: {  	s4 =	simm.s32 $0x1BF5;
	[smem:$0x3FB5] =	sst s0  }
0x18: {  	s0 =	sld [smem:$0x3F98];
	_ =	swait.ge [sflag:s4], $0x0  }
0x19: {  	s7 =	sld [smem:$0x3F99]  }
0x1a: {  	s8 =	sadd.s32 $0xFFFFE003, lr  }
0x1b: {  	s9 =	sadd.s32 $0xFFFFFEF7, lr;
	s5 =	simm.s32 $0xFFFFFFFF;
	p2 =	slt.u32 s8, $0xFFFFF086  }
0x1c: {  	p1 =	slt.u32 s9, $0xF7A;
	s5 =	simm.s32 @!p2 $0x0  }
0x1d: {  	s5 =	simm.s32 @p1 $0x1;
	p0 =	seq.s32 s7, s2  }
0x1e: {  	s7 =	smul.u32 @!p0 $0xF7A, s2;
	p2 =	seq.s32 @!p0 s5, $0x0  }
0x1f: {  	s9 =	smul.u32 $0xF7A, s1;
	s8 =	simm.s32 @!p0 $0x1BF5;
	p2 =	por !p2, p0  }
0x20: {  	[sflag:s8] =	ssyncset.s32 @!p0 $0xFFFFF086;
	s6 =	sadd.s32 @!p0 s3, s7;
	s7 =	simm.s32 @!p0 $0x108  }
0x21: {  	s3 =	sadd.s32 s3, s9;
	s6 =	sadd.s32 @!p0 $0x88, s6;
	s7 =	simm.s32 @p2 $0x1082  }
0x22: {  	[simem:s7], [sflag:s8] =	dma.local @!p0 [hbm:s6], $0xF7A  }
0x23: {  	s9 =	sor.u32 $0xD0000000, s2;
	s6 =	simm.s32 $0x108;
	_ =	swait.ge @!p0 [sflag:s8], $0x0  }
0x24: {  	s3 =	sadd.s32 $0x88, s3;
	s6 =	simm.s32 @!p1 $0x1082;
	[sflag:s4] =	ssyncset.s32 $0xFFFFF086  }
0x25: {  	[simem:s6], [sflag:s4] =	dma.local [hbm:s3], $0xF7A  }
0x26: {  	[smem:$0x3F99] =	sst s1;
	(tag) =	ssettag s2;
	_ =	strace s9  }
0x27: {  	s1 =	sld [smem:$0x3FA9]  }
0x28: {  	s2 =	sld [smem:$0x3FAA]  }
0x29: {  	s4 =	sld [smem:$0x3FAC]  }
0x2a: {  	p0 =	seq.s32 s5, $0x0;
	s5 =	sld [smem:$0x3FAD]  }
0x2b: {  	s6 =	sld [smem:$0x3FAE]  }
0x2c: {  	s7 =	sld [smem:$0x3FAF]  }
0x2d: {  	s3 =	simm.s32 $0x108;
	s8 =	sld [smem:$0x3FB0]  }
0x2e: {  	s3 =	simm.s32 @!p0 $0x1082;
	s9 =	sld [smem:$0x3FB1]  }
0x2f: {  	lr =	sadd.s32 s0, s3;
	s0 =	sld [smem:$0x3FA8]  }
0x30: {  	s3 =	sld [smem:$0x3FAB]  }
0x31: {  	[smem:$0x3FB4] =	sst s10  }
0x32: {  	s10 =	sld [smem:$0x3FB2];
	_ =	sdelay $0x3  }
0x33: {  	p0 =	seq.s32 s10, $0x1;
	s10 =	sld [smem:$0x3FB4];
	_ =	sdelay $0x3  }
0x34: {  	[smem:$0x3FB4] =	sst s10  }
0x35: {  	s10 =	sld [smem:$0x3FB3];
	_ =	sdelay $0x3  }
0x36: {  	p1 =	seq.s32 s10, $0x1;
	s10 =	sld [smem:$0x3FB4];
	_ =	sdelay $0x3  }
0x37: {  	[smem:$0x3FB4] =	sst s10  }
0x38: {  	s10 =	sld [smem:$0x3FB5]  }
0x39: {  	_ = 	snop;
	(pc) =	sbr.ind lr, $3  }
0x3a: {  	_ = 	snop  }
0x3b: {  	_ = 	snop  }
0x3c: {  	p2 =	seq.s32 s10, $0x1;
	s10 =	sld [smem:$0x3FB4]  }
0x3d: {  	_ =	shalt  }
0x3e: {  	_ =	shalt  }
0x3f: {  	_ =	shalt  }
0x40: {  	_ =	shalt  }
0x41: {  	_ =	shalt  }
0x42: {  	_ =	shalt  }
0x43: {  	_ =	shalt  }
0x44: {  	_ =	shalt  }
0x45: {  	_ =	shalt  }
0x46: {  	_ =	shalt  }
0x47: {  	_ =	shalt  }
0x48: {  	_ =	shalt  }
0x49: {  	_ =	shalt  }
0x4a: {  	_ =	shalt  }
0x4b: {  	_ =	shalt  }
0x4c: {  	_ =	shalt  }
0x4d: {  	_ =	shalt  }
0x4e: {  	_ =	shalt  }
0x4f: {  	_ =	shalt  }
0x50: {  	_ =	shalt  }
0x51: {  	_ =	shalt  }
0x52: {  	_ =	shalt  }
0x53: {  	_ =	shalt  }
0x54: {  	_ =	shalt  }
0x55: {  	_ =	shalt  }
0x56: {  	_ =	shalt  }
0x57: {  	_ =	shalt  }
0x58: {  	_ =	shalt  }
0x59: {  	_ =	shalt  }
0x5a: {  	_ =	shalt  }
0x5b: {  	_ =	shalt  }
0x5c: {  	_ =	shalt  }
0x5d: {  	_ =	shalt  }
0x5e: {  	_ =	shalt  }
0x5f: {  	_ =	shalt  }
0x60: {  	_ =	shalt  }
0x61: {  	_ =	shalt  }
0x62: {  	_ =	shalt  }
0x63: {  	_ =	shalt  }
0x64: {  	_ =	shalt  }
0x65: {  	_ =	shalt  }
0x66: {  	_ =	shalt  }
0x67: {  	_ =	shalt  }
0x68: {  	_ =	shalt  }
0x69: {  	_ =	shalt  }
0x6a: {  	_ =	shalt  }
0x6b: {  	_ =	shalt  }
0x6c: {  	_ =	shalt  }
0x6d: {  	_ =	shalt  }
0x6e: {  	_ =	shalt  }
0x6f: {  	_ =	shalt  }
0x70: {  	_ =	shalt  }
0x71: {  	_ =	shalt  }
0x72: {  	_ =	shalt  }
0x73: {  	_ =	shalt  }
0x74: {  	_ =	shalt  }
0x75: {  	_ =	shalt  }
0x76: {  	_ =	shalt  }
0x77: {  	_ =	shalt  }
0x78: {  	_ =	shalt  }
0x79: {  	_ =	shalt  }
0x7a: {  	_ =	shalt  }
0x7b: {  	_ =	shalt  }
0x7c: {  	_ =	shalt  }
0x7d: {  	_ =	shalt  }
0x7e: {  	_ =	shalt  }
0x7f: {  	_ =	shalt  }
0x80: {  	_ =	shalt  }
0x81: {  	_ =	shalt  }
0x82: {  	_ =	shalt  }
0x83: {  	_ =	shalt  }
0x84: {  	_ =	shalt  }
0x85: {  	_ =	shalt  }
0x86: {  	_ =	shalt  }
0x87: {  	_ =	shalt  }
.Lfunc_end0:
.L_simem_size_0:
called_computation.2_lowered:
.L_overlay_start_0:
0x88: {  	s2 =	sld [smem:$0x3FD9]  }
0x89: {  	s3 =	sld [smem:$0x3FFE];
	_ =	sdelay $0x1  }
0x8a: {  	s1 =	srdreg.scid  }
0x8b: {  	s0 =	sand.u32 $0x1, s1  }
0x8c: {  	s17 =	sshll.u32 s0, $0xA;
	s2 =	sadd.s32 s3, s2  }
0x8d: {  	s2 =	sadd.s32 s2, s17  }
0x8e: {  	[smem:$0x3FC0] =	sst s2  }
0x8f: {  	_ = 	snop  }
0x90: {  	s2 =	sld [smem:$0x3FC2];
	(tm) =	ssettm $0x1  }
0x91: {  	s18 =	sld [smem:$0x3FFB];
	_ =	sdelay $0x3  }
0x92: {  	_ =	strace s18  }
0x93: {  	s3 =	sld [smem:$0x3FFC];
	_ =	sdelay $0x3  }
0x94: {  	_ =	strace s3  }
0x95: {  	s3 =	sld [smem:$0x3FFD];
	_ =	sdelay $0x3  }
0x96: {  	_ =	strace s3  }
0x97: {  	_ =	strace $0x8FFFFFFF  }
0x98: {  	s19 =	sld [smem:$0x3FDB];
	_ =	sdelay $0x1  }
0x99: {  	s4 =	simm.s32 $_scs_section_size  }
0x9a: {  	s5 =	simm.s32 $_size__tile_overlayer_lowered;
	s6 =	simm.s32 $_tile_overlayer_lowered  }
0x9b: {  	s22 =	simm.s32 $0x1BFF;
	s21 =	sshll.u32 s6, $0x1;
	s3 =	sadd.s32 s4, s19  }
0x9c: {  	s7 =	simm.s32 $0x0;
	s20 =	sshll.u32 s5, $0x1;
	s5 =	sadd.s32 s21, s3  }
0x9d: {  	[timem:s7], [sflag:s22] =	dma.local [hbm:s5], s20  }
0x9e: {  	_ =	swait.ge [sflag:s22], s20  }
0x9f: {  	s4 =	ssub.s32 $0x0, s20;
	[sflag:s22] =	ssyncset.done $0x0  }
0xa0: {  	[sflag:s22] =	ssyncadd.s32 s4;
	_ =	sdelay $0x1  }
0xa1: {  	s23 =	simm.s32 $0x1B8B  }
0xa2: {  	_ =	swait.ge [sflag:s23], $0x1  }
0xa3: {  	[sflag:s23] =	ssyncset.done $0x0  }
0xa4: {  	s25 =	simm.s32 $0x1B8E;
	s24 =	sld [smem:$0x3FFE];
	[sflag:s23] =	ssyncadd.s32 $0xFFFFFFFF  }
0xa5: {  	s26 =	simm.s32 $execute0_lowered;
	[smem:$0x3FD2] =	sst s25  }
0xa6: {  	s5 =	sshll.u32 s26, $0x1;
	_ =	strace $0x8000004C;
	[dreg:$0x1] =	wrdreg $0xFFFFFFFF  }
0xa7: {  	s28 =	simm.s32 $_size_execute0_lowered;
	s3 =	sadd.s32 s3, s5;
	[dreg:$0x0] =	wrdreg $0x0  }
0xa8: {  	s5 =	sshll.u32 s28, $0x1;
	[dreg:$0x2] =	wrdreg s3  }
0xa9: {  	[dreg:$0x3] =	wrdreg s5  }
0xaa: {  	[dreg:$0x4] =	wrdreg $0xC0  }
0xab: {  	_ =	task [dreg:s7], $0x5FFFF  }
0xac: {  	[dreg:$0x1] =	wrdreg $0xFFFFFFFF  }
0xad: {  	[dreg:$0x0] =	wrdreg $0x60  }
0xae: {  	[dreg:$0x2] =	wrdreg s24  }
0xaf: {  	[dreg:$0x3] =	wrdreg s2  }
0xb0: {  	[dreg:$0x4] =	wrdreg $0xB0000  }
0xb1: {  	[dreg:$0x5] =	wrdreg $0x9  }
0xb2: {  	_ =	task.clear_ibuf [dreg:s7], $0x6FFFF;
	_ =	strace $0x9000004C  }
0xb3: {  	s29 =	simm.s32 $0x9;
	_ =	strace $0x8000004E  }
0xb4: {  	_ =	swait.ge [sflag:s29], $0x1  }
0xb5: {  	[sflag:s29] =	ssyncadd.s32 $0xFFFFFFFF  }
0xb6: {  	_ =	strace $0x9000004E  }
0xb7: {  	_ =	sfence  }
0xb8: {  	s30 =	sld [smem:$0x0];
	_ =	sdelay $0x2  }
0xb9: {  	s31 =	sshll.u32 s1, $0xD;
	s1 =	sshrl.u32 s1, $0x2  }
0xba: {  	s3 =	sand.u32 $0x4000, s31;
	s1 =	sadd.s32 s1, s30  }
0xbb: {  	s0 =	sor.u32 s3, s0;
	s1 =	sshll.u32 s1, $0x11  }
0xbc: {  	s0 =	sor.u32 s1, s0  }
0xbd: {  	s0 =	sadd.s32 $0x8F2B, s0  }
0xbe: {  	[sflag:s0] =	ssyncadd.remote.s32 $0x1  }
0xbf: {  	_ =	sfence.sel $0xFFFF  }
0xc0: {  	[dreg:$0x0] =	wrdreg $0xFFFFFFFF;
	(pc) =	sbr.abs _section_cstart, $3  }
0xc1: {  	[dreg:$0x1] =	wrdreg $0xFFFFFFFF  }
0xc2: {  	_ =	task.clear_ibuf [dreg:s7], $0x2FFFF;
	_ =	strace $0x9FFFFFFF  }
0xc3: {  	(tm) =	ssettm $0x7FFFFFFF  }
tec
execute0_lowered:
.L_overlay_start_1:
0x0: {  	(tag) =	ssettag $0x1  }
0x1: {  	s0 =	rddreg [dreg:$0x0]  }
0x2: {  	s3 =	rddreg [dreg:$0x1]  }
0x3: {  	s1 =	rddreg [dreg:$0x2]  }
0x4: {  	s2 =	simm.s32 $0x0;
	s5 =	srdreg.scid;
	s17 =	stileid.u32  }
0x5: {  	[smem:$0x7FF] =	sst s2;
	s6 =	smul.u32 $0x4E000, s17  }
0x6: {  	s7 =	sadd.s32 $0x29600, s0;
	s9 =	sand.u32 $0x1, s5;
	s21 =	sshll.u32 s17, $0x5  }
0x7: {  	p1 =	sne.s32 s17, $0xF;
	_ =	strace $0x8000004D;
	s6 =	sshrl.u32 s6, $0x2  }
0x8: {  	s11 =	sshll.u32 s9, $0x4;
	s12 =	ssub.s32 $0x2, s9;
	s6 =	sadd.s32 s6, s1  }
0x9: {  	s20 =	smul.u32 $0x38000, s9;
	s22 =	sand.u32 $0x180, s21;
	s28 =	sadd.s32 $0x800, s6  }
0xa: {  	p0 =	sne.s32 s9, $0x0;
	s14 =	sadd.s32 $0x1000, s6;
	[dreg:$0x4] =	wrdreg s28  }
0xb: {  	s11 =	sor.u32 s17, s11;
	s15 =	sadd.s32 $0x1800, s6;
	[dreg:$0x5] =	wrdreg s14  }
0xc: {  	s13 =	sshrl.u32 s12, $0x1;
	s16 =	sadd.s32 $0x2000, s6;
	[dreg:$0x6] =	wrdreg s15  }
0xd: {  	s11 =	smul.u32 $0x2800, s11;
	s9 =	sadd.s32 $0x9000, s6;
	[dreg:$0x7] =	wrdreg s16  }
0xe: {  	s12 =	ssub.s32 s12, s13;
	s13 =	sadd.s32 $0xB000, s6;
	[dreg:$0x1e] =	wrdreg s9  }
0xf: {  	s11 =	sshrl.u32 s11, $0x3;
	s28 =	sadd.s32 $0x2800, s6;
	[smem:$0x7F1] =	sst s13  }
0x10: {  	s15 =	sadd.s32 s3, s21;
	s21 =	smax.u32 s12, $0x1;
	[dreg:$0xc] =	wrdreg s28  }
0x11: {  	s3 =	sadd.s32 s3, s22;
	s22 =	sadd.s32 $0x4800, s6;
	[dreg:$0x14] =	wrdreg s21  }
0x12: {  	s14 =	smul.u32 $0x3800, s17;
	s12 =	sadd.s32 $0xA800, s6;
	[dreg:$0x15] =	wrdreg s22  }
0x13: {  	s16 =	sshllo.u32 s17, $0x1;
	s17 =	sadd.s32 $0xC000, s6;
	[smem:$0x7F0] =	sst s12  }
0x14: {  	s8 =	sadd.s32 $0x33600, s0;
	s18 =	sadd.s32 s7, s11;
	[smem:$0x7F3] =	sst s17  }
0x15: {  	s19 =	sadd.s32 $0x280, s11;
	s11 =	sadd.s32 s8, s11;
	[dreg:$0x8] =	wrdreg s18  }
0x16: {  	s4 =	sadd.s32 $0x2400, s0;
	s28 =	sadd.s32 $0x7000, s6;
	[dreg:$0x9] =	wrdreg s11  }
0x17: {  	s5 =	sadd.s32 $0x3D600, s0;
	s21 =	sadd.s32 $0xE000, s6;
	[dreg:$0x1a] =	wrdreg s28  }
0x18: {  	s10 =	sadd.s32 $0x64800, s0;
	s22 =	sadd.s32 $0xE800, s6;
	[smem:$0x7F7] =	sst s21  }
0x19: {  	s0 =	sadd.s32 $0x72800, s0;
	s7 =	sadd.s32 s7, s19;
	[smem:$0x7F8] =	sst s22  }
0x1a: {  	s23 =	smul.u32 $0x1C00, s16;
	s8 =	sadd.s32 s8, s19;
	[dreg:$0xa] =	wrdreg s7  }
0x1b: {  	s24 =	sshll.u32 s16, $0x4;
	s19 =	sadd.s32 $0x3800, s6;
	[dreg:$0xb] =	wrdreg s8  }
0x1c: {  	s11 =	sand.u32 $0x70, s24;
	s24 =	sadd.s32 $0x5800, s6;
	[dreg:$0x12] =	wrdreg s19  }
0x1d: {  	s25 =	sadd.s32 s14, s20;
	s28 =	sadd.s32 $0x11000, s6;
	[dreg:$0x17] =	wrdreg s24  }
0x1e: {  	s16 =	sadd.s32 s11, s3;
	s11 =	sadd.s32 $0x3000, s6;
	[smem:$0x7FD] =	sst s28  }
0x1f: {  	s7 =	sadd.s32 s20, s23;
	s20 =	sadd.s32 $0x4000, s6;
	[dreg:$0xf] =	wrdreg s11  }
0x20: {  	s18 =	sshrl.u32 s23, $0x3;
	s23 =	sadd.s32 $0x5000, s6;
	[dreg:$0x13] =	wrdreg s20  }
0x21: {  	s8 =	sshrl.u32 s25, $0x3;
	s25 =	sadd.s32 $0x6000, s6;
	[dreg:$0x16] =	wrdreg s23  }
0x22: {  	s29 =	sadd.s32 $0x11800, s6;
	s19 =	sadd.s32 $0xD000, s6;
	[dreg:$0x18] =	wrdreg s25  }
0x23: {  	s30 =	sadd.s32 $0x12000, s6;
	s24 =	sadd.s32 $0xF800, s6;
	[smem:$0x7F5] =	sst s19  }
0x24: {  	s31 =	sadd.s32 $0x12800, s6;
	s8 =	sadd.s32 s10, s8;
	[smem:$0x7FA] =	sst s24  }
0x25: {  	s26 =	sshrl.u32 s7, $0x3;
	s7 =	sadd.s32 $0x8000, s6;
	[dreg:$0xd] =	wrdreg s8  }
0x26: {  	s9 =	simm.s32 $0x3;
	s11 =	sadd.s32 $0xA000, s6;
	[dreg:$0x1c] =	wrdreg s7  }
0x27: {  	s13 =	simm.s32 $0x6800;
	s20 =	sadd.s32 $0xD800, s6;
	[smem:$0x7EF] =	sst s11  }
0x28: {  	s12 =	simm.s32 $0x2800;
	s23 =	sadd.s32 $0xF000, s6;
	[smem:$0x7F6] =	sst s20  }
0x29: {  	s17 =	simm.s32 $0x2700;
	s25 =	sadd.s32 $0x10000, s6;
	[smem:$0x7F9] =	sst s23  }
0x2a: {  	s14 =	sshrl.u32 s14, $0x3;
	s3 =	sadd.s32 s10, s26;
	[smem:$0x7FB] =	sst s25  }
0x2b: {  	s21 =	simm.s32 $0x0;
	s26 =	sadd.s32 $0x6800, s6;
	[dreg:$0xe] =	wrdreg s3  }
0x2c: {  	s19 =	simm.s32 $0x400;
	s8 =	sadd.s32 $0x8800, s6;
	[dreg:$0x19] =	wrdreg s26  }
0x2d: {  	s10 =	sadd.s32 $0x9800, s6;
	s7 =	simm.s32 $0xA800;
	[dreg:$0x1d] =	wrdreg s8  }
0x2e: {  	s11 =	simm.s32 $0x80;
	s3 =	sadd.s32 s0, s14;
	[dreg:$0x1f] =	wrdreg s10  }
0x2f: {  	s20 =	simm.s32 $0x32;
	s0 =	sadd.s32 s0, s18;
	[dreg:$0x10] =	wrdreg s3  }
0x30: {  	s14 =	sadd.s32 $0xB800, s6;
	s18 =	sadd.s32 $0xC800, s6;
	[dreg:$0x11] =	wrdreg s0  }
0x31: {  	s26 =	sadd.s32 $0x10800, s6;
	s8 =	simm.s32 $0x1;
	[smem:$0x7F2] =	sst s14  }
0x32: {  	s10 =	simm.s32 $0x1400;
	s3 =	sadd.s32 $0x7800, s6;
	[smem:$0x7F4] =	sst s18  }
0x33: {  	[smem:$0x7FC] =	sst s26;
	s0 =	sadd.s32 $0x13000, s6;
	s14 =	simm.s32 $0x2  }
0x34: {  	v0 =	vimm.f32 $0.0e+00;
	s18 =	simm.s32 $0x2780;
	[dreg:$0x1b] =	wrdreg s3;
	s3 =	sadd.s32 $0x138000, s1  }
.LBB2_1:
0x35: {  	s22 =	simm.s32 $0x0;
	s23 =	simm.s32 $0x200  }
.LBB2_2:
0x36: {  	p2 =	sne.s32 s23, $0x1E00;
	[tilespmem:s22+$0xA870] =	vst v0  }
0x37: {  	[tilespmem:s22+$0xA800] =	vst v0  }
0x38: {  	[tilespmem:s22+$0xA810] =	vst v0  }
.Ltmp0:
0x39: {  	[tilespmem:s22+$0xA820] =	vst v0;
	(pc) =	sbr.rel @p2 .LBB2_2-.Ltmp0, $4  }
0x3a: {  	[tilespmem:s22+$0xA830] =	vst v0  }
0x3b: {  	[tilespmem:s22+$0xA840] =	vst v0  }
0x3c: {  	[tilespmem:s22+$0xA850] =	vst v0  }
0x3d: {  	[tilespmem:s22+$0xA860] =	vst v0;
	s22 =	sshra.s32 s23, $0x2;
	s23 =	sadd.s32 $0x200, s23  }
0x3e: {  	[tilespmem:s22+$0xA870] =	vst v0  }
0x3f: {  	[tilespmem:s22+$0xA800] =	vst v0  }
0x40: {  	[tilespmem:s22+$0xA810] =	vst v0  }
0x41: {  	[tilespmem:s22+$0xA820] =	vst v0  }
0x42: {  	[tilespmem:s22+$0xA830] =	vst v0  }
0x43: {  	[tilespmem:s22+$0xA840] =	vst v0  }
0x44: {  	[tilespmem:s22+$0xA850] =	vst v0  }
0x45: {  	[tilespmem:s22+$0xA860] =	vst v0;
	s23 =	rddreg [dreg:$0x4]  }
0x46: {  	[spmem:s6] =	stream.linear.scatter [tilespmem:s7], [sflag:$0x1], $0x800, $0x38;
	[tilespmem:$0x1E8C0] =	vst v63  }
0x47: {  	s24 =	rddreg [dreg:$0x5]  }
0x48: {  	[spmem:s23] =	stream.linear.scatter [tilespmem:s7], [sflag:$0x1], $0x800, $0x38;
	[tilespmem:$0x1E8C0] =	vst v63  }
0x49: {  	s25 =	rddreg [dreg:$0x6]  }
0x4a: {  	[spmem:s24] =	stream.linear.scatter [tilespmem:s7], [sflag:$0x1], $0x800, $0x38;
	[tilespmem:$0x1E8C0] =	vst v63  }
0x4b: {  	s26 =	rddreg [dreg:$0x7]  }
0x4c: {  	[spmem:s25] =	stream.linear.scatter [tilespmem:s7], [sflag:$0x1], $0x800, $0x38;
	[tilespmem:$0x1E8C0] =	vst v63  }
0x4d: {  	s28 =	rddreg [dreg:$0xc]  }
0x4e: {  	[spmem:s26] =	stream.linear.scatter [tilespmem:s7], [sflag:$0x1], $0x800, $0x38;
	[tilespmem:$0x1E8C0] =	vst v63  }
0x4f: {  	s23 =	rddreg [dreg:$0xf]  }
0x50: {  	[spmem:s28] =	stream.linear.scatter [tilespmem:s7], [sflag:$0x1], $0x800, $0x38;
	[tilespmem:$0x1E8C0] =	vst v63  }
0x51: {  	s24 =	rddreg [dreg:$0x12]  }
0x52: {  	[spmem:s23] =	stream.linear.scatter [tilespmem:s7], [sflag:$0x1], $0x800, $0x38;
	[tilespmem:$0x1E8C0] =	vst v63  }
0x53: {  	s25 =	rddreg [dreg:$0x13]  }
0x54: {  	[spmem:s24] =	stream.linear.scatter [tilespmem:s7], [sflag:$0x1], $0x800, $0x38;
	[tilespmem:$0x1E8C0] =	vst v63  }
0x55: {  	s26 =	rddreg [dreg:$0x15]  }
0x56: {  	[spmem:s25] =	stream.linear.scatter [tilespmem:s7], [sflag:$0x1], $0x800, $0x38;
	[tilespmem:$0x1E8C0] =	vst v63  }
0x57: {  	s28 =	rddreg [dreg:$0x16]  }
0x58: {  	[spmem:s26] =	stream.linear.scatter [tilespmem:s7], [sflag:$0x1], $0x800, $0x38;
	[tilespmem:$0x1E8C0] =	vst v63  }
0x59: {  	s23 =	rddreg [dreg:$0x17]  }
0x5a: {  	[spmem:s28] =	stream.linear.scatter [tilespmem:s7], [sflag:$0x1], $0x800, $0x38;
	[tilespmem:$0x1E8C0] =	vst v63  }
0x5b: {  	s24 =	rddreg [dreg:$0x18]  }
0x5c: {  	[spmem:s23] =	stream.linear.scatter [tilespmem:s7], [sflag:$0x1], $0x800, $0x38;
	[tilespmem:$0x1E8C0] =	vst v63  }
0x5d: {  	s25 =	rddreg [dreg:$0x19]  }
0x5e: {  	[spmem:s24] =	stream.linear.scatter [tilespmem:s7], [sflag:$0x1], $0x800, $0x38;
	[tilespmem:$0x1E8C0] =	vst v63  }
0x5f: {  	s26 =	rddreg [dreg:$0x1a]  }
0x60: {  	[spmem:s25] =	stream.linear.scatter [tilespmem:s7], [sflag:$0x1], $0x800, $0x38;
	[tilespmem:$0x1E8C0] =	vst v63  }
0x61: {  	s28 =	rddreg [dreg:$0x1b]  }
0x62: {  	[spmem:s26] =	stream.linear.scatter [tilespmem:s7], [sflag:$0x1], $0x800, $0x38;
	[tilespmem:$0x1E8C0] =	vst v63  }
0x63: {  	s23 =	rddreg [dreg:$0x1c]  }
0x64: {  	[spmem:s28] =	stream.linear.scatter [tilespmem:s7], [sflag:$0x1], $0x800, $0x38;
	[tilespmem:$0x1E8C0] =	vst v63  }
0x65: {  	s24 =	rddreg [dreg:$0x1d]  }
0x66: {  	[spmem:s23] =	stream.linear.scatter [tilespmem:s7], [sflag:$0x1], $0x800, $0x38;
	[tilespmem:$0x1E8C0] =	vst v63  }
0x67: {  	s25 =	rddreg [dreg:$0x1e]  }
0x68: {  	[spmem:s24] =	stream.linear.scatter [tilespmem:s7], [sflag:$0x1], $0x800, $0x38;
	[tilespmem:$0x1E8C0] =	vst v63  }
0x69: {  	s26 =	rddreg [dreg:$0x1f]  }
0x6a: {  	[spmem:s25] =	stream.linear.scatter [tilespmem:s7], [sflag:$0x1], $0x800, $0x38;
	[tilespmem:$0x1E8C0] =	vst v63  }
0x6b: {  	s28 =	sld [smem:$0x7EF]  }
0x6c: {  	[spmem:s26] =	stream.linear.scatter [tilespmem:s7], [sflag:$0x1], $0x800, $0x38;
	[tilespmem:$0x1E8C0] =	vst v63  }
0x6d: {  	s23 =	sld [smem:$0x7F0]  }
0x6e: {  	[spmem:s28] =	stream.linear.scatter [tilespmem:s7], [sflag:$0x1], $0x800, $0x38;
	[tilespmem:$0x1E8C0] =	vst v63  }
0x6f: {  	s24 =	sld [smem:$0x7F1]  }
0x70: {  	[spmem:s23] =	stream.linear.scatter [tilespmem:s7], [sflag:$0x1], $0x800, $0x38;
	[tilespmem:$0x1E8C0] =	vst v63  }
0x71: {  	s25 =	sld [smem:$0x7F2]  }
0x72: {  	[spmem:s24] =	stream.linear.scatter [tilespmem:s7], [sflag:$0x1], $0x800, $0x38;
	[tilespmem:$0x1E8C0] =	vst v63  }
0x73: {  	s26 =	sld [smem:$0x7F3]  }
0x74: {  	[spmem:s25] =	stream.linear.scatter [tilespmem:s7], [sflag:$0x1], $0x800, $0x38;
	[tilespmem:$0x1E8C0] =	vst v63  }
0x75: {  	s28 =	sld [smem:$0x7F4]  }
0x76: {  	[spmem:s26] =	stream.linear.scatter [tilespmem:s7], [sflag:$0x1], $0x800, $0x38;
	[tilespmem:$0x1E8C0] =	vst v63  }
0x77: {  	s23 =	sld [smem:$0x7F5]  }
0x78: {  	[spmem:s28] =	stream.linear.scatter [tilespmem:s7], [sflag:$0x1], $0x800, $0x38;
	[tilespmem:$0x1E8C0] =	vst v63  }
0x79: {  	s24 =	sld [smem:$0x7F6]  }
0x7a: {  	[spmem:s23] =	stream.linear.scatter [tilespmem:s7], [sflag:$0x1], $0x800, $0x38;
	[tilespmem:$0x1E8C0] =	vst v63  }
0x7b: {  	s25 =	sld [smem:$0x7F7]  }
0x7c: {  	[spmem:s24] =	stream.linear.scatter [tilespmem:s7], [sflag:$0x1], $0x800, $0x38;
	[tilespmem:$0x1E8C0] =	vst v63  }
0x7d: {  	s26 =	sld [smem:$0x7F8]  }
0x7e: {  	[spmem:s25] =	stream.linear.scatter [tilespmem:s7], [sflag:$0x1], $0x800, $0x38;
	[tilespmem:$0x1E8C0] =	vst v63  }
0x7f: {  	s28 =	sld [smem:$0x7F9]  }
0x80: {  	[spmem:s26] =	stream.linear.scatter [tilespmem:s7], [sflag:$0x1], $0x800, $0x38;
	[tilespmem:$0x1E8C0] =	vst v63  }
0x81: {  	s23 =	sld [smem:$0x7FA]  }
0x82: {  	[spmem:s28] =	stream.linear.scatter [tilespmem:s7], [sflag:$0x1], $0x800, $0x38;
	[tilespmem:$0x1E8C0] =	vst v63  }
0x83: {  	s24 =	sld [smem:$0x7FB]  }
0x84: {  	[spmem:s23] =	stream.linear.scatter [tilespmem:s7], [sflag:$0x1], $0x800, $0x38;
	[tilespmem:$0x1E8C0] =	vst v63  }
0x85: {  	s25 =	sld [smem:$0x7FC]  }
0x86: {  	[spmem:s24] =	stream.linear.scatter [tilespmem:s7], [sflag:$0x1], $0x800, $0x38;
	[tilespmem:$0x1E8C0] =	vst v63  }
0x87: {  	s26 =	sld [smem:$0x7FD]  }
0x88: {  	[spmem:s25] =	stream.linear.scatter [tilespmem:s7], [sflag:$0x1], $0x800, $0x38;
	[tilespmem:$0x1E8C0] =	vst v63  }
0x89: {  	_ = 	snop  }
0x8a: {  	[spmem:s26] =	stream.linear.scatter [tilespmem:s7], [sflag:$0x1], $0x800, $0x38;
	[tilespmem:$0x1E8C0] =	vst v63  }
0x8b: {  	_ = 	snop  }
0x8c: {  	[spmem:s29] =	stream.linear.scatter [tilespmem:s7], [sflag:$0x1], $0x800, $0x38;
	[tilespmem:$0x1E8C0] =	vst v63  }
0x8d: {  	_ = 	snop  }
0x8e: {  	[spmem:s30] =	stream.linear.scatter [tilespmem:s7], [sflag:$0x1], $0x800, $0x38;
	[tilespmem:$0x1E8C0] =	vst v63  }
0x8f: {  	_ = 	snop  }
0x90: {  	[spmem:s31] =	stream.linear.scatter [tilespmem:s7], [sflag:$0x1], $0x800, $0x38;
	[tilespmem:$0x1E8C0] =	vst v63  }
0x91: {  	_ = 	snop  }
0x92: {  	[spmem:s0] =	stream.linear.scatter [tilespmem:s7], [sflag:$0x1], $0x800, $0x38;
	[tilespmem:$0x1E8C0] =	vst v63  }
0x93: {  	_ =	swait.ge [sflag:s8], $0x800  }
0x94: {  	[sflag:s8] =	ssyncset.done $0x0  }
0x95: {  	[sflag:s8] =	ssyncadd.s32 $0xFFFFF800  }
0x96: {  	_ =	swait.ge [sflag:s8], $0x800  }
0x97: {  	[sflag:s8] =	ssyncset.done $0x0  }
0x98: {  	[sflag:s8] =	ssyncadd.s32 $0xFFFFF800  }
0x99: {  	_ =	swait.ge [sflag:s8], $0x800  }
0x9a: {  	[sflag:s8] =	ssyncset.done $0x0  }
0x9b: {  	[sflag:s8] =	ssyncadd.s32 $0xFFFFF800  }
0x9c: {  	_ =	swait.ge [sflag:s8], $0x800  }
0x9d: {  	[sflag:s8] =	ssyncset.done $0x0  }
0x9e: {  	[sflag:s8] =	ssyncadd.s32 $0xFFFFF800  }
0x9f: {  	_ =	swait.ge [sflag:s8], $0x800  }
0xa0: {  	[sflag:s8] =	ssyncset.done $0x0  }
0xa1: {  	[sflag:s8] =	ssyncadd.s32 $0xFFFFF800  }
0xa2: {  	_ =	swait.ge [sflag:s8], $0x800  }
0xa3: {  	[sflag:s8] =	ssyncset.done $0x0  }
0xa4: {  	[sflag:s8] =	ssyncadd.s32 $0xFFFFF800  }
0xa5: {  	_ =	swait.ge [sflag:s8], $0x800  }
0xa6: {  	[sflag:s8] =	ssyncset.done $0x0  }
0xa7: {  	[sflag:s8] =	ssyncadd.s32 $0xFFFFF800  }
0xa8: {  	_ =	swait.ge [sflag:s8], $0x800  }
0xa9: {  	[sflag:s8] =	ssyncset.done $0x0  }
0xaa: {  	[sflag:s8] =	ssyncadd.s32 $0xFFFFF800  }
0xab: {  	_ =	swait.ge [sflag:s8], $0x800  }
0xac: {  	[sflag:s8] =	ssyncset.done $0x0  }
0xad: {  	[sflag:s8] =	ssyncadd.s32 $0xFFFFF800  }
0xae: {  	_ =	swait.ge [sflag:s8], $0x800  }
0xaf: {  	[sflag:s8] =	ssyncset.done $0x0  }
0xb0: {  	[sflag:s8] =	ssyncadd.s32 $0xFFFFF800  }
0xb1: {  	_ =	swait.ge [sflag:s8], $0x800  }
0xb2: {  	[sflag:s8] =	ssyncset.done $0x0  }
0xb3: {  	[sflag:s8] =	ssyncadd.s32 $0xFFFFF800  }
0xb4: {  	_ =	swait.ge [sflag:s8], $0x800  }
0xb5: {  	[sflag:s8] =	ssyncset.done $0x0  }
0xb6: {  	[sflag:s8] =	ssyncadd.s32 $0xFFFFF800  }
0xb7: {  	_ =	swait.ge [sflag:s8], $0x800  }
0xb8: {  	[sflag:s8] =	ssyncset.done $0x0  }
0xb9: {  	[sflag:s8] =	ssyncadd.s32 $0xFFFFF800  }
0xba: {  	_ =	swait.ge [sflag:s8], $0x800  }
0xbb: {  	[sflag:s8] =	ssyncset.done $0x0  }
0xbc: {  	[sflag:s8] =	ssyncadd.s32 $0xFFFFF800  }
0xbd: {  	_ =	swait.ge [sflag:s8], $0x800  }
0xbe: {  	[sflag:s8] =	ssyncset.done $0x0  }
0xbf: {  	[sflag:s8] =	ssyncadd.s32 $0xFFFFF800  }
0xc0: {  	_ =	swait.ge [sflag:s8], $0x800  }
0xc1: {  	[sflag:s8] =	ssyncset.done $0x0  }
0xc2: {  	[sflag:s8] =	ssyncadd.s32 $0xFFFFF800  }
0xc3: {  	_ =	swait.ge [sflag:s8], $0x800  }
0xc4: {  	[sflag:s8] =	ssyncset.done $0x0  }
0xc5: {  	[sflag:s8] =	ssyncadd.s32 $0xFFFFF800  }
0xc6: {  	_ =	swait.ge [sflag:s8], $0x800  }
0xc7: {  	[sflag:s8] =	ssyncset.done $0x0  }
0xc8: {  	[sflag:s8] =	ssyncadd.s32 $0xFFFFF800  }
0xc9: {  	_ =	swait.ge [sflag:s8], $0x800  }
0xca: {  	[sflag:s8] =	ssyncset.done $0x0  }
0xcb: {  	[sflag:s8] =	ssyncadd.s32 $0xFFFFF800  }
0xcc: {  	_ =	swait.ge [sflag:s8], $0x800  }
0xcd: {  	[sflag:s8] =	ssyncset.done $0x0  }
0xce: {  	[sflag:s8] =	ssyncadd.s32 $0xFFFFF800  }
0xcf: {  	_ =	swait.ge [sflag:s8], $0x800  }
0xd0: {  	[sflag:s8] =	ssyncset.done $0x0  }
0xd1: {  	[sflag:s8] =	ssyncadd.s32 $0xFFFFF800  }
0xd2: {  	_ =	swait.ge [sflag:s8], $0x800  }
0xd3: {  	[sflag:s8] =	ssyncset.done $0x0  }
0xd4: {  	[sflag:s8] =	ssyncadd.s32 $0xFFFFF800  }
0xd5: {  	_ =	swait.ge [sflag:s8], $0x800  }
0xd6: {  	[sflag:s8] =	ssyncset.done $0x0  }
0xd7: {  	[sflag:s8] =	ssyncadd.s32 $0xFFFFF800  }
0xd8: {  	_ =	swait.ge [sflag:s8], $0x800  }
0xd9: {  	[sflag:s8] =	ssyncset.done $0x0  }
0xda: {  	[sflag:s8] =	ssyncadd.s32 $0xFFFFF800  }
0xdb: {  	_ =	swait.ge [sflag:s8], $0x800  }
0xdc: {  	[sflag:s8] =	ssyncset.done $0x0  }
0xdd: {  	[sflag:s8] =	ssyncadd.s32 $0xFFFFF800  }
0xde: {  	_ =	swait.ge [sflag:s8], $0x800  }
0xdf: {  	[sflag:s8] =	ssyncset.done $0x0  }
0xe0: {  	[sflag:s8] =	ssyncadd.s32 $0xFFFFF800  }
0xe1: {  	_ =	swait.ge [sflag:s8], $0x800  }
0xe2: {  	[sflag:s8] =	ssyncset.done $0x0  }
0xe3: {  	[sflag:s8] =	ssyncadd.s32 $0xFFFFF800  }
0xe4: {  	_ =	swait.ge [sflag:s8], $0x800  }
0xe5: {  	[sflag:s8] =	ssyncset.done $0x0  }
0xe6: {  	[sflag:s8] =	ssyncadd.s32 $0xFFFFF800  }
0xe7: {  	_ =	swait.ge [sflag:s8], $0x800  }
0xe8: {  	[sflag:s8] =	ssyncset.done $0x0  }
0xe9: {  	[sflag:s8] =	ssyncadd.s32 $0xFFFFF800  }
0xea: {  	_ =	swait.ge [sflag:s8], $0x800  }
0xeb: {  	[sflag:s8] =	ssyncset.done $0x0  }
0xec: {  	[sflag:s8] =	ssyncadd.s32 $0xFFFFF800  }
0xed: {  	_ =	swait.ge [sflag:s8], $0x800  }
0xee: {  	[sflag:s8] =	ssyncset.done $0x0  }
0xef: {  	[sflag:s8] =	ssyncadd.s32 $0xFFFFF800  }
0xf0: {  	_ =	swait.ge [sflag:s8], $0x800  }
0xf1: {  	[sflag:s8] =	ssyncset.done $0x0  }
0xf2: {  	[sflag:s8] =	ssyncadd.s32 $0xFFFFF800  }
0xf3: {  	_ =	swait.ge [sflag:s8], $0x800  }
0xf4: {  	[sflag:s8] =	ssyncset.done $0x0  }
0xf5: {  	[sflag:s8] =	ssyncadd.s32 $0xFFFFF800  }
0xf6: {  	_ =	swait.ge [sflag:s8], $0x800  }
0xf7: {  	[sflag:s8] =	ssyncset.done $0x0  }
0xf8: {  	[sflag:s8] =	ssyncadd.s32 $0xFFFFF800  }
0xf9: {  	_ =	swait.ge [sflag:s8], $0x800  }
0xfa: {  	[sflag:s8] =	ssyncset.done $0x0  }
0xfb: {  	[sflag:s8] =	ssyncadd.s32 $0xFFFFF800  }
0xfc: {  	_ =	swait.ge [sflag:s8], $0x800  }
0xfd: {  	[sflag:s8] =	ssyncset.done $0x0  }
0xfe: {  	[sflag:s8] =	ssyncadd.s32 $0xFFFFF800  }
0xff: {  	_ =	swait.ge [sflag:s8], $0x800  }
0x100: {  	[sflag:s8] =	ssyncset.done $0x0  }
0x101: {  	[sflag:s8] =	ssyncadd.s32 $0xFFFFF800  }
0x102: {  	_ =	swait.ge [sflag:s8], $0x800  }
0x103: {  	[sflag:s8] =	ssyncset.done $0x0  }
0x104: {  	[sflag:s8] =	ssyncadd.s32 $0xFFFFF800  }
0x105: {  	_ =	swait.ge [sflag:s8], $0x800  }
0x106: {  	[sflag:s8] =	ssyncset.done $0x0  }
0x107: {  	s22 =	simm.s32 @!p1 $0xA800;
	[sflag:s8] =	ssyncadd.s32 $0xFFFFF800  }
0x108: {  	[spmem:s3] =	stream.linear.scatter @!p1 [tilespmem:s22], [sflag:$0x3], $0x800, $0x38;
	[tilespmem:$0x1E8C0] =	vst v63  }
0x109: {  	s22 =	simm.s32 @!p1 $0x3  }
0x10a: {  	_ =	swait.ge @!p1 [sflag:s22], $0x800  }
0x10b: {  	[sflag:s22] =	ssyncset.done @!p1 $0x0  }
0x10c: {  	[sflag:s22] =	ssyncadd.s32 @!p1 $0xFFFFF800  }
0x10d: {  	[bflag:$0x0] =	sbarrier.arrive $0xFFFF  }
0x10e: {  	s28 =	simm.s32 $0x0;
	s23 =	rddreg [dreg:$0x8]  }
0x10f: {  	[tilespmem:s28], [sflag:$0x3] =	stream.linear.gather [hbm4b:s23+s28], $0x1400, $0x38;
	[tilespmem:$0x1E8C0] =	vst v63  }
0x110: {  	_ =	swait.ge [sflag:s9], $0x1400  }
0x111: {  	[sflag:s9] =	ssyncset.done $0x0  }
0x112: {  	s24 =	rddreg [dreg:$0x9];
	[sflag:s9] =	ssyncadd.s32 $0xFFFFEC00  }
0x113: {  	[tilespmem:s10], [sflag:$0x3] =	stream.linear.gather [hbm4b:s24+s28], $0x1400, $0x38;
	[tilespmem:$0x1E8C0] =	vst v63  }
0x114: {  	_ =	swait.ge [sflag:s9], $0x1400  }
0x115: {  	[sflag:s9] =	ssyncset.done $0x0  }
0x116: {  	[sflag:s9] =	ssyncadd.s32 $0xFFFFEC00  }
0x117: {  	[tilespmem:s12], [sflag:$0x1] =	stream.indirect.gather [hbm4b:s4+s11], $0x80, s28, s11, $0xb8;
	[tilespmem:$0x1E8C0] =	vst v63  }
0x118: {  	_ = 	snop  }
0x119: {  	[tilespmem:s13], [sflag:$0x2] =	stream.indirect.gather [hbm4b:s4+s11], $0x80, s11, s11, $0xb8;
	[tilespmem:$0x1E8C0] =	vst v63  }
0x11a: {  	_ =	swait.ge [sflag:s8], $0x4000  }
0x11b: {  	[sflag:s8] =	ssyncset.done $0x0  }
0x11c: {  	s25 =	simm.s32 $0x1400;
	[sflag:s8] =	ssyncadd.s32 $0xFFFFC000  }
0x11d: {  	[spmem:s1] =	stream.indirect.scatter.add.f32 [tilespmem:s12], [sflag:$0x3], $0x80, s25, s11, $0xb8;
	[tilespmem:$0x1E8C0] =	vst v63  }
0x11e: {  	_ =	swait.ge [sflag:s9], $0x4000  }
0x11f: {  	[sflag:s9] =	ssyncset.done $0x0  }
0x120: {  	s26 =	simm.s32 $0x100;
	[sflag:s9] =	ssyncadd.s32 $0xFFFFC000  }
0x121: {  	[tilespmem:s12], [sflag:$0x1] =	stream.indirect.gather [hbm4b:s4+s11], $0x80, s26, s11, $0xb8;
	[tilespmem:$0x1E8C0] =	vst v63  }
0x122: {  	_ =	swait.ge [sflag:s14], $0x4000  }
0x123: {  	[sflag:s14] =	ssyncset.done $0x0  }
0x124: {  	s28 =	simm.s32 $0x1480;
	[sflag:s14] =	ssyncadd.s32 $0xFFFFC000  }
0x125: {  	[spmem:s1] =	stream.indirect.scatter.add.f32 [tilespmem:s13], [sflag:$0x3], $0x80, s28, s11, $0xb8;
	[tilespmem:$0x1E8C0] =	vst v63  }
0x126: {  	_ =	swait.ge [sflag:s9], $0x4000  }
0x127: {  	[sflag:s9] =	ssyncset.done $0x0  }
0x128: {  	s22 =	simm.s32 $0x400;
	s23 =	simm.s32 $0x180;
	[sflag:s9] =	ssyncadd.s32 $0xFFFFC000  }
.LBB2_4:
0x129: {  	[tilespmem:s13], [sflag:$0x2] =	stream.indirect.gather [hbm4b:s4+s11], $0x80, s23, s11, $0xb8;
	[tilespmem:$0x1E8C0] =	vst v63  }
0x12a: {  	s23 =	smov.u32 s22  }
0x12b: {  	p2 =	sne.s32 s22, $0x4800;
	s22 =	sadd.s32 $0x400, s22;
	_ =	swait.ge [sflag:s8], $0x4000  }
0x12c: {  	s23 =	sshra.s32 s23, $0x2;
	[sflag:s8] =	ssyncset.done $0x0  }
0x12d: {  	s24 =	sadd.s32 $0x1400, s23;
	[sflag:s8] =	ssyncadd.s32 $0xFFFFC000  }
0x12e: {  	[spmem:s1] =	stream.indirect.scatter.add.f32 [tilespmem:s12], [sflag:$0x3], $0x80, s24, s11, $0xb8;
	[tilespmem:$0x1E8C0] =	vst v63  }
0x12f: {  	_ =	swait.ge [sflag:s9], $0x4000  }
0x130: {  	[sflag:s9] =	ssyncset.done $0x0  }
0x131: {  	s24 =	sadd.s32 $0x100, s23;
	[sflag:s9] =	ssyncadd.s32 $0xFFFFC000  }
0x132: {  	[tilespmem:s12], [sflag:$0x1] =	stream.indirect.gather [hbm4b:s4+s11], $0x80, s24, s11, $0xb8;
	[tilespmem:$0x1E8C0] =	vst v63  }
0x133: {  	_ =	swait.ge [sflag:s14], $0x4000  }
0x134: {  	[sflag:s14] =	ssyncset.done $0x0  }
.Ltmp1:
0x135: {  	s24 =	sadd.s32 $0x1480, s23;
	[sflag:s14] =	ssyncadd.s32 $0xFFFFC000;
	(pc) =	sbr.rel @p2 .LBB2_4-.Ltmp1, $4  }
0x136: {  	[spmem:s1] =	stream.indirect.scatter.add.f32 [tilespmem:s13], [sflag:$0x3], $0x80, s24, s11, $0xb8;
	[tilespmem:$0x1E8C0] =	vst v63  }
0x137: {  	_ =	swait.ge [sflag:s9], $0x4000  }
0x138: {  	[sflag:s9] =	ssyncset.done $0x0  }
0x139: {  	s23 =	sadd.s32 $0x180, s23;
	[sflag:s9] =	ssyncadd.s32 $0xFFFFC000  }
0x13a: {  	[tilespmem:s13], [sflag:$0x2] =	stream.indirect.gather [hbm4b:s4+s11], $0x80, s23, s11, $0xb8;
	[tilespmem:$0x1E8C0] =	vst v63  }
0x13b: {  	_ =	swait.ge [sflag:s8], $0x4000  }
0x13c: {  	[sflag:s8] =	ssyncset.done $0x0  }
0x13d: {  	[sflag:s8] =	ssyncadd.s32 $0xFFFFC000  }
0x13e: {  	[spmem:s1] =	stream.indirect.scatter.add.f32 [tilespmem:s12], [sflag:$0x3], $0x80, s17, s11, $0xb8;
	[tilespmem:$0x1E8C0] =	vst v63  }
0x13f: {  	_ =	swait.ge [sflag:s9], $0x4000  }
0x140: {  	[sflag:s9] =	ssyncset.done $0x0  }
0x141: {  	[sflag:s9] =	ssyncadd.s32 $0xFFFFC000  }
0x142: {  	_ =	swait.ge [sflag:s14], $0x4000  }
0x143: {  	[sflag:s14] =	ssyncset.done $0x0  }
0x144: {  	[sflag:s14] =	ssyncadd.s32 $0xFFFFC000  }
0x145: {  	[spmem:s1] =	stream.indirect.scatter.add.f32 [tilespmem:s13], [sflag:$0x3], $0x80, s18, s11, $0xb8;
	[tilespmem:$0x1E8C0] =	vst v63  }
0x146: {  	_ =	swait.ge [sflag:s9], $0x4000  }
0x147: {  	[sflag:s9] =	ssyncset.done $0x0  }
0x148: {  	s22 =	simm.s32 $0x0;
	s28 =	rddreg [dreg:$0xa];
	[sflag:s9] =	ssyncadd.s32 $0xFFFFC000  }
0x149: {  	[tilespmem:s22], [sflag:$0x3] =	stream.linear.gather [hbm4b:s28+s22], $0x1400, $0x38;
	[tilespmem:$0x1E8C0] =	vst v63  }
0x14a: {  	_ =	swait.ge [sflag:s9], $0x1400  }
0x14b: {  	[sflag:s9] =	ssyncset.done $0x0  }
0x14c: {  	s24 =	rddreg [dreg:$0xb];
	[sflag:s9] =	ssyncadd.s32 $0xFFFFEC00  }
0x14d: {  	[tilespmem:s10], [sflag:$0x3] =	stream.linear.gather [hbm4b:s24+s22], $0x1400, $0x38;
	[tilespmem:$0x1E8C0] =	vst v63  }
0x14e: {  	_ =	swait.ge [sflag:s9], $0x1400  }
0x14f: {  	[sflag:s9] =	ssyncset.done $0x0  }
0x150: {  	[sflag:s9] =	ssyncadd.s32 $0xFFFFEC00  }
0x151: {  	[tilespmem:s12], [sflag:$0x1] =	stream.indirect.gather [hbm4b:s4+s11], $0x80, s22, s11, $0xb8;
	[tilespmem:$0x1E8C0] =	vst v63  }
0x152: {  	_ = 	snop  }
0x153: {  	[tilespmem:s13], [sflag:$0x2] =	stream.indirect.gather [hbm4b:s4+s11], $0x80, s11, s11, $0xb8;
	[tilespmem:$0x1E8C0] =	vst v63  }
0x154: {  	_ =	swait.ge [sflag:s8], $0x4000  }
0x155: {  	[sflag:s8] =	ssyncset.done $0x0  }
0x156: {  	s25 =	simm.s32 $0x1400;
	[sflag:s8] =	ssyncadd.s32 $0xFFFFC000  }
0x157: {  	[spmem:s1] =	stream.indirect.scatter.add.f32 [tilespmem:s12], [sflag:$0x3], $0x80, s25, s11, $0xb8;
	[tilespmem:$0x1E8C0] =	vst v63  }
0x158: {  	_ =	swait.ge [sflag:s9], $0x4000  }
0x159: {  	[sflag:s9] =	ssyncset.done $0x0  }
0x15a: {  	s26 =	simm.s32 $0x100;
	[sflag:s9] =	ssyncadd.s32 $0xFFFFC000  }
0x15b: {  	[tilespmem:s12], [sflag:$0x1] =	stream.indirect.gather [hbm4b:s4+s11], $0x80, s26, s11, $0xb8;
	[tilespmem:$0x1E8C0] =	vst v63  }
0x15c: {  	_ =	swait.ge [sflag:s14], $0x4000  }
0x15d: {  	[sflag:s14] =	ssyncset.done $0x0  }
0x15e: {  	s28 =	simm.s32 $0x1480;
	[sflag:s14] =	ssyncadd.s32 $0xFFFFC000  }
0x15f: {  	[spmem:s1] =	stream.indirect.scatter.add.f32 [tilespmem:s13], [sflag:$0x3], $0x80, s28, s11, $0xb8;
	[tilespmem:$0x1E8C0] =	vst v63  }
0x160: {  	_ =	swait.ge [sflag:s9], $0x4000  }
0x161: {  	[sflag:s9] =	ssyncset.done $0x0  }
0x162: {  	s23 =	simm.s32 $0x180;
	s22 =	simm.s32 $0x400;
	[sflag:s9] =	ssyncadd.s32 $0xFFFFC000  }
.LBB2_6:
0x163: {  	[tilespmem:s13], [sflag:$0x2] =	stream.indirect.gather [hbm4b:s4+s11], $0x80, s23, s11, $0xb8;
	[tilespmem:$0x1E8C0] =	vst v63  }
0x164: {  	s23 =	smov.u32 s22  }
0x165: {  	p2 =	sne.s32 s22, $0x4800;
	s22 =	sadd.s32 $0x400, s22;
	_ =	swait.ge [sflag:s8], $0x4000  }
0x166: {  	s23 =	sshra.s32 s23, $0x2;
	[sflag:s8] =	ssyncset.done $0x0  }
0x167: {  	s24 =	sadd.s32 $0x1400, s23;
	[sflag:s8] =	ssyncadd.s32 $0xFFFFC000  }
0x168: {  	[spmem:s1] =	stream.indirect.scatter.add.f32 [tilespmem:s12], [sflag:$0x3], $0x80, s24, s11, $0xb8;
	[tilespmem:$0x1E8C0] =	vst v63  }
0x169: {  	_ =	swait.ge [sflag:s9], $0x4000  }
0x16a: {  	[sflag:s9] =	ssyncset.done $0x0  }
0x16b: {  	s24 =	sadd.s32 $0x100, s23;
	[sflag:s9] =	ssyncadd.s32 $0xFFFFC000  }
0x16c: {  	[tilespmem:s12], [sflag:$0x1] =	stream.indirect.gather [hbm4b:s4+s11], $0x80, s24, s11, $0xb8;
	[tilespmem:$0x1E8C0] =	vst v63  }
0x16d: {  	_ =	swait.ge [sflag:s14], $0x4000  }
0x16e: {  	[sflag:s14] =	ssyncset.done $0x0  }
.Ltmp2:
0x16f: {  	s24 =	sadd.s32 $0x1480, s23;
	[sflag:s14] =	ssyncadd.s32 $0xFFFFC000;
	(pc) =	sbr.rel @p2 .LBB2_6-.Ltmp2, $4  }
0x170: {  	[spmem:s1] =	stream.indirect.scatter.add.f32 [tilespmem:s13], [sflag:$0x3], $0x80, s24, s11, $0xb8;
	[tilespmem:$0x1E8C0] =	vst v63  }
0x171: {  	_ =	swait.ge [sflag:s9], $0x4000  }
0x172: {  	[sflag:s9] =	ssyncset.done $0x0  }
0x173: {  	s23 =	sadd.s32 $0x180, s23;
	[sflag:s9] =	ssyncadd.s32 $0xFFFFC000  }
0x174: {  	[tilespmem:s13], [sflag:$0x2] =	stream.indirect.gather [hbm4b:s4+s11], $0x80, s23, s11, $0xb8;
	[tilespmem:$0x1E8C0] =	vst v63  }
0x175: {  	_ =	swait.ge [sflag:s8], $0x4000  }
0x176: {  	[sflag:s8] =	ssyncset.done $0x0  }
0x177: {  	[sflag:s8] =	ssyncadd.s32 $0xFFFFC000  }
0x178: {  	[spmem:s1] =	stream.indirect.scatter.add.f32 [tilespmem:s12], [sflag:$0x3], $0x80, s17, s11, $0xb8;
	[tilespmem:$0x1E8C0] =	vst v63  }
0x179: {  	_ =	swait.ge [sflag:s9], $0x4000  }
0x17a: {  	[sflag:s9] =	ssyncset.done $0x0  }
0x17b: {  	[sflag:s9] =	ssyncadd.s32 $0xFFFFC000  }
0x17c: {  	_ =	swait.ge [sflag:s14], $0x4000  }
0x17d: {  	[sflag:s14] =	ssyncset.done $0x0  }
0x17e: {  	[sflag:s14] =	ssyncadd.s32 $0xFFFFC000  }
0x17f: {  	[spmem:s1] =	stream.indirect.scatter.add.f32 [tilespmem:s13], [sflag:$0x3], $0x80, s18, s11, $0xb8;
	[tilespmem:$0x1E8C0] =	vst v63  }
0x180: {  	_ =	swait.ge [sflag:s9], $0x4000  }
0x181: {  	[sflag:s9] =	ssyncset.done $0x0  }
0x182: {  	[sflag:s9] =	ssyncadd.s32 $0xFFFFC000  }
0x183: {  	[bflag:$0x0] =	sbarrier.arrive $0xFFFF  }
0x184: {  	[tilespmem:s2], [sflag:$0x3] =	stream.strided.gather [hbm4b:s15+s11], $0x0, s19, s11, $0x38;
	[tilespmem:$0x1E8C0] =	vst v63  }
0x185: {  	_ = 	snop  }
0x186: {  	[tilespmem:s2], [sflag:$0x3] =	stream.linear.gather [hbm4b:s15+s2], $0x32, $0x38;
	[tilespmem:$0x1E8C0] =	vst v63  }
0x187: {  	_ =	swait.ge [sflag:s9], $0x32  }
0x188: {  	[sflag:s9] =	ssyncset.done $0x0  }
0x189: {  	[sflag:s9] =	ssyncadd.s32 $0xFFFFFFCE  }
0x18a: {  	[tilespmem:s12], [sflag:$0x1] =	stream.indirect.gather [spmem:s1], $0x80, s2, s20, $0xb8;
	[tilespmem:$0x1E8C0] =	vst v63  }
0x18b: {  	_ =	swait.ge [sflag:s8], $0x1900  }
0x18c: {  	[sflag:s8] =	ssyncset.done $0x0  }
0x18d: {  	s22 =	rddreg [dreg:$0xd];
	[sflag:s8] =	ssyncadd.s32 $0xFFFFE700  }
0x18e: {  	[hbm4b:s22+s2] =	stream.linear.scatter [tilespmem:s12], [sflag:$0x3], $0x1900, $0x38;
	[tilespmem:$0x1E8C0] =	vst v63  }
0x18f: {  	_ =	swait.ge [sflag:s9], $0x1900  }
0x190: {  	s23 =	simm.s32 @!p0 $0x0;
	s24 =	simm.s32 @!p0 $0x6800;
	[sflag:s9] =	ssyncset.done $0x0  }
0x191: {  	s25 =	simm.s32 @!p0 $0x2;
	s22 =	simm.s32 @!p0 $0x32;
	[sflag:s9] =	ssyncadd.s32 $0xFFFFE700  }
0x192: {  	[tilespmem:s24], [sflag:$0x2] =	stream.indirect.gather @!p0 [hbm4b:s5+s22], $0x80, s23, s22, $0xb8;
	[tilespmem:$0x1E8C0] =	vst v63  }
0x193: {  	_ =	swait.ge @!p0 [sflag:s25], $0x1900  }
0x194: {  	[sflag:s25] =	ssyncset.done @!p0 $0x0  }
0x195: {  	s26 =	rddreg [dreg:$0x10];
	[sflag:s25] =	ssyncadd.s32 @!p0 $0xFFFFE700  }
0x196: {  	[hbm4b:s26+s23] =	stream.linear.scatter @!p0 [tilespmem:s24], [sflag:$0x3], $0x1900, $0x38;
	[tilespmem:$0x1E8C0] =	vst v63  }
0x197: {  	s26 =	simm.s32 @!p0 $0x3  }
0x198: {  	_ =	swait.ge @!p0 [sflag:s26], $0x1900  }
0x199: {  	[sflag:s26] =	ssyncset.done @!p0 $0x0  }
0x19a: {  	[sflag:s26] =	ssyncadd.s32 @!p0 $0xFFFFE700  }
0x19b: {  	[tilespmem:s2], [sflag:$0x3] =	stream.strided.gather [hbm4b:s16+s11], $0x0, s19, s11, $0x38;
	[tilespmem:$0x1E8C0] =	vst v63  }
0x19c: {  	_ = 	snop  }
0x19d: {  	[tilespmem:s2], [sflag:$0x3] =	stream.linear.gather [hbm4b:s16+s2], $0x32, $0x38;
	[tilespmem:$0x1E8C0] =	vst v63  }
0x19e: {  	_ =	swait.ge [sflag:s9], $0x32  }
0x19f: {  	[sflag:s9] =	ssyncset.done $0x0  }
0x1a0: {  	[sflag:s9] =	ssyncadd.s32 $0xFFFFFFCE  }
0x1a1: {  	[tilespmem:s12], [sflag:$0x1] =	stream.indirect.gather [spmem:s1], $0x80, s2, s20, $0xb8;
	[tilespmem:$0x1E8C0] =	vst v63  }
0x1a2: {  	_ =	swait.ge [sflag:s8], $0x1900  }
0x1a3: {  	[sflag:s8] =	ssyncset.done $0x0  }
0x1a4: {  	s28 =	rddreg [dreg:$0xe];
	[sflag:s8] =	ssyncadd.s32 $0xFFFFE700  }
0x1a5: {  	[hbm4b:s28+s2] =	stream.linear.scatter [tilespmem:s12], [sflag:$0x3], $0x1900, $0x38;
	[tilespmem:$0x1E8C0] =	vst v63  }
0x1a6: {  	_ =	swait.ge [sflag:s9], $0x1900  }
0x1a7: {  	[sflag:s9] =	ssyncset.done $0x0  }
0x1a8: {  	[sflag:s9] =	ssyncadd.s32 $0xFFFFE700  }
0x1a9: {  	[tilespmem:s24], [sflag:$0x2] =	stream.indirect.gather @!p0 [hbm4b:s5+s22], $0x80, s23, s22, $0xb8;
	[tilespmem:$0x1E8C0] =	vst v63  }
0x1aa: {  	_ =	swait.ge @!p0 [sflag:s25], $0x1900  }
0x1ab: {  	[sflag:s25] =	ssyncset.done @!p0 $0x0  }
0x1ac: {  	s22 =	rddreg [dreg:$0x11];
	[sflag:s25] =	ssyncadd.s32 @!p0 $0xFFFFE700  }
0x1ad: {  	[hbm4b:s22+s23] =	stream.linear.scatter @!p0 [tilespmem:s24], [sflag:$0x3], $0x1900, $0x38;
	[tilespmem:$0x1E8C0] =	vst v63  }
0x1ae: {  	_ =	swait.ge @!p0 [sflag:s26], $0x1900  }
0x1af: {  	s21 =	sadd.s32 $0x1, s21;
	s28 =	rddreg [dreg:$0x14]  }
0x1b0: {  	p2 =	sne.s32 s21, s28  }
.Ltmp3:
0x1b1: {  	_ = 	snop;
	(pc) =	sbr.rel @p2 .LBB2_1-.Ltmp3, $3  }
0x1b2: {  	_ =	sdelay $0x1  }
0x1b3: {  	[sflag:s26] =	ssyncset.done @!p0 $0x0  }
0x1b4: {  	[sflag:s26] =	ssyncadd.s32 @!p0 $0xFFFFE700  }
0x1b5: {  	_ =	sfence.sel $0x180000  }
0x1b6: {  	[bflag:$0x0] =	sbarrier.arrive $0xFFFF  }
0x1b7: {  	_ =	strace $0x9000004D  }
0x1b8: {  	s0 =	stileid.u32;
	[bflag:$0x2] =	sbarrier.arrive $0xFFFF  }
0x1b9: {  	p0 =	sne.s32 s0, $0x0;
	s0 =	rddreg [dreg:$0x3]  }
0x1ba: {  	s0 =	sadd.s32 @!p0 $0x100000, s0  }
0x1bb: {  	[sflag:s0] =	ssyncadd.tile.s32 @!p0 $0x1;
	_ =	shalt  }
.Lfunc_end2:
_tile_overlayer_lowered:
.L_overlay_start_2:
0x1bc: {  	(tag) =	ssettag $0x2  }
0x1bd: {  	s0 =	rddreg [dreg:$0x0];
	s2 =	stileid.u32  }
0x1be: {  	s1 =	rddreg [dreg:$0x1];
	p0 =	sne.s32 s2, $0x0  }
0x1bf: {  	s3 =	rddreg [dreg:$0x2];
	[bflag:$0x3] =	sbarrier.arrive $0xFFFF;
	s2 =	simm.s32 @!p0 $0x1C03  }
0x1c0: {  	[timem:s3], [sflag:s2] =	dma.local @!p0 [hbm:s0], s1  }
0x1c1: {  	s0 =	simm.s32 @!p0 $0x3  }
0x1c2: {  	_ =	swait.ge @!p0 [sflag:s0], s1  }
0x1c3: {  	s1 =	ssub.s32 @!p0 $0x0, s1;
	[sflag:s0] =	ssyncset.done @!p0 $0x0  }
0x1c4: {  	[sflag:s0] =	ssyncadd.s32 @!p0 s1  }
0x1c5: {  	[bflag:$0x3] =	sbarrier.arrive $0xFFFF  }
0x1c6: {  	_ =	shalt  }

// kernel: kernel.9.cloned.1.call-start
scs
__scs_entry_jumppad:
0x0: {  	(pc) =	sbr.rel $0x88, $3  }
0x1: {  	(tag) =	ssettag $0x0;
	lr =	simm.s32 $0x1  }
0x2: {  	[smem:$0x3F99] =	sst lr;
	_ =	strace $0xD0000000  }
0x3: {  	_ = 	snop  }
0x4: {  	_ = 	snop  }
0x5: {  	_ = 	snop  }
0x6: {  	_ = 	snop  }
0x7: {  	_ = 	snop  }
__scs_overlays_trampoline_lowered:
0x8: {  	[smem:$0x3FA8] =	sst s0  }
0x9: {  	[smem:$0x3FA9] =	sst s1  }
0xa: {  	[smem:$0x3FAA] =	sst s2  }
0xb: {  	[smem:$0x3FAB] =	sst s3  }
0xc: {  	[smem:$0x3FAC] =	sst s4  }
0xd: {  	[smem:$0x3FAD] =	sst s5  }
0xe: {  	[smem:$0x3FAE] =	sst s6  }
0xf: {  	[smem:$0x3FAF] =	sst s7  }
0x10: {  	[smem:$0x3FB0] =	sst s8  }
0x11: {  	[smem:$0x3FB1] =	sst s9;
	s0 =	simm.s32 @!p0 $0x0  }
0x12: {  	s1 =	sld [smem:$0x3F97];
	s0 =	simm.s32 @p0 $0x1  }
0x13: {  	[smem:$0x3FB2] =	sst s0;
	s0 =	simm.s32 @!p1 $0x0  }
0x14: {  	s2 =	sld [smem:$0x3F96];
	s0 =	simm.s32 @p1 $0x1  }
0x15: {  	[smem:$0x3FB3] =	sst s0;
	s0 =	simm.s32 @!p2 $0x0  }
0x16: {  	s3 =	sld [smem:$0x3FDB];
	s0 =	simm.s32 @p2 $0x1  }
0x17: {  	s4 =	simm.s32 $0x1BF5;
	[smem:$0x3FB5] =	sst s0  }
0x18: {  	s0 =	sld [smem:$0x3F98];
	_ =	swait.ge [sflag:s4], $0x0  }
0x19: {  	s7 =	sld [smem:$0x3F99]  }
0x1a: {  	s8 =	sadd.s32 $0xFFFFE003, lr  }
0x1b: {  	s9 =	sadd.s32 $0xFFFFFEF7, lr;
	s5 =	simm.s32 $0xFFFFFFFF;
	p2 =	slt.u32 s8, $0xFFFFF086  }
0x1c: {  	p1 =	slt.u32 s9, $0xF7A;
	s5 =	simm.s32 @!p2 $0x0  }
0x1d: {  	s5 =	simm.s32 @p1 $0x1;
	p0 =	seq.s32 s7, s2  }
0x1e: {  	s7 =	smul.u32 @!p0 $0xF7A, s2;
	p2 =	seq.s32 @!p0 s5, $0x0  }
0x1f: {  	s9 =	smul.u32 $0xF7A, s1;
	s8 =	simm.s32 @!p0 $0x1BF5;
	p2 =	por !p2, p0  }
0x20: {  	[sflag:s8] =	ssyncset.s32 @!p0 $0xFFFFF086;
	s6 =	sadd.s32 @!p0 s3, s7;
	s7 =	simm.s32 @!p0 $0x108  }
0x21: {  	s3 =	sadd.s32 s3, s9;
	s6 =	sadd.s32 @!p0 $0x88, s6;
	s7 =	simm.s32 @p2 $0x1082  }
0x22: {  	[simem:s7], [sflag:s8] =	dma.local @!p0 [hbm:s6], $0xF7A  }
0x23: {  	s9 =	sor.u32 $0xD0000000, s2;
	s6 =	simm.s32 $0x108;
	_ =	swait.ge @!p0 [sflag:s8], $0x0  }
0x24: {  	s3 =	sadd.s32 $0x88, s3;
	s6 =	simm.s32 @!p1 $0x1082;
	[sflag:s4] =	ssyncset.s32 $0xFFFFF086  }
0x25: {  	[simem:s6], [sflag:s4] =	dma.local [hbm:s3], $0xF7A  }
0x26: {  	[smem:$0x3F99] =	sst s1;
	(tag) =	ssettag s2;
	_ =	strace s9  }
0x27: {  	s1 =	sld [smem:$0x3FA9]  }
0x28: {  	s2 =	sld [smem:$0x3FAA]  }
0x29: {  	s4 =	sld [smem:$0x3FAC]  }
0x2a: {  	p0 =	seq.s32 s5, $0x0;
	s5 =	sld [smem:$0x3FAD]  }
0x2b: {  	s6 =	sld [smem:$0x3FAE]  }
0x2c: {  	s7 =	sld [smem:$0x3FAF]  }
0x2d: {  	s3 =	simm.s32 $0x108;
	s8 =	sld [smem:$0x3FB0]  }
0x2e: {  	s3 =	simm.s32 @!p0 $0x1082;
	s9 =	sld [smem:$0x3FB1]  }
0x2f: {  	lr =	sadd.s32 s0, s3;
	s0 =	sld [smem:$0x3FA8]  }
0x30: {  	s3 =	sld [smem:$0x3FAB]  }
0x31: {  	[smem:$0x3FB4] =	sst s10  }
0x32: {  	s10 =	sld [smem:$0x3FB2];
	_ =	sdelay $0x3  }
0x33: {  	p0 =	seq.s32 s10, $0x1;
	s10 =	sld [smem:$0x3FB4];
	_ =	sdelay $0x3  }
0x34: {  	[smem:$0x3FB4] =	sst s10  }
0x35: {  	s10 =	sld [smem:$0x3FB3];
	_ =	sdelay $0x3  }
0x36: {  	p1 =	seq.s32 s10, $0x1;
	s10 =	sld [smem:$0x3FB4];
	_ =	sdelay $0x3  }
0x37: {  	[smem:$0x3FB4] =	sst s10  }
0x38: {  	s10 =	sld [smem:$0x3FB5]  }
0x39: {  	_ = 	snop;
	(pc) =	sbr.ind lr, $3  }
0x3a: {  	_ = 	snop  }
0x3b: {  	_ = 	snop  }
0x3c: {  	p2 =	seq.s32 s10, $0x1;
	s10 =	sld [smem:$0x3FB4]  }
0x3d: {  	_ =	shalt  }
0x3e: {  	_ =	shalt  }
0x3f: {  	_ =	shalt  }
0x40: {  	_ =	shalt  }
0x41: {  	_ =	shalt  }
0x42: {  	_ =	shalt  }
0x43: {  	_ =	shalt  }
0x44: {  	_ =	shalt  }
0x45: {  	_ =	shalt  }
0x46: {  	_ =	shalt  }
0x47: {  	_ =	shalt  }
0x48: {  	_ =	shalt  }
0x49: {  	_ =	shalt  }
0x4a: {  	_ =	shalt  }
0x4b: {  	_ =	shalt  }
0x4c: {  	_ =	shalt  }
0x4d: {  	_ =	shalt  }
0x4e: {  	_ =	shalt  }
0x4f: {  	_ =	shalt  }
0x50: {  	_ =	shalt  }
0x51: {  	_ =	shalt  }
0x52: {  	_ =	shalt  }
0x53: {  	_ =	shalt  }
0x54: {  	_ =	shalt  }
0x55: {  	_ =	shalt  }
0x56: {  	_ =	shalt  }
0x57: {  	_ =	shalt  }
0x58: {  	_ =	shalt  }
0x59: {  	_ =	shalt  }
0x5a: {  	_ =	shalt  }
0x5b: {  	_ =	shalt  }
0x5c: {  	_ =	shalt  }
0x5d: {  	_ =	shalt  }
0x5e: {  	_ =	shalt  }
0x5f: {  	_ =	shalt  }
0x60: {  	_ =	shalt  }
0x61: {  	_ =	shalt  }
0x62: {  	_ =	shalt  }
0x63: {  	_ =	shalt  }
0x64: {  	_ =	shalt  }
0x65: {  	_ =	shalt  }
0x66: {  	_ =	shalt  }
0x67: {  	_ =	shalt  }
0x68: {  	_ =	shalt  }
0x69: {  	_ =	shalt  }
0x6a: {  	_ =	shalt  }
0x6b: {  	_ =	shalt  }
0x6c: {  	_ =	shalt  }
0x6d: {  	_ =	shalt  }
0x6e: {  	_ =	shalt  }
0x6f: {  	_ =	shalt  }
0x70: {  	_ =	shalt  }
0x71: {  	_ =	shalt  }
0x72: {  	_ =	shalt  }
0x73: {  	_ =	shalt  }
0x74: {  	_ =	shalt  }
0x75: {  	_ =	shalt  }
0x76: {  	_ =	shalt  }
0x77: {  	_ =	shalt  }
0x78: {  	_ =	shalt  }
0x79: {  	_ =	shalt  }
0x7a: {  	_ =	shalt  }
0x7b: {  	_ =	shalt  }
0x7c: {  	_ =	shalt  }
0x7d: {  	_ =	shalt  }
0x7e: {  	_ =	shalt  }
0x7f: {  	_ =	shalt  }
0x80: {  	_ =	shalt  }
0x81: {  	_ =	shalt  }
0x82: {  	_ =	shalt  }
0x83: {  	_ =	shalt  }
0x84: {  	_ =	shalt  }
0x85: {  	_ =	shalt  }
0x86: {  	_ =	shalt  }
0x87: {  	_ =	shalt  }
.Lfunc_end0:
.L_simem_size_0:
called_computation_lowered:
.L_overlay_start_0:
0x88: {  	s2 =	sld [smem:$0x3FD9]  }
0x89: {  	s3 =	sld [smem:$0x3FFE];
	_ =	sdelay $0x1  }
0x8a: {  	s1 =	srdreg.scid  }
0x8b: {  	s0 =	sand.u32 $0x1, s1  }
0x8c: {  	s16 =	sshll.u32 s0, $0xA;
	s2 =	sadd.s32 s3, s2  }
0x8d: {  	s2 =	sadd.s32 s2, s16  }
0x8e: {  	[smem:$0x3FC0] =	sst s2  }
0x8f: {  	_ = 	snop  }
0x90: {  	(tm) =	ssettm $0x1  }
0x91: {  	s17 =	sld [smem:$0x3FFB];
	_ =	sdelay $0x3  }
0x92: {  	_ =	strace s17  }
0x93: {  	s2 =	sld [smem:$0x3FFC];
	_ =	sdelay $0x3  }
0x94: {  	_ =	strace s2  }
0x95: {  	s2 =	sld [smem:$0x3FFD];
	_ =	sdelay $0x3  }
0x96: {  	_ =	strace s2  }
0x97: {  	_ =	strace $0x8FFFFFFF  }
0x98: {  	s18 =	sld [smem:$0x3FDB];
	_ =	sdelay $0x1  }
0x99: {  	s19 =	simm.s32 $_scs_section_size  }
0x9a: {  	s4 =	simm.s32 $_size__tile_overlayer_lowered;
	s5 =	simm.s32 $_tile_overlayer_lowered  }
0x9b: {  	s22 =	simm.s32 $0x1BFF;
	s21 =	sshll.u32 s5, $0x1;
	s2 =	sadd.s32 s19, s18  }
0x9c: {  	s6 =	simm.s32 $0x0;
	s20 =	sshll.u32 s4, $0x1;
	s4 =	sadd.s32 s21, s2  }
0x9d: {  	[timem:s6], [sflag:s22] =	dma.local [hbm:s4], s20  }
0x9e: {  	_ =	swait.ge [sflag:s22], s20  }
0x9f: {  	s3 =	ssub.s32 $0x0, s20;
	[sflag:s22] =	ssyncset.done $0x0  }
0xa0: {  	[sflag:s22] =	ssyncadd.s32 s3;
	_ =	sdelay $0x1  }
0xa1: {  	s23 =	simm.s32 $0x1B8B  }
0xa2: {  	_ =	swait.ge [sflag:s23], $0x1  }
0xa3: {  	[sflag:s23] =	ssyncset.done $0x0  }
0xa4: {  	s25 =	simm.s32 $0x1B8E;
	s24 =	sld [smem:$0x3FFE];
	[sflag:s23] =	ssyncadd.s32 $0xFFFFFFFF  }
0xa5: {  	s26 =	simm.s32 $execute0_lowered;
	[smem:$0x3FD2] =	sst s25  }
0xa6: {  	s4 =	sshll.u32 s26, $0x1;
	_ =	strace $0x80000046;
	[dreg:$0x1] =	wrdreg $0xFFFFFFFF  }
0xa7: {  	s28 =	simm.s32 $_size_execute0_lowered;
	s2 =	sadd.s32 s2, s4;
	[dreg:$0x0] =	wrdreg $0x0  }
0xa8: {  	s4 =	sshll.u32 s28, $0x1;
	[dreg:$0x2] =	wrdreg s2  }
0xa9: {  	[dreg:$0x3] =	wrdreg s4  }
0xaa: {  	[dreg:$0x4] =	wrdreg $0xC0  }
0xab: {  	_ =	task [dreg:s6], $0x5FFFF  }
0xac: {  	[dreg:$0x1] =	wrdreg $0xFFFFFFFF  }
0xad: {  	[dreg:$0x0] =	wrdreg $0x60  }
0xae: {  	[dreg:$0x2] =	wrdreg s24  }
0xaf: {  	[dreg:$0x3] =	wrdreg $0xB0000  }
0xb0: {  	[dreg:$0x4] =	wrdreg $0x9  }
0xb1: {  	_ =	task.clear_ibuf [dreg:s6], $0x5FFFF;
	_ =	strace $0x90000046  }
0xb2: {  	s29 =	simm.s32 $0x9;
	_ =	strace $0x80000048  }
0xb3: {  	_ =	swait.ge [sflag:s29], $0x1  }
0xb4: {  	[sflag:s29] =	ssyncadd.s32 $0xFFFFFFFF  }
0xb5: {  	_ =	strace $0x90000048  }
0xb6: {  	_ =	sfence  }
0xb7: {  	s30 =	sld [smem:$0x0];
	_ =	sdelay $0x2  }
0xb8: {  	s31 =	sshll.u32 s1, $0xD;
	s1 =	sshrl.u32 s1, $0x2  }
0xb9: {  	s3 =	sand.u32 $0x4000, s31;
	s1 =	sadd.s32 s1, s30  }
0xba: {  	s0 =	sor.u32 s3, s0;
	s1 =	sshll.u32 s1, $0x11  }
0xbb: {  	s0 =	sor.u32 s1, s0  }
0xbc: {  	s0 =	sadd.s32 $0x8F2B, s0  }
0xbd: {  	[sflag:s0] =	ssyncadd.remote.s32 $0x1  }
0xbe: {  	_ =	sfence.sel $0xFFFF  }
0xbf: {  	[dreg:$0x0] =	wrdreg $0xFFFFFFFF;
	(pc) =	sbr.abs _section_cstart, $3  }
0xc0: {  	[dreg:$0x1] =	wrdreg $0xFFFFFFFF  }
0xc1: {  	_ =	task.clear_ibuf [dreg:s6], $0x2FFFF;
	_ =	strace $0x9FFFFFFF  }
0xc2: {  	(tm) =	ssettm $0x7FFFFFFF  }
0xc3: {  	_ =	shalt  }
tec
execute0_lowered:
.L_overlay_start_1:
0x0: {  	(tag) =	ssettag $0x1  }
0x1: {  	s11 =	stileid.u32  }
0x2: {  	s0 =	rddreg [dreg:$0x0];
	s5 =	smul.u32 $0x4E000, s11  }
0x3: {  	s1 =	rddreg [dreg:$0x1]  }
0x4: {  	s2 =	simm.s32 $0x0;
	s3 =	srdreg.scid;
	s5 =	sshrl.u32 s5, $0x2  }
0x5: {  	s28 =	simm.s32 $0x3;
	s29 =	simm.s32 $0x1400;
	s5 =	sadd.s32 s5, s1  }
0x6: {  	s30 =	simm.s32 $0x80;
	[smem:$0x7FF] =	sst s2;
	s14 =	sadd.s32 $0x800, s5  }
0x7: {  	_ =	strace $0x80000047;
	s15 =	sadd.s32 $0x1000, s5;
	[dreg:$0x3] =	wrdreg s14  }
0x8: {  	s31 =	simm.s32 $0x2800;
	s16 =	sadd.s32 $0x1800, s5;
	[dreg:$0x4] =	wrdreg s15  }
0x9: {  	s3 =	sand.u32 $0x1, s3;
	s17 =	sadd.s32 $0x2000, s5;
	[dreg:$0x5] =	wrdreg s16  }
0xa: {  	s25 =	smul.u32 $0x13800, s11;
	s18 =	sadd.s32 $0x2800, s5;
	[dreg:$0x6] =	wrdreg s17  }
0xb: {  	s8 =	ssub.s32 $0x2, s3;
	s19 =	sadd.s32 $0x3000, s5;
	[dreg:$0x7] =	wrdreg s18  }
0xc: {  	s10 =	sshll.u32 s3, $0x4;
	s20 =	sadd.s32 $0x3800, s5;
	[dreg:$0x8] =	wrdreg s19  }
0xd: {  	s3 =	smul.u32 $0x138800, s3;
	s21 =	sadd.s32 $0x4000, s5;
	[dreg:$0x9] =	wrdreg s20  }
0xe: {  	s9 =	sshrl.u32 s8, $0x1;
	s22 =	sadd.s32 $0x4800, s5;
	[dreg:$0xa] =	wrdreg s21  }
0xf: {  	s13 =	sor.u32 s11, s10;
	s23 =	sadd.s32 $0x5000, s5;
	[dreg:$0xb] =	wrdreg s22  }
0x10: {  	s8 =	ssub.s32 s8, s9;
	s24 =	sadd.s32 $0x5800, s5;
	[dreg:$0xc] =	wrdreg s23  }
0x11: {  	s9 =	smul.u32 $0x2800, s13;
	s13 =	sadd.s32 $0x6800, s5;
	[dreg:$0xd] =	wrdreg s24  }
0x12: {  	s10 =	sadd.s32 s25, s3;
	s25 =	sadd.s32 $0xC000, s5;
	[dreg:$0x14] =	wrdreg s13  }
0x13: {  	s4 =	sadd.s32 $0x2400, s0;
	s14 =	smax.u32 s8, $0x1;
	[smem:$0x7FC] =	sst s25  }
0x14: {  	s6 =	sadd.s32 $0x29600, s0;
	s15 =	sadd.s32 $0x7000, s5;
	[dreg:$0x16] =	wrdreg s14  }
0x15: {  	s7 =	sadd.s32 $0x33600, s0;
	s16 =	sadd.s32 $0x7800, s5;
	[dreg:$0x17] =	wrdreg s15  }
0x16: {  	s0 =	sadd.s32 $0x3D600, s0;
	s17 =	sadd.s32 $0x8000, s5;
	[dreg:$0x18] =	wrdreg s16  }
0x17: {  	p0 =	sne.s32 s11, $0xF;
	s18 =	sadd.s32 $0x8800, s5;
	[dreg:$0x19] =	wrdreg s17  }
0x18: {  	s3 =	sshrl.u32 s3, $0x3;
	s19 =	sadd.s32 $0x9000, s5;
	[dreg:$0x1a] =	wrdreg s18  }
0x19: {  	s11 =	sadd.s32 $0xD000, s5;
	s20 =	sadd.s32 $0x9800, s5;
	[dreg:$0x1b] =	wrdreg s19  }
0x1a: {  	s9 =	sshrl.u32 s9, $0x3;
	s21 =	sadd.s32 $0xA000, s5;
	[dreg:$0x1c] =	wrdreg s20  }
0x1b: {  	s22 =	sadd.s32 $0xA800, s5;
	s23 =	sadd.s32 $0xB000, s5;
	[dreg:$0x1d] =	wrdreg s21  }
0x1c: {  	s24 =	sadd.s32 $0xB800, s5;
	s13 =	sadd.s32 $0xE000, s5;
	[dreg:$0x1e] =	wrdreg s22  }
0x1d: {  	s25 =	simm.s32 $0xA800;
	s12 =	sadd.s32 s6, s9;
	[dreg:$0x1f] =	wrdreg s23  }
0x1e: {  	s26 =	sadd.s32 s7, s9;
	s9 =	sadd.s32 $0x280, s9;
	[smem:$0x7FB] =	sst s24  }
0x1f: {  	s14 =	sadd.s32 $0xE800, s5;
	s15 =	sadd.s32 $0xF000, s5;
	s16 =	sadd.s32 $0xF800, s5  }
0x20: {  	s17 =	sadd.s32 $0x10000, s5;
	s18 =	sadd.s32 $0x10800, s5;
	s19 =	sadd.s32 $0x11000, s5  }
0x21: {  	s20 =	sadd.s32 $0x11800, s5;
	s21 =	sadd.s32 $0x12000, s5;
	[dreg:$0xe] =	wrdreg s12  }
0x22: {  	s22 =	sadd.s32 $0x12800, s5;
	[dreg:$0xf] =	wrdreg s26;
	s6 =	sadd.s32 s6, s9  }
0x23: {  	s23 =	sadd.s32 $0x13000, s5;
	s9 =	sadd.s32 s7, s9;
	[dreg:$0x10] =	wrdreg s6  }
0x24: {  	s24 =	sadd.s32 $0x138000, s1;
	s12 =	sadd.s32 $0x6000, s5;
	[dreg:$0x11] =	wrdreg s9  }
0x25: {  	s26 =	sadd.s32 $0xC800, s5;
	s7 =	simm.s32 $0x2780;
	[dreg:$0x12] =	wrdreg s12  }
0x26: {  	s6 =	sshrl.u32 s10, $0x3;
	[smem:$0x7FD] =	sst s26;
	s12 =	sadd.s32 $0xD800, s5  }
0x27: {  	s26 =	simm.s32 $0x1;
	s6 =	sadd.s32 s0, s6;
	s0 =	sadd.s32 s0, s3  }
0x28: {  	s3 =	simm.s32 $0x2;
	[dreg:$0x13] =	wrdreg s6;
	s0 =	sadd.s32 $0x27000, s0  }
0x29: {  	v0 =	vimm.f32 $0.0e+00;
	s6 =	simm.s32 $0x2700;
	[dreg:$0x15] =	wrdreg s0;
	s0 =	simm.s32 $0x6800  }
.LBB2_1:
0x2a: {  	s8 =	simm.s32 $0x0;
	s9 =	simm.s32 $0x200  }
.LBB2_2:
0x2b: {  	p1 =	sne.s32 s9, $0x1E00;
	[tilespmem:s8+$0xA870] =	vst v0  }
0x2c: {  	[tilespmem:s8+$0xA800] =	vst v0  }
0x2d: {  	[tilespmem:s8+$0xA810] =	vst v0  }
.Ltmp0:
0x2e: {  	[tilespmem:s8+$0xA820] =	vst v0;
	(pc) =	sbr.rel @p1 .LBB2_2-.Ltmp0, $4  }
0x2f: {  	[tilespmem:s8+$0xA830] =	vst v0  }
0x30: {  	[tilespmem:s8+$0xA840] =	vst v0  }
0x31: {  	[tilespmem:s8+$0xA850] =	vst v0  }
0x32: {  	[tilespmem:s8+$0xA860] =	vst v0;
	s8 =	sshra.s32 s9, $0x2;
	s9 =	sadd.s32 $0x200, s9  }
0x33: {  	[tilespmem:s8+$0xA870] =	vst v0  }
0x34: {  	[tilespmem:s8+$0xA800] =	vst v0  }
0x35: {  	[tilespmem:s8+$0xA810] =	vst v0  }
0x36: {  	[tilespmem:s8+$0xA820] =	vst v0  }
0x37: {  	[tilespmem:s8+$0xA830] =	vst v0  }
0x38: {  	[tilespmem:s8+$0xA840] =	vst v0  }
0x39: {  	[tilespmem:s8+$0xA850] =	vst v0  }
0x3a: {  	[tilespmem:s8+$0xA860] =	vst v0;
	s9 =	rddreg [dreg:$0x3]  }
0x3b: {  	[spmem:s5] =	stream.linear.scatter [tilespmem:s25], [sflag:$0x1], $0x800, $0x38;
	[tilespmem:$0x1E8C0] =	vst v63  }
0x3c: {  	s10 =	rddreg [dreg:$0x4]  }
0x3d: {  	[spmem:s9] =	stream.linear.scatter [tilespmem:s25], [sflag:$0x1], $0x800, $0x38;
	[tilespmem:$0x1E8C0] =	vst v63  }
0x3e: {  	s9 =	rddreg [dreg:$0x5]  }
0x3f: {  	[spmem:s10] =	stream.linear.scatter [tilespmem:s25], [sflag:$0x1], $0x800, $0x38;
	[tilespmem:$0x1E8C0] =	vst v63  }
0x40: {  	s10 =	rddreg [dreg:$0x6]  }
0x41: {  	[spmem:s9] =	stream.linear.scatter [tilespmem:s25], [sflag:$0x1], $0x800, $0x38;
	[tilespmem:$0x1E8C0] =	vst v63  }
0x42: {  	s9 =	rddreg [dreg:$0x7]  }
0x43: {  	[spmem:s10] =	stream.linear.scatter [tilespmem:s25], [sflag:$0x1], $0x800, $0x38;
	[tilespmem:$0x1E8C0] =	vst v63  }
0x44: {  	s10 =	rddreg [dreg:$0x8]  }
0x45: {  	[spmem:s9] =	stream.linear.scatter [tilespmem:s25], [sflag:$0x1], $0x800, $0x38;
	[tilespmem:$0x1E8C0] =	vst v63  }
0x46: {  	s9 =	rddreg [dreg:$0x9]  }
0x47: {  	[spmem:s10] =	stream.linear.scatter [tilespmem:s25], [sflag:$0x1], $0x800, $0x38;
	[tilespmem:$0x1E8C0] =	vst v63  }
0x48: {  	s10 =	rddreg [dreg:$0xa]  }
0x49: {  	[spmem:s9] =	stream.linear.scatter [tilespmem:s25], [sflag:$0x1], $0x800, $0x38;
	[tilespmem:$0x1E8C0] =	vst v63  }
0x4a: {  	s9 =	rddreg [dreg:$0xb]  }
0x4b: {  	[spmem:s10] =	stream.linear.scatter [tilespmem:s25], [sflag:$0x1], $0x800, $0x38;
	[tilespmem:$0x1E8C0] =	vst v63  }
0x4c: {  	s10 =	rddreg [dreg:$0xc]  }
0x4d: {  	[spmem:s9] =	stream.linear.scatter [tilespmem:s25], [sflag:$0x1], $0x800, $0x38;
	[tilespmem:$0x1E8C0] =	vst v63  }
0x4e: {  	s9 =	rddreg [dreg:$0xd]  }
0x4f: {  	[spmem:s10] =	stream.linear.scatter [tilespmem:s25], [sflag:$0x1], $0x800, $0x38;
	[tilespmem:$0x1E8C0] =	vst v63  }
0x50: {  	s10 =	rddreg [dreg:$0x12]  }
0x51: {  	[spmem:s9] =	stream.linear.scatter [tilespmem:s25], [sflag:$0x1], $0x800, $0x38;
	[tilespmem:$0x1E8C0] =	vst v63  }
0x52: {  	s9 =	rddreg [dreg:$0x14]  }
0x53: {  	[spmem:s10] =	stream.linear.scatter [tilespmem:s25], [sflag:$0x1], $0x800, $0x38;
	[tilespmem:$0x1E8C0] =	vst v63  }
0x54: {  	s10 =	rddreg [dreg:$0x17]  }
0x55: {  	[spmem:s9] =	stream.linear.scatter [tilespmem:s25], [sflag:$0x1], $0x800, $0x38;
	[tilespmem:$0x1E8C0] =	vst v63  }
0x56: {  	s9 =	rddreg [dreg:$0x18]  }
0x57: {  	[spmem:s10] =	stream.linear.scatter [tilespmem:s25], [sflag:$0x1], $0x800, $0x38;
	[tilespmem:$0x1E8C0] =	vst v63  }
0x58: {  	s10 =	rddreg [dreg:$0x19]  }
0x59: {  	[spmem:s9] =	stream.linear.scatter [tilespmem:s25], [sflag:$0x1], $0x800, $0x38;
	[tilespmem:$0x1E8C0] =	vst v63  }
0x5a: {  	s9 =	rddreg [dreg:$0x1a]  }
0x5b: {  	[spmem:s10] =	stream.linear.scatter [tilespmem:s25], [sflag:$0x1], $0x800, $0x38;
	[tilespmem:$0x1E8C0] =	vst v63  }
0x5c: {  	s10 =	rddreg [dreg:$0x1b]  }
0x5d: {  	[spmem:s9] =	stream.linear.scatter [tilespmem:s25], [sflag:$0x1], $0x800, $0x38;
	[tilespmem:$0x1E8C0] =	vst v63  }
0x5e: {  	s9 =	rddreg [dreg:$0x1c]  }
0x5f: {  	[spmem:s10] =	stream.linear.scatter [tilespmem:s25], [sflag:$0x1], $0x800, $0x38;
	[tilespmem:$0x1E8C0] =	vst v63  }
0x60: {  	s10 =	rddreg [dreg:$0x1d]  }
0x61: {  	[spmem:s9] =	stream.linear.scatter [tilespmem:s25], [sflag:$0x1], $0x800, $0x38;
	[tilespmem:$0x1E8C0] =	vst v63  }
0x62: {  	s9 =	rddreg [dreg:$0x1e]  }
0x63: {  	[spmem:s10] =	stream.linear.scatter [tilespmem:s25], [sflag:$0x1], $0x800, $0x38;
	[tilespmem:$0x1E8C0] =	vst v63  }
0x64: {  	s10 =	rddreg [dreg:$0x1f]  }
0x65: {  	[spmem:s9] =	stream.linear.scatter [tilespmem:s25], [sflag:$0x1], $0x800, $0x38;
	[tilespmem:$0x1E8C0] =	vst v63  }
0x66: {  	s9 =	sld [smem:$0x7FB]  }
0x67: {  	[spmem:s10] =	stream.linear.scatter [tilespmem:s25], [sflag:$0x1], $0x800, $0x38;
	[tilespmem:$0x1E8C0] =	vst v63  }
0x68: {  	s10 =	sld [smem:$0x7FC]  }
0x69: {  	[spmem:s9] =	stream.linear.scatter [tilespmem:s25], [sflag:$0x1], $0x800, $0x38;
	[tilespmem:$0x1E8C0] =	vst v63  }
0x6a: {  	s9 =	sld [smem:$0x7FD]  }
0x6b: {  	[spmem:s10] =	stream.linear.scatter [tilespmem:s25], [sflag:$0x1], $0x800, $0x38;
	[tilespmem:$0x1E8C0] =	vst v63  }
0x6c: {  	_ = 	snop  }
0x6d: {  	[spmem:s9] =	stream.linear.scatter [tilespmem:s25], [sflag:$0x1], $0x800, $0x38;
	[tilespmem:$0x1E8C0] =	vst v63  }
0x6e: {  	_ = 	snop  }
0x6f: {  	[spmem:s11] =	stream.linear.scatter [tilespmem:s25], [sflag:$0x1], $0x800, $0x38;
	[tilespmem:$0x1E8C0] =	vst v63  }
0x70: {  	_ = 	snop  }
0x71: {  	[spmem:s12] =	stream.linear.scatter [tilespmem:s25], [sflag:$0x1], $0x800, $0x38;
	[tilespmem:$0x1E8C0] =	vst v63  }
0x72: {  	_ = 	snop  }
0x73: {  	[spmem:s13] =	stream.linear.scatter [tilespmem:s25], [sflag:$0x1], $0x800, $0x38;
	[tilespmem:$0x1E8C0] =	vst v63  }
0x74: {  	_ = 	snop  }
0x75: {  	[spmem:s14] =	stream.linear.scatter [tilespmem:s25], [sflag:$0x1], $0x800, $0x38;
	[tilespmem:$0x1E8C0] =	vst v63  }
0x76: {  	_ = 	snop  }
0x77: {  	[spmem:s15] =	stream.linear.scatter [tilespmem:s25], [sflag:$0x1], $0x800, $0x38;
	[tilespmem:$0x1E8C0] =	vst v63  }
0x78: {  	_ = 	snop  }
0x79: {  	[spmem:s16] =	stream.linear.scatter [tilespmem:s25], [sflag:$0x1], $0x800, $0x38;
	[tilespmem:$0x1E8C0] =	vst v63  }
0x7a: {  	_ = 	snop  }
0x7b: {  	[spmem:s17] =	stream.linear.scatter [tilespmem:s25], [sflag:$0x1], $0x800, $0x38;
	[tilespmem:$0x1E8C0] =	vst v63  }
0x7c: {  	_ = 	snop  }
0x7d: {  	[spmem:s18] =	stream.linear.scatter [tilespmem:s25], [sflag:$0x1], $0x800, $0x38;
	[tilespmem:$0x1E8C0] =	vst v63  }
0x7e: {  	_ = 	snop  }
0x7f: {  	[spmem:s19] =	stream.linear.scatter [tilespmem:s25], [sflag:$0x1], $0x800, $0x38;
	[tilespmem:$0x1E8C0] =	vst v63  }
0x80: {  	_ = 	snop  }
0x81: {  	[spmem:s20] =	stream.linear.scatter [tilespmem:s25], [sflag:$0x1], $0x800, $0x38;
	[tilespmem:$0x1E8C0] =	vst v63  }
0x82: {  	_ = 	snop  }
0x83: {  	[spmem:s21] =	stream.linear.scatter [tilespmem:s25], [sflag:$0x1], $0x800, $0x38;
	[tilespmem:$0x1E8C0] =	vst v63  }
0x84: {  	_ = 	snop  }
0x85: {  	[spmem:s22] =	stream.linear.scatter [tilespmem:s25], [sflag:$0x1], $0x800, $0x38;
	[tilespmem:$0x1E8C0] =	vst v63  }
0x86: {  	_ = 	snop  }
0x87: {  	[spmem:s23] =	stream.linear.scatter [tilespmem:s25], [sflag:$0x1], $0x800, $0x38;
	[tilespmem:$0x1E8C0] =	vst v63  }
0x88: {  	_ =	swait.ge [sflag:s26], $0x800  }
0x89: {  	[sflag:s26] =	ssyncset.done $0x0  }
0x8a: {  	[sflag:s26] =	ssyncadd.s32 $0xFFFFF800  }
0x8b: {  	_ =	swait.ge [sflag:s26], $0x800  }
0x8c: {  	[sflag:s26] =	ssyncset.done $0x0  }
0x8d: {  	[sflag:s26] =	ssyncadd.s32 $0xFFFFF800  }
0x8e: {  	_ =	swait.ge [sflag:s26], $0x800  }
0x8f: {  	[sflag:s26] =	ssyncset.done $0x0  }
0x90: {  	[sflag:s26] =	ssyncadd.s32 $0xFFFFF800  }
0x91: {  	_ =	swait.ge [sflag:s26], $0x800  }
0x92: {  	[sflag:s26] =	ssyncset.done $0x0  }
0x93: {  	[sflag:s26] =	ssyncadd.s32 $0xFFFFF800  }
0x94: {  	_ =	swait.ge [sflag:s26], $0x800  }
0x95: {  	[sflag:s26] =	ssyncset.done $0x0  }
0x96: {  	[sflag:s26] =	ssyncadd.s32 $0xFFFFF800  }
0x97: {  	_ =	swait.ge [sflag:s26], $0x800  }
0x98: {  	[sflag:s26] =	ssyncset.done $0x0  }
0x99: {  	[sflag:s26] =	ssyncadd.s32 $0xFFFFF800  }
0x9a: {  	_ =	swait.ge [sflag:s26], $0x800  }
0x9b: {  	[sflag:s26] =	ssyncset.done $0x0  }
0x9c: {  	[sflag:s26] =	ssyncadd.s32 $0xFFFFF800  }
0x9d: {  	_ =	swait.ge [sflag:s26], $0x800  }
0x9e: {  	[sflag:s26] =	ssyncset.done $0x0  }
0x9f: {  	[sflag:s26] =	ssyncadd.s32 $0xFFFFF800  }
0xa0: {  	_ =	swait.ge [sflag:s26], $0x800  }
0xa1: {  	[sflag:s26] =	ssyncset.done $0x0  }
0xa2: {  	[sflag:s26] =	ssyncadd.s32 $0xFFFFF800  }
0xa3: {  	_ =	swait.ge [sflag:s26], $0x800  }
0xa4: {  	[sflag:s26] =	ssyncset.done $0x0  }
0xa5: {  	[sflag:s26] =	ssyncadd.s32 $0xFFFFF800  }
0xa6: {  	_ =	swait.ge [sflag:s26], $0x800  }
0xa7: {  	[sflag:s26] =	ssyncset.done $0x0  }
0xa8: {  	[sflag:s26] =	ssyncadd.s32 $0xFFFFF800  }
0xa9: {  	_ =	swait.ge [sflag:s26], $0x800  }
0xaa: {  	[sflag:s26] =	ssyncset.done $0x0  }
0xab: {  	[sflag:s26] =	ssyncadd.s32 $0xFFFFF800  }
0xac: {  	_ =	swait.ge [sflag:s26], $0x800  }
0xad: {  	[sflag:s26] =	ssyncset.done $0x0  }
0xae: {  	[sflag:s26] =	ssyncadd.s32 $0xFFFFF800  }
0xaf: {  	_ =	swait.ge [sflag:s26], $0x800  }
0xb0: {  	[sflag:s26] =	ssyncset.done $0x0  }
0xb1: {  	[sflag:s26] =	ssyncadd.s32 $0xFFFFF800  }
0xb2: {  	_ =	swait.ge [sflag:s26], $0x800  }
0xb3: {  	[sflag:s26] =	ssyncset.done $0x0  }
0xb4: {  	[sflag:s26] =	ssyncadd.s32 $0xFFFFF800  }
0xb5: {  	_ =	swait.ge [sflag:s26], $0x800  }
0xb6: {  	[sflag:s26] =	ssyncset.done $0x0  }
0xb7: {  	[sflag:s26] =	ssyncadd.s32 $0xFFFFF800  }
0xb8: {  	_ =	swait.ge [sflag:s26], $0x800  }
0xb9: {  	[sflag:s26] =	ssyncset.done $0x0  }
0xba: {  	[sflag:s26] =	ssyncadd.s32 $0xFFFFF800  }
0xbb: {  	_ =	swait.ge [sflag:s26], $0x800  }
0xbc: {  	[sflag:s26] =	ssyncset.done $0x0  }
0xbd: {  	[sflag:s26] =	ssyncadd.s32 $0xFFFFF800  }
0xbe: {  	_ =	swait.ge [sflag:s26], $0x800  }
0xbf: {  	[sflag:s26] =	ssyncset.done $0x0  }
0xc0: {  	[sflag:s26] =	ssyncadd.s32 $0xFFFFF800  }
0xc1: {  	_ =	swait.ge [sflag:s26], $0x800  }
0xc2: {  	[sflag:s26] =	ssyncset.done $0x0  }
0xc3: {  	[sflag:s26] =	ssyncadd.s32 $0xFFFFF800  }
0xc4: {  	_ =	swait.ge [sflag:s26], $0x800  }
0xc5: {  	[sflag:s26] =	ssyncset.done $0x0  }
0xc6: {  	[sflag:s26] =	ssyncadd.s32 $0xFFFFF800  }
0xc7: {  	_ =	swait.ge [sflag:s26], $0x800  }
0xc8: {  	[sflag:s26] =	ssyncset.done $0x0  }
0xc9: {  	[sflag:s26] =	ssyncadd.s32 $0xFFFFF800  }
0xca: {  	_ =	swait.ge [sflag:s26], $0x800  }
0xcb: {  	[sflag:s26] =	ssyncset.done $0x0  }
0xcc: {  	[sflag:s26] =	ssyncadd.s32 $0xFFFFF800  }
0xcd: {  	_ =	swait.ge [sflag:s26], $0x800  }
0xce: {  	[sflag:s26] =	ssyncset.done $0x0  }
0xcf: {  	[sflag:s26] =	ssyncadd.s32 $0xFFFFF800  }
0xd0: {  	_ =	swait.ge [sflag:s26], $0x800  }
0xd1: {  	[sflag:s26] =	ssyncset.done $0x0  }
0xd2: {  	[sflag:s26] =	ssyncadd.s32 $0xFFFFF800  }
0xd3: {  	_ =	swait.ge [sflag:s26], $0x800  }
0xd4: {  	[sflag:s26] =	ssyncset.done $0x0  }
0xd5: {  	[sflag:s26] =	ssyncadd.s32 $0xFFFFF800  }
0xd6: {  	_ =	swait.ge [sflag:s26], $0x800  }
0xd7: {  	[sflag:s26] =	ssyncset.done $0x0  }
0xd8: {  	[sflag:s26] =	ssyncadd.s32 $0xFFFFF800  }
0xd9: {  	_ =	swait.ge [sflag:s26], $0x800  }
0xda: {  	[sflag:s26] =	ssyncset.done $0x0  }
0xdb: {  	[sflag:s26] =	ssyncadd.s32 $0xFFFFF800  }
0xdc: {  	_ =	swait.ge [sflag:s26], $0x800  }
0xdd: {  	[sflag:s26] =	ssyncset.done $0x0  }
0xde: {  	[sflag:s26] =	ssyncadd.s32 $0xFFFFF800  }
0xdf: {  	_ =	swait.ge [sflag:s26], $0x800  }
0xe0: {  	[sflag:s26] =	ssyncset.done $0x0  }
0xe1: {  	[sflag:s26] =	ssyncadd.s32 $0xFFFFF800  }
0xe2: {  	_ =	swait.ge [sflag:s26], $0x800  }
0xe3: {  	[sflag:s26] =	ssyncset.done $0x0  }
0xe4: {  	[sflag:s26] =	ssyncadd.s32 $0xFFFFF800  }
0xe5: {  	_ =	swait.ge [sflag:s26], $0x800  }
0xe6: {  	[sflag:s26] =	ssyncset.done $0x0  }
0xe7: {  	[sflag:s26] =	ssyncadd.s32 $0xFFFFF800  }
0xe8: {  	_ =	swait.ge [sflag:s26], $0x800  }
0xe9: {  	[sflag:s26] =	ssyncset.done $0x0  }
0xea: {  	[sflag:s26] =	ssyncadd.s32 $0xFFFFF800  }
0xeb: {  	_ =	swait.ge [sflag:s26], $0x800  }
0xec: {  	[sflag:s26] =	ssyncset.done $0x0  }
0xed: {  	[sflag:s26] =	ssyncadd.s32 $0xFFFFF800  }
0xee: {  	_ =	swait.ge [sflag:s26], $0x800  }
0xef: {  	[sflag:s26] =	ssyncset.done $0x0  }
0xf0: {  	[sflag:s26] =	ssyncadd.s32 $0xFFFFF800  }
0xf1: {  	_ =	swait.ge [sflag:s26], $0x800  }
0xf2: {  	[sflag:s26] =	ssyncset.done $0x0  }
0xf3: {  	[sflag:s26] =	ssyncadd.s32 $0xFFFFF800  }
0xf4: {  	_ =	swait.ge [sflag:s26], $0x800  }
0xf5: {  	[sflag:s26] =	ssyncset.done $0x0  }
0xf6: {  	[sflag:s26] =	ssyncadd.s32 $0xFFFFF800  }
0xf7: {  	_ =	swait.ge [sflag:s26], $0x800  }
0xf8: {  	[sflag:s26] =	ssyncset.done $0x0  }
0xf9: {  	[sflag:s26] =	ssyncadd.s32 $0xFFFFF800  }
0xfa: {  	_ =	swait.ge [sflag:s26], $0x800  }
0xfb: {  	[sflag:s26] =	ssyncset.done $0x0  }
0xfc: {  	s8 =	simm.s32 @!p0 $0xA800;
	[sflag:s26] =	ssyncadd.s32 $0xFFFFF800  }
0xfd: {  	[spmem:s24] =	stream.linear.scatter @!p0 [tilespmem:s8], [sflag:$0x3], $0x800, $0x38;
	[tilespmem:$0x1E8C0] =	vst v63  }
0xfe: {  	s8 =	simm.s32 @!p0 $0x3  }
0xff: {  	_ =	swait.ge @!p0 [sflag:s8], $0x800  }
0x100: {  	[sflag:s8] =	ssyncset.done @!p0 $0x0  }
0x101: {  	[sflag:s8] =	ssyncadd.s32 @!p0 $0xFFFFF800  }
0x102: {  	[bflag:$0x0] =	sbarrier.arrive $0xFFFF  }
0x103: {  	s8 =	simm.s32 $0x0;
	s9 =	rddreg [dreg:$0xe]  }
0x104: {  	[tilespmem:s8], [sflag:$0x3] =	stream.linear.gather [hbm4b:s9+s8], $0x1400, $0x38;
	[tilespmem:$0x1E8C0] =	vst v63  }
0x105: {  	_ =	swait.ge [sflag:s28], $0x1400  }
0x106: {  	[sflag:s28] =	ssyncset.done $0x0  }
0x107: {  	s10 =	rddreg [dreg:$0xf];
	[sflag:s28] =	ssyncadd.s32 $0xFFFFEC00  }
0x108: {  	[tilespmem:s29], [sflag:$0x3] =	stream.linear.gather [hbm4b:s10+s8], $0x1400, $0x38;
	[tilespmem:$0x1E8C0] =	vst v63  }
0x109: {  	_ =	swait.ge [sflag:s28], $0x1400  }
0x10a: {  	[sflag:s28] =	ssyncset.done $0x0  }
0x10b: {  	[sflag:s28] =	ssyncadd.s32 $0xFFFFEC00  }
0x10c: {  	[tilespmem:s31], [sflag:$0x1] =	stream.indirect.gather [hbm4b:s4+s30], $0x80, s8, s30, $0xb8;
	[tilespmem:$0x1E8C0] =	vst v63  }
0x10d: {  	_ = 	snop  }
0x10e: {  	[tilespmem:s0], [sflag:$0x2] =	stream.indirect.gather [hbm4b:s4+s30], $0x80, s30, s30, $0xb8;
	[tilespmem:$0x1E8C0] =	vst v63  }
0x10f: {  	_ =	swait.ge [sflag:s26], $0x4000  }
0x110: {  	[sflag:s26] =	ssyncset.done $0x0  }
0x111: {  	s10 =	simm.s32 $0x1400;
	[sflag:s26] =	ssyncadd.s32 $0xFFFFC000  }
0x112: {  	[spmem:s1] =	stream.indirect.scatter.add.f32 [tilespmem:s31], [sflag:$0x3], $0x80, s10, s30, $0xb8;
	[tilespmem:$0x1E8C0] =	vst v63  }
0x113: {  	_ =	swait.ge [sflag:s28], $0x4000  }
0x114: {  	[sflag:s28] =	ssyncset.done $0x0  }
0x115: {  	s9 =	simm.s32 $0x100;
	[sflag:s28] =	ssyncadd.s32 $0xFFFFC000  }
0x116: {  	[tilespmem:s31], [sflag:$0x1] =	stream.indirect.gather [hbm4b:s4+s30], $0x80, s9, s30, $0xb8;
	[tilespmem:$0x1E8C0] =	vst v63  }
0x117: {  	_ =	swait.ge [sflag:s3], $0x4000  }
0x118: {  	[sflag:s3] =	ssyncset.done $0x0  }
0x119: {  	s10 =	simm.s32 $0x1480;
	[sflag:s3] =	ssyncadd.s32 $0xFFFFC000  }
0x11a: {  	[spmem:s1] =	stream.indirect.scatter.add.f32 [tilespmem:s0], [sflag:$0x3], $0x80, s10, s30, $0xb8;
	[tilespmem:$0x1E8C0] =	vst v63  }
0x11b: {  	_ =	swait.ge [sflag:s28], $0x4000  }
0x11c: {  	[sflag:s28] =	ssyncset.done $0x0  }
0x11d: {  	s8 =	simm.s32 $0x400;
	s9 =	simm.s32 $0x180;
	[sflag:s28] =	ssyncadd.s32 $0xFFFFC000  }
.LBB2_4:
0x11e: {  	[tilespmem:s0], [sflag:$0x2] =	stream.indirect.gather [hbm4b:s4+s30], $0x80, s9, s30, $0xb8;
	[tilespmem:$0x1E8C0] =	vst v63  }
0x11f: {  	s9 =	smov.u32 s8  }
0x120: {  	p1 =	sne.s32 s8, $0x4800;
	s8 =	sadd.s32 $0x400, s8;
	_ =	swait.ge [sflag:s26], $0x4000  }
0x121: {  	s9 =	sshra.s32 s9, $0x2;
	[sflag:s26] =	ssyncset.done $0x0  }
0x122: {  	s10 =	sadd.s32 $0x1400, s9;
	[sflag:s26] =	ssyncadd.s32 $0xFFFFC000  }
0x123: {  	[spmem:s1] =	stream.indirect.scatter.add.f32 [tilespmem:s31], [sflag:$0x3], $0x80, s10, s30, $0xb8;
	[tilespmem:$0x1E8C0] =	vst v63  }
0x124: {  	_ =	swait.ge [sflag:s28], $0x4000  }
0x125: {  	[sflag:s28] =	ssyncset.done $0x0  }
0x126: {  	s10 =	sadd.s32 $0x100, s9;
	[sflag:s28] =	ssyncadd.s32 $0xFFFFC000  }
0x127: {  	[tilespmem:s31], [sflag:$0x1] =	stream.indirect.gather [hbm4b:s4+s30], $0x80, s10, s30, $0xb8;
	[tilespmem:$0x1E8C0] =	vst v63  }
0x128: {  	_ =	swait.ge [sflag:s3], $0x4000  }
0x129: {  	[sflag:s3] =	ssyncset.done $0x0  }
.Ltmp1:
0x12a: {  	s10 =	sadd.s32 $0x1480, s9;
	[sflag:s3] =	ssyncadd.s32 $0xFFFFC000;
	(pc) =	sbr.rel @p1 .LBB2_4-.Ltmp1, $4  }
0x12b: {  	[spmem:s1] =	stream.indirect.scatter.add.f32 [tilespmem:s0], [sflag:$0x3], $0x80, s10, s30, $0xb8;
	[tilespmem:$0x1E8C0] =	vst v63  }
0x12c: {  	_ =	swait.ge [sflag:s28], $0x4000  }
0x12d: {  	[sflag:s28] =	ssyncset.done $0x0  }
0x12e: {  	s9 =	sadd.s32 $0x180, s9;
	[sflag:s28] =	ssyncadd.s32 $0xFFFFC000  }
0x12f: {  	[tilespmem:s0], [sflag:$0x2] =	stream.indirect.gather [hbm4b:s4+s30], $0x80, s9, s30, $0xb8;
	[tilespmem:$0x1E8C0] =	vst v63  }
0x130: {  	_ =	swait.ge [sflag:s26], $0x4000  }
0x131: {  	[sflag:s26] =	ssyncset.done $0x0  }
0x132: {  	[sflag:s26] =	ssyncadd.s32 $0xFFFFC000  }
0x133: {  	[spmem:s1] =	stream.indirect.scatter.add.f32 [tilespmem:s31], [sflag:$0x3], $0x80, s6, s30, $0xb8;
	[tilespmem:$0x1E8C0] =	vst v63  }
0x134: {  	_ =	swait.ge [sflag:s28], $0x4000  }
0x135: {  	[sflag:s28] =	ssyncset.done $0x0  }
0x136: {  	[sflag:s28] =	ssyncadd.s32 $0xFFFFC000  }
0x137: {  	_ =	swait.ge [sflag:s3], $0x4000  }
0x138: {  	[sflag:s3] =	ssyncset.done $0x0  }
0x139: {  	[sflag:s3] =	ssyncadd.s32 $0xFFFFC000  }
0x13a: {  	[spmem:s1] =	stream.indirect.scatter.add.f32 [tilespmem:s0], [sflag:$0x3], $0x80, s7, s30, $0xb8;
	[tilespmem:$0x1E8C0] =	vst v63  }
0x13b: {  	_ =	swait.ge [sflag:s28], $0x4000  }
0x13c: {  	[sflag:s28] =	ssyncset.done $0x0  }
0x13d: {  	s8 =	simm.s32 $0x0;
	s10 =	rddreg [dreg:$0x10];
	[sflag:s28] =	ssyncadd.s32 $0xFFFFC000  }
0x13e: {  	[tilespmem:s8], [sflag:$0x3] =	stream.linear.gather [hbm4b:s10+s8], $0x1400, $0x38;
	[tilespmem:$0x1E8C0] =	vst v63  }
0x13f: {  	_ =	swait.ge [sflag:s28], $0x1400  }
0x140: {  	[sflag:s28] =	ssyncset.done $0x0  }
0x141: {  	s10 =	rddreg [dreg:$0x11];
	[sflag:s28] =	ssyncadd.s32 $0xFFFFEC00  }
0x142: {  	[tilespmem:s29], [sflag:$0x3] =	stream.linear.gather [hbm4b:s10+s8], $0x1400, $0x38;
	[tilespmem:$0x1E8C0] =	vst v63  }
0x143: {  	_ =	swait.ge [sflag:s28], $0x1400  }
0x144: {  	[sflag:s28] =	ssyncset.done $0x0  }
0x145: {  	[sflag:s28] =	ssyncadd.s32 $0xFFFFEC00  }
0x146: {  	[tilespmem:s31], [sflag:$0x1] =	stream.indirect.gather [hbm4b:s4+s30], $0x80, s8, s30, $0xb8;
	[tilespmem:$0x1E8C0] =	vst v63  }
0x147: {  	_ = 	snop  }
0x148: {  	[tilespmem:s0], [sflag:$0x2] =	stream.indirect.gather [hbm4b:s4+s30], $0x80, s30, s30, $0xb8;
	[tilespmem:$0x1E8C0] =	vst v63  }
0x149: {  	_ =	swait.ge [sflag:s26], $0x4000  }
0x14a: {  	[sflag:s26] =	ssyncset.done $0x0  }
0x14b: {  	s10 =	simm.s32 $0x1400;
	[sflag:s26] =	ssyncadd.s32 $0xFFFFC000  }
0x14c: {  	[spmem:s1] =	stream.indirect.scatter.add.f32 [tilespmem:s31], [sflag:$0x3], $0x80, s10, s30, $0xb8;
	[tilespmem:$0x1E8C0] =	vst v63  }
0x14d: {  	_ =	swait.ge [sflag:s28], $0x4000  }
0x14e: {  	[sflag:s28] =	ssyncset.done $0x0  }
0x14f: {  	s9 =	simm.s32 $0x100;
	[sflag:s28] =	ssyncadd.s32 $0xFFFFC000  }
0x150: {  	[tilespmem:s31], [sflag:$0x1] =	stream.indirect.gather [hbm4b:s4+s30], $0x80, s9, s30, $0xb8;
	[tilespmem:$0x1E8C0] =	vst v63  }
0x151: {  	_ =	swait.ge [sflag:s3], $0x4000  }
0x152: {  	[sflag:s3] =	ssyncset.done $0x0  }
0x153: {  	s10 =	simm.s32 $0x1480;
	[sflag:s3] =	ssyncadd.s32 $0xFFFFC000  }
0x154: {  	[spmem:s1] =	stream.indirect.scatter.add.f32 [tilespmem:s0], [sflag:$0x3], $0x80, s10, s30, $0xb8;
	[tilespmem:$0x1E8C0] =	vst v63  }
0x155: {  	_ =	swait.ge [sflag:s28], $0x4000  }
0x156: {  	[sflag:s28] =	ssyncset.done $0x0  }
0x157: {  	s8 =	simm.s32 $0x400;
	s9 =	simm.s32 $0x180;
	[sflag:s28] =	ssyncadd.s32 $0xFFFFC000  }
.LBB2_6:
0x158: {  	[tilespmem:s0], [sflag:$0x2] =	stream.indirect.gather [hbm4b:s4+s30], $0x80, s9, s30, $0xb8;
	[tilespmem:$0x1E8C0] =	vst v63  }
0x159: {  	s9 =	smov.u32 s8  }
0x15a: {  	p1 =	sne.s32 s8, $0x4800;
	s8 =	sadd.s32 $0x400, s8;
	_ =	swait.ge [sflag:s26], $0x4000  }
0x15b: {  	s9 =	sshra.s32 s9, $0x2;
	[sflag:s26] =	ssyncset.done $0x0  }
0x15c: {  	s10 =	sadd.s32 $0x1400, s9;
	[sflag:s26] =	ssyncadd.s32 $0xFFFFC000  }
0x15d: {  	[spmem:s1] =	stream.indirect.scatter.add.f32 [tilespmem:s31], [sflag:$0x3], $0x80, s10, s30, $0xb8;
	[tilespmem:$0x1E8C0] =	vst v63  }
0x15e: {  	_ =	swait.ge [sflag:s28], $0x4000  }
0x15f: {  	[sflag:s28] =	ssyncset.done $0x0  }
0x160: {  	s10 =	sadd.s32 $0x100, s9;
	[sflag:s28] =	ssyncadd.s32 $0xFFFFC000  }
0x161: {  	[tilespmem:s31], [sflag:$0x1] =	stream.indirect.gather [hbm4b:s4+s30], $0x80, s10, s30, $0xb8;
	[tilespmem:$0x1E8C0] =	vst v63  }
0x162: {  	_ =	swait.ge [sflag:s3], $0x4000  }
0x163: {  	[sflag:s3] =	ssyncset.done $0x0  }
.Ltmp2:
0x164: {  	s10 =	sadd.s32 $0x1480, s9;
	[sflag:s3] =	ssyncadd.s32 $0xFFFFC000;
	(pc) =	sbr.rel @p1 .LBB2_6-.Ltmp2, $4  }
0x165: {  	[spmem:s1] =	stream.indirect.scatter.add.f32 [tilespmem:s0], [sflag:$0x3], $0x80, s10, s30, $0xb8;
	[tilespmem:$0x1E8C0] =	vst v63  }
0x166: {  	_ =	swait.ge [sflag:s28], $0x4000  }
0x167: {  	[sflag:s28] =	ssyncset.done $0x0  }
0x168: {  	s9 =	sadd.s32 $0x180, s9;
	[sflag:s28] =	ssyncadd.s32 $0xFFFFC000  }
0x169: {  	[tilespmem:s0], [sflag:$0x2] =	stream.indirect.gather [hbm4b:s4+s30], $0x80, s9, s30, $0xb8;
	[tilespmem:$0x1E8C0] =	vst v63  }
0x16a: {  	_ =	swait.ge [sflag:s26], $0x4000  }
0x16b: {  	[sflag:s26] =	ssyncset.done $0x0  }
0x16c: {  	[sflag:s26] =	ssyncadd.s32 $0xFFFFC000  }
0x16d: {  	[spmem:s1] =	stream.indirect.scatter.add.f32 [tilespmem:s31], [sflag:$0x3], $0x80, s6, s30, $0xb8;
	[tilespmem:$0x1E8C0] =	vst v63  }
0x16e: {  	_ =	swait.ge [sflag:s28], $0x4000  }
0x16f: {  	[sflag:s28] =	ssyncset.done $0x0  }
0x170: {  	[sflag:s28] =	ssyncadd.s32 $0xFFFFC000  }
0x171: {  	_ =	swait.ge [sflag:s3], $0x4000  }
0x172: {  	[sflag:s3] =	ssyncset.done $0x0  }
0x173: {  	[sflag:s3] =	ssyncadd.s32 $0xFFFFC000  }
0x174: {  	[spmem:s1] =	stream.indirect.scatter.add.f32 [tilespmem:s0], [sflag:$0x3], $0x80, s7, s30, $0xb8;
	[tilespmem:$0x1E8C0] =	vst v63  }
0x175: {  	_ =	swait.ge [sflag:s28], $0x4000  }
0x176: {  	[sflag:s28] =	ssyncset.done $0x0  }
0x177: {  	s8 =	stileid.u32;
	[sflag:s28] =	ssyncadd.s32 $0xFFFFC000  }
0x178: {  	s8 =	sshll.u32 s8, $0x6;
	[bflag:$0x0] =	sbarrier.arrive $0xFFFF  }
0x179: {  	s9 =	sshrl.u32 s5, $0x3;
	s8 =	sor.u32 $0x1C03, s8;
	s10 =	rddreg [dreg:$0x13]  }
0x17a: {  	[hbm:s10], [sflag:s8] =	dma.local [spmem:s9], $0x2700  }
0x17b: {  	_ =	swait.ge [sflag:s28], $0x2700  }
0x17c: {  	[sflag:s28] =	ssyncset.done $0x0  }
0x17d: {  	s9 =	sshrl.u32 @!p0 s24, $0x3;
	s10 =	rddreg [dreg:$0x15];
	[sflag:s28] =	ssyncadd.s32 $0xFFFFD900  }
0x17e: {  	[hbm:s10], [sflag:s8] =	dma.local @!p0 [spmem:s9], $0x100  }
0x17f: {  	s8 =	simm.s32 @!p0 $0x3  }
0x180: {  	_ =	swait.ge @!p0 [sflag:s8], $0x100  }
0x181: {  	s2 =	sadd.s32 $0x1, s2;
	s10 =	rddreg [dreg:$0x16]  }
0x182: {  	p1 =	sne.s32 s2, s10  }
.Ltmp3:
0x183: {  	_ = 	snop;
	(pc) =	sbr.rel @p1 .LBB2_1-.Ltmp3, $3  }
0x184: {  	_ =	sdelay $0x1  }
0x185: {  	[sflag:s8] =	ssyncset.done @!p0 $0x0  }
0x186: {  	[sflag:s8] =	ssyncadd.s32 @!p0 $0xFFFFFF00  }
0x187: {  	_ =	sfence.sel $0x180000  }
0x188: {  	[bflag:$0x0] =	sbarrier.arrive $0xFFFF  }
0x189: {  	_ =	strace $0x90000047  }
0x18a: {  	s0 =	stileid.u32;
	[bflag:$0x2] =	sbarrier.arrive $0xFFFF  }
0x18b: {  	p0 =	sne.s32 s0, $0x0;
	s0 =	rddreg [dreg:$0x2]  }
0x18c: {  	s0 =	sadd.s32 @!p0 $0x100000, s0  }
0x18d: {  	[sflag:s0] =	ssyncadd.tile.s32 @!p0 $0x1;
	_ =	shalt  }
.Lfunc_end2:
_tile_overlayer_lowered:
.L_overlay_start_2:
0x18e: {  	(tag) =	ssettag $0x2  }
0x18f: {  	s0 =	rddreg [dreg:$0x0];
	s2 =	stileid.u32  }
0x190: {  	s1 =	rddreg [dreg:$0x1];
	p0 =	sne.s32 s2, $0x0  }
0x191: {  	s3 =	rddreg [dreg:$0x2];
	[bflag:$0x3] =	sbarrier.arrive $0xFFFF;
	s2 =	simm.s32 @!p0 $0x1C03  }
0x192: {  	[timem:s3], [sflag:s2] =	dma.local @!p0 [hbm:s0], s1  }
0x193: {  	s0 =	simm.s32 @!p0 $0x3  }
0x194: {  	_ =	swait.ge @!p0 [sflag:s0], s1  }
0x195: {  	s1 =	ssub.s32 @!p0 $0x0, s1;
	[sflag:s0] =	ssyncset.done @!p0 $0x0  }
0x196: {  	[sflag:s0] =	ssyncadd.s32 @!p0 s1  }
0x197: {  	[bflag:$0x3] =	sbarrier.arrive $0xFFFF  }
0x198: {  	_ =	shalt  }

</sc_bundles>
